<compile_context>
chip_gen: v7x
topology: tpu7x:2x2x1
jax: 0.10.2.dev20260603
libtpu: 0.0.44.dev20260713+nightly
codegen_flags: <defaults>
</compile_context>

<pallas_src>
import functools

import jax
import jax.numpy as jnp
from jax import lax
from jax.experimental import pallas as pl
from jax.experimental.pallas import tpu as pltpu, tpu_sc as plsc

N = 10000
HEADS = 2
HID = 10
E_REAL = 330000
NW = 32
CH = 128
NCH = 82
PT = CH * NCH
E_PAD = NW * PT
ACC_ROWS = 10240
DUMMY = 10008
B_ROWS = 10016
AW = 32
BW = 16


def _leaky(v):
    return jnp.where(v >= 0.0, v, 0.2 * v)


def _tc0_body(x_ref, wa_ref, wb_ref, a_ref, b_ref, ma_ref, mb_ref):
    xb = x_ref[...]
    a = jnp.dot(xb, wa_ref[...], preferred_element_type=jnp.float32)
    bb = jnp.dot(xb, wb_ref[...], preferred_element_type=jnp.float32)
    a_ref[...] = a
    b_ref[...] = bb
    ma = jnp.max(a, axis=0, keepdims=True)
    mb = jnp.max(bb, axis=0, keepdims=True)

    @pl.when(pl.program_id(0) == 0)
    def _():
        ma_ref[...] = ma
        mb_ref[...] = mb

    @pl.when(pl.program_id(0) != 0)
    def _():
        ma_ref[...] = jnp.maximum(ma_ref[...], ma)
        mb_ref[...] = jnp.maximum(mb_ref[...], mb)


def _tc0(x, waug, wb):
    bn = 1000
    return pl.pallas_call(
        _tc0_body,
        grid=(N // bn,),
        in_specs=[
            pl.BlockSpec((bn, 128), lambda i: (i, 0)),
            pl.BlockSpec((128, AW), lambda i: (0, 0)),
            pl.BlockSpec((128, BW), lambda i: (0, 0)),
        ],
        out_specs=[
            pl.BlockSpec((bn, AW), lambda i: (i, 0)),
            pl.BlockSpec((bn, BW), lambda i: (i, 0)),
            pl.BlockSpec((1, AW), lambda i: (0, 0)),
            pl.BlockSpec((1, BW), lambda i: (0, 0)),
        ],
        out_shape=[
            jax.ShapeDtypeStruct((N, AW), jnp.float32),
            jax.ShapeDtypeStruct((N, BW), jnp.float32),
            jax.ShapeDtypeStruct((1, AW), jnp.float32),
            jax.ShapeDtypeStruct((1, BW), jnp.float32),
        ],
    )(x, waug, wb)


def _sc_body(src_h, dst_h, a_h, b_h, cvec_h, zeros_h, out_h,
             acc_sh, src_v, dst_v, a_v, b_v, c_v, cv_v, z_v, sem1, sem2):
    c = lax.axis_index("c")
    s = lax.axis_index("s")
    w = s * 2 + c
    pltpu.sync_copy(cvec_h, cv_v)
    pltpu.sync_copy(zeros_h, z_v)
    for j in range(5):
        pltpu.sync_copy(z_v, acc_sh.at[pl.ds(s * 640 + j * CH, CH)])
    plsc.subcore_barrier()

    c0 = cv_v[pl.ds(0, 16)]
    c1 = cv_v[pl.ds(16, 16)]
    iota = jnp.arange(16, dtype=jnp.int32)
    ia = iota * AW
    ib = iota * BW
    base_e = w * PT

    def chunk(i, carry):
        off = base_e + i * CH
        pltpu.sync_copy(src_h.at[pl.ds(off, CH)], src_v)
        pltpu.sync_copy(dst_h.at[pl.ds(off, CH)], dst_v)
        pltpu.async_copy(a_h.at[src_v], a_v, sem1).wait()
        pltpu.async_copy(b_h.at[dst_v], b_v, sem2).wait()
        for g in range(CH // 16):
            row = g * 16 + iota
            f = lambda v: jnp.full((16,), v, jnp.int32)
            as0 = plsc.load_gather(a_v, [row, f(20)])
            as1 = plsc.load_gather(a_v, [row, f(21)])
            ad0 = plsc.load_gather(b_v, [row, f(0)])
            ad1 = plsc.load_gather(b_v, [row, f(1)])
            w0 = jnp.exp(_leaky(as0 + ad0) - c0)
            w1 = jnp.exp(_leaky(as1 + ad1) - c1)
            for cc in range(2 * HID):
                av = plsc.load_gather(a_v, [row, f(cc)])
                plsc.store_scatter(c_v, [row, f(cc)],
                                   av * (w0 if cc < HID else w1))
            plsc.store_scatter(c_v, [row, f(20)], w0)
            plsc.store_scatter(c_v, [row, f(21)], w1)
        pltpu.sync_copy(c_v, acc_sh.at[dst_v], add=True)
        return carry

    lax.fori_loop(0, NCH, chunk, 0)
    plsc.subcore_barrier()
    pltpu.sync_copy(acc_sh.at[pl.ds(s * 640, 640)],
                    out_h.at[c, pl.ds(s * 640, 640)])


_sc_edge = functools.partial(
    pl.kernel,
    mesh=plsc.VectorSubcoreMesh(core_axis_name="c", subcore_axis_name="s"),
    out_type=jax.ShapeDtypeStruct((2, ACC_ROWS, AW), jnp.float32),
    scratch_types=[
        pltpu.VMEM_SHARED((ACC_ROWS, AW), jnp.float32),
        pltpu.VMEM((CH,), jnp.int32),
        pltpu.VMEM((CH,), jnp.int32),
        pltpu.VMEM((CH, AW), jnp.float32),
        pltpu.VMEM((CH, BW), jnp.float32),
        pltpu.VMEM((CH, AW), jnp.float32),
        pltpu.VMEM((32,), jnp.float32),
        pltpu.VMEM((CH, AW), jnp.float32),
        pltpu.SemaphoreType.DMA,
        pltpu.SemaphoreType.DMA,
    ],
    compiler_params=pltpu.CompilerParams(needs_layout_passes=False,
                                         use_tc_tiling_on_sc=False),
)(_sc_body)


def _tc1_body(p_ref, b0_ref, wa_ref, wb_ref, a_ref, bt_ref, ma_ref, mb_ref):
    acc = p_ref[0] + p_ref[1]
    col = lax.broadcasted_iota(jnp.int32, acc.shape, 1)
    den = jnp.where(col < HID, acc[:, 20:21], acc[:, 21:22])
    g = acc / (den + 1e-30) + b0_ref[...]
    g = jnp.where(g > 0.0, g, jnp.exp(g) - 1.0)
    g = jnp.where(col < 2 * HID, g, 0.0)
    a = jnp.dot(g, wa_ref[...], preferred_element_type=jnp.float32)
    bb = jnp.dot(g, wb_ref[...], preferred_element_type=jnp.float32)
    a_ref[...] = a
    bt_ref[...] = bb
    ma = jnp.max(a, axis=0, keepdims=True)
    mb = jnp.max(bb, axis=0, keepdims=True)

    @pl.when(pl.program_id(0) == 0)
    def _():
        ma_ref[...] = ma
        mb_ref[...] = mb

    @pl.when(pl.program_id(0) != 0)
    def _():
        ma_ref[...] = jnp.maximum(ma_ref[...], ma)
        mb_ref[...] = jnp.maximum(mb_ref[...], mb)


def _tc1(p, b0p, w1aug, w1b):
    bn = 1000
    return pl.pallas_call(
        _tc1_body,
        grid=(N // bn,),
        in_specs=[
            pl.BlockSpec((2, bn, AW), lambda i: (0, i, 0)),
            pl.BlockSpec((1, AW), lambda i: (0, 0)),
            pl.BlockSpec((AW, AW), lambda i: (0, 0)),
            pl.BlockSpec((AW, BW), lambda i: (0, 0)),
        ],
        out_specs=[
            pl.BlockSpec((bn, AW), lambda i: (i, 0)),
            pl.BlockSpec((bn, BW), lambda i: (i, 0)),
            pl.BlockSpec((1, AW), lambda i: (0, 0)),
            pl.BlockSpec((1, BW), lambda i: (0, 0)),
        ],
        out_shape=[
            jax.ShapeDtypeStruct((N, AW), jnp.float32),
            jax.ShapeDtypeStruct((N, BW), jnp.float32),
            jax.ShapeDtypeStruct((1, AW), jnp.float32),
            jax.ShapeDtypeStruct((1, BW), jnp.float32),
        ],
    )(p, b0p, w1aug, w1b)


def _tc2_body(p_ref, b1_ref, wc_ref, bc_ref, o_ref, sum_ref):
    i = pl.program_id(0)
    acc = p_ref[0] + p_ref[1]
    col = lax.broadcasted_iota(jnp.int32, acc.shape, 1)
    den = jnp.where(col < HID, acc[:, 20:21], acc[:, 21:22])
    v = acc / (den + 1e-30)
    v = jnp.where(col < 2 * HID, v, 0.0)
    s = jnp.sum(v, axis=0, keepdims=True)

    @pl.when(i == 0)
    def _():
        sum_ref[...] = s

    @pl.when(i != 0)
    def _():
        sum_ref[...] = sum_ref[...] + s

    @pl.when(i == pl.num_programs(0) - 1)
    def _():
        g = sum_ref[...] / float(N) + b1_ref[...]
        logits = jnp.dot(g, wc_ref[...], preferred_element_type=jnp.float32)
        logits = logits + bc_ref[...]
        m = jnp.max(logits, axis=1, keepdims=True)
        e = jnp.exp(logits - m)
        o_ref[...] = e / jnp.sum(e, axis=1, keepdims=True)


def _tc2(p, b1p, wcp, bcp):
    bn = 1000
    return pl.pallas_call(
        _tc2_body,
        grid=(N // bn,),
        in_specs=[
            pl.BlockSpec((2, bn, AW), lambda i: (0, i, 0)),
            pl.BlockSpec((1, AW), lambda i: (0, 0)),
            pl.BlockSpec((AW, AW), lambda i: (0, 0)),
            pl.BlockSpec((1, AW), lambda i: (0, 0)),
        ],
        out_specs=pl.BlockSpec((1, AW), lambda i: (0, 0)),
        out_shape=jax.ShapeDtypeStruct((1, AW), jnp.float32),
        scratch_shapes=[pltpu.VMEM((1, AW), jnp.float32)],
    )(p, b1p, wcp, bcp)


def _aug_weights(W, a_s, a_d):
    fin = W.shape[0]
    wa = jnp.zeros((fin, AW), jnp.float32)
    wa = wa.at[:, 0:2 * HID].set(W)
    wa = wa.at[:, 20].set(W[:, 0:HID] @ a_s[0])
    wa = wa.at[:, 21].set(W[:, HID:2 * HID] @ a_s[1])
    wb = jnp.zeros((fin, BW), jnp.float32)
    wb = wb.at[:, 0].set(W[:, 0:HID] @ a_d[0])
    wb = wb.at[:, 1].set(W[:, HID:2 * HID] @ a_d[1])
    return wa, wb


def _cvec(ma, mb):
    c0 = _leaky(ma[0, 20] + mb[0, 0])
    c1 = _leaky(ma[0, 21] + mb[0, 1])
    return jnp.concatenate([jnp.full((16,), c0, jnp.float32),
                            jnp.full((16,), c1, jnp.float32)])


def _pad_vec(v):
    return jnp.zeros((1, AW), jnp.float32).at[0, 0:v.shape[0]].set(v)


def kernel(x, edge_index, W0, a_s0, a_d0, b0, W1, a_s1, a_d1, b1, Wc, bc):
    loops = jnp.arange(N, dtype=jnp.int32)
    src = jnp.concatenate([edge_index[0].astype(jnp.int32), loops,
                           jnp.zeros((E_PAD - E_REAL,), jnp.int32)])
    dst = jnp.concatenate([edge_index[1].astype(jnp.int32), loops,
                           jnp.full((E_PAD - E_REAL,), DUMMY, jnp.int32)])
    zeros_blk = jnp.zeros((CH, AW), jnp.float32)

    wa0, wb0 = _aug_weights(W0, a_s0, a_d0)
    a_t, b_t, ma, mb = _tc0(x, wa0, wb0)
    b_t = jnp.zeros((B_ROWS, BW), jnp.float32).at[0:N].set(b_t)
    p0 = _sc_edge(src, dst, a_t, b_t, _cvec(ma, mb), zeros_blk)

    wa1, wb1 = _aug_weights(W1, a_s1, a_d1)
    wa1 = jnp.zeros((AW, AW), jnp.float32).at[0:2 * HID].set(wa1)
    wb1 = jnp.zeros((AW, BW), jnp.float32).at[0:2 * HID].set(wb1)
    a_t1, b_t1, ma1, mb1 = _tc1(p0, _pad_vec(b0), wa1, wb1)
    b_t1 = jnp.zeros((B_ROWS, BW), jnp.float32).at[0:N].set(b_t1)
    p1 = _sc_edge(src, dst, a_t1, b_t1, _cvec(ma1, mb1), zeros_blk)

    wcp = jnp.zeros((AW, AW), jnp.float32).at[0:2 * HID].set(Wc)
    out = _tc2(p1, _pad_vec(b1), wcp, _pad_vec(bc))
    return out[:, 0:32]

# --- scband reference (transcript-rebuilt; emitter-appended) ---
"""Pipeline reference for scband-gat-34110630265039 (READ-ONLY COPY).

The authoritative reference and input builder live on the scoring server;
editing this copy changes nothing except your own understanding.
"""

import jax, jax.numpy as jnp
import numpy as np

N_NODES = 10000
N_EDGES = 320000
D_FEAT = 128
HIDDEN = 10
HEADS = 2
N_CLASSES = 32


def setup_inputs(seed: int = 0) -> dict:
    key = jax.random.key(seed)
    ks = jax.random.split(key, 12)
    x = jax.random.normal(ks[0], (N_NODES, D_FEAT), dtype=jnp.float32)
    edge_index = jax.random.randint(ks[1], (2, N_EDGES), 0, N_NODES, dtype=jnp.int64)
    # GATConv layer 0: in=128 -> heads*hidden = 20
    W0 = jax.random.normal(ks[2], (D_FEAT, HEADS * HIDDEN), dtype=jnp.float32) * 0.1
    a_s0 = jax.random.normal(ks[3], (HEADS, HIDDEN), dtype=jnp.float32) * 0.1
    a_d0 = jax.random.normal(ks[4], (HEADS, HIDDEN), dtype=jnp.float32) * 0.1
    b0 = jnp.zeros((HEADS * HIDDEN,), dtype=jnp.float32)
    # GATConv layer 1: in=20 -> heads*hidden = 20
    W1 = jax.random.normal(ks[5], (HEADS * HIDDEN, HEADS * HIDDEN), dtype=jnp.float32) * 0.1
    a_s1 = jax.random.normal(ks[6], (HEADS, HIDDEN), dtype=jnp.float32) * 0.1
    a_d1 = jax.random.normal(ks[7], (HEADS, HIDDEN), dtype=jnp.float32) * 0.1
    b1 = jnp.zeros((HEADS * HIDDEN,), dtype=jnp.float32)
    # classifier (Flat): Linear(20 -> 32)
    Wc = jax.random.normal(ks[8], (HEADS * HIDDEN, N_CLASSES), dtype=jnp.float32) * 0.1
    bc = jnp.zeros((N_CLASSES,), dtype=jnp.float32)
    return {"x": x, "edge_index": edge_index, "W0": W0, "a_s0": a_s0, "a_d0": a_d0,
            "b0": b0, "W1": W1, "a_s1": a_s1, "a_d1": a_d1, "b1": b1, "Wc": Wc, "bc": bc}


def gat_conv(x, src, dst, W, a_s, a_d, b, n_nodes, heads, out_ch):
    # x: [N, F_in]; src/dst include self-loops
    h = (x @ W).reshape(n_nodes, heads, out_ch)
    alpha_src = jnp.sum(h * a_s[None, :, :], axis=-1)  # [N, H]
    alpha_dst = jnp.sum(h * a_d[None, :, :], axis=-1)  # [N, H]
    e = alpha_src[src] + alpha_dst[dst]                 # [E, H]
    e = jax.nn.leaky_relu(e, negative_slope=0.2)
    e_max = jax.ops.segment_max(e, dst, num_segments=n_nodes)
    e_max = jnp.where(jnp.isfinite(e_max), e_max, 0.0)
    e_exp = jnp.exp(e - e_max[dst])
    denom = jax.ops.segment_sum(e_exp, dst, num_segments=n_nodes)
    alpha = e_exp / (denom[dst] + 1e-16)                # [E, H]
    msg = h[src] * alpha[:, :, None]                    # [E, H, C]
    out = jax.ops.segment_sum(msg, dst, num_segments=n_nodes)  # [N, H, C]
    return out.reshape(n_nodes, heads * out_ch) + b


def reference(x, edge_index, W0, a_s0, a_d0, b0, W1, a_s1, a_d1, b1, Wc, bc):
    n = x.shape[0]
    loops = jnp.arange(n, dtype=edge_index.dtype)
    src = jnp.concatenate([edge_index[0], loops])
    dst = jnp.concatenate([edge_index[1], loops])
    # layer 0 (dropout is identity in eval mode)
    h = gat_conv(x, src, dst, W0, a_s0, a_d0, b0, n, HEADS, HIDDEN)
    h = jax.nn.elu(h)
    # layer 1 (last conv, no activation)
    h = gat_conv(h, src, dst, W1, a_s1, a_d1, b1, n, HEADS, HIDDEN)
    # global mean pool with batch = all zeros -> mean over all nodes
    g = jnp.mean(h, axis=0, keepdims=True)              # [1, 20]
    logits = g @ Wc + bc                                 # [1, 32]
    return jax.nn.softmax(logits, axis=1)

if __name__ == "__main__":
    import jax
    _d = setup_inputs()
    print(jax.jit(kernel)(*tuple(_d.values())))

</pallas_src>

<mosaic_0001>
#map = affine_map<(d0, d1) -> (0)>
#map1 = affine_map<(d0, d1) -> (0, 0)>
#map2 = affine_map<(d0, d1) -> (0, 0, 0)>
module attributes {stable_mosaic.version = 14 : i64} {
  func.func @_sc_body(%arg0: i32, %arg1: i32, %arg2: memref<335872xi32, #tpu.memory_space<hbm>>, %arg3: memref<335872xi32, #tpu.memory_space<hbm>>, %arg4: memref<10000x32xf32, #tpu.memory_space<hbm>>, %arg5: memref<10016x16xf32, #tpu.memory_space<hbm>>, %arg6: memref<32xf32, #tpu.memory_space<hbm>>, %arg7: memref<128x32xf32, #tpu.memory_space<hbm>>, %arg8: memref<2x10240x32xf32, #tpu.memory_space<hbm>>, %arg9: memref<10240x32xf32, #tpu.memory_space<vmem_shared>>, %arg10: memref<128xi32, #tpu.memory_space<vmem>>, %arg11: memref<128xi32, #tpu.memory_space<vmem>>, %arg12: memref<128x32xf32, #tpu.memory_space<vmem>>, %arg13: memref<128x16xf32, #tpu.memory_space<vmem>>, %arg14: memref<128x32xf32, #tpu.memory_space<vmem>>, %arg15: memref<32xf32, #tpu.memory_space<vmem>>, %arg16: memref<128x32xf32, #tpu.memory_space<vmem>>, %arg17: memref<!tpu.dma_semaphore, #tpu.memory_space<semaphore_mem>>, %arg18: memref<!tpu.dma_semaphore, #tpu.memory_space<semaphore_mem>>) attributes {dimension_semantics = [#tpu.dimension_semantics<core_parallel>, #tpu.dimension_semantics<subcore_parallel>], iteration_bounds = array<i64: 2, 16>, scalar_prefetch = 0 : i64, scratch_operands = 10 : i64, tpu.core_type = #tpu.core_type<sc_vector_subcore>, window_params = [{transform_indices = #map}, {transform_indices = #map}, {transform_indices = #map1}, {transform_indices = #map1}, {transform_indices = #map}, {transform_indices = #map1}, {transform_indices = #map2}]} {
    %mul3A = arith.constant 2 : i32
    %mul3A_0 = arith.muli %arg1, %mul3A : i32
    %add3A = arith.addi %mul3A_0, %arg0 : i32
    "tpu.region"() ({
      %run_scoped3A = tpu.sem_alloc : memref<!tpu.dma_semaphore, #tpu.memory_space<semaphore_mem>>
      tpu.enqueue_dma source(%arg6 : memref<32xf32, #tpu.memory_space<hbm>>) target(%arg15 : memref<32xf32, #tpu.memory_space<vmem>>) target_semaphore(%run_scoped3A : memref<!tpu.dma_semaphore, #tpu.memory_space<semaphore_mem>>)
      tpu.wait_dma2 semaphore(%run_scoped3A : memref<!tpu.dma_semaphore, #tpu.memory_space<semaphore_mem>>) src(%arg6 : memref<32xf32, #tpu.memory_space<hbm>>) dst(%arg15 : memref<32xf32, #tpu.memory_space<vmem>>)
      tpu.yield
    }) : () -> ()
    "tpu.region"() ({
      %run_scoped3A = tpu.sem_alloc : memref<!tpu.dma_semaphore, #tpu.memory_space<semaphore_mem>>
      tpu.enqueue_dma source(%arg7 : memref<128x32xf32, #tpu.memory_space<hbm>>) target(%arg16 : memref<128x32xf32, #tpu.memory_space<vmem>>) target_semaphore(%run_scoped3A : memref<!tpu.dma_semaphore, #tpu.memory_space<semaphore_mem>>)
      tpu.wait_dma2 semaphore(%run_scoped3A : memref<!tpu.dma_semaphore, #tpu.memory_space<semaphore_mem>>) src(%arg7 : memref<128x32xf32, #tpu.memory_space<hbm>>) dst(%arg16 : memref<128x32xf32, #tpu.memory_space<vmem>>)
      tpu.yield
    }) : () -> ()
    %mul3A_1 = arith.constant 640 : i32
    %mul3A_2 = arith.muli %arg1, %mul3A_1 : i32
    %add3A_3 = arith.constant 0 : i32
    %add3A_4 = arith.addi %mul3A_2, %add3A_3 : i32
    "tpu.region"() ({
      %run_scoped3A = tpu.sem_alloc : memref<!tpu.dma_semaphore, #tpu.memory_space<semaphore_mem>>
      %dma_start3A = arith.constant 0 : i32
      %dma_start3A_42 = tpu.memref_slice %arg9[%add3A_4, %dma_start3A] : memref<10240x32xf32, #tpu.memory_space<vmem_shared>> -> memref<128x32xf32, #tpu.memory_space<vmem_shared>>
      %dma_start3A_43 = arith.constant 0 : i32
      %dma_start3A_44 = tpu.memref_slice %arg9[%add3A_4, %dma_start3A_43] : memref<10240x32xf32, #tpu.memory_space<vmem_shared>> -> memref<128x32xf32, #tpu.memory_space<vmem_shared>>
      tpu.enqueue_dma source(%arg16 : memref<128x32xf32, #tpu.memory_space<vmem>>) target(%dma_start3A_44 : memref<128x32xf32, #tpu.memory_space<vmem_shared>>) target_semaphore(%run_scoped3A : memref<!tpu.dma_semaphore, #tpu.memory_space<semaphore_mem>>)
      %dma_wait3A = arith.constant 0 : i32
      %dma_wait3A_45 = tpu.memref_slice %arg9[%add3A_4, %dma_wait3A] : memref<10240x32xf32, #tpu.memory_space<vmem_shared>> -> memref<128x32xf32, #tpu.memory_space<vmem_shared>>
      %dma_wait3A_46 = arith.constant 0 : i32
      %dma_wait3A_47 = tpu.memref_slice %arg9[%add3A_4, %dma_wait3A_46] : memref<10240x32xf32, #tpu.memory_space<vmem_shared>> -> memref<128x32xf32, #tpu.memory_space<vmem_shared>>
      tpu.wait_dma2 semaphore(%run_scoped3A : memref<!tpu.dma_semaphore, #tpu.memory_space<semaphore_mem>>) src(%arg16 : memref<128x32xf32, #tpu.memory_space<vmem>>) dst(%dma_wait3A_47 : memref<128x32xf32, #tpu.memory_space<vmem_shared>>)
      tpu.yield
    }) : () -> ()
    %mul3A_5 = arith.constant 640 : i32
    %mul3A_6 = arith.muli %arg1, %mul3A_5 : i32
    %add3A_7 = arith.constant 128 : i32
    %add3A_8 = arith.addi %mul3A_6, %add3A_7 : i32
    "tpu.region"() ({
      %run_scoped3A = tpu.sem_alloc : memref<!tpu.dma_semaphore, #tpu.memory_space<semaphore_mem>>
      %dma_start3A = arith.constant 0 : i32
      %dma_start3A_42 = tpu.memref_slice %arg9[%add3A_8, %dma_start3A] : memref<10240x32xf32, #tpu.memory_space<vmem_shared>> -> memref<128x32xf32, #tpu.memory_space<vmem_shared>>
      %dma_start3A_43 = arith.constant 0 : i32
      %dma_start3A_44 = tpu.memref_slice %arg9[%add3A_8, %dma_start3A_43] : memref<10240x32xf32, #tpu.memory_space<vmem_shared>> -> memref<128x32xf32, #tpu.memory_space<vmem_shared>>
      tpu.enqueue_dma source(%arg16 : memref<128x32xf32, #tpu.memory_space<vmem>>) target(%dma_start3A_44 : memref<128x32xf32, #tpu.memory_space<vmem_shared>>) target_semaphore(%run_scoped3A : memref<!tpu.dma_semaphore, #tpu.memory_space<semaphore_mem>>)
      %dma_wait3A = arith.constant 0 : i32
      %dma_wait3A_45 = tpu.memref_slice %arg9[%add3A_8, %dma_wait3A] : memref<10240x32xf32, #tpu.memory_space<vmem_shared>> -> memref<128x32xf32, #tpu.memory_space<vmem_shared>>
      %dma_wait3A_46 = arith.constant 0 : i32
      %dma_wait3A_47 = tpu.memref_slice %arg9[%add3A_8, %dma_wait3A_46] : memref<10240x32xf32, #tpu.memory_space<vmem_shared>> -> memref<128x32xf32, #tpu.memory_space<vmem_shared>>
      tpu.wait_dma2 semaphore(%run_scoped3A : memref<!tpu.dma_semaphore, #tpu.memory_space<semaphore_mem>>) src(%arg16 : memref<128x32xf32, #tpu.memory_space<vmem>>) dst(%dma_wait3A_47 : memref<128x32xf32, #tpu.memory_space<vmem_shared>>)
      tpu.yield
    }) : () -> ()
    %mul3A_9 = arith.constant 640 : i32
    %mul3A_10 = arith.muli %arg1, %mul3A_9 : i32
    %add3A_11 = arith.constant 256 : i32
    %add3A_12 = arith.addi %mul3A_10, %add3A_11 : i32
    "tpu.region"() ({
      %run_scoped3A = tpu.sem_alloc : memref<!tpu.dma_semaphore, #tpu.memory_space<semaphore_mem>>
      %dma_start3A = arith.constant 0 : i32
      %dma_start3A_42 = tpu.memref_slice %arg9[%add3A_12, %dma_start3A] : memref<10240x32xf32, #tpu.memory_space<vmem_shared>> -> memref<128x32xf32, #tpu.memory_space<vmem_shared>>
      %dma_start3A_43 = arith.constant 0 : i32
      %dma_start3A_44 = tpu.memref_slice %arg9[%add3A_12, %dma_start3A_43] : memref<10240x32xf32, #tpu.memory_space<vmem_shared>> -> memref<128x32xf32, #tpu.memory_space<vmem_shared>>
      tpu.enqueue_dma source(%arg16 : memref<128x32xf32, #tpu.memory_space<vmem>>) target(%dma_start3A_44 : memref<128x32xf32, #tpu.memory_space<vmem_shared>>) target_semaphore(%run_scoped3A : memref<!tpu.dma_semaphore, #tpu.memory_space<semaphore_mem>>)
      %dma_wait3A = arith.constant 0 : i32
      %dma_wait3A_45 = tpu.memref_slice %arg9[%add3A_12, %dma_wait3A] : memref<10240x32xf32, #tpu.memory_space<vmem_shared>> -> memref<128x32xf32, #tpu.memory_space<vmem_shared>>
      %dma_wait3A_46 = arith.constant 0 : i32
      %dma_wait3A_47 = tpu.memref_slice %arg9[%add3A_12, %dma_wait3A_46] : memref<10240x32xf32, #tpu.memory_space<vmem_shared>> -> memref<128x32xf32, #tpu.memory_space<vmem_shared>>
      tpu.wait_dma2 semaphore(%run_scoped3A : memref<!tpu.dma_semaphore, #tpu.memory_space<semaphore_mem>>) src(%arg16 : memref<128x32xf32, #tpu.memory_space<vmem>>) dst(%dma_wait3A_47 : memref<128x32xf32, #tpu.memory_space<vmem_shared>>)
      tpu.yield
    }) : () -> ()
    %mul3A_13 = arith.constant 640 : i32
    %mul3A_14 = arith.muli %arg1, %mul3A_13 : i32
    %add3A_15 = arith.constant 384 : i32
    %add3A_16 = arith.addi %mul3A_14, %add3A_15 : i32
    "tpu.region"() ({
      %run_scoped3A = tpu.sem_alloc : memref<!tpu.dma_semaphore, #tpu.memory_space<semaphore_mem>>
      %dma_start3A = arith.constant 0 : i32
      %dma_start3A_42 = tpu.memref_slice %arg9[%add3A_16, %dma_start3A] : memref<10240x32xf32, #tpu.memory_space<vmem_shared>> -> memref<128x32xf32, #tpu.memory_space<vmem_shared>>
      %dma_start3A_43 = arith.constant 0 : i32
      %dma_start3A_44 = tpu.memref_slice %arg9[%add3A_16, %dma_start3A_43] : memref<10240x32xf32, #tpu.memory_space<vmem_shared>> -> memref<128x32xf32, #tpu.memory_space<vmem_shared>>
      tpu.enqueue_dma source(%arg16 : memref<128x32xf32, #tpu.memory_space<vmem>>) target(%dma_start3A_44 : memref<128x32xf32, #tpu.memory_space<vmem_shared>>) target_semaphore(%run_scoped3A : memref<!tpu.dma_semaphore, #tpu.memory_space<semaphore_mem>>)
      %dma_wait3A = arith.constant 0 : i32
      %dma_wait3A_45 = tpu.memref_slice %arg9[%add3A_16, %dma_wait3A] : memref<10240x32xf32, #tpu.memory_space<vmem_shared>> -> memref<128x32xf32, #tpu.memory_space<vmem_shared>>
      %dma_wait3A_46 = arith.constant 0 : i32
      %dma_wait3A_47 = tpu.memref_slice %arg9[%add3A_16, %dma_wait3A_46] : memref<10240x32xf32, #tpu.memory_space<vmem_shared>> -> memref<128x32xf32, #tpu.memory_space<vmem_shared>>
      tpu.wait_dma2 semaphore(%run_scoped3A : memref<!tpu.dma_semaphore, #tpu.memory_space<semaphore_mem>>) src(%arg16 : memref<128x32xf32, #tpu.memory_space<vmem>>) dst(%dma_wait3A_47 : memref<128x32xf32, #tpu.memory_space<vmem_shared>>)
      tpu.yield
    }) : () -> ()
    %mul3A_17 = arith.constant 640 : i32
    %mul3A_18 = arith.muli %arg1, %mul3A_17 : i32
    %add3A_19 = arith.constant 512 : i32
    %add3A_20 = arith.addi %mul3A_18, %add3A_19 : i32
    "tpu.region"() ({
      %run_scoped3A = tpu.sem_alloc : memref<!tpu.dma_semaphore, #tpu.memory_space<semaphore_mem>>
      %dma_start3A = arith.constant 0 : i32
      %dma_start3A_42 = tpu.memref_slice %arg9[%add3A_20, %dma_start3A] : memref<10240x32xf32, #tpu.memory_space<vmem_shared>> -> memref<128x32xf32, #tpu.memory_space<vmem_shared>>
      %dma_start3A_43 = arith.constant 0 : i32
      %dma_start3A_44 = tpu.memref_slice %arg9[%add3A_20, %dma_start3A_43] : memref<10240x32xf32, #tpu.memory_space<vmem_shared>> -> memref<128x32xf32, #tpu.memory_space<vmem_shared>>
      tpu.enqueue_dma source(%arg16 : memref<128x32xf32, #tpu.memory_space<vmem>>) target(%dma_start3A_44 : memref<128x32xf32, #tpu.memory_space<vmem_shared>>) target_semaphore(%run_scoped3A : memref<!tpu.dma_semaphore, #tpu.memory_space<semaphore_mem>>)
      %dma_wait3A = arith.constant 0 : i32
      %dma_wait3A_45 = tpu.memref_slice %arg9[%add3A_20, %dma_wait3A] : memref<10240x32xf32, #tpu.memory_space<vmem_shared>> -> memref<128x32xf32, #tpu.memory_space<vmem_shared>>
      %dma_wait3A_46 = arith.constant 0 : i32
      %dma_wait3A_47 = tpu.memref_slice %arg9[%add3A_20, %dma_wait3A_46] : memref<10240x32xf32, #tpu.memory_space<vmem_shared>> -> memref<128x32xf32, #tpu.memory_space<vmem_shared>>
      tpu.wait_dma2 semaphore(%run_scoped3A : memref<!tpu.dma_semaphore, #tpu.memory_space<semaphore_mem>>) src(%arg16 : memref<128x32xf32, #tpu.memory_space<vmem>>) dst(%dma_wait3A_47 : memref<128x32xf32, #tpu.memory_space<vmem_shared>>)
      tpu.yield
    }) : () -> ()
    %barrier3A = arith.constant 0 : index
    tpu.barrier barrier_id(%barrier3A)
    %get3A = arith.constant 0 : index
    %get3A_21 = tpu.vector_load %arg15[%get3A] {strides = array<i32>} : memref<32xf32, #tpu.memory_space<vmem>>, vector<16xf32>,
    %get3A_22 = arith.constant 16 : index
    %get3A_23 = tpu.vector_load %arg15[%get3A_22] {strides = array<i32>} : memref<32xf32, #tpu.memory_space<vmem>>, vector<16xf32>,
    %iota3A = tpu.iota {dimensions = array<i32: 0>} : vector<16xi32>
    %mul3A_24 = arith.constant 32 : i32
    %mul3A_25 = vector.broadcast %mul3A_24 : i32 to vector<16xi32>
    %mul3A_26 = arith.muli %iota3A, %mul3A_25 : vector<16xi32>
    %mul3A_27 = arith.constant 16 : i32
    %mul3A_28 = vector.broadcast %mul3A_27 : i32 to vector<16xi32>
    %mul3A_29 = arith.muli %iota3A, %mul3A_28 : vector<16xi32>
    %mul3A_30 = arith.constant 10496 : i32
    %mul3A_31 = arith.muli %add3A, %mul3A_30 : i32
    %scan3A = arith.constant 0 : i32
    %scan3A_32 = arith.constant 0 : i32
    %scan3A_33 = arith.constant 82 : i32
    %scan3A_34 = arith.addi %scan3A_32, %scan3A_33 : i32
    %scan3A_35 = arith.constant 1 : i32
    scf.for %scan3A_42 = %scan3A_32 to %scan3A_34 step %scan3A_35  : i32 {
      %mul3A_43 = arith.constant 128 : i32
      %mul3A_44 = arith.muli %scan3A_42, %mul3A_43 : i32
      %add3A_45 = arith.addi %mul3A_31, %mul3A_44 : i32
      "tpu.region"() ({
        %run_scoped3A = tpu.sem_alloc : memref<!tpu.dma_semaphore, #tpu.memory_space<semaphore_mem>>
        %dma_start3A_1322 = tpu.memref_slice %arg2[%add3A_45] : memref<335872xi32, #tpu.memory_space<hbm>> -> memref<128xi32, #tpu.memory_space<hbm>>
        %dma_start3A_1323 = tpu.memref_slice %arg2[%add3A_45] : memref<335872xi32, #tpu.memory_space<hbm>> -> memref<128xi32, #tpu.memory_space<hbm>>
        tpu.enqueue_dma source(%dma_start3A_1323 : memref<128xi32, #tpu.memory_space<hbm>>) target(%arg10 : memref<128xi32, #tpu.memory_space<vmem>>) target_semaphore(%run_scoped3A : memref<!tpu.dma_semaphore, #tpu.memory_space<semaphore_mem>>)
        %dma_wait3A_1324 = tpu.memref_slice %arg2[%add3A_45] : memref<335872xi32, #tpu.memory_space<hbm>> -> memref<128xi32, #tpu.memory_space<hbm>>
        %dma_wait3A_1325 = tpu.memref_slice %arg2[%add3A_45] : memref<335872xi32, #tpu.memory_space<hbm>> -> memref<128xi32, #tpu.memory_space<hbm>>
        tpu.wait_dma2 semaphore(%run_scoped3A : memref<!tpu.dma_semaphore, #tpu.memory_space<semaphore_mem>>) src(%dma_wait3A_1325 : memref<128xi32, #tpu.memory_space<hbm>>) dst(%arg10 : memref<128xi32, #tpu.memory_space<vmem>>)
        tpu.yield
      }) : () -> ()
      "tpu.region"() ({
        %run_scoped3A = tpu.sem_alloc : memref<!tpu.dma_semaphore, #tpu.memory_space<semaphore_mem>>
        %dma_start3A_1322 = tpu.memref_slice %arg3[%add3A_45] : memref<335872xi32, #tpu.memory_space<hbm>> -> memref<128xi32, #tpu.memory_space<hbm>>
        %dma_start3A_1323 = tpu.memref_slice %arg3[%add3A_45] : memref<335872xi32, #tpu.memory_space<hbm>> -> memref<128xi32, #tpu.memory_space<hbm>>
        tpu.enqueue_dma source(%dma_start3A_1323 : memref<128xi32, #tpu.memory_space<hbm>>) target(%arg11 : memref<128xi32, #tpu.memory_space<vmem>>) target_semaphore(%run_scoped3A : memref<!tpu.dma_semaphore, #tpu.memory_space<semaphore_mem>>)
        %dma_wait3A_1324 = tpu.memref_slice %arg3[%add3A_45] : memref<335872xi32, #tpu.memory_space<hbm>> -> memref<128xi32, #tpu.memory_space<hbm>>
        %dma_wait3A_1325 = tpu.memref_slice %arg3[%add3A_45] : memref<335872xi32, #tpu.memory_space<hbm>> -> memref<128xi32, #tpu.memory_space<hbm>>
        tpu.wait_dma2 semaphore(%run_scoped3A : memref<!tpu.dma_semaphore, #tpu.memory_space<semaphore_mem>>) src(%dma_wait3A_1325 : memref<128xi32, #tpu.memory_space<hbm>>) dst(%arg11 : memref<128xi32, #tpu.memory_space<vmem>>)
        tpu.yield
      }) : () -> ()
      %dma_start3A = arith.constant 0 : i32
      %dma_start3A_46 = arith.constant 0 : i32
      %dma_start3A_47 = tpu.memref_slice %arg4[%dma_start3A, %dma_start3A_46] : memref<10000x32xf32, #tpu.memory_space<hbm>> -> memref<10000x32xf32, #tpu.memory_space<hbm>>
      tpu.enqueue_indirect_dma source(%dma_start3A_47 : memref<10000x32xf32, #tpu.memory_space<hbm>>) target(%arg12 : memref<128x32xf32, #tpu.memory_space<vmem>>) offsets(%arg10 : memref<128xi32, #tpu.memory_space<vmem>>) semaphore(%arg17 : memref<!tpu.dma_semaphore, #tpu.memory_space<semaphore_mem>>)
      %dma_wait3A = arith.constant 0 : i32
      %dma_wait3A_48 = arith.constant 0 : i32
      %dma_wait3A_49 = tpu.memref_slice %arg4[%dma_wait3A, %dma_wait3A_48] : memref<10000x32xf32, #tpu.memory_space<hbm>> -> memref<10000x32xf32, #tpu.memory_space<hbm>>
      tpu.wait_indirect_dma semaphore(%arg17 : memref<!tpu.dma_semaphore, #tpu.memory_space<semaphore_mem>>) src(%dma_wait3A_49 : memref<10000x32xf32, #tpu.memory_space<hbm>>) dst(%arg12 : memref<128x32xf32, #tpu.memory_space<vmem>>)
      %dma_start3A_50 = arith.constant 0 : i32
      %dma_start3A_51 = arith.constant 0 : i32
      %dma_start3A_52 = tpu.memref_slice %arg5[%dma_start3A_50, %dma_start3A_51] : memref<10016x16xf32, #tpu.memory_space<hbm>> -> memref<10016x16xf32, #tpu.memory_space<hbm>>
      tpu.enqueue_indirect_dma source(%dma_start3A_52 : memref<10016x16xf32, #tpu.memory_space<hbm>>) target(%arg13 : memref<128x16xf32, #tpu.memory_space<vmem>>) offsets(%arg11 : memref<128xi32, #tpu.memory_space<vmem>>) semaphore(%arg18 : memref<!tpu.dma_semaphore, #tpu.memory_space<semaphore_mem>>)
      %dma_wait3A_53 = arith.constant 0 : i32
      %dma_wait3A_54 = arith.constant 0 : i32
      %dma_wait3A_55 = tpu.memref_slice %arg5[%dma_wait3A_53, %dma_wait3A_54] : memref<10016x16xf32, #tpu.memory_space<hbm>> -> memref<10016x16xf32, #tpu.memory_space<hbm>>
      tpu.wait_indirect_dma semaphore(%arg18 : memref<!tpu.dma_semaphore, #tpu.memory_space<semaphore_mem>>) src(%dma_wait3A_55 : memref<10016x16xf32, #tpu.memory_space<hbm>>) dst(%arg13 : memref<128x16xf32, #tpu.memory_space<vmem>>)
      %add3A_56 = arith.constant 0 : i32
      %add3A_57 = vector.broadcast %add3A_56 : i32 to vector<16xi32>
      %add3A_58 = arith.addi %add3A_57, %iota3A : vector<16xi32>
      %broadcast_in_dim3A = arith.constant 20 : i32
      %broadcast_in_dim3A_59 = vector.broadcast %broadcast_in_dim3A : i32 to vector<16xi32>
      %gather3A = tpu.vector_load_idx %arg12[%add3A_58, %broadcast_in_dim3A_59] : memref<128x32xf32, #tpu.memory_space<vmem>>[vector<16xi32>, vector<16xi32>], vector<16xf32>,
      %broadcast_in_dim3A_60 = arith.constant 21 : i32
      %broadcast_in_dim3A_61 = vector.broadcast %broadcast_in_dim3A_60 : i32 to vector<16xi32>
      %gather3A_62 = tpu.vector_load_idx %arg12[%add3A_58, %broadcast_in_dim3A_61] : memref<128x32xf32, #tpu.memory_space<vmem>>[vector<16xi32>, vector<16xi32>], vector<16xf32>,
      %broadcast_in_dim3A_63 = arith.constant 0 : i32
      %broadcast_in_dim3A_64 = vector.broadcast %broadcast_in_dim3A_63 : i32 to vector<16xi32>
      %gather3A_65 = tpu.vector_load_idx %arg13[%add3A_58, %broadcast_in_dim3A_64] : memref<128x16xf32, #tpu.memory_space<vmem>>[vector<16xi32>, vector<16xi32>], vector<16xf32>,
      %broadcast_in_dim3A_66 = arith.constant 1 : i32
      %broadcast_in_dim3A_67 = vector.broadcast %broadcast_in_dim3A_66 : i32 to vector<16xi32>
      %gather3A_68 = tpu.vector_load_idx %arg13[%add3A_58, %broadcast_in_dim3A_67] : memref<128x16xf32, #tpu.memory_space<vmem>>[vector<16xi32>, vector<16xi32>], vector<16xf32>,
      %add3A_69 = arith.addf %gather3A, %gather3A_65 : vector<16xf32>
      %ge3A = arith.constant 0.000000e+00 : f32
      %ge3A_70 = vector.broadcast %ge3A : f32 to vector<16xf32>
      %ge3A_71 = arith.cmpf oge, %add3A_69, %ge3A_70 : vector<16xf32>
      %mul3A_72 = arith.constant 2.000000e-01 : f32
      %mul3A_73 = vector.broadcast %mul3A_72 : f32 to vector<16xf32>
      %mul3A_74 = arith.mulf %mul3A_73, %add3A_69 : vector<16xf32>
      %select_n3A = arith.select %ge3A_71, %add3A_69, %mul3A_74 : vector<16xi1>, vector<16xf32>
      %sub3A = arith.subf %select_n3A, %get3A_21 : vector<16xf32>
      %exp3A = math.exp %sub3A : vector<16xf32>
      %add3A_75 = arith.addf %gather3A_62, %gather3A_68 : vector<16xf32>
      %ge3A_76 = arith.constant 0.000000e+00 : f32
      %ge3A_77 = vector.broadcast %ge3A_76 : f32 to vector<16xf32>
      %ge3A_78 = arith.cmpf oge, %add3A_75, %ge3A_77 : vector<16xf32>
      %mul3A_79 = arith.constant 2.000000e-01 : f32
      %mul3A_80 = vector.broadcast %mul3A_79 : f32 to vector<16xf32>
      %mul3A_81 = arith.mulf %mul3A_80, %add3A_75 : vector<16xf32>
      %select_n3A_82 = arith.select %ge3A_78, %add3A_75, %mul3A_81 : vector<16xi1>, vector<16xf32>
      %sub3A_83 = arith.subf %select_n3A_82, %get3A_23 : vector<16xf32>
      %exp3A_84 = math.exp %sub3A_83 : vector<16xf32>
      %broadcast_in_dim3A_85 = arith.constant 0 : i32
      %broadcast_in_dim3A_86 = vector.broadcast %broadcast_in_dim3A_85 : i32 to vector<16xi32>
      %gather3A_87 = tpu.vector_load_idx %arg12[%add3A_58, %broadcast_in_dim3A_86] : memref<128x32xf32, #tpu.memory_space<vmem>>[vector<16xi32>, vector<16xi32>], vector<16xf32>,
      %broadcast_in_dim3A_88 = arith.constant 0 : i32
      %broadcast_in_dim3A_89 = vector.broadcast %broadcast_in_dim3A_88 : i32 to vector<16xi32>
      %mul3A_90 = arith.mulf %gather3A_87, %exp3A : vector<16xf32>
      tpu.vector_store_idx %arg14[%add3A_58, %broadcast_in_dim3A_89], %mul3A_90 : memref<128x32xf32, #tpu.memory_space<vmem>>[vector<16xi32>, vector<16xi32>], vector<16xf32>,
      %broadcast_in_dim3A_91 = arith.constant 1 : i32
      %broadcast_in_dim3A_92 = vector.broadcast %broadcast_in_dim3A_91 : i32 to vector<16xi32>
      %gather3A_93 = tpu.vector_load_idx %arg12[%add3A_58, %broadcast_in_dim3A_92] : memref<128x32xf32, #tpu.memory_space<vmem>>[vector<16xi32>, vector<16xi32>], vector<16xf32>,
      %broadcast_in_dim3A_94 = arith.constant 1 : i32
      %broadcast_in_dim3A_95 = vector.broadcast %broadcast_in_dim3A_94 : i32 to vector<16xi32>
      %mul3A_96 = arith.mulf %gather3A_93, %exp3A : vector<16xf32>
      tpu.vector_store_idx %arg14[%add3A_58, %broadcast_in_dim3A_95], %mul3A_96 : memref<128x32xf32, #tpu.memory_space<vmem>>[vector<16xi32>, vector<16xi32>], vector<16xf32>,
      %broadcast_in_dim3A_97 = arith.constant 2 : i32
      %broadcast_in_dim3A_98 = vector.broadcast %broadcast_in_dim3A_97 : i32 to vector<16xi32>
      %gather3A_99 = tpu.vector_load_idx %arg12[%add3A_58, %broadcast_in_dim3A_98] : memref<128x32xf32, #tpu.memory_space<vmem>>[vector<16xi32>, vector<16xi32>], vector<16xf32>,
      %broadcast_in_dim3A_100 = arith.constant 2 : i32
      %broadcast_in_dim3A_101 = vector.broadcast %broadcast_in_dim3A_100 : i32 to vector<16xi32>
      %mul3A_102 = arith.mulf %gather3A_99, %exp3A : vector<16xf32>
      tpu.vector_store_idx %arg14[%add3A_58, %broadcast_in_dim3A_101], %mul3A_102 : memref<128x32xf32, #tpu.memory_space<vmem>>[vector<16xi32>, vector<16xi32>], vector<16xf32>,
      %broadcast_in_dim3A_103 = arith.constant 3 : i32
      %broadcast_in_dim3A_104 = vector.broadcast %broadcast_in_dim3A_103 : i32 to vector<16xi32>
      %gather3A_105 = tpu.vector_load_idx %arg12[%add3A_58, %broadcast_in_dim3A_104] : memref<128x32xf32, #tpu.memory_space<vmem>>[vector<16xi32>, vector<16xi32>], vector<16xf32>,
      %broadcast_in_dim3A_106 = arith.constant 3 : i32
      %broadcast_in_dim3A_107 = vector.broadcast %broadcast_in_dim3A_106 : i32 to vector<16xi32>
      %mul3A_108 = arith.mulf %gather3A_105, %exp3A : vector<16xf32>
      tpu.vector_store_idx %arg14[%add3A_58, %broadcast_in_dim3A_107], %mul3A_108 : memref<128x32xf32, #tpu.memory_space<vmem>>[vector<16xi32>, vector<16xi32>], vector<16xf32>,
      %broadcast_in_dim3A_109 = arith.constant 4 : i32
      %broadcast_in_dim3A_110 = vector.broadcast %broadcast_in_dim3A_109 : i32 to vector<16xi32>
      %gather3A_111 = tpu.vector_load_idx %arg12[%add3A_58, %broadcast_in_dim3A_110] : memref<128x32xf32, #tpu.memory_space<vmem>>[vector<16xi32>, vector<16xi32>], vector<16xf32>,
      %broadcast_in_dim3A_112 = arith.constant 4 : i32
      %broadcast_in_dim3A_113 = vector.broadcast %broadcast_in_dim3A_112 : i32 to vector<16xi32>
      %mul3A_114 = arith.mulf %gather3A_111, %exp3A : vector<16xf32>
      tpu.vector_store_idx %arg14[%add3A_58, %broadcast_in_dim3A_113], %mul3A_114 : memref<128x32xf32, #tpu.memory_space<vmem>>[vector<16xi32>, vector<16xi32>], vector<16xf32>,
      %broadcast_in_dim3A_115 = arith.constant 5 : i32
      %broadcast_in_dim3A_116 = vector.broadcast %broadcast_in_dim3A_115 : i32 to vector<16xi32>
      %gather3A_117 = tpu.vector_load_idx %arg12[%add3A_58, %broadcast_in_dim3A_116] : memref<128x32xf32, #tpu.memory_space<vmem>>[vector<16xi32>, vector<16xi32>], vector<16xf32>,
      %broadcast_in_dim3A_118 = arith.constant 5 : i32
      %broadcast_in_dim3A_119 = vector.broadcast %broadcast_in_dim3A_118 : i32 to vector<16xi32>
      %mul3A_120 = arith.mulf %gather3A_117, %exp3A : vector<16xf32>
      tpu.vector_store_idx %arg14[%add3A_58, %broadcast_in_dim3A_119], %mul3A_120 : memref<128x32xf32, #tpu.memory_space<vmem>>[vector<16xi32>, vector<16xi32>], vector<16xf32>,
      %broadcast_in_dim3A_121 = arith.constant 6 : i32
      %broadcast_in_dim3A_122 = vector.broadcast %broadcast_in_dim3A_121 : i32 to vector<16xi32>
      %gather3A_123 = tpu.vector_load_idx %arg12[%add3A_58, %broadcast_in_dim3A_122] : memref<128x32xf32, #tpu.memory_space<vmem>>[vector<16xi32>, vector<16xi32>], vector<16xf32>,
      %broadcast_in_dim3A_124 = arith.constant 6 : i32
      %broadcast_in_dim3A_125 = vector.broadcast %broadcast_in_dim3A_124 : i32 to vector<16xi32>
      %mul3A_126 = arith.mulf %gather3A_123, %exp3A : vector<16xf32>
      tpu.vector_store_idx %arg14[%add3A_58, %broadcast_in_dim3A_125], %mul3A_126 : memref<128x32xf32, #tpu.memory_space<vmem>>[vector<16xi32>, vector<16xi32>], vector<16xf32>,
      %broadcast_in_dim3A_127 = arith.constant 7 : i32
      %broadcast_in_dim3A_128 = vector.broadcast %broadcast_in_dim3A_127 : i32 to vector<16xi32>
      %gather3A_129 = tpu.vector_load_idx %arg12[%add3A_58, %broadcast_in_dim3A_128] : memref<128x32xf32, #tpu.memory_space<vmem>>[vector<16xi32>, vector<16xi32>], vector<16xf32>,
      %broadcast_in_dim3A_130 = arith.constant 7 : i32
      %broadcast_in_dim3A_131 = vector.broadcast %broadcast_in_dim3A_130 : i32 to vector<16xi32>
      %mul3A_132 = arith.mulf %gather3A_129, %exp3A : vector<16xf32>
      tpu.vector_store_idx %arg14[%add3A_58, %broadcast_in_dim3A_131], %mul3A_132 : memref<128x32xf32, #tpu.memory_space<vmem>>[vector<16xi32>, vector<16xi32>], vector<16xf32>,
      %broadcast_in_dim3A_133 = arith.constant 8 : i32
      %broadcast_in_dim3A_134 = vector.broadcast %broadcast_in_dim3A_133 : i32 to vector<16xi32>
      %gather3A_135 = tpu.vector_load_idx %arg12[%add3A_58, %broadcast_in_dim3A_134] : memref<128x32xf32, #tpu.memory_space<vmem>>[vector<16xi32>, vector<16xi32>], vector<16xf32>,
      %broadcast_in_dim3A_136 = arith.constant 8 : i32
      %broadcast_in_dim3A_137 = vector.broadcast %broadcast_in_dim3A_136 : i32 to vector<16xi32>
      %mul3A_138 = arith.mulf %gather3A_135, %exp3A : vector<16xf32>
      tpu.vector_store_idx %arg14[%add3A_58, %broadcast_in_dim3A_137], %mul3A_138 : memref<128x32xf32, #tpu.memory_space<vmem>>[vector<16xi32>, vector<16xi32>], vector<16xf32>,
      %broadcast_in_dim3A_139 = arith.constant 9 : i32
      %broadcast_in_dim3A_140 = vector.broadcast %broadcast_in_dim3A_139 : i32 to vector<16xi32>
      %gather3A_141 = tpu.vector_load_idx %arg12[%add3A_58, %broadcast_in_dim3A_140] : memref<128x32xf32, #tpu.memory_space<vmem>>[vector<16xi32>, vector<16xi32>], vector<16xf32>,
      %broadcast_in_dim3A_142 = arith.constant 9 : i32
      %broadcast_in_dim3A_143 = vector.broadcast %broadcast_in_dim3A_142 : i32 to vector<16xi32>
      %mul3A_144 = arith.mulf %gather3A_141, %exp3A : vector<16xf32>
      tpu.vector_store_idx %arg14[%add3A_58, %broadcast_in_dim3A_143], %mul3A_144 : memref<128x32xf32, #tpu.memory_space<vmem>>[vector<16xi32>, vector<16xi32>], vector<16xf32>,
      %broadcast_in_dim3A_145 = arith.constant 10 : i32
      %broadcast_in_dim3A_146 = vector.broadcast %broadcast_in_dim3A_145 : i32 to vector<16xi32>
      %gather3A_147 = tpu.vector_load_idx %arg12[%add3A_58, %broadcast_in_dim3A_146] : memref<128x32xf32, #tpu.memory_space<vmem>>[vector<16xi32>, vector<16xi32>], vector<16xf32>,
      %broadcast_in_dim3A_148 = arith.constant 10 : i32
      %broadcast_in_dim3A_149 = vector.broadcast %broadcast_in_dim3A_148 : i32 to vector<16xi32>
      %mul3A_150 = arith.mulf %gather3A_147, %exp3A_84 : vector<16xf32>
      tpu.vector_store_idx %arg14[%add3A_58, %broadcast_in_dim3A_149], %mul3A_150 : memref<128x32xf32, #tpu.memory_space<vmem>>[vector<16xi32>, vector<16xi32>], vector<16xf32>,
      %broadcast_in_dim3A_151 = arith.constant 11 : i32
      %broadcast_in_dim3A_152 = vector.broadcast %broadcast_in_dim3A_151 : i32 to vector<16xi32>
      %gather3A_153 = tpu.vector_load_idx %arg12[%add3A_58, %broadcast_in_dim3A_152] : memref<128x32xf32, #tpu.memory_space<vmem>>[vector<16xi32>, vector<16xi32>], vector<16xf32>,
      %broadcast_in_dim3A_154 = arith.constant 11 : i32
      %broadcast_in_dim3A_155 = vector.broadcast %broadcast_in_dim3A_154 : i32 to vector<16xi32>
      %mul3A_156 = arith.mulf %gather3A_153, %exp3A_84 : vector<16xf32>
      tpu.vector_store_idx %arg14[%add3A_58, %broadcast_in_dim3A_155], %mul3A_156 : memref<128x32xf32, #tpu.memory_space<vmem>>[vector<16xi32>, vector<16xi32>], vector<16xf32>,
      %broadcast_in_dim3A_157 = arith.constant 12 : i32
      %broadcast_in_dim3A_158 = vector.broadcast %broadcast_in_dim3A_157 : i32 to vector<16xi32>
      %gather3A_159 = tpu.vector_load_idx %arg12[%add3A_58, %broadcast_in_dim3A_158] : memref<128x32xf32, #tpu.memory_space<vmem>>[vector<16xi32>, vector<16xi32>], vector<16xf32>,
      %broadcast_in_dim3A_160 = arith.constant 12 : i32
      %broadcast_in_dim3A_161 = vector.broadcast %broadcast_in_dim3A_160 : i32 to vector<16xi32>
      %mul3A_162 = arith.mulf %gather3A_159, %exp3A_84 : vector<16xf32>
      tpu.vector_store_idx %arg14[%add3A_58, %broadcast_in_dim3A_161], %mul3A_162 : memref<128x32xf32, #tpu.memory_space<vmem>>[vector<16xi32>, vector<16xi32>], vector<16xf32>,
      %broadcast_in_dim3A_163 = arith.constant 13 : i32
      %broadcast_in_dim3A_164 = vector.broadcast %broadcast_in_dim3A_163 : i32 to vector<16xi32>
      %gather3A_165 = tpu.vector_load_idx %arg12[%add3A_58, %broadcast_in_dim3A_164] : memref<128x32xf32, #tpu.memory_space<vmem>>[vector<16xi32>, vector<16xi32>], vector<16xf32>,
      %broadcast_in_dim3A_166 = arith.constant 13 : i32
      %broadcast_in_dim3A_167 = vector.broadcast %broadcast_in_dim3A_166 : i32 to vector<16xi32>
      %mul3A_168 = arith.mulf %gather3A_165, %exp3A_84 : vector<16xf32>
      tpu.vector_store_idx %arg14[%add3A_58, %broadcast_in_dim3A_167], %mul3A_168 : memref<128x32xf32, #tpu.memory_space<vmem>>[vector<16xi32>, vector<16xi32>], vector<16xf32>,
      %broadcast_in_dim3A_169 = arith.constant 14 : i32
      %broadcast_in_dim3A_170 = vector.broadcast %broadcast_in_dim3A_169 : i32 to vector<16xi32>
      %gather3A_171 = tpu.vector_load_idx %arg12[%add3A_58, %broadcast_in_dim3A_170] : memref<128x32xf32, #tpu.memory_space<vmem>>[vector<16xi32>, vector<16xi32>], vector<16xf32>,
      %broadcast_in_dim3A_172 = arith.constant 14 : i32
      %broadcast_in_dim3A_173 = vector.broadcast %broadcast_in_dim3A_172 : i32 to vector<16xi32>
      %mul3A_174 = arith.mulf %gather3A_171, %exp3A_84 : vector<16xf32>
      tpu.vector_store_idx %arg14[%add3A_58, %broadcast_in_dim3A_173], %mul3A_174 : memref<128x32xf32, #tpu.memory_space<vmem>>[vector<16xi32>, vector<16xi32>], vector<16xf32>,
      %broadcast_in_dim3A_175 = arith.constant 15 : i32
      %broadcast_in_dim3A_176 = vector.broadcast %broadcast_in_dim3A_175 : i32 to vector<16xi32>
      %gather3A_177 = tpu.vector_load_idx %arg12[%add3A_58, %broadcast_in_dim3A_176] : memref<128x32xf32, #tpu.memory_space<vmem>>[vector<16xi32>, vector<16xi32>], vector<16xf32>,
      %broadcast_in_dim3A_178 = arith.constant 15 : i32
      %broadcast_in_dim3A_179 = vector.broadcast %broadcast_in_dim3A_178 : i32 to vector<16xi32>
      %mul3A_180 = arith.mulf %gather3A_177, %exp3A_84 : vector<16xf32>
      tpu.vector_store_idx %arg14[%add3A_58, %broadcast_in_dim3A_179], %mul3A_180 : memref<128x32xf32, #tpu.memory_space<vmem>>[vector<16xi32>, vector<16xi32>], vector<16xf32>,
      %broadcast_in_dim3A_181 = arith.constant 16 : i32
      %broadcast_in_dim3A_182 = vector.broadcast %broadcast_in_dim3A_181 : i32 to vector<16xi32>
      %gather3A_183 = tpu.vector_load_idx %arg12[%add3A_58, %broadcast_in_dim3A_182] : memref<128x32xf32, #tpu.memory_space<vmem>>[vector<16xi32>, vector<16xi32>], vector<16xf32>,
      %broadcast_in_dim3A_184 = arith.constant 16 : i32
      %broadcast_in_dim3A_185 = vector.broadcast %broadcast_in_dim3A_184 : i32 to vector<16xi32>
      %mul3A_186 = arith.mulf %gather3A_183, %exp3A_84 : vector<16xf32>
      tpu.vector_store_idx %arg14[%add3A_58, %broadcast_in_dim3A_185], %mul3A_186 : memref<128x32xf32, #tpu.memory_space<vmem>>[vector<16xi32>, vector<16xi32>], vector<16xf32>,
      %broadcast_in_dim3A_187 = arith.constant 17 : i32
      %broadcast_in_dim3A_188 = vector.broadcast %broadcast_in_dim3A_187 : i32 to vector<16xi32>
      %gather3A_189 = tpu.vector_load_idx %arg12[%add3A_58, %broadcast_in_dim3A_188] : memref<128x32xf32, #tpu.memory_space<vmem>>[vector<16xi32>, vector<16xi32>], vector<16xf32>,
      %broadcast_in_dim3A_190 = arith.constant 17 : i32
      %broadcast_in_dim3A_191 = vector.broadcast %broadcast_in_dim3A_190 : i32 to vector<16xi32>
      %mul3A_192 = arith.mulf %gather3A_189, %exp3A_84 : vector<16xf32>
      tpu.vector_store_idx %arg14[%add3A_58, %broadcast_in_dim3A_191], %mul3A_192 : memref<128x32xf32, #tpu.memory_space<vmem>>[vector<16xi32>, vector<16xi32>], vector<16xf32>,
      %broadcast_in_dim3A_193 = arith.constant 18 : i32
      %broadcast_in_dim3A_194 = vector.broadcast %broadcast_in_dim3A_193 : i32 to vector<16xi32>
      %gather3A_195 = tpu.vector_load_idx %arg12[%add3A_58, %broadcast_in_dim3A_194] : memref<128x32xf32, #tpu.memory_space<vmem>>[vector<16xi32>, vector<16xi32>], vector<16xf32>,
      %broadcast_in_dim3A_196 = arith.constant 18 : i32
      %broadcast_in_dim3A_197 = vector.broadcast %broadcast_in_dim3A_196 : i32 to vector<16xi32>
      %mul3A_198 = arith.mulf %gather3A_195, %exp3A_84 : vector<16xf32>
      tpu.vector_store_idx %arg14[%add3A_58, %broadcast_in_dim3A_197], %mul3A_198 : memref<128x32xf32, #tpu.memory_space<vmem>>[vector<16xi32>, vector<16xi32>], vector<16xf32>,
      %broadcast_in_dim3A_199 = arith.constant 19 : i32
      %broadcast_in_dim3A_200 = vector.broadcast %broadcast_in_dim3A_199 : i32 to vector<16xi32>
      %gather3A_201 = tpu.vector_load_idx %arg12[%add3A_58, %broadcast_in_dim3A_200] : memref<128x32xf32, #tpu.memory_space<vmem>>[vector<16xi32>, vector<16xi32>], vector<16xf32>,
      %broadcast_in_dim3A_202 = arith.constant 19 : i32
      %broadcast_in_dim3A_203 = vector.broadcast %broadcast_in_dim3A_202 : i32 to vector<16xi32>
      %mul3A_204 = arith.mulf %gather3A_201, %exp3A_84 : vector<16xf32>
      tpu.vector_store_idx %arg14[%add3A_58, %broadcast_in_dim3A_203], %mul3A_204 : memref<128x32xf32, #tpu.memory_space<vmem>>[vector<16xi32>, vector<16xi32>], vector<16xf32>,
      %broadcast_in_dim3A_205 = arith.constant 20 : i32
      %broadcast_in_dim3A_206 = vector.broadcast %broadcast_in_dim3A_205 : i32 to vector<16xi32>
      tpu.vector_store_idx %arg14[%add3A_58, %broadcast_in_dim3A_206], %exp3A : memref<128x32xf32, #tpu.memory_space<vmem>>[vector<16xi32>, vector<16xi32>], vector<16xf32>,
      %broadcast_in_dim3A_207 = arith.constant 21 : i32
      %broadcast_in_dim3A_208 = vector.broadcast %broadcast_in_dim3A_207 : i32 to vector<16xi32>
      tpu.vector_store_idx %arg14[%add3A_58, %broadcast_in_dim3A_208], %exp3A_84 : memref<128x32xf32, #tpu.memory_space<vmem>>[vector<16xi32>, vector<16xi32>], vector<16xf32>,
      %add3A_209 = arith.constant 16 : i32
      %add3A_210 = vector.broadcast %add3A_209 : i32 to vector<16xi32>
      %add3A_211 = arith.addi %add3A_210, %iota3A : vector<16xi32>
      %broadcast_in_dim3A_212 = arith.constant 20 : i32
      %broadcast_in_dim3A_213 = vector.broadcast %broadcast_in_dim3A_212 : i32 to vector<16xi32>
      %gather3A_214 = tpu.vector_load_idx %arg12[%add3A_211, %broadcast_in_dim3A_213] : memref<128x32xf32, #tpu.memory_space<vmem>>[vector<16xi32>, vector<16xi32>], vector<16xf32>,
      %broadcast_in_dim3A_215 = arith.constant 21 : i32
      %broadcast_in_dim3A_216 = vector.broadcast %broadcast_in_dim3A_215 : i32 to vector<16xi32>
      %gather3A_217 = tpu.vector_load_idx %arg12[%add3A_211, %broadcast_in_dim3A_216] : memref<128x32xf32, #tpu.memory_space<vmem>>[vector<16xi32>, vector<16xi32>], vector<16xf32>,
      %broadcast_in_dim3A_218 = arith.constant 0 : i32
      %broadcast_in_dim3A_219 = vector.broadcast %broadcast_in_dim3A_218 : i32 to vector<16xi32>
      %gather3A_220 = tpu.vector_load_idx %arg13[%add3A_211, %broadcast_in_dim3A_219] : memref<128x16xf32, #tpu.memory_space<vmem>>[vector<16xi32>, vector<16xi32>], vector<16xf32>,
      %broadcast_in_dim3A_221 = arith.constant 1 : i32
      %broadcast_in_dim3A_222 = vector.broadcast %broadcast_in_dim3A_221 : i32 to vector<16xi32>
      %gather3A_223 = tpu.vector_load_idx %arg13[%add3A_211, %broadcast_in_dim3A_222] : memref<128x16xf32, #tpu.memory_space<vmem>>[vector<16xi32>, vector<16xi32>], vector<16xf32>,
      %add3A_224 = arith.addf %gather3A_214, %gather3A_220 : vector<16xf32>
      %ge3A_225 = arith.constant 0.000000e+00 : f32
      %ge3A_226 = vector.broadcast %ge3A_225 : f32 to vector<16xf32>
      %ge3A_227 = arith.cmpf oge, %add3A_224, %ge3A_226 : vector<16xf32>
      %mul3A_228 = arith.constant 2.000000e-01 : f32
      %mul3A_229 = vector.broadcast %mul3A_228 : f32 to vector<16xf32>
      %mul3A_230 = arith.mulf %mul3A_229, %add3A_224 : vector<16xf32>
      %select_n3A_231 = arith.select %ge3A_227, %add3A_224, %mul3A_230 : vector<16xi1>, vector<16xf32>
      %sub3A_232 = arith.subf %select_n3A_231, %get3A_21 : vector<16xf32>
      %exp3A_233 = math.exp %sub3A_232 : vector<16xf32>
      %add3A_234 = arith.addf %gather3A_217, %gather3A_223 : vector<16xf32>
      %ge3A_235 = arith.constant 0.000000e+00 : f32
      %ge3A_236 = vector.broadcast %ge3A_235 : f32 to vector<16xf32>
      %ge3A_237 = arith.cmpf oge, %add3A_234, %ge3A_236 : vector<16xf32>
      %mul3A_238 = arith.constant 2.000000e-01 : f32
      %mul3A_239 = vector.broadcast %mul3A_238 : f32 to vector<16xf32>
      %mul3A_240 = arith.mulf %mul3A_239, %add3A_234 : vector<16xf32>
      %select_n3A_241 = arith.select %ge3A_237, %add3A_234, %mul3A_240 : vector<16xi1>, vector<16xf32>
      %sub3A_242 = arith.subf %select_n3A_241, %get3A_23 : vector<16xf32>
      %exp3A_243 = math.exp %sub3A_242 : vector<16xf32>
      %broadcast_in_dim3A_244 = arith.constant 0 : i32
      %broadcast_in_dim3A_245 = vector.broadcast %broadcast_in_dim3A_244 : i32 to vector<16xi32>
      %gather3A_246 = tpu.vector_load_idx %arg12[%add3A_211, %broadcast_in_dim3A_245] : memref<128x32xf32, #tpu.memory_space<vmem>>[vector<16xi32>, vector<16xi32>], vector<16xf32>,
      %broadcast_in_dim3A_247 = arith.constant 0 : i32
      %broadcast_in_dim3A_248 = vector.broadcast %broadcast_in_dim3A_247 : i32 to vector<16xi32>
      %mul3A_249 = arith.mulf %gather3A_246, %exp3A_233 : vector<16xf32>
      tpu.vector_store_idx %arg14[%add3A_211, %broadcast_in_dim3A_248], %mul3A_249 : memref<128x32xf32, #tpu.memory_space<vmem>>[vector<16xi32>, vector<16xi32>], vector<16xf32>,
      %broadcast_in_dim3A_250 = arith.constant 1 : i32
      %broadcast_in_dim3A_251 = vector.broadcast %broadcast_in_dim3A_250 : i32 to vector<16xi32>
      %gather3A_252 = tpu.vector_load_idx %arg12[%add3A_211, %broadcast_in_dim3A_251] : memref<128x32xf32, #tpu.memory_space<vmem>>[vector<16xi32>, vector<16xi32>], vector<16xf32>,
      %broadcast_in_dim3A_253 = arith.constant 1 : i32
      %broadcast_in_dim3A_254 = vector.broadcast %broadcast_in_dim3A_253 : i32 to vector<16xi32>
      %mul3A_255 = arith.mulf %gather3A_252, %exp3A_233 : vector<16xf32>
      tpu.vector_store_idx %arg14[%add3A_211, %broadcast_in_dim3A_254], %mul3A_255 : memref<128x32xf32, #tpu.memory_space<vmem>>[vector<16xi32>, vector<16xi32>], vector<16xf32>,
      %broadcast_in_dim3A_256 = arith.constant 2 : i32
      %broadcast_in_dim3A_257 = vector.broadcast %broadcast_in_dim3A_256 : i32 to vector<16xi32>
      %gather3A_258 = tpu.vector_load_idx %arg12[%add3A_211, %broadcast_in_dim3A_257] : memref<128x32xf32, #tpu.memory_space<vmem>>[vector<16xi32>, vector<16xi32>], vector<16xf32>,
      %broadcast_in_dim3A_259 = arith.constant 2 : i32
      %broadcast_in_dim3A_260 = vector.broadcast %broadcast_in_dim3A_259 : i32 to vector<16xi32>
      %mul3A_261 = arith.mulf %gather3A_258, %exp3A_233 : vector<16xf32>
      tpu.vector_store_idx %arg14[%add3A_211, %broadcast_in_dim3A_260], %mul3A_261 : memref<128x32xf32, #tpu.memory_space<vmem>>[vector<16xi32>, vector<16xi32>], vector<16xf32>,
      %broadcast_in_dim3A_262 = arith.constant 3 : i32
      %broadcast_in_dim3A_263 = vector.broadcast %broadcast_in_dim3A_262 : i32 to vector<16xi32>
      %gather3A_264 = tpu.vector_load_idx %arg12[%add3A_211, %broadcast_in_dim3A_263] : memref<128x32xf32, #tpu.memory_space<vmem>>[vector<16xi32>, vector<16xi32>], vector<16xf32>,
      %broadcast_in_dim3A_265 = arith.constant 3 : i32
      %broadcast_in_dim3A_266 = vector.broadcast %broadcast_in_dim3A_265 : i32 to vector<16xi32>
      %mul3A_267 = arith.mulf %gather3A_264, %exp3A_233 : vector<16xf32>
      tpu.vector_store_idx %arg14[%add3A_211, %broadcast_in_dim3A_266], %mul3A_267 : memref<128x32xf32, #tpu.memory_space<vmem>>[vector<16xi32>, vector<16xi32>], vector<16xf32>,
      %broadcast_in_dim3A_268 = arith.constant 4 : i32
      %broadcast_in_dim3A_269 = vector.broadcast %broadcast_in_dim3A_268 : i32 to vector<16xi32>
      %gather3A_270 = tpu.vector_load_idx %arg12[%add3A_211, %broadcast_in_dim3A_269] : memref<128x32xf32, #tpu.memory_space<vmem>>[vector<16xi32>, vector<16xi32>], vector<16xf32>,
      %broadcast_in_dim3A_271 = arith.constant 4 : i32
      %broadcast_in_dim3A_272 = vector.broadcast %broadcast_in_dim3A_271 : i32 to vector<16xi32>
      %mul3A_273 = arith.mulf %gather3A_270, %exp3A_233 : vector<16xf32>
      tpu.vector_store_idx %arg14[%add3A_211, %broadcast_in_dim3A_272], %mul3A_273 : memref<128x32xf32, #tpu.memory_space<vmem>>[vector<16xi32>, vector<16xi32>], vector<16xf32>,
      %broadcast_in_dim3A_274 = arith.constant 5 : i32
      %broadcast_in_dim3A_275 = vector.broadcast %broadcast_in_dim3A_274 : i32 to vector<16xi32>
      %gather3A_276 = tpu.vector_load_idx %arg12[%add3A_211, %broadcast_in_dim3A_275] : memref<128x32xf32, #tpu.memory_space<vmem>>[vector<16xi32>, vector<16xi32>], vector<16xf32>,
      %broadcast_in_dim3A_277 = arith.constant 5 : i32
      %broadcast_in_dim3A_278 = vector.broadcast %broadcast_in_dim3A_277 : i32 to vector<16xi32>
      %mul3A_279 = arith.mulf %gather3A_276, %exp3A_233 : vector<16xf32>
      tpu.vector_store_idx %arg14[%add3A_211, %broadcast_in_dim3A_278], %mul3A_279 : memref<128x32xf32, #tpu.memory_space<vmem>>[vector<16xi32>, vector<16xi32>], vector<16xf32>,
      %broadcast_in_dim3A_280 = arith.constant 6 : i32
      %broadcast_in_dim3A_281 = vector.broadcast %broadcast_in_dim3A_280 : i32 to vector<16xi32>
      %gather3A_282 = tpu.vector_load_idx %arg12[%add3A_211, %broadcast_in_dim3A_281] : memref<128x32xf32, #tpu.memory_space<vmem>>[vector<16xi32>, vector<16xi32>], vector<16xf32>,
      %broadcast_in_dim3A_283 = arith.constant 6 : i32
      %broadcast_in_dim3A_284 = vector.broadcast %broadcast_in_dim3A_283 : i32 to vector<16xi32>
      %mul3A_285 = arith.mulf %gather3A_282, %exp3A_233 : vector<16xf32>
      tpu.vector_store_idx %arg14[%add3A_211, %broadcast_in_dim3A_284], %mul3A_285 : memref<128x32xf32, #tpu.memory_space<vmem>>[vector<16xi32>, vector<16xi32>], vector<16xf32>,
      %broadcast_in_dim3A_286 = arith.constant 7 : i32
      %broadcast_in_dim3A_287 = vector.broadcast %broadcast_in_dim3A_286 : i32 to vector<16xi32>
      %gather3A_288 = tpu.vector_load_idx %arg12[%add3A_211, %broadcast_in_dim3A_287] : memref<128x32xf32, #tpu.memory_space<vmem>>[vector<16xi32>, vector<16xi32>], vector<16xf32>,
      %broadcast_in_dim3A_289 = arith.constant 7 : i32
      %broadcast_in_dim3A_290 = vector.broadcast %broadcast_in_dim3A_289 : i32 to vector<16xi32>
      %mul3A_291 = arith.mulf %gather3A_288, %exp3A_233 : vector<16xf32>
      tpu.vector_store_idx %arg14[%add3A_211, %broadcast_in_dim3A_290], %mul3A_291 : memref<128x32xf32, #tpu.memory_space<vmem>>[vector<16xi32>, vector<16xi32>], vector<16xf32>,
      %broadcast_in_dim3A_292 = arith.constant 8 : i32
      %broadcast_in_dim3A_293 = vector.broadcast %broadcast_in_dim3A_292 : i32 to vector<16xi32>
      %gather3A_294 = tpu.vector_load_idx %arg12[%add3A_211, %broadcast_in_dim3A_293] : memref<128x32xf32, #tpu.memory_space<vmem>>[vector<16xi32>, vector<16xi32>], vector<16xf32>,
      %broadcast_in_dim3A_295 = arith.constant 8 : i32
      %broadcast_in_dim3A_296 = vector.broadcast %broadcast_in_dim3A_295 : i32 to vector<16xi32>
      %mul3A_297 = arith.mulf %gather3A_294, %exp3A_233 : vector<16xf32>
      tpu.vector_store_idx %arg14[%add3A_211, %broadcast_in_dim3A_296], %mul3A_297 : memref<128x32xf32, #tpu.memory_space<vmem>>[vector<16xi32>, vector<16xi32>], vector<16xf32>,
      %broadcast_in_dim3A_298 = arith.constant 9 : i32
      %broadcast_in_dim3A_299 = vector.broadcast %broadcast_in_dim3A_298 : i32 to vector<16xi32>
      %gather3A_300 = tpu.vector_load_idx %arg12[%add3A_211, %broadcast_in_dim3A_299] : memref<128x32xf32, #tpu.memory_space<vmem>>[vector<16xi32>, vector<16xi32>], vector<16xf32>,
      %broadcast_in_dim3A_301 = arith.constant 9 : i32
      %broadcast_in_dim3A_302 = vector.broadcast %broadcast_in_dim3A_301 : i32 to vector<16xi32>
      %mul3A_303 = arith.mulf %gather3A_300, %exp3A_233 : vector<16xf32>
      tpu.vector_store_idx %arg14[%add3A_211, %broadcast_in_dim3A_302], %mul3A_303 : memref<128x32xf32, #tpu.memory_space<vmem>>[vector<16xi32>, vector<16xi32>], vector<16xf32>,
      %broadcast_in_dim3A_304 = arith.constant 10 : i32
      %broadcast_in_dim3A_305 = vector.broadcast %broadcast_in_dim3A_304 : i32 to vector<16xi32>
      %gather3A_306 = tpu.vector_load_idx %arg12[%add3A_211, %broadcast_in_dim3A_305] : memref<128x32xf32, #tpu.memory_space<vmem>>[vector<16xi32>, vector<16xi32>], vector<16xf32>,
      %broadcast_in_dim3A_307 = arith.constant 10 : i32
      %broadcast_in_dim3A_308 = vector.broadcast %broadcast_in_dim3A_307 : i32 to vector<16xi32>
      %mul3A_309 = arith.mulf %gather3A_306, %exp3A_243 : vector<16xf32>
      tpu.vector_store_idx %arg14[%add3A_211, %broadcast_in_dim3A_308], %mul3A_309 : memref<128x32xf32, #tpu.memory_space<vmem>>[vector<16xi32>, vector<16xi32>], vector<16xf32>,
      %broadcast_in_dim3A_310 = arith.constant 11 : i32
      %broadcast_in_dim3A_311 = vector.broadcast %broadcast_in_dim3A_310 : i32 to vector<16xi32>
      %gather3A_312 = tpu.vector_load_idx %arg12[%add3A_211, %broadcast_in_dim3A_311] : memref<128x32xf32, #tpu.memory_space<vmem>>[vector<16xi32>, vector<16xi32>], vector<16xf32>,
      %broadcast_in_dim3A_313 = arith.constant 11 : i32
      %broadcast_in_dim3A_314 = vector.broadcast %broadcast_in_dim3A_313 : i32 to vector<16xi32>
      %mul3A_315 = arith.mulf %gather3A_312, %exp3A_243 : vector<16xf32>
      tpu.vector_store_idx %arg14[%add3A_211, %broadcast_in_dim3A_314], %mul3A_315 : memref<128x32xf32, #tpu.memory_space<vmem>>[vector<16xi32>, vector<16xi32>], vector<16xf32>,
      %broadcast_in_dim3A_316 = arith.constant 12 : i32
      %broadcast_in_dim3A_317 = vector.broadcast %broadcast_in_dim3A_316 : i32 to vector<16xi32>
      %gather3A_318 = tpu.vector_load_idx %arg12[%add3A_211, %broadcast_in_dim3A_317] : memref<128x32xf32, #tpu.memory_space<vmem>>[vector<16xi32>, vector<16xi32>], vector<16xf32>,
      %broadcast_in_dim3A_319 = arith.constant 12 : i32
      %broadcast_in_dim3A_320 = vector.broadcast %broadcast_in_dim3A_319 : i32 to vector<16xi32>
      %mul3A_321 = arith.mulf %gather3A_318, %exp3A_243 : vector<16xf32>
      tpu.vector_store_idx %arg14[%add3A_211, %broadcast_in_dim3A_320], %mul3A_321 : memref<128x32xf32, #tpu.memory_space<vmem>>[vector<16xi32>, vector<16xi32>], vector<16xf32>,
      %broadcast_in_dim3A_322 = arith.constant 13 : i32
      %broadcast_in_dim3A_323 = vector.broadcast %broadcast_in_dim3A_322 : i32 to vector<16xi32>
      %gather3A_324 = tpu.vector_load_idx %arg12[%add3A_211, %broadcast_in_dim3A_323] : memref<128x32xf32, #tpu.memory_space<vmem>>[vector<16xi32>, vector<16xi32>], vector<16xf32>,
      %broadcast_in_dim3A_325 = arith.constant 13 : i32
      %broadcast_in_dim3A_326 = vector.broadcast %broadcast_in_dim3A_325 : i32 to vector<16xi32>
      %mul3A_327 = arith.mulf %gather3A_324, %exp3A_243 : vector<16xf32>
      tpu.vector_store_idx %arg14[%add3A_211, %broadcast_in_dim3A_326], %mul3A_327 : memref<128x32xf32, #tpu.memory_space<vmem>>[vector<16xi32>, vector<16xi32>], vector<16xf32>,
      %broadcast_in_dim3A_328 = arith.constant 14 : i32
      %broadcast_in_dim3A_329 = vector.broadcast %broadcast_in_dim3A_328 : i32 to vector<16xi32>
      %gather3A_330 = tpu.vector_load_idx %arg12[%add3A_211, %broadcast_in_dim3A_329] : memref<128x32xf32, #tpu.memory_space<vmem>>[vector<16xi32>, vector<16xi32>], vector<16xf32>,
      %broadcast_in_dim3A_331 = arith.constant 14 : i32
      %broadcast_in_dim3A_332 = vector.broadcast %broadcast_in_dim3A_331 : i32 to vector<16xi32>
      %mul3A_333 = arith.mulf %gather3A_330, %exp3A_243 : vector<16xf32>
      tpu.vector_store_idx %arg14[%add3A_211, %broadcast_in_dim3A_332], %mul3A_333 : memref<128x32xf32, #tpu.memory_space<vmem>>[vector<16xi32>, vector<16xi32>], vector<16xf32>,
      %broadcast_in_dim3A_334 = arith.constant 15 : i32
      %broadcast_in_dim3A_335 = vector.broadcast %broadcast_in_dim3A_334 : i32 to vector<16xi32>
      %gather3A_336 = tpu.vector_load_idx %arg12[%add3A_211, %broadcast_in_dim3A_335] : memref<128x32xf32, #tpu.memory_space<vmem>>[vector<16xi32>, vector<16xi32>], vector<16xf32>,
      %broadcast_in_dim3A_337 = arith.constant 15 : i32
      %broadcast_in_dim3A_338 = vector.broadcast %broadcast_in_dim3A_337 : i32 to vector<16xi32>
      %mul3A_339 = arith.mulf %gather3A_336, %exp3A_243 : vector<16xf32>
      tpu.vector_store_idx %arg14[%add3A_211, %broadcast_in_dim3A_338], %mul3A_339 : memref<128x32xf32, #tpu.memory_space<vmem>>[vector<16xi32>, vector<16xi32>], vector<16xf32>,
      %broadcast_in_dim3A_340 = arith.constant 16 : i32
      %broadcast_in_dim3A_341 = vector.broadcast %broadcast_in_dim3A_340 : i32 to vector<16xi32>
      %gather3A_342 = tpu.vector_load_idx %arg12[%add3A_211, %broadcast_in_dim3A_341] : memref<128x32xf32, #tpu.memory_space<vmem>>[vector<16xi32>, vector<16xi32>], vector<16xf32>,
      %broadcast_in_dim3A_343 = arith.constant 16 : i32
      %broadcast_in_dim3A_344 = vector.broadcast %broadcast_in_dim3A_343 : i32 to vector<16xi32>
      %mul3A_345 = arith.mulf %gather3A_342, %exp3A_243 : vector<16xf32>
      tpu.vector_store_idx %arg14[%add3A_211, %broadcast_in_dim3A_344], %mul3A_345 : memref<128x32xf32, #tpu.memory_space<vmem>>[vector<16xi32>, vector<16xi32>], vector<16xf32>,
      %broadcast_in_dim3A_346 = arith.constant 17 : i32
      %broadcast_in_dim3A_347 = vector.broadcast %broadcast_in_dim3A_346 : i32 to vector<16xi32>
      %gather3A_348 = tpu.vector_load_idx %arg12[%add3A_211, %broadcast_in_dim3A_347] : memref<128x32xf32, #tpu.memory_space<vmem>>[vector<16xi32>, vector<16xi32>], vector<16xf32>,
      %broadcast_in_dim3A_349 = arith.constant 17 : i32
      %broadcast_in_dim3A_350 = vector.broadcast %broadcast_in_dim3A_349 : i32 to vector<16xi32>
      %mul3A_351 = arith.mulf %gather3A_348, %exp3A_243 : vector<16xf32>
      tpu.vector_store_idx %arg14[%add3A_211, %broadcast_in_dim3A_350], %mul3A_351 : memref<128x32xf32, #tpu.memory_space<vmem>>[vector<16xi32>, vector<16xi32>], vector<16xf32>,
      %broadcast_in_dim3A_352 = arith.constant 18 : i32
      %broadcast_in_dim3A_353 = vector.broadcast %broadcast_in_dim3A_352 : i32 to vector<16xi32>
      %gather3A_354 = tpu.vector_load_idx %arg12[%add3A_211, %broadcast_in_dim3A_353] : memref<128x32xf32, #tpu.memory_space<vmem>>[vector<16xi32>, vector<16xi32>], vector<16xf32>,
      %broadcast_in_dim3A_355 = arith.constant 18 : i32
      %broadcast_in_dim3A_356 = vector.broadcast %broadcast_in_dim3A_355 : i32 to vector<16xi32>
      %mul3A_357 = arith.mulf %gather3A_354, %exp3A_243 : vector<16xf32>
      tpu.vector_store_idx %arg14[%add3A_211, %broadcast_in_dim3A_356], %mul3A_357 : memref<128x32xf32, #tpu.memory_space<vmem>>[vector<16xi32>, vector<16xi32>], vector<16xf32>,
      %broadcast_in_dim3A_358 = arith.constant 19 : i32
      %broadcast_in_dim3A_359 = vector.broadcast %broadcast_in_dim3A_358 : i32 to vector<16xi32>
      %gather3A_360 = tpu.vector_load_idx %arg12[%add3A_211, %broadcast_in_dim3A_359] : memref<128x32xf32, #tpu.memory_space<vmem>>[vector<16xi32>, vector<16xi32>], vector<16xf32>,
      %broadcast_in_dim3A_361 = arith.constant 19 : i32
      %broadcast_in_dim3A_362 = vector.broadcast %broadcast_in_dim3A_361 : i32 to vector<16xi32>
      %mul3A_363 = arith.mulf %gather3A_360, %exp3A_243 : vector<16xf32>
      tpu.vector_store_idx %arg14[%add3A_211, %broadcast_in_dim3A_362], %mul3A_363 : memref<128x32xf32, #tpu.memory_space<vmem>>[vector<16xi32>, vector<16xi32>], vector<16xf32>,
      %broadcast_in_dim3A_364 = arith.constant 20 : i32
      %broadcast_in_dim3A_365 = vector.broadcast %broadcast_in_dim3A_364 : i32 to vector<16xi32>
      tpu.vector_store_idx %arg14[%add3A_211, %broadcast_in_dim3A_365], %exp3A_233 : memref<128x32xf32, #tpu.memory_space<vmem>>[vector<16xi32>, vector<16xi32>], vector<16xf32>,
      %broadcast_in_dim3A_366 = arith.constant 21 : i32
      %broadcast_in_dim3A_367 = vector.broadcast %broadcast_in_dim3A_366 : i32 to vector<16xi32>
      tpu.vector_store_idx %arg14[%add3A_211, %broadcast_in_dim3A_367], %exp3A_243 : memref<128x32xf32, #tpu.memory_space<vmem>>[vector<16xi32>, vector<16xi32>], vector<16xf32>,
      %add3A_368 = arith.constant 32 : i32
      %add3A_369 = vector.broadcast %add3A_368 : i32 to vector<16xi32>
      %add3A_370 = arith.addi %add3A_369, %iota3A : vector<16xi32>
      %broadcast_in_dim3A_371 = arith.constant 20 : i32
      %broadcast_in_dim3A_372 = vector.broadcast %broadcast_in_dim3A_371 : i32 to vector<16xi32>
      %gather3A_373 = tpu.vector_load_idx %arg12[%add3A_370, %broadcast_in_dim3A_372] : memref<128x32xf32, #tpu.memory_space<vmem>>[vector<16xi32>, vector<16xi32>], vector<16xf32>,
      %broadcast_in_dim3A_374 = arith.constant 21 : i32
      %broadcast_in_dim3A_375 = vector.broadcast %broadcast_in_dim3A_374 : i32 to vector<16xi32>
      %gather3A_376 = tpu.vector_load_idx %arg12[%add3A_370, %broadcast_in_dim3A_375] : memref<128x32xf32, #tpu.memory_space<vmem>>[vector<16xi32>, vector<16xi32>], vector<16xf32>,
      %broadcast_in_dim3A_377 = arith.constant 0 : i32
      %broadcast_in_dim3A_378 = vector.broadcast %broadcast_in_dim3A_377 : i32 to vector<16xi32>
      %gather3A_379 = tpu.vector_load_idx %arg13[%add3A_370, %broadcast_in_dim3A_378] : memref<128x16xf32, #tpu.memory_space<vmem>>[vector<16xi32>, vector<16xi32>], vector<16xf32>,
      %broadcast_in_dim3A_380 = arith.constant 1 : i32
      %broadcast_in_dim3A_381 = vector.broadcast %broadcast_in_dim3A_380 : i32 to vector<16xi32>
      %gather3A_382 = tpu.vector_load_idx %arg13[%add3A_370, %broadcast_in_dim3A_381] : memref<128x16xf32, #tpu.memory_space<vmem>>[vector<16xi32>, vector<16xi32>], vector<16xf32>,
      %add3A_383 = arith.addf %gather3A_373, %gather3A_379 : vector<16xf32>
      %ge3A_384 = arith.constant 0.000000e+00 : f32
      %ge3A_385 = vector.broadcast %ge3A_384 : f32 to vector<16xf32>
      %ge3A_386 = arith.cmpf oge, %add3A_383, %ge3A_385 : vector<16xf32>
      %mul3A_387 = arith.constant 2.000000e-01 : f32
      %mul3A_388 = vector.broadcast %mul3A_387 : f32 to vector<16xf32>
      %mul3A_389 = arith.mulf %mul3A_388, %add3A_383 : vector<16xf32>
      %select_n3A_390 = arith.select %ge3A_386, %add3A_383, %mul3A_389 : vector<16xi1>, vector<16xf32>
      %sub3A_391 = arith.subf %select_n3A_390, %get3A_21 : vector<16xf32>
      %exp3A_392 = math.exp %sub3A_391 : vector<16xf32>
      %add3A_393 = arith.addf %gather3A_376, %gather3A_382 : vector<16xf32>
      %ge3A_394 = arith.constant 0.000000e+00 : f32
      %ge3A_395 = vector.broadcast %ge3A_394 : f32 to vector<16xf32>
      %ge3A_396 = arith.cmpf oge, %add3A_393, %ge3A_395 : vector<16xf32>
      %mul3A_397 = arith.constant 2.000000e-01 : f32
      %mul3A_398 = vector.broadcast %mul3A_397 : f32 to vector<16xf32>
      %mul3A_399 = arith.mulf %mul3A_398, %add3A_393 : vector<16xf32>
      %select_n3A_400 = arith.select %ge3A_396, %add3A_393, %mul3A_399 : vector<16xi1>, vector<16xf32>
      %sub3A_401 = arith.subf %select_n3A_400, %get3A_23 : vector<16xf32>
      %exp3A_402 = math.exp %sub3A_401 : vector<16xf32>
      %broadcast_in_dim3A_403 = arith.constant 0 : i32
      %broadcast_in_dim3A_404 = vector.broadcast %broadcast_in_dim3A_403 : i32 to vector<16xi32>
      %gather3A_405 = tpu.vector_load_idx %arg12[%add3A_370, %broadcast_in_dim3A_404] : memref<128x32xf32, #tpu.memory_space<vmem>>[vector<16xi32>, vector<16xi32>], vector<16xf32>,
      %broadcast_in_dim3A_406 = arith.constant 0 : i32
      %broadcast_in_dim3A_407 = vector.broadcast %broadcast_in_dim3A_406 : i32 to vector<16xi32>
      %mul3A_408 = arith.mulf %gather3A_405, %exp3A_392 : vector<16xf32>
      tpu.vector_store_idx %arg14[%add3A_370, %broadcast_in_dim3A_407], %mul3A_408 : memref<128x32xf32, #tpu.memory_space<vmem>>[vector<16xi32>, vector<16xi32>], vector<16xf32>,
      %broadcast_in_dim3A_409 = arith.constant 1 : i32
      %broadcast_in_dim3A_410 = vector.broadcast %broadcast_in_dim3A_409 : i32 to vector<16xi32>
      %gather3A_411 = tpu.vector_load_idx %arg12[%add3A_370, %broadcast_in_dim3A_410] : memref<128x32xf32, #tpu.memory_space<vmem>>[vector<16xi32>, vector<16xi32>], vector<16xf32>,
      %broadcast_in_dim3A_412 = arith.constant 1 : i32
      %broadcast_in_dim3A_413 = vector.broadcast %broadcast_in_dim3A_412 : i32 to vector<16xi32>
      %mul3A_414 = arith.mulf %gather3A_411, %exp3A_392 : vector<16xf32>
      tpu.vector_store_idx %arg14[%add3A_370, %broadcast_in_dim3A_413], %mul3A_414 : memref<128x32xf32, #tpu.memory_space<vmem>>[vector<16xi32>, vector<16xi32>], vector<16xf32>,
      %broadcast_in_dim3A_415 = arith.constant 2 : i32
      %broadcast_in_dim3A_416 = vector.broadcast %broadcast_in_dim3A_415 : i32 to vector<16xi32>
      %gather3A_417 = tpu.vector_load_idx %arg12[%add3A_370, %broadcast_in_dim3A_416] : memref<128x32xf32, #tpu.memory_space<vmem>>[vector<16xi32>, vector<16xi32>], vector<16xf32>,
      %broadcast_in_dim3A_418 = arith.constant 2 : i32
      %broadcast_in_dim3A_419 = vector.broadcast %broadcast_in_dim3A_418 : i32 to vector<16xi32>
      %mul3A_420 = arith.mulf %gather3A_417, %exp3A_392 : vector<16xf32>
      tpu.vector_store_idx %arg14[%add3A_370, %broadcast_in_dim3A_419], %mul3A_420 : memref<128x32xf32, #tpu.memory_space<vmem>>[vector<16xi32>, vector<16xi32>], vector<16xf32>,
      %broadcast_in_dim3A_421 = arith.constant 3 : i32
      %broadcast_in_dim3A_422 = vector.broadcast %broadcast_in_dim3A_421 : i32 to vector<16xi32>
      %gather3A_423 = tpu.vector_load_idx %arg12[%add3A_370, %broadcast_in_dim3A_422] : memref<128x32xf32, #tpu.memory_space<vmem>>[vector<16xi32>, vector<16xi32>], vector<16xf32>,
      %broadcast_in_dim3A_424 = arith.constant 3 : i32
      %broadcast_in_dim3A_425 = vector.broadcast %broadcast_in_dim3A_424 : i32 to vector<16xi32>
      %mul3A_426 = arith.mulf %gather3A_423, %exp3A_392 : vector<16xf32>
      tpu.vector_store_idx %arg14[%add3A_370, %broadcast_in_dim3A_425], %mul3A_426 : memref<128x32xf32, #tpu.memory_space<vmem>>[vector<16xi32>, vector<16xi32>], vector<16xf32>,
      %broadcast_in_dim3A_427 = arith.constant 4 : i32
      %broadcast_in_dim3A_428 = vector.broadcast %broadcast_in_dim3A_427 : i32 to vector<16xi32>
      %gather3A_429 = tpu.vector_load_idx %arg12[%add3A_370, %broadcast_in_dim3A_428] : memref<128x32xf32, #tpu.memory_space<vmem>>[vector<16xi32>, vector<16xi32>], vector<16xf32>,
      %broadcast_in_dim3A_430 = arith.constant 4 : i32
      %broadcast_in_dim3A_431 = vector.broadcast %broadcast_in_dim3A_430 : i32 to vector<16xi32>
      %mul3A_432 = arith.mulf %gather3A_429, %exp3A_392 : vector<16xf32>
      tpu.vector_store_idx %arg14[%add3A_370, %broadcast_in_dim3A_431], %mul3A_432 : memref<128x32xf32, #tpu.memory_space<vmem>>[vector<16xi32>, vector<16xi32>], vector<16xf32>,
      %broadcast_in_dim3A_433 = arith.constant 5 : i32
      %broadcast_in_dim3A_434 = vector.broadcast %broadcast_in_dim3A_433 : i32 to vector<16xi32>
      %gather3A_435 = tpu.vector_load_idx %arg12[%add3A_370, %broadcast_in_dim3A_434] : memref<128x32xf32, #tpu.memory_space<vmem>>[vector<16xi32>, vector<16xi32>], vector<16xf32>,
      %broadcast_in_dim3A_436 = arith.constant 5 : i32
      %broadcast_in_dim3A_437 = vector.broadcast %broadcast_in_dim3A_436 : i32 to vector<16xi32>
      %mul3A_438 = arith.mulf %gather3A_435, %exp3A_392 : vector<16xf32>
      tpu.vector_store_idx %arg14[%add3A_370, %broadcast_in_dim3A_437], %mul3A_438 : memref<128x32xf32, #tpu.memory_space<vmem>>[vector<16xi32>, vector<16xi32>], vector<16xf32>,
      %broadcast_in_dim3A_439 = arith.constant 6 : i32
      %broadcast_in_dim3A_440 = vector.broadcast %broadcast_in_dim3A_439 : i32 to vector<16xi32>
      %gather3A_441 = tpu.vector_load_idx %arg12[%add3A_370, %broadcast_in_dim3A_440] : memref<128x32xf32, #tpu.memory_space<vmem>>[vector<16xi32>, vector<16xi32>], vector<16xf32>,
      %broadcast_in_dim3A_442 = arith.constant 6 : i32
      %broadcast_in_dim3A_443 = vector.broadcast %broadcast_in_dim3A_442 : i32 to vector<16xi32>
      %mul3A_444 = arith.mulf %gather3A_441, %exp3A_392 : vector<16xf32>
      tpu.vector_store_idx %arg14[%add3A_370, %broadcast_in_dim3A_443], %mul3A_444 : memref<128x32xf32, #tpu.memory_space<vmem>>[vector<16xi32>, vector<16xi32>], vector<16xf32>,
      %broadcast_in_dim3A_445 = arith.constant 7 : i32
      %broadcast_in_dim3A_446 = vector.broadcast %broadcast_in_dim3A_445 : i32 to vector<16xi32>
      %gather3A_447 = tpu.vector_load_idx %arg12[%add3A_370, %broadcast_in_dim3A_446] : memref<128x32xf32, #tpu.memory_space<vmem>>[vector<16xi32>, vector<16xi32>], vector<16xf32>,
      %broadcast_in_dim3A_448 = arith.constant 7 : i32
      %broadcast_in_dim3A_449 = vector.broadcast %broadcast_in_dim3A_448 : i32 to vector<16xi32>
      %mul3A_450 = arith.mulf %gather3A_447, %exp3A_392 : vector<16xf32>
      tpu.vector_store_idx %arg14[%add3A_370, %broadcast_in_dim3A_449], %mul3A_450 : memref<128x32xf32, #tpu.memory_space<vmem>>[vector<16xi32>, vector<16xi32>], vector<16xf32>,
      %broadcast_in_dim3A_451 = arith.constant 8 : i32
      %broadcast_in_dim3A_452 = vector.broadcast %broadcast_in_dim3A_451 : i32 to vector<16xi32>
      %gather3A_453 = tpu.vector_load_idx %arg12[%add3A_370, %broadcast_in_dim3A_452] : memref<128x32xf32, #tpu.memory_space<vmem>>[vector<16xi32>, vector<16xi32>], vector<16xf32>,
      %broadcast_in_dim3A_454 = arith.constant 8 : i32
      %broadcast_in_dim3A_455 = vector.broadcast %broadcast_in_dim3A_454 : i32 to vector<16xi32>
      %mul3A_456 = arith.mulf %gather3A_453, %exp3A_392 : vector<16xf32>
      tpu.vector_store_idx %arg14[%add3A_370, %broadcast_in_dim3A_455], %mul3A_456 : memref<128x32xf32, #tpu.memory_space<vmem>>[vector<16xi32>, vector<16xi32>], vector<16xf32>,
      %broadcast_in_dim3A_457 = arith.constant 9 : i32
      %broadcast_in_dim3A_458 = vector.broadcast %broadcast_in_dim3A_457 : i32 to vector<16xi32>
      %gather3A_459 = tpu.vector_load_idx %arg12[%add3A_370, %broadcast_in_dim3A_458] : memref<128x32xf32, #tpu.memory_space<vmem>>[vector<16xi32>, vector<16xi32>], vector<16xf32>,
      %broadcast_in_dim3A_460 = arith.constant 9 : i32
      %broadcast_in_dim3A_461 = vector.broadcast %broadcast_in_dim3A_460 : i32 to vector<16xi32>
      %mul3A_462 = arith.mulf %gather3A_459, %exp3A_392 : vector<16xf32>
      tpu.vector_store_idx %arg14[%add3A_370, %broadcast_in_dim3A_461], %mul3A_462 : memref<128x32xf32, #tpu.memory_space<vmem>>[vector<16xi32>, vector<16xi32>], vector<16xf32>,
      %broadcast_in_dim3A_463 = arith.constant 10 : i32
      %broadcast_in_dim3A_464 = vector.broadcast %broadcast_in_dim3A_463 : i32 to vector<16xi32>
      %gather3A_465 = tpu.vector_load_idx %arg12[%add3A_370, %broadcast_in_dim3A_464] : memref<128x32xf32, #tpu.memory_space<vmem>>[vector<16xi32>, vector<16xi32>], vector<16xf32>,
      %broadcast_in_dim3A_466 = arith.constant 10 : i32
      %broadcast_in_dim3A_467 = vector.broadcast %broadcast_in_dim3A_466 : i32 to vector<16xi32>
      %mul3A_468 = arith.mulf %gather3A_465, %exp3A_402 : vector<16xf32>
      tpu.vector_store_idx %arg14[%add3A_370, %broadcast_in_dim3A_467], %mul3A_468 : memref<128x32xf32, #tpu.memory_space<vmem>>[vector<16xi32>, vector<16xi32>], vector<16xf32>,
      %broadcast_in_dim3A_469 = arith.constant 11 : i32
      %broadcast_in_dim3A_470 = vector.broadcast %broadcast_in_dim3A_469 : i32 to vector<16xi32>
      %gather3A_471 = tpu.vector_load_idx %arg12[%add3A_370, %broadcast_in_dim3A_470] : memref<128x32xf32, #tpu.memory_space<vmem>>[vector<16xi32>, vector<16xi32>], vector<16xf32>,
      %broadcast_in_dim3A_472 = arith.constant 11 : i32
      %broadcast_in_dim3A_473 = vector.broadcast %broadcast_in_dim3A_472 : i32 to vector<16xi32>
      %mul3A_474 = arith.mulf %gather3A_471, %exp3A_402 : vector<16xf32>
      tpu.vector_store_idx %arg14[%add3A_370, %broadcast_in_dim3A_473], %mul3A_474 : memref<128x32xf32, #tpu.memory_space<vmem>>[vector<16xi32>, vector<16xi32>], vector<16xf32>,
      %broadcast_in_dim3A_475 = arith.constant 12 : i32
      %broadcast_in_dim3A_476 = vector.broadcast %broadcast_in_dim3A_475 : i32 to vector<16xi32>
      %gather3A_477 = tpu.vector_load_idx %arg12[%add3A_370, %broadcast_in_dim3A_476] : memref<128x32xf32, #tpu.memory_space<vmem>>[vector<16xi32>, vector<16xi32>], vector<16xf32>,
      %broadcast_in_dim3A_478 = arith.constant 12 : i32
      %broadcast_in_dim3A_479 = vector.broadcast %broadcast_in_dim3A_478 : i32 to vector<16xi32>
      %mul3A_480 = arith.mulf %gather3A_477, %exp3A_402 : vector<16xf32>
      tpu.vector_store_idx %arg14[%add3A_370, %broadcast_in_dim3A_479], %mul3A_480 : memref<128x32xf32, #tpu.memory_space<vmem>>[vector<16xi32>, vector<16xi32>], vector<16xf32>,
      %broadcast_in_dim3A_481 = arith.constant 13 : i32
      %broadcast_in_dim3A_482 = vector.broadcast %broadcast_in_dim3A_481 : i32 to vector<16xi32>
      %gather3A_483 = tpu.vector_load_idx %arg12[%add3A_370, %broadcast_in_dim3A_482] : memref<128x32xf32, #tpu.memory_space<vmem>>[vector<16xi32>, vector<16xi32>], vector<16xf32>,
      %broadcast_in_dim3A_484 = arith.constant 13 : i32
      %broadcast_in_dim3A_485 = vector.broadcast %broadcast_in_dim3A_484 : i32 to vector<16xi32>
      %mul3A_486 = arith.mulf %gather3A_483, %exp3A_402 : vector<16xf32>
      tpu.vector_store_idx %arg14[%add3A_370, %broadcast_in_dim3A_485], %mul3A_486 : memref<128x32xf32, #tpu.memory_space<vmem>>[vector<16xi32>, vector<16xi32>], vector<16xf32>,
      %broadcast_in_dim3A_487 = arith.constant 14 : i32
      %broadcast_in_dim3A_488 = vector.broadcast %broadcast_in_dim3A_487 : i32 to vector<16xi32>
      %gather3A_489 = tpu.vector_load_idx %arg12[%add3A_370, %broadcast_in_dim3A_488] : memref<128x32xf32, #tpu.memory_space<vmem>>[vector<16xi32>, vector<16xi32>], vector<16xf32>,
      %broadcast_in_dim3A_490 = arith.constant 14 : i32
      %broadcast_in_dim3A_491 = vector.broadcast %broadcast_in_dim3A_490 : i32 to vector<16xi32>
      %mul3A_492 = arith.mulf %gather3A_489, %exp3A_402 : vector<16xf32>
      tpu.vector_store_idx %arg14[%add3A_370, %broadcast_in_dim3A_491], %mul3A_492 : memref<128x32xf32, #tpu.memory_space<vmem>>[vector<16xi32>, vector<16xi32>], vector<16xf32>,
      %broadcast_in_dim3A_493 = arith.constant 15 : i32
      %broadcast_in_dim3A_494 = vector.broadcast %broadcast_in_dim3A_493 : i32 to vector<16xi32>
      %gather3A_495 = tpu.vector_load_idx %arg12[%add3A_370, %broadcast_in_dim3A_494] : memref<128x32xf32, #tpu.memory_space<vmem>>[vector<16xi32>, vector<16xi32>], vector<16xf32>,
      %broadcast_in_dim3A_496 = arith.constant 15 : i32
      %broadcast_in_dim3A_497 = vector.broadcast %broadcast_in_dim3A_496 : i32 to vector<16xi32>
      %mul3A_498 = arith.mulf %gather3A_495, %exp3A_402 : vector<16xf32>
      tpu.vector_store_idx %arg14[%add3A_370, %broadcast_in_dim3A_497], %mul3A_498 : memref<128x32xf32, #tpu.memory_space<vmem>>[vector<16xi32>, vector<16xi32>], vector<16xf32>,
      %broadcast_in_dim3A_499 = arith.constant 16 : i32
      %broadcast_in_dim3A_500 = vector.broadcast %broadcast_in_dim3A_499 : i32 to vector<16xi32>
      %gather3A_501 = tpu.vector_load_idx %arg12[%add3A_370, %broadcast_in_dim3A_500] : memref<128x32xf32, #tpu.memory_space<vmem>>[vector<16xi32>, vector<16xi32>], vector<16xf32>,
      %broadcast_in_dim3A_502 = arith.constant 16 : i32
      %broadcast_in_dim3A_503 = vector.broadcast %broadcast_in_dim3A_502 : i32 to vector<16xi32>
      %mul3A_504 = arith.mulf %gather3A_501, %exp3A_402 : vector<16xf32>
      tpu.vector_store_idx %arg14[%add3A_370, %broadcast_in_dim3A_503], %mul3A_504 : memref<128x32xf32, #tpu.memory_space<vmem>>[vector<16xi32>, vector<16xi32>], vector<16xf32>,
      %broadcast_in_dim3A_505 = arith.constant 17 : i32
      %broadcast_in_dim3A_506 = vector.broadcast %broadcast_in_dim3A_505 : i32 to vector<16xi32>
      %gather3A_507 = tpu.vector_load_idx %arg12[%add3A_370, %broadcast_in_dim3A_506] : memref<128x32xf32, #tpu.memory_space<vmem>>[vector<16xi32>, vector<16xi32>], vector<16xf32>,
      %broadcast_in_dim3A_508 = arith.constant 17 : i32
      %broadcast_in_dim3A_509 = vector.broadcast %broadcast_in_dim3A_508 : i32 to vector<16xi32>
      %mul3A_510 = arith.mulf %gather3A_507, %exp3A_402 : vector<16xf32>
      tpu.vector_store_idx %arg14[%add3A_370, %broadcast_in_dim3A_509], %mul3A_510 : memref<128x32xf32, #tpu.memory_space<vmem>>[vector<16xi32>, vector<16xi32>], vector<16xf32>,
      %broadcast_in_dim3A_511 = arith.constant 18 : i32
      %broadcast_in_dim3A_512 = vector.broadcast %broadcast_in_dim3A_511 : i32 to vector<16xi32>
      %gather3A_513 = tpu.vector_load_idx %arg12[%add3A_370, %broadcast_in_dim3A_512] : memref<128x32xf32, #tpu.memory_space<vmem>>[vector<16xi32>, vector<16xi32>], vector<16xf32>,
      %broadcast_in_dim3A_514 = arith.constant 18 : i32
      %broadcast_in_dim3A_515 = vector.broadcast %broadcast_in_dim3A_514 : i32 to vector<16xi32>
      %mul3A_516 = arith.mulf %gather3A_513, %exp3A_402 : vector<16xf32>
      tpu.vector_store_idx %arg14[%add3A_370, %broadcast_in_dim3A_515], %mul3A_516 : memref<128x32xf32, #tpu.memory_space<vmem>>[vector<16xi32>, vector<16xi32>], vector<16xf32>,
      %broadcast_in_dim3A_517 = arith.constant 19 : i32
      %broadcast_in_dim3A_518 = vector.broadcast %broadcast_in_dim3A_517 : i32 to vector<16xi32>
      %gather3A_519 = tpu.vector_load_idx %arg12[%add3A_370, %broadcast_in_dim3A_518] : memref<128x32xf32, #tpu.memory_space<vmem>>[vector<16xi32>, vector<16xi32>], vector<16xf32>,
      %broadcast_in_dim3A_520 = arith.constant 19 : i32
      %broadcast_in_dim3A_521 = vector.broadcast %broadcast_in_dim3A_520 : i32 to vector<16xi32>
      %mul3A_522 = arith.mulf %gather3A_519, %exp3A_402 : vector<16xf32>
      tpu.vector_store_idx %arg14[%add3A_370, %broadcast_in_dim3A_521], %mul3A_522 : memref<128x32xf32, #tpu.memory_space<vmem>>[vector<16xi32>, vector<16xi32>], vector<16xf32>,
      %broadcast_in_dim3A_523 = arith.constant 20 : i32
      %broadcast_in_dim3A_524 = vector.broadcast %broadcast_in_dim3A_523 : i32 to vector<16xi32>
      tpu.vector_store_idx %arg14[%add3A_370, %broadcast_in_dim3A_524], %exp3A_392 : memref<128x32xf32, #tpu.memory_space<vmem>>[vector<16xi32>, vector<16xi32>], vector<16xf32>,
      %broadcast_in_dim3A_525 = arith.constant 21 : i32
      %broadcast_in_dim3A_526 = vector.broadcast %broadcast_in_dim3A_525 : i32 to vector<16xi32>
      tpu.vector_store_idx %arg14[%add3A_370, %broadcast_in_dim3A_526], %exp3A_402 : memref<128x32xf32, #tpu.memory_space<vmem>>[vector<16xi32>, vector<16xi32>], vector<16xf32>,
      %add3A_527 = arith.constant 48 : i32
      %add3A_528 = vector.broadcast %add3A_527 : i32 to vector<16xi32>
      %add3A_529 = arith.addi %add3A_528, %iota3A : vector<16xi32>
      %broadcast_in_dim3A_530 = arith.constant 20 : i32
      %broadcast_in_dim3A_531 = vector.broadcast %broadcast_in_dim3A_530 : i32 to vector<16xi32>
      %gather3A_532 = tpu.vector_load_idx %arg12[%add3A_529, %broadcast_in_dim3A_531] : memref<128x32xf32, #tpu.memory_space<vmem>>[vector<16xi32>, vector<16xi32>], vector<16xf32>,
      %broadcast_in_dim3A_533 = arith.constant 21 : i32
      %broadcast_in_dim3A_534 = vector.broadcast %broadcast_in_dim3A_533 : i32 to vector<16xi32>
      %gather3A_535 = tpu.vector_load_idx %arg12[%add3A_529, %broadcast_in_dim3A_534] : memref<128x32xf32, #tpu.memory_space<vmem>>[vector<16xi32>, vector<16xi32>], vector<16xf32>,
      %broadcast_in_dim3A_536 = arith.constant 0 : i32
      %broadcast_in_dim3A_537 = vector.broadcast %broadcast_in_dim3A_536 : i32 to vector<16xi32>
      %gather3A_538 = tpu.vector_load_idx %arg13[%add3A_529, %broadcast_in_dim3A_537] : memref<128x16xf32, #tpu.memory_space<vmem>>[vector<16xi32>, vector<16xi32>], vector<16xf32>,
      %broadcast_in_dim3A_539 = arith.constant 1 : i32
      %broadcast_in_dim3A_540 = vector.broadcast %broadcast_in_dim3A_539 : i32 to vector<16xi32>
      %gather3A_541 = tpu.vector_load_idx %arg13[%add3A_529, %broadcast_in_dim3A_540] : memref<128x16xf32, #tpu.memory_space<vmem>>[vector<16xi32>, vector<16xi32>], vector<16xf32>,
      %add3A_542 = arith.addf %gather3A_532, %gather3A_538 : vector<16xf32>
      %ge3A_543 = arith.constant 0.000000e+00 : f32
      %ge3A_544 = vector.broadcast %ge3A_543 : f32 to vector<16xf32>
      %ge3A_545 = arith.cmpf oge, %add3A_542, %ge3A_544 : vector<16xf32>
      %mul3A_546 = arith.constant 2.000000e-01 : f32
      %mul3A_547 = vector.broadcast %mul3A_546 : f32 to vector<16xf32>
      %mul3A_548 = arith.mulf %mul3A_547, %add3A_542 : vector<16xf32>
      %select_n3A_549 = arith.select %ge3A_545, %add3A_542, %mul3A_548 : vector<16xi1>, vector<16xf32>
      %sub3A_550 = arith.subf %select_n3A_549, %get3A_21 : vector<16xf32>
      %exp3A_551 = math.exp %sub3A_550 : vector<16xf32>
      %add3A_552 = arith.addf %gather3A_535, %gather3A_541 : vector<16xf32>
      %ge3A_553 = arith.constant 0.000000e+00 : f32
      %ge3A_554 = vector.broadcast %ge3A_553 : f32 to vector<16xf32>
      %ge3A_555 = arith.cmpf oge, %add3A_552, %ge3A_554 : vector<16xf32>
      %mul3A_556 = arith.constant 2.000000e-01 : f32
      %mul3A_557 = vector.broadcast %mul3A_556 : f32 to vector<16xf32>
      %mul3A_558 = arith.mulf %mul3A_557, %add3A_552 : vector<16xf32>
      %select_n3A_559 = arith.select %ge3A_555, %add3A_552, %mul3A_558 : vector<16xi1>, vector<16xf32>
      %sub3A_560 = arith.subf %select_n3A_559, %get3A_23 : vector<16xf32>
      %exp3A_561 = math.exp %sub3A_560 : vector<16xf32>
      %broadcast_in_dim3A_562 = arith.constant 0 : i32
      %broadcast_in_dim3A_563 = vector.broadcast %broadcast_in_dim3A_562 : i32 to vector<16xi32>
      %gather3A_564 = tpu.vector_load_idx %arg12[%add3A_529, %broadcast_in_dim3A_563] : memref<128x32xf32, #tpu.memory_space<vmem>>[vector<16xi32>, vector<16xi32>], vector<16xf32>,
      %broadcast_in_dim3A_565 = arith.constant 0 : i32
      %broadcast_in_dim3A_566 = vector.broadcast %broadcast_in_dim3A_565 : i32 to vector<16xi32>
      %mul3A_567 = arith.mulf %gather3A_564, %exp3A_551 : vector<16xf32>
      tpu.vector_store_idx %arg14[%add3A_529, %broadcast_in_dim3A_566], %mul3A_567 : memref<128x32xf32, #tpu.memory_space<vmem>>[vector<16xi32>, vector<16xi32>], vector<16xf32>,
      %broadcast_in_dim3A_568 = arith.constant 1 : i32
      %broadcast_in_dim3A_569 = vector.broadcast %broadcast_in_dim3A_568 : i32 to vector<16xi32>
      %gather3A_570 = tpu.vector_load_idx %arg12[%add3A_529, %broadcast_in_dim3A_569] : memref<128x32xf32, #tpu.memory_space<vmem>>[vector<16xi32>, vector<16xi32>], vector<16xf32>,
      %broadcast_in_dim3A_571 = arith.constant 1 : i32
      %broadcast_in_dim3A_572 = vector.broadcast %broadcast_in_dim3A_571 : i32 to vector<16xi32>
      %mul3A_573 = arith.mulf %gather3A_570, %exp3A_551 : vector<16xf32>
      tpu.vector_store_idx %arg14[%add3A_529, %broadcast_in_dim3A_572], %mul3A_573 : memref<128x32xf32, #tpu.memory_space<vmem>>[vector<16xi32>, vector<16xi32>], vector<16xf32>,
      %broadcast_in_dim3A_574 = arith.constant 2 : i32
      %broadcast_in_dim3A_575 = vector.broadcast %broadcast_in_dim3A_574 : i32 to vector<16xi32>
      %gather3A_576 = tpu.vector_load_idx %arg12[%add3A_529, %broadcast_in_dim3A_575] : memref<128x32xf32, #tpu.memory_space<vmem>>[vector<16xi32>, vector<16xi32>], vector<16xf32>,
      %broadcast_in_dim3A_577 = arith.constant 2 : i32
      %broadcast_in_dim3A_578 = vector.broadcast %broadcast_in_dim3A_577 : i32 to vector<16xi32>
      %mul3A_579 = arith.mulf %gather3A_576, %exp3A_551 : vector<16xf32>
      tpu.vector_store_idx %arg14[%add3A_529, %broadcast_in_dim3A_578], %mul3A_579 : memref<128x32xf32, #tpu.memory_space<vmem>>[vector<16xi32>, vector<16xi32>], vector<16xf32>,
      %broadcast_in_dim3A_580 = arith.constant 3 : i32
      %broadcast_in_dim3A_581 = vector.broadcast %broadcast_in_dim3A_580 : i32 to vector<16xi32>
      %gather3A_582 = tpu.vector_load_idx %arg12[%add3A_529, %broadcast_in_dim3A_581] : memref<128x32xf32, #tpu.memory_space<vmem>>[vector<16xi32>, vector<16xi32>], vector<16xf32>,
      %broadcast_in_dim3A_583 = arith.constant 3 : i32
      %broadcast_in_dim3A_584 = vector.broadcast %broadcast_in_dim3A_583 : i32 to vector<16xi32>
      %mul3A_585 = arith.mulf %gather3A_582, %exp3A_551 : vector<16xf32>
      tpu.vector_store_idx %arg14[%add3A_529, %broadcast_in_dim3A_584], %mul3A_585 : memref<128x32xf32, #tpu.memory_space<vmem>>[vector<16xi32>, vector<16xi32>], vector<16xf32>,
      %broadcast_in_dim3A_586 = arith.constant 4 : i32
      %broadcast_in_dim3A_587 = vector.broadcast %broadcast_in_dim3A_586 : i32 to vector<16xi32>
      %gather3A_588 = tpu.vector_load_idx %arg12[%add3A_529, %broadcast_in_dim3A_587] : memref<128x32xf32, #tpu.memory_space<vmem>>[vector<16xi32>, vector<16xi32>], vector<16xf32>,
      %broadcast_in_dim3A_589 = arith.constant 4 : i32
      %broadcast_in_dim3A_590 = vector.broadcast %broadcast_in_dim3A_589 : i32 to vector<16xi32>
      %mul3A_591 = arith.mulf %gather3A_588, %exp3A_551 : vector<16xf32>
      tpu.vector_store_idx %arg14[%add3A_529, %broadcast_in_dim3A_590], %mul3A_591 : memref<128x32xf32, #tpu.memory_space<vmem>>[vector<16xi32>, vector<16xi32>], vector<16xf32>,
      %broadcast_in_dim3A_592 = arith.constant 5 : i32
      %broadcast_in_dim3A_593 = vector.broadcast %broadcast_in_dim3A_592 : i32 to vector<16xi32>
      %gather3A_594 = tpu.vector_load_idx %arg12[%add3A_529, %broadcast_in_dim3A_593] : memref<128x32xf32, #tpu.memory_space<vmem>>[vector<16xi32>, vector<16xi32>], vector<16xf32>,
      %broadcast_in_dim3A_595 = arith.constant 5 : i32
      %broadcast_in_dim3A_596 = vector.broadcast %broadcast_in_dim3A_595 : i32 to vector<16xi32>
      %mul3A_597 = arith.mulf %gather3A_594, %exp3A_551 : vector<16xf32>
      tpu.vector_store_idx %arg14[%add3A_529, %broadcast_in_dim3A_596], %mul3A_597 : memref<128x32xf32, #tpu.memory_space<vmem>>[vector<16xi32>, vector<16xi32>], vector<16xf32>,
      %broadcast_in_dim3A_598 = arith.constant 6 : i32
      %broadcast_in_dim3A_599 = vector.broadcast %broadcast_in_dim3A_598 : i32 to vector<16xi32>
      %gather3A_600 = tpu.vector_load_idx %arg12[%add3A_529, %broadcast_in_dim3A_599] : memref<128x32xf32, #tpu.memory_space<vmem>>[vector<16xi32>, vector<16xi32>], vector<16xf32>,
      %broadcast_in_dim3A_601 = arith.constant 6 : i32
      %broadcast_in_dim3A_602 = vector.broadcast %broadcast_in_dim3A_601 : i32 to vector<16xi32>
      %mul3A_603 = arith.mulf %gather3A_600, %exp3A_551 : vector<16xf32>
      tpu.vector_store_idx %arg14[%add3A_529, %broadcast_in_dim3A_602], %mul3A_603 : memref<128x32xf32, #tpu.memory_space<vmem>>[vector<16xi32>, vector<16xi32>], vector<16xf32>,
      %broadcast_in_dim3A_604 = arith.constant 7 : i32
      %broadcast_in_dim3A_605 = vector.broadcast %broadcast_in_dim3A_604 : i32 to vector<16xi32>
      %gather3A_606 = tpu.vector_load_idx %arg12[%add3A_529, %broadcast_in_dim3A_605] : memref<128x32xf32, #tpu.memory_space<vmem>>[vector<16xi32>, vector<16xi32>], vector<16xf32>,
      %broadcast_in_dim3A_607 = arith.constant 7 : i32
      %broadcast_in_dim3A_608 = vector.broadcast %broadcast_in_dim3A_607 : i32 to vector<16xi32>
      %mul3A_609 = arith.mulf %gather3A_606, %exp3A_551 : vector<16xf32>
      tpu.vector_store_idx %arg14[%add3A_529, %broadcast_in_dim3A_608], %mul3A_609 : memref<128x32xf32, #tpu.memory_space<vmem>>[vector<16xi32>, vector<16xi32>], vector<16xf32>,
      %broadcast_in_dim3A_610 = arith.constant 8 : i32
      %broadcast_in_dim3A_611 = vector.broadcast %broadcast_in_dim3A_610 : i32 to vector<16xi32>
      %gather3A_612 = tpu.vector_load_idx %arg12[%add3A_529, %broadcast_in_dim3A_611] : memref<128x32xf32, #tpu.memory_space<vmem>>[vector<16xi32>, vector<16xi32>], vector<16xf32>,
      %broadcast_in_dim3A_613 = arith.constant 8 : i32
      %broadcast_in_dim3A_614 = vector.broadcast %broadcast_in_dim3A_613 : i32 to vector<16xi32>
      %mul3A_615 = arith.mulf %gather3A_612, %exp3A_551 : vector<16xf32>
      tpu.vector_store_idx %arg14[%add3A_529, %broadcast_in_dim3A_614], %mul3A_615 : memref<128x32xf32, #tpu.memory_space<vmem>>[vector<16xi32>, vector<16xi32>], vector<16xf32>,
      %broadcast_in_dim3A_616 = arith.constant 9 : i32
      %broadcast_in_dim3A_617 = vector.broadcast %broadcast_in_dim3A_616 : i32 to vector<16xi32>
      %gather3A_618 = tpu.vector_load_idx %arg12[%add3A_529, %broadcast_in_dim3A_617] : memref<128x32xf32, #tpu.memory_space<vmem>>[vector<16xi32>, vector<16xi32>], vector<16xf32>,
      %broadcast_in_dim3A_619 = arith.constant 9 : i32
      %broadcast_in_dim3A_620 = vector.broadcast %broadcast_in_dim3A_619 : i32 to vector<16xi32>
      %mul3A_621 = arith.mulf %gather3A_618, %exp3A_551 : vector<16xf32>
      tpu.vector_store_idx %arg14[%add3A_529, %broadcast_in_dim3A_620], %mul3A_621 : memref<128x32xf32, #tpu.memory_space<vmem>>[vector<16xi32>, vector<16xi32>], vector<16xf32>,
      %broadcast_in_dim3A_622 = arith.constant 10 : i32
      %broadcast_in_dim3A_623 = vector.broadcast %broadcast_in_dim3A_622 : i32 to vector<16xi32>
      %gather3A_624 = tpu.vector_load_idx %arg12[%add3A_529, %broadcast_in_dim3A_623] : memref<128x32xf32, #tpu.memory_space<vmem>>[vector<16xi32>, vector<16xi32>], vector<16xf32>,
      %broadcast_in_dim3A_625 = arith.constant 10 : i32
      %broadcast_in_dim3A_626 = vector.broadcast %broadcast_in_dim3A_625 : i32 to vector<16xi32>
      %mul3A_627 = arith.mulf %gather3A_624, %exp3A_561 : vector<16xf32>
      tpu.vector_store_idx %arg14[%add3A_529, %broadcast_in_dim3A_626], %mul3A_627 : memref<128x32xf32, #tpu.memory_space<vmem>>[vector<16xi32>, vector<16xi32>], vector<16xf32>,
      %broadcast_in_dim3A_628 = arith.constant 11 : i32
      %broadcast_in_dim3A_629 = vector.broadcast %broadcast_in_dim3A_628 : i32 to vector<16xi32>
      %gather3A_630 = tpu.vector_load_idx %arg12[%add3A_529, %broadcast_in_dim3A_629] : memref<128x32xf32, #tpu.memory_space<vmem>>[vector<16xi32>, vector<16xi32>], vector<16xf32>,
      %broadcast_in_dim3A_631 = arith.constant 11 : i32
      %broadcast_in_dim3A_632 = vector.broadcast %broadcast_in_dim3A_631 : i32 to vector<16xi32>
      %mul3A_633 = arith.mulf %gather3A_630, %exp3A_561 : vector<16xf32>
      tpu.vector_store_idx %arg14[%add3A_529, %broadcast_in_dim3A_632], %mul3A_633 : memref<128x32xf32, #tpu.memory_space<vmem>>[vector<16xi32>, vector<16xi32>], vector<16xf32>,
      %broadcast_in_dim3A_634 = arith.constant 12 : i32
      %broadcast_in_dim3A_635 = vector.broadcast %broadcast_in_dim3A_634 : i32 to vector<16xi32>
      %gather3A_636 = tpu.vector_load_idx %arg12[%add3A_529, %broadcast_in_dim3A_635] : memref<128x32xf32, #tpu.memory_space<vmem>>[vector<16xi32>, vector<16xi32>], vector<16xf32>,
      %broadcast_in_dim3A_637 = arith.constant 12 : i32
      %broadcast_in_dim3A_638 = vector.broadcast %broadcast_in_dim3A_637 : i32 to vector<16xi32>
      %mul3A_639 = arith.mulf %gather3A_636, %exp3A_561 : vector<16xf32>
      tpu.vector_store_idx %arg14[%add3A_529, %broadcast_in_dim3A_638], %mul3A_639 : memref<128x32xf32, #tpu.memory_space<vmem>>[vector<16xi32>, vector<16xi32>], vector<16xf32>,
      %broadcast_in_dim3A_640 = arith.constant 13 : i32
      %broadcast_in_dim3A_641 = vector.broadcast %broadcast_in_dim3A_640 : i32 to vector<16xi32>
      %gather3A_642 = tpu.vector_load_idx %arg12[%add3A_529, %broadcast_in_dim3A_641] : memref<128x32xf32, #tpu.memory_space<vmem>>[vector<16xi32>, vector<16xi32>], vector<16xf32>,
      %broadcast_in_dim3A_643 = arith.constant 13 : i32
      %broadcast_in_dim3A_644 = vector.broadcast %broadcast_in_dim3A_643 : i32 to vector<16xi32>
      %mul3A_645 = arith.mulf %gather3A_642, %exp3A_561 : vector<16xf32>
      tpu.vector_store_idx %arg14[%add3A_529, %broadcast_in_dim3A_644], %mul3A_645 : memref<128x32xf32, #tpu.memory_space<vmem>>[vector<16xi32>, vector<16xi32>], vector<16xf32>,
      %broadcast_in_dim3A_646 = arith.constant 14 : i32
      %broadcast_in_dim3A_647 = vector.broadcast %broadcast_in_dim3A_646 : i32 to vector<16xi32>
      %gather3A_648 = tpu.vector_load_idx %arg12[%add3A_529, %broadcast_in_dim3A_647] : memref<128x32xf32, #tpu.memory_space<vmem>>[vector<16xi32>, vector<16xi32>], vector<16xf32>,
      %broadcast_in_dim3A_649 = arith.constant 14 : i32
      %broadcast_in_dim3A_650 = vector.broadcast %broadcast_in_dim3A_649 : i32 to vector<16xi32>
      %mul3A_651 = arith.mulf %gather3A_648, %exp3A_561 : vector<16xf32>
      tpu.vector_store_idx %arg14[%add3A_529, %broadcast_in_dim3A_650], %mul3A_651 : memref<128x32xf32, #tpu.memory_space<vmem>>[vector<16xi32>, vector<16xi32>], vector<16xf32>,
      %broadcast_in_dim3A_652 = arith.constant 15 : i32
      %broadcast_in_dim3A_653 = vector.broadcast %broadcast_in_dim3A_652 : i32 to vector<16xi32>
      %gather3A_654 = tpu.vector_load_idx %arg12[%add3A_529, %broadcast_in_dim3A_653] : memref<128x32xf32, #tpu.memory_space<vmem>>[vector<16xi32>, vector<16xi32>], vector<16xf32>,
      %broadcast_in_dim3A_655 = arith.constant 15 : i32
      %broadcast_in_dim3A_656 = vector.broadcast %broadcast_in_dim3A_655 : i32 to vector<16xi32>
      %mul3A_657 = arith.mulf %gather3A_654, %exp3A_561 : vector<16xf32>
      tpu.vector_store_idx %arg14[%add3A_529, %broadcast_in_dim3A_656], %mul3A_657 : memref<128x32xf32, #tpu.memory_space<vmem>>[vector<16xi32>, vector<16xi32>], vector<16xf32>,
      %broadcast_in_dim3A_658 = arith.constant 16 : i32
      %broadcast_in_dim3A_659 = vector.broadcast %broadcast_in_dim3A_658 : i32 to vector<16xi32>
      %gather3A_660 = tpu.vector_load_idx %arg12[%add3A_529, %broadcast_in_dim3A_659] : memref<128x32xf32, #tpu.memory_space<vmem>>[vector<16xi32>, vector<16xi32>], vector<16xf32>,
      %broadcast_in_dim3A_661 = arith.constant 16 : i32
      %broadcast_in_dim3A_662 = vector.broadcast %broadcast_in_dim3A_661 : i32 to vector<16xi32>
      %mul3A_663 = arith.mulf %gather3A_660, %exp3A_561 : vector<16xf32>
      tpu.vector_store_idx %arg14[%add3A_529, %broadcast_in_dim3A_662], %mul3A_663 : memref<128x32xf32, #tpu.memory_space<vmem>>[vector<16xi32>, vector<16xi32>], vector<16xf32>,
      %broadcast_in_dim3A_664 = arith.constant 17 : i32
      %broadcast_in_dim3A_665 = vector.broadcast %broadcast_in_dim3A_664 : i32 to vector<16xi32>
      %gather3A_666 = tpu.vector_load_idx %arg12[%add3A_529, %broadcast_in_dim3A_665] : memref<128x32xf32, #tpu.memory_space<vmem>>[vector<16xi32>, vector<16xi32>], vector<16xf32>,
      %broadcast_in_dim3A_667 = arith.constant 17 : i32
      %broadcast_in_dim3A_668 = vector.broadcast %broadcast_in_dim3A_667 : i32 to vector<16xi32>
      %mul3A_669 = arith.mulf %gather3A_666, %exp3A_561 : vector<16xf32>
      tpu.vector_store_idx %arg14[%add3A_529, %broadcast_in_dim3A_668], %mul3A_669 : memref<128x32xf32, #tpu.memory_space<vmem>>[vector<16xi32>, vector<16xi32>], vector<16xf32>,
      %broadcast_in_dim3A_670 = arith.constant 18 : i32
      %broadcast_in_dim3A_671 = vector.broadcast %broadcast_in_dim3A_670 : i32 to vector<16xi32>
      %gather3A_672 = tpu.vector_load_idx %arg12[%add3A_529, %broadcast_in_dim3A_671] : memref<128x32xf32, #tpu.memory_space<vmem>>[vector<16xi32>, vector<16xi32>], vector<16xf32>,
      %broadcast_in_dim3A_673 = arith.constant 18 : i32
      %broadcast_in_dim3A_674 = vector.broadcast %broadcast_in_dim3A_673 : i32 to vector<16xi32>
      %mul3A_675 = arith.mulf %gather3A_672, %exp3A_561 : vector<16xf32>
      tpu.vector_store_idx %arg14[%add3A_529, %broadcast_in_dim3A_674], %mul3A_675 : memref<128x32xf32, #tpu.memory_space<vmem>>[vector<16xi32>, vector<16xi32>], vector<16xf32>,
      %broadcast_in_dim3A_676 = arith.constant 19 : i32
      %broadcast_in_dim3A_677 = vector.broadcast %broadcast_in_dim3A_676 : i32 to vector<16xi32>
      %gather3A_678 = tpu.vector_load_idx %arg12[%add3A_529, %broadcast_in_dim3A_677] : memref<128x32xf32, #tpu.memory_space<vmem>>[vector<16xi32>, vector<16xi32>], vector<16xf32>,
      %broadcast_in_dim3A_679 = arith.constant 19 : i32
      %broadcast_in_dim3A_680 = vector.broadcast %broadcast_in_dim3A_679 : i32 to vector<16xi32>
      %mul3A_681 = arith.mulf %gather3A_678, %exp3A_561 : vector<16xf32>
      tpu.vector_store_idx %arg14[%add3A_529, %broadcast_in_dim3A_680], %mul3A_681 : memref<128x32xf32, #tpu.memory_space<vmem>>[vector<16xi32>, vector<16xi32>], vector<16xf32>,
      %broadcast_in_dim3A_682 = arith.constant 20 : i32
      %broadcast_in_dim3A_683 = vector.broadcast %broadcast_in_dim3A_682 : i32 to vector<16xi32>
      tpu.vector_store_idx %arg14[%add3A_529, %broadcast_in_dim3A_683], %exp3A_551 : memref<128x32xf32, #tpu.memory_space<vmem>>[vector<16xi32>, vector<16xi32>], vector<16xf32>,
      %broadcast_in_dim3A_684 = arith.constant 21 : i32
      %broadcast_in_dim3A_685 = vector.broadcast %broadcast_in_dim3A_684 : i32 to vector<16xi32>
      tpu.vector_store_idx %arg14[%add3A_529, %broadcast_in_dim3A_685], %exp3A_561 : memref<128x32xf32, #tpu.memory_space<vmem>>[vector<16xi32>, vector<16xi32>], vector<16xf32>,
      %add3A_686 = arith.constant 64 : i32
      %add3A_687 = vector.broadcast %add3A_686 : i32 to vector<16xi32>
      %add3A_688 = arith.addi %add3A_687, %iota3A : vector<16xi32>
      %broadcast_in_dim3A_689 = arith.constant 20 : i32
      %broadcast_in_dim3A_690 = vector.broadcast %broadcast_in_dim3A_689 : i32 to vector<16xi32>
      %gather3A_691 = tpu.vector_load_idx %arg12[%add3A_688, %broadcast_in_dim3A_690] : memref<128x32xf32, #tpu.memory_space<vmem>>[vector<16xi32>, vector<16xi32>], vector<16xf32>,
      %broadcast_in_dim3A_692 = arith.constant 21 : i32
      %broadcast_in_dim3A_693 = vector.broadcast %broadcast_in_dim3A_692 : i32 to vector<16xi32>
      %gather3A_694 = tpu.vector_load_idx %arg12[%add3A_688, %broadcast_in_dim3A_693] : memref<128x32xf32, #tpu.memory_space<vmem>>[vector<16xi32>, vector<16xi32>], vector<16xf32>,
      %broadcast_in_dim3A_695 = arith.constant 0 : i32
      %broadcast_in_dim3A_696 = vector.broadcast %broadcast_in_dim3A_695 : i32 to vector<16xi32>
      %gather3A_697 = tpu.vector_load_idx %arg13[%add3A_688, %broadcast_in_dim3A_696] : memref<128x16xf32, #tpu.memory_space<vmem>>[vector<16xi32>, vector<16xi32>], vector<16xf32>,
      %broadcast_in_dim3A_698 = arith.constant 1 : i32
      %broadcast_in_dim3A_699 = vector.broadcast %broadcast_in_dim3A_698 : i32 to vector<16xi32>
      %gather3A_700 = tpu.vector_load_idx %arg13[%add3A_688, %broadcast_in_dim3A_699] : memref<128x16xf32, #tpu.memory_space<vmem>>[vector<16xi32>, vector<16xi32>], vector<16xf32>,
      %add3A_701 = arith.addf %gather3A_691, %gather3A_697 : vector<16xf32>
      %ge3A_702 = arith.constant 0.000000e+00 : f32
      %ge3A_703 = vector.broadcast %ge3A_702 : f32 to vector<16xf32>
      %ge3A_704 = arith.cmpf oge, %add3A_701, %ge3A_703 : vector<16xf32>
      %mul3A_705 = arith.constant 2.000000e-01 : f32
      %mul3A_706 = vector.broadcast %mul3A_705 : f32 to vector<16xf32>
      %mul3A_707 = arith.mulf %mul3A_706, %add3A_701 : vector<16xf32>
      %select_n3A_708 = arith.select %ge3A_704, %add3A_701, %mul3A_707 : vector<16xi1>, vector<16xf32>
      %sub3A_709 = arith.subf %select_n3A_708, %get3A_21 : vector<16xf32>
      %exp3A_710 = math.exp %sub3A_709 : vector<16xf32>
      %add3A_711 = arith.addf %gather3A_694, %gather3A_700 : vector<16xf32>
      %ge3A_712 = arith.constant 0.000000e+00 : f32
      %ge3A_713 = vector.broadcast %ge3A_712 : f32 to vector<16xf32>
      %ge3A_714 = arith.cmpf oge, %add3A_711, %ge3A_713 : vector<16xf32>
      %mul3A_715 = arith.constant 2.000000e-01 : f32
      %mul3A_716 = vector.broadcast %mul3A_715 : f32 to vector<16xf32>
      %mul3A_717 = arith.mulf %mul3A_716, %add3A_711 : vector<16xf32>
      %select_n3A_718 = arith.select %ge3A_714, %add3A_711, %mul3A_717 : vector<16xi1>, vector<16xf32>
      %sub3A_719 = arith.subf %select_n3A_718, %get3A_23 : vector<16xf32>
      %exp3A_720 = math.exp %sub3A_719 : vector<16xf32>
      %broadcast_in_dim3A_721 = arith.constant 0 : i32
      %broadcast_in_dim3A_722 = vector.broadcast %broadcast_in_dim3A_721 : i32 to vector<16xi32>
      %gather3A_723 = tpu.vector_load_idx %arg12[%add3A_688, %broadcast_in_dim3A_722] : memref<128x32xf32, #tpu.memory_space<vmem>>[vector<16xi32>, vector<16xi32>], vector<16xf32>,
      %broadcast_in_dim3A_724 = arith.constant 0 : i32
      %broadcast_in_dim3A_725 = vector.broadcast %broadcast_in_dim3A_724 : i32 to vector<16xi32>
      %mul3A_726 = arith.mulf %gather3A_723, %exp3A_710 : vector<16xf32>
      tpu.vector_store_idx %arg14[%add3A_688, %broadcast_in_dim3A_725], %mul3A_726 : memref<128x32xf32, #tpu.memory_space<vmem>>[vector<16xi32>, vector<16xi32>], vector<16xf32>,
      %broadcast_in_dim3A_727 = arith.constant 1 : i32
      %broadcast_in_dim3A_728 = vector.broadcast %broadcast_in_dim3A_727 : i32 to vector<16xi32>
      %gather3A_729 = tpu.vector_load_idx %arg12[%add3A_688, %broadcast_in_dim3A_728] : memref<128x32xf32, #tpu.memory_space<vmem>>[vector<16xi32>, vector<16xi32>], vector<16xf32>,
      %broadcast_in_dim3A_730 = arith.constant 1 : i32
      %broadcast_in_dim3A_731 = vector.broadcast %broadcast_in_dim3A_730 : i32 to vector<16xi32>
      %mul3A_732 = arith.mulf %gather3A_729, %exp3A_710 : vector<16xf32>
      tpu.vector_store_idx %arg14[%add3A_688, %broadcast_in_dim3A_731], %mul3A_732 : memref<128x32xf32, #tpu.memory_space<vmem>>[vector<16xi32>, vector<16xi32>], vector<16xf32>,
      %broadcast_in_dim3A_733 = arith.constant 2 : i32
      %broadcast_in_dim3A_734 = vector.broadcast %broadcast_in_dim3A_733 : i32 to vector<16xi32>
      %gather3A_735 = tpu.vector_load_idx %arg12[%add3A_688, %broadcast_in_dim3A_734] : memref<128x32xf32, #tpu.memory_space<vmem>>[vector<16xi32>, vector<16xi32>], vector<16xf32>,
      %broadcast_in_dim3A_736 = arith.constant 2 : i32
      %broadcast_in_dim3A_737 = vector.broadcast %broadcast_in_dim3A_736 : i32 to vector<16xi32>
      %mul3A_738 = arith.mulf %gather3A_735, %exp3A_710 : vector<16xf32>
      tpu.vector_store_idx %arg14[%add3A_688, %broadcast_in_dim3A_737], %mul3A_738 : memref<128x32xf32, #tpu.memory_space<vmem>>[vector<16xi32>, vector<16xi32>], vector<16xf32>,
      %broadcast_in_dim3A_739 = arith.constant 3 : i32
      %broadcast_in_dim3A_740 = vector.broadcast %broadcast_in_dim3A_739 : i32 to vector<16xi32>
      %gather3A_741 = tpu.vector_load_idx %arg12[%add3A_688, %broadcast_in_dim3A_740] : memref<128x32xf32, #tpu.memory_space<vmem>>[vector<16xi32>, vector<16xi32>], vector<16xf32>,
      %broadcast_in_dim3A_742 = arith.constant 3 : i32
      %broadcast_in_dim3A_743 = vector.broadcast %broadcast_in_dim3A_742 : i32 to vector<16xi32>
      %mul3A_744 = arith.mulf %gather3A_741, %exp3A_710 : vector<16xf32>
      tpu.vector_store_idx %arg14[%add3A_688, %broadcast_in_dim3A_743], %mul3A_744 : memref<128x32xf32, #tpu.memory_space<vmem>>[vector<16xi32>, vector<16xi32>], vector<16xf32>,
      %broadcast_in_dim3A_745 = arith.constant 4 : i32
      %broadcast_in_dim3A_746 = vector.broadcast %broadcast_in_dim3A_745 : i32 to vector<16xi32>
      %gather3A_747 = tpu.vector_load_idx %arg12[%add3A_688, %broadcast_in_dim3A_746] : memref<128x32xf32, #tpu.memory_space<vmem>>[vector<16xi32>, vector<16xi32>], vector<16xf32>,
      %broadcast_in_dim3A_748 = arith.constant 4 : i32
      %broadcast_in_dim3A_749 = vector.broadcast %broadcast_in_dim3A_748 : i32 to vector<16xi32>
      %mul3A_750 = arith.mulf %gather3A_747, %exp3A_710 : vector<16xf32>
      tpu.vector_store_idx %arg14[%add3A_688, %broadcast_in_dim3A_749], %mul3A_750 : memref<128x32xf32, #tpu.memory_space<vmem>>[vector<16xi32>, vector<16xi32>], vector<16xf32>,
      %broadcast_in_dim3A_751 = arith.constant 5 : i32
      %broadcast_in_dim3A_752 = vector.broadcast %broadcast_in_dim3A_751 : i32 to vector<16xi32>
      %gather3A_753 = tpu.vector_load_idx %arg12[%add3A_688, %broadcast_in_dim3A_752] : memref<128x32xf32, #tpu.memory_space<vmem>>[vector<16xi32>, vector<16xi32>], vector<16xf32>,
      %broadcast_in_dim3A_754 = arith.constant 5 : i32
      %broadcast_in_dim3A_755 = vector.broadcast %broadcast_in_dim3A_754 : i32 to vector<16xi32>
      %mul3A_756 = arith.mulf %gather3A_753, %exp3A_710 : vector<16xf32>
      tpu.vector_store_idx %arg14[%add3A_688, %broadcast_in_dim3A_755], %mul3A_756 : memref<128x32xf32, #tpu.memory_space<vmem>>[vector<16xi32>, vector<16xi32>], vector<16xf32>,
      %broadcast_in_dim3A_757 = arith.constant 6 : i32
      %broadcast_in_dim3A_758 = vector.broadcast %broadcast_in_dim3A_757 : i32 to vector<16xi32>
      %gather3A_759 = tpu.vector_load_idx %arg12[%add3A_688, %broadcast_in_dim3A_758] : memref<128x32xf32, #tpu.memory_space<vmem>>[vector<16xi32>, vector<16xi32>], vector<16xf32>,
      %broadcast_in_dim3A_760 = arith.constant 6 : i32
      %broadcast_in_dim3A_761 = vector.broadcast %broadcast_in_dim3A_760 : i32 to vector<16xi32>
      %mul3A_762 = arith.mulf %gather3A_759, %exp3A_710 : vector<16xf32>
      tpu.vector_store_idx %arg14[%add3A_688, %broadcast_in_dim3A_761], %mul3A_762 : memref<128x32xf32, #tpu.memory_space<vmem>>[vector<16xi32>, vector<16xi32>], vector<16xf32>,
      %broadcast_in_dim3A_763 = arith.constant 7 : i32
      %broadcast_in_dim3A_764 = vector.broadcast %broadcast_in_dim3A_763 : i32 to vector<16xi32>
      %gather3A_765 = tpu.vector_load_idx %arg12[%add3A_688, %broadcast_in_dim3A_764] : memref<128x32xf32, #tpu.memory_space<vmem>>[vector<16xi32>, vector<16xi32>], vector<16xf32>,
      %broadcast_in_dim3A_766 = arith.constant 7 : i32
      %broadcast_in_dim3A_767 = vector.broadcast %broadcast_in_dim3A_766 : i32 to vector<16xi32>
      %mul3A_768 = arith.mulf %gather3A_765, %exp3A_710 : vector<16xf32>
      tpu.vector_store_idx %arg14[%add3A_688, %broadcast_in_dim3A_767], %mul3A_768 : memref<128x32xf32, #tpu.memory_space<vmem>>[vector<16xi32>, vector<16xi32>], vector<16xf32>,
      %broadcast_in_dim3A_769 = arith.constant 8 : i32
      %broadcast_in_dim3A_770 = vector.broadcast %broadcast_in_dim3A_769 : i32 to vector<16xi32>
      %gather3A_771 = tpu.vector_load_idx %arg12[%add3A_688, %broadcast_in_dim3A_770] : memref<128x32xf32, #tpu.memory_space<vmem>>[vector<16xi32>, vector<16xi32>], vector<16xf32>,
      %broadcast_in_dim3A_772 = arith.constant 8 : i32
      %broadcast_in_dim3A_773 = vector.broadcast %broadcast_in_dim3A_772 : i32 to vector<16xi32>
      %mul3A_774 = arith.mulf %gather3A_771, %exp3A_710 : vector<16xf32>
      tpu.vector_store_idx %arg14[%add3A_688, %broadcast_in_dim3A_773], %mul3A_774 : memref<128x32xf32, #tpu.memory_space<vmem>>[vector<16xi32>, vector<16xi32>], vector<16xf32>,
      %broadcast_in_dim3A_775 = arith.constant 9 : i32
      %broadcast_in_dim3A_776 = vector.broadcast %broadcast_in_dim3A_775 : i32 to vector<16xi32>
      %gather3A_777 = tpu.vector_load_idx %arg12[%add3A_688, %broadcast_in_dim3A_776] : memref<128x32xf32, #tpu.memory_space<vmem>>[vector<16xi32>, vector<16xi32>], vector<16xf32>,
      %broadcast_in_dim3A_778 = arith.constant 9 : i32
      %broadcast_in_dim3A_779 = vector.broadcast %broadcast_in_dim3A_778 : i32 to vector<16xi32>
      %mul3A_780 = arith.mulf %gather3A_777, %exp3A_710 : vector<16xf32>
      tpu.vector_store_idx %arg14[%add3A_688, %broadcast_in_dim3A_779], %mul3A_780 : memref<128x32xf32, #tpu.memory_space<vmem>>[vector<16xi32>, vector<16xi32>], vector<16xf32>,
      %broadcast_in_dim3A_781 = arith.constant 10 : i32
      %broadcast_in_dim3A_782 = vector.broadcast %broadcast_in_dim3A_781 : i32 to vector<16xi32>
      %gather3A_783 = tpu.vector_load_idx %arg12[%add3A_688, %broadcast_in_dim3A_782] : memref<128x32xf32, #tpu.memory_space<vmem>>[vector<16xi32>, vector<16xi32>], vector<16xf32>,
      %broadcast_in_dim3A_784 = arith.constant 10 : i32
      %broadcast_in_dim3A_785 = vector.broadcast %broadcast_in_dim3A_784 : i32 to vector<16xi32>
      %mul3A_786 = arith.mulf %gather3A_783, %exp3A_720 : vector<16xf32>
      tpu.vector_store_idx %arg14[%add3A_688, %broadcast_in_dim3A_785], %mul3A_786 : memref<128x32xf32, #tpu.memory_space<vmem>>[vector<16xi32>, vector<16xi32>], vector<16xf32>,
      %broadcast_in_dim3A_787 = arith.constant 11 : i32
      %broadcast_in_dim3A_788 = vector.broadcast %broadcast_in_dim3A_787 : i32 to vector<16xi32>
      %gather3A_789 = tpu.vector_load_idx %arg12[%add3A_688, %broadcast_in_dim3A_788] : memref<128x32xf32, #tpu.memory_space<vmem>>[vector<16xi32>, vector<16xi32>], vector<16xf32>,
      %broadcast_in_dim3A_790 = arith.constant 11 : i32
      %broadcast_in_dim3A_791 = vector.broadcast %broadcast_in_dim3A_790 : i32 to vector<16xi32>
      %mul3A_792 = arith.mulf %gather3A_789, %exp3A_720 : vector<16xf32>
      tpu.vector_store_idx %arg14[%add3A_688, %broadcast_in_dim3A_791], %mul3A_792 : memref<128x32xf32, #tpu.memory_space<vmem>>[vector<16xi32>, vector<16xi32>], vector<16xf32>,
      %broadcast_in_dim3A_793 = arith.constant 12 : i32
      %broadcast_in_dim3A_794 = vector.broadcast %broadcast_in_dim3A_793 : i32 to vector<16xi32>
      %gather3A_795 = tpu.vector_load_idx %arg12[%add3A_688, %broadcast_in_dim3A_794] : memref<128x32xf32, #tpu.memory_space<vmem>>[vector<16xi32>, vector<16xi32>], vector<16xf32>,
      %broadcast_in_dim3A_796 = arith.constant 12 : i32
      %broadcast_in_dim3A_797 = vector.broadcast %broadcast_in_dim3A_796 : i32 to vector<16xi32>
      %mul3A_798 = arith.mulf %gather3A_795, %exp3A_720 : vector<16xf32>
      tpu.vector_store_idx %arg14[%add3A_688, %broadcast_in_dim3A_797], %mul3A_798 : memref<128x32xf32, #tpu.memory_space<vmem>>[vector<16xi32>, vector<16xi32>], vector<16xf32>,
      %broadcast_in_dim3A_799 = arith.constant 13 : i32
      %broadcast_in_dim3A_800 = vector.broadcast %broadcast_in_dim3A_799 : i32 to vector<16xi32>
      %gather3A_801 = tpu.vector_load_idx %arg12[%add3A_688, %broadcast_in_dim3A_800] : memref<128x32xf32, #tpu.memory_space<vmem>>[vector<16xi32>, vector<16xi32>], vector<16xf32>,
      %broadcast_in_dim3A_802 = arith.constant 13 : i32
      %broadcast_in_dim3A_803 = vector.broadcast %broadcast_in_dim3A_802 : i32 to vector<16xi32>
      %mul3A_804 = arith.mulf %gather3A_801, %exp3A_720 : vector<16xf32>
      tpu.vector_store_idx %arg14[%add3A_688, %broadcast_in_dim3A_803], %mul3A_804 : memref<128x32xf32, #tpu.memory_space<vmem>>[vector<16xi32>, vector<16xi32>], vector<16xf32>,
      %broadcast_in_dim3A_805 = arith.constant 14 : i32
      %broadcast_in_dim3A_806 = vector.broadcast %broadcast_in_dim3A_805 : i32 to vector<16xi32>
      %gather3A_807 = tpu.vector_load_idx %arg12[%add3A_688, %broadcast_in_dim3A_806] : memref<128x32xf32, #tpu.memory_space<vmem>>[vector<16xi32>, vector<16xi32>], vector<16xf32>,
      %broadcast_in_dim3A_808 = arith.constant 14 : i32
      %broadcast_in_dim3A_809 = vector.broadcast %broadcast_in_dim3A_808 : i32 to vector<16xi32>
      %mul3A_810 = arith.mulf %gather3A_807, %exp3A_720 : vector<16xf32>
      tpu.vector_store_idx %arg14[%add3A_688, %broadcast_in_dim3A_809], %mul3A_810 : memref<128x32xf32, #tpu.memory_space<vmem>>[vector<16xi32>, vector<16xi32>], vector<16xf32>,
      %broadcast_in_dim3A_811 = arith.constant 15 : i32
      %broadcast_in_dim3A_812 = vector.broadcast %broadcast_in_dim3A_811 : i32 to vector<16xi32>
      %gather3A_813 = tpu.vector_load_idx %arg12[%add3A_688, %broadcast_in_dim3A_812] : memref<128x32xf32, #tpu.memory_space<vmem>>[vector<16xi32>, vector<16xi32>], vector<16xf32>,
      %broadcast_in_dim3A_814 = arith.constant 15 : i32
      %broadcast_in_dim3A_815 = vector.broadcast %broadcast_in_dim3A_814 : i32 to vector<16xi32>
      %mul3A_816 = arith.mulf %gather3A_813, %exp3A_720 : vector<16xf32>
      tpu.vector_store_idx %arg14[%add3A_688, %broadcast_in_dim3A_815], %mul3A_816 : memref<128x32xf32, #tpu.memory_space<vmem>>[vector<16xi32>, vector<16xi32>], vector<16xf32>,
      %broadcast_in_dim3A_817 = arith.constant 16 : i32
      %broadcast_in_dim3A_818 = vector.broadcast %broadcast_in_dim3A_817 : i32 to vector<16xi32>
      %gather3A_819 = tpu.vector_load_idx %arg12[%add3A_688, %broadcast_in_dim3A_818] : memref<128x32xf32, #tpu.memory_space<vmem>>[vector<16xi32>, vector<16xi32>], vector<16xf32>,
      %broadcast_in_dim3A_820 = arith.constant 16 : i32
      %broadcast_in_dim3A_821 = vector.broadcast %broadcast_in_dim3A_820 : i32 to vector<16xi32>
      %mul3A_822 = arith.mulf %gather3A_819, %exp3A_720 : vector<16xf32>
      tpu.vector_store_idx %arg14[%add3A_688, %broadcast_in_dim3A_821], %mul3A_822 : memref<128x32xf32, #tpu.memory_space<vmem>>[vector<16xi32>, vector<16xi32>], vector<16xf32>,
      %broadcast_in_dim3A_823 = arith.constant 17 : i32
      %broadcast_in_dim3A_824 = vector.broadcast %broadcast_in_dim3A_823 : i32 to vector<16xi32>
      %gather3A_825 = tpu.vector_load_idx %arg12[%add3A_688, %broadcast_in_dim3A_824] : memref<128x32xf32, #tpu.memory_space<vmem>>[vector<16xi32>, vector<16xi32>], vector<16xf32>,
      %broadcast_in_dim3A_826 = arith.constant 17 : i32
      %broadcast_in_dim3A_827 = vector.broadcast %broadcast_in_dim3A_826 : i32 to vector<16xi32>
      %mul3A_828 = arith.mulf %gather3A_825, %exp3A_720 : vector<16xf32>
      tpu.vector_store_idx %arg14[%add3A_688, %broadcast_in_dim3A_827], %mul3A_828 : memref<128x32xf32, #tpu.memory_space<vmem>>[vector<16xi32>, vector<16xi32>], vector<16xf32>,
      %broadcast_in_dim3A_829 = arith.constant 18 : i32
      %broadcast_in_dim3A_830 = vector.broadcast %broadcast_in_dim3A_829 : i32 to vector<16xi32>
      %gather3A_831 = tpu.vector_load_idx %arg12[%add3A_688, %broadcast_in_dim3A_830] : memref<128x32xf32, #tpu.memory_space<vmem>>[vector<16xi32>, vector<16xi32>], vector<16xf32>,
      %broadcast_in_dim3A_832 = arith.constant 18 : i32
      %broadcast_in_dim3A_833 = vector.broadcast %broadcast_in_dim3A_832 : i32 to vector<16xi32>
      %mul3A_834 = arith.mulf %gather3A_831, %exp3A_720 : vector<16xf32>
      tpu.vector_store_idx %arg14[%add3A_688, %broadcast_in_dim3A_833], %mul3A_834 : memref<128x32xf32, #tpu.memory_space<vmem>>[vector<16xi32>, vector<16xi32>], vector<16xf32>,
      %broadcast_in_dim3A_835 = arith.constant 19 : i32
      %broadcast_in_dim3A_836 = vector.broadcast %broadcast_in_dim3A_835 : i32 to vector<16xi32>
      %gather3A_837 = tpu.vector_load_idx %arg12[%add3A_688, %broadcast_in_dim3A_836] : memref<128x32xf32, #tpu.memory_space<vmem>>[vector<16xi32>, vector<16xi32>], vector<16xf32>,
      %broadcast_in_dim3A_838 = arith.constant 19 : i32
      %broadcast_in_dim3A_839 = vector.broadcast %broadcast_in_dim3A_838 : i32 to vector<16xi32>
      %mul3A_840 = arith.mulf %gather3A_837, %exp3A_720 : vector<16xf32>
      tpu.vector_store_idx %arg14[%add3A_688, %broadcast_in_dim3A_839], %mul3A_840 : memref<128x32xf32, #tpu.memory_space<vmem>>[vector<16xi32>, vector<16xi32>], vector<16xf32>,
      %broadcast_in_dim3A_841 = arith.constant 20 : i32
      %broadcast_in_dim3A_842 = vector.broadcast %broadcast_in_dim3A_841 : i32 to vector<16xi32>
      tpu.vector_store_idx %arg14[%add3A_688, %broadcast_in_dim3A_842], %exp3A_710 : memref<128x32xf32, #tpu.memory_space<vmem>>[vector<16xi32>, vector<16xi32>], vector<16xf32>,
      %broadcast_in_dim3A_843 = arith.constant 21 : i32
      %broadcast_in_dim3A_844 = vector.broadcast %broadcast_in_dim3A_843 : i32 to vector<16xi32>
      tpu.vector_store_idx %arg14[%add3A_688, %broadcast_in_dim3A_844], %exp3A_720 : memref<128x32xf32, #tpu.memory_space<vmem>>[vector<16xi32>, vector<16xi32>], vector<16xf32>,
      %add3A_845 = arith.constant 80 : i32
      %add3A_846 = vector.broadcast %add3A_845 : i32 to vector<16xi32>
      %add3A_847 = arith.addi %add3A_846, %iota3A : vector<16xi32>
      %broadcast_in_dim3A_848 = arith.constant 20 : i32
      %broadcast_in_dim3A_849 = vector.broadcast %broadcast_in_dim3A_848 : i32 to vector<16xi32>
      %gather3A_850 = tpu.vector_load_idx %arg12[%add3A_847, %broadcast_in_dim3A_849] : memref<128x32xf32, #tpu.memory_space<vmem>>[vector<16xi32>, vector<16xi32>], vector<16xf32>,
      %broadcast_in_dim3A_851 = arith.constant 21 : i32
      %broadcast_in_dim3A_852 = vector.broadcast %broadcast_in_dim3A_851 : i32 to vector<16xi32>
      %gather3A_853 = tpu.vector_load_idx %arg12[%add3A_847, %broadcast_in_dim3A_852] : memref<128x32xf32, #tpu.memory_space<vmem>>[vector<16xi32>, vector<16xi32>], vector<16xf32>,
      %broadcast_in_dim3A_854 = arith.constant 0 : i32
      %broadcast_in_dim3A_855 = vector.broadcast %broadcast_in_dim3A_854 : i32 to vector<16xi32>
      %gather3A_856 = tpu.vector_load_idx %arg13[%add3A_847, %broadcast_in_dim3A_855] : memref<128x16xf32, #tpu.memory_space<vmem>>[vector<16xi32>, vector<16xi32>], vector<16xf32>,
      %broadcast_in_dim3A_857 = arith.constant 1 : i32
      %broadcast_in_dim3A_858 = vector.broadcast %broadcast_in_dim3A_857 : i32 to vector<16xi32>
      %gather3A_859 = tpu.vector_load_idx %arg13[%add3A_847, %broadcast_in_dim3A_858] : memref<128x16xf32, #tpu.memory_space<vmem>>[vector<16xi32>, vector<16xi32>], vector<16xf32>,
      %add3A_860 = arith.addf %gather3A_850, %gather3A_856 : vector<16xf32>
      %ge3A_861 = arith.constant 0.000000e+00 : f32
      %ge3A_862 = vector.broadcast %ge3A_861 : f32 to vector<16xf32>
      %ge3A_863 = arith.cmpf oge, %add3A_860, %ge3A_862 : vector<16xf32>
      %mul3A_864 = arith.constant 2.000000e-01 : f32
      %mul3A_865 = vector.broadcast %mul3A_864 : f32 to vector<16xf32>
      %mul3A_866 = arith.mulf %mul3A_865, %add3A_860 : vector<16xf32>
      %select_n3A_867 = arith.select %ge3A_863, %add3A_860, %mul3A_866 : vector<16xi1>, vector<16xf32>
      %sub3A_868 = arith.subf %select_n3A_867, %get3A_21 : vector<16xf32>
      %exp3A_869 = math.exp %sub3A_868 : vector<16xf32>
      %add3A_870 = arith.addf %gather3A_853, %gather3A_859 : vector<16xf32>
      %ge3A_871 = arith.constant 0.000000e+00 : f32
      %ge3A_872 = vector.broadcast %ge3A_871 : f32 to vector<16xf32>
      %ge3A_873 = arith.cmpf oge, %add3A_870, %ge3A_872 : vector<16xf32>
      %mul3A_874 = arith.constant 2.000000e-01 : f32
      %mul3A_875 = vector.broadcast %mul3A_874 : f32 to vector<16xf32>
      %mul3A_876 = arith.mulf %mul3A_875, %add3A_870 : vector<16xf32>
      %select_n3A_877 = arith.select %ge3A_873, %add3A_870, %mul3A_876 : vector<16xi1>, vector<16xf32>
      %sub3A_878 = arith.subf %select_n3A_877, %get3A_23 : vector<16xf32>
      %exp3A_879 = math.exp %sub3A_878 : vector<16xf32>
      %broadcast_in_dim3A_880 = arith.constant 0 : i32
      %broadcast_in_dim3A_881 = vector.broadcast %broadcast_in_dim3A_880 : i32 to vector<16xi32>
      %gather3A_882 = tpu.vector_load_idx %arg12[%add3A_847, %broadcast_in_dim3A_881] : memref<128x32xf32, #tpu.memory_space<vmem>>[vector<16xi32>, vector<16xi32>], vector<16xf32>,
      %broadcast_in_dim3A_883 = arith.constant 0 : i32
      %broadcast_in_dim3A_884 = vector.broadcast %broadcast_in_dim3A_883 : i32 to vector<16xi32>
      %mul3A_885 = arith.mulf %gather3A_882, %exp3A_869 : vector<16xf32>
      tpu.vector_store_idx %arg14[%add3A_847, %broadcast_in_dim3A_884], %mul3A_885 : memref<128x32xf32, #tpu.memory_space<vmem>>[vector<16xi32>, vector<16xi32>], vector<16xf32>,
      %broadcast_in_dim3A_886 = arith.constant 1 : i32
      %broadcast_in_dim3A_887 = vector.broadcast %broadcast_in_dim3A_886 : i32 to vector<16xi32>
      %gather3A_888 = tpu.vector_load_idx %arg12[%add3A_847, %broadcast_in_dim3A_887] : memref<128x32xf32, #tpu.memory_space<vmem>>[vector<16xi32>, vector<16xi32>], vector<16xf32>,
      %broadcast_in_dim3A_889 = arith.constant 1 : i32
      %broadcast_in_dim3A_890 = vector.broadcast %broadcast_in_dim3A_889 : i32 to vector<16xi32>
      %mul3A_891 = arith.mulf %gather3A_888, %exp3A_869 : vector<16xf32>
      tpu.vector_store_idx %arg14[%add3A_847, %broadcast_in_dim3A_890], %mul3A_891 : memref<128x32xf32, #tpu.memory_space<vmem>>[vector<16xi32>, vector<16xi32>], vector<16xf32>,
      %broadcast_in_dim3A_892 = arith.constant 2 : i32
      %broadcast_in_dim3A_893 = vector.broadcast %broadcast_in_dim3A_892 : i32 to vector<16xi32>
      %gather3A_894 = tpu.vector_load_idx %arg12[%add3A_847, %broadcast_in_dim3A_893] : memref<128x32xf32, #tpu.memory_space<vmem>>[vector<16xi32>, vector<16xi32>], vector<16xf32>,
      %broadcast_in_dim3A_895 = arith.constant 2 : i32
      %broadcast_in_dim3A_896 = vector.broadcast %broadcast_in_dim3A_895 : i32 to vector<16xi32>
      %mul3A_897 = arith.mulf %gather3A_894, %exp3A_869 : vector<16xf32>
      tpu.vector_store_idx %arg14[%add3A_847, %broadcast_in_dim3A_896], %mul3A_897 : memref<128x32xf32, #tpu.memory_space<vmem>>[vector<16xi32>, vector<16xi32>], vector<16xf32>,
      %broadcast_in_dim3A_898 = arith.constant 3 : i32
      %broadcast_in_dim3A_899 = vector.broadcast %broadcast_in_dim3A_898 : i32 to vector<16xi32>
      %gather3A_900 = tpu.vector_load_idx %arg12[%add3A_847, %broadcast_in_dim3A_899] : memref<128x32xf32, #tpu.memory_space<vmem>>[vector<16xi32>, vector<16xi32>], vector<16xf32>,
      %broadcast_in_dim3A_901 = arith.constant 3 : i32
      %broadcast_in_dim3A_902 = vector.broadcast %broadcast_in_dim3A_901 : i32 to vector<16xi32>
      %mul3A_903 = arith.mulf %gather3A_900, %exp3A_869 : vector<16xf32>
      tpu.vector_store_idx %arg14[%add3A_847, %broadcast_in_dim3A_902], %mul3A_903 : memref<128x32xf32, #tpu.memory_space<vmem>>[vector<16xi32>, vector<16xi32>], vector<16xf32>,
      %broadcast_in_dim3A_904 = arith.constant 4 : i32
      %broadcast_in_dim3A_905 = vector.broadcast %broadcast_in_dim3A_904 : i32 to vector<16xi32>
      %gather3A_906 = tpu.vector_load_idx %arg12[%add3A_847, %broadcast_in_dim3A_905] : memref<128x32xf32, #tpu.memory_space<vmem>>[vector<16xi32>, vector<16xi32>], vector<16xf32>,
      %broadcast_in_dim3A_907 = arith.constant 4 : i32
      %broadcast_in_dim3A_908 = vector.broadcast %broadcast_in_dim3A_907 : i32 to vector<16xi32>
      %mul3A_909 = arith.mulf %gather3A_906, %exp3A_869 : vector<16xf32>
      tpu.vector_store_idx %arg14[%add3A_847, %broadcast_in_dim3A_908], %mul3A_909 : memref<128x32xf32, #tpu.memory_space<vmem>>[vector<16xi32>, vector<16xi32>], vector<16xf32>,
      %broadcast_in_dim3A_910 = arith.constant 5 : i32
      %broadcast_in_dim3A_911 = vector.broadcast %broadcast_in_dim3A_910 : i32 to vector<16xi32>
      %gather3A_912 = tpu.vector_load_idx %arg12[%add3A_847, %broadcast_in_dim3A_911] : memref<128x32xf32, #tpu.memory_space<vmem>>[vector<16xi32>, vector<16xi32>], vector<16xf32>,
      %broadcast_in_dim3A_913 = arith.constant 5 : i32
      %broadcast_in_dim3A_914 = vector.broadcast %broadcast_in_dim3A_913 : i32 to vector<16xi32>
      %mul3A_915 = arith.mulf %gather3A_912, %exp3A_869 : vector<16xf32>
      tpu.vector_store_idx %arg14[%add3A_847, %broadcast_in_dim3A_914], %mul3A_915 : memref<128x32xf32, #tpu.memory_space<vmem>>[vector<16xi32>, vector<16xi32>], vector<16xf32>,
      %broadcast_in_dim3A_916 = arith.constant 6 : i32
      %broadcast_in_dim3A_917 = vector.broadcast %broadcast_in_dim3A_916 : i32 to vector<16xi32>
      %gather3A_918 = tpu.vector_load_idx %arg12[%add3A_847, %broadcast_in_dim3A_917] : memref<128x32xf32, #tpu.memory_space<vmem>>[vector<16xi32>, vector<16xi32>], vector<16xf32>,
      %broadcast_in_dim3A_919 = arith.constant 6 : i32
      %broadcast_in_dim3A_920 = vector.broadcast %broadcast_in_dim3A_919 : i32 to vector<16xi32>
      %mul3A_921 = arith.mulf %gather3A_918, %exp3A_869 : vector<16xf32>
      tpu.vector_store_idx %arg14[%add3A_847, %broadcast_in_dim3A_920], %mul3A_921 : memref<128x32xf32, #tpu.memory_space<vmem>>[vector<16xi32>, vector<16xi32>], vector<16xf32>,
      %broadcast_in_dim3A_922 = arith.constant 7 : i32
      %broadcast_in_dim3A_923 = vector.broadcast %broadcast_in_dim3A_922 : i32 to vector<16xi32>
      %gather3A_924 = tpu.vector_load_idx %arg12[%add3A_847, %broadcast_in_dim3A_923] : memref<128x32xf32, #tpu.memory_space<vmem>>[vector<16xi32>, vector<16xi32>], vector<16xf32>,
      %broadcast_in_dim3A_925 = arith.constant 7 : i32
      %broadcast_in_dim3A_926 = vector.broadcast %broadcast_in_dim3A_925 : i32 to vector<16xi32>
      %mul3A_927 = arith.mulf %gather3A_924, %exp3A_869 : vector<16xf32>
      tpu.vector_store_idx %arg14[%add3A_847, %broadcast_in_dim3A_926], %mul3A_927 : memref<128x32xf32, #tpu.memory_space<vmem>>[vector<16xi32>, vector<16xi32>], vector<16xf32>,
      %broadcast_in_dim3A_928 = arith.constant 8 : i32
      %broadcast_in_dim3A_929 = vector.broadcast %broadcast_in_dim3A_928 : i32 to vector<16xi32>
      %gather3A_930 = tpu.vector_load_idx %arg12[%add3A_847, %broadcast_in_dim3A_929] : memref<128x32xf32, #tpu.memory_space<vmem>>[vector<16xi32>, vector<16xi32>], vector<16xf32>,
      %broadcast_in_dim3A_931 = arith.constant 8 : i32
      %broadcast_in_dim3A_932 = vector.broadcast %broadcast_in_dim3A_931 : i32 to vector<16xi32>
      %mul3A_933 = arith.mulf %gather3A_930, %exp3A_869 : vector<16xf32>
      tpu.vector_store_idx %arg14[%add3A_847, %broadcast_in_dim3A_932], %mul3A_933 : memref<128x32xf32, #tpu.memory_space<vmem>>[vector<16xi32>, vector<16xi32>], vector<16xf32>,
      %broadcast_in_dim3A_934 = arith.constant 9 : i32
      %broadcast_in_dim3A_935 = vector.broadcast %broadcast_in_dim3A_934 : i32 to vector<16xi32>
      %gather3A_936 = tpu.vector_load_idx %arg12[%add3A_847, %broadcast_in_dim3A_935] : memref<128x32xf32, #tpu.memory_space<vmem>>[vector<16xi32>, vector<16xi32>], vector<16xf32>,
      %broadcast_in_dim3A_937 = arith.constant 9 : i32
      %broadcast_in_dim3A_938 = vector.broadcast %broadcast_in_dim3A_937 : i32 to vector<16xi32>
      %mul3A_939 = arith.mulf %gather3A_936, %exp3A_869 : vector<16xf32>
      tpu.vector_store_idx %arg14[%add3A_847, %broadcast_in_dim3A_938], %mul3A_939 : memref<128x32xf32, #tpu.memory_space<vmem>>[vector<16xi32>, vector<16xi32>], vector<16xf32>,
      %broadcast_in_dim3A_940 = arith.constant 10 : i32
      %broadcast_in_dim3A_941 = vector.broadcast %broadcast_in_dim3A_940 : i32 to vector<16xi32>
      %gather3A_942 = tpu.vector_load_idx %arg12[%add3A_847, %broadcast_in_dim3A_941] : memref<128x32xf32, #tpu.memory_space<vmem>>[vector<16xi32>, vector<16xi32>], vector<16xf32>,
      %broadcast_in_dim3A_943 = arith.constant 10 : i32
      %broadcast_in_dim3A_944 = vector.broadcast %broadcast_in_dim3A_943 : i32 to vector<16xi32>
      %mul3A_945 = arith.mulf %gather3A_942, %exp3A_879 : vector<16xf32>
      tpu.vector_store_idx %arg14[%add3A_847, %broadcast_in_dim3A_944], %mul3A_945 : memref<128x32xf32, #tpu.memory_space<vmem>>[vector<16xi32>, vector<16xi32>], vector<16xf32>,
      %broadcast_in_dim3A_946 = arith.constant 11 : i32
      %broadcast_in_dim3A_947 = vector.broadcast %broadcast_in_dim3A_946 : i32 to vector<16xi32>
      %gather3A_948 = tpu.vector_load_idx %arg12[%add3A_847, %broadcast_in_dim3A_947] : memref<128x32xf32, #tpu.memory_space<vmem>>[vector<16xi32>, vector<16xi32>], vector<16xf32>,
      %broadcast_in_dim3A_949 = arith.constant 11 : i32
      %broadcast_in_dim3A_950 = vector.broadcast %broadcast_in_dim3A_949 : i32 to vector<16xi32>
      %mul3A_951 = arith.mulf %gather3A_948, %exp3A_879 : vector<16xf32>
      tpu.vector_store_idx %arg14[%add3A_847, %broadcast_in_dim3A_950], %mul3A_951 : memref<128x32xf32, #tpu.memory_space<vmem>>[vector<16xi32>, vector<16xi32>], vector<16xf32>,
      %broadcast_in_dim3A_952 = arith.constant 12 : i32
      %broadcast_in_dim3A_953 = vector.broadcast %broadcast_in_dim3A_952 : i32 to vector<16xi32>
      %gather3A_954 = tpu.vector_load_idx %arg12[%add3A_847, %broadcast_in_dim3A_953] : memref<128x32xf32, #tpu.memory_space<vmem>>[vector<16xi32>, vector<16xi32>], vector<16xf32>,
      %broadcast_in_dim3A_955 = arith.constant 12 : i32
      %broadcast_in_dim3A_956 = vector.broadcast %broadcast_in_dim3A_955 : i32 to vector<16xi32>
      %mul3A_957 = arith.mulf %gather3A_954, %exp3A_879 : vector<16xf32>
      tpu.vector_store_idx %arg14[%add3A_847, %broadcast_in_dim3A_956], %mul3A_957 : memref<128x32xf32, #tpu.memory_space<vmem>>[vector<16xi32>, vector<16xi32>], vector<16xf32>,
      %broadcast_in_dim3A_958 = arith.constant 13 : i32
      %broadcast_in_dim3A_959 = vector.broadcast %broadcast_in_dim3A_958 : i32 to vector<16xi32>
      %gather3A_960 = tpu.vector_load_idx %arg12[%add3A_847, %broadcast_in_dim3A_959] : memref<128x32xf32, #tpu.memory_space<vmem>>[vector<16xi32>, vector<16xi32>], vector<16xf32>,
      %broadcast_in_dim3A_961 = arith.constant 13 : i32
      %broadcast_in_dim3A_962 = vector.broadcast %broadcast_in_dim3A_961 : i32 to vector<16xi32>
      %mul3A_963 = arith.mulf %gather3A_960, %exp3A_879 : vector<16xf32>
      tpu.vector_store_idx %arg14[%add3A_847, %broadcast_in_dim3A_962], %mul3A_963 : memref<128x32xf32, #tpu.memory_space<vmem>>[vector<16xi32>, vector<16xi32>], vector<16xf32>,
      %broadcast_in_dim3A_964 = arith.constant 14 : i32
      %broadcast_in_dim3A_965 = vector.broadcast %broadcast_in_dim3A_964 : i32 to vector<16xi32>
      %gather3A_966 = tpu.vector_load_idx %arg12[%add3A_847, %broadcast_in_dim3A_965] : memref<128x32xf32, #tpu.memory_space<vmem>>[vector<16xi32>, vector<16xi32>], vector<16xf32>,
      %broadcast_in_dim3A_967 = arith.constant 14 : i32
      %broadcast_in_dim3A_968 = vector.broadcast %broadcast_in_dim3A_967 : i32 to vector<16xi32>
      %mul3A_969 = arith.mulf %gather3A_966, %exp3A_879 : vector<16xf32>
      tpu.vector_store_idx %arg14[%add3A_847, %broadcast_in_dim3A_968], %mul3A_969 : memref<128x32xf32, #tpu.memory_space<vmem>>[vector<16xi32>, vector<16xi32>], vector<16xf32>,
      %broadcast_in_dim3A_970 = arith.constant 15 : i32
      %broadcast_in_dim3A_971 = vector.broadcast %broadcast_in_dim3A_970 : i32 to vector<16xi32>
      %gather3A_972 = tpu.vector_load_idx %arg12[%add3A_847, %broadcast_in_dim3A_971] : memref<128x32xf32, #tpu.memory_space<vmem>>[vector<16xi32>, vector<16xi32>], vector<16xf32>,
      %broadcast_in_dim3A_973 = arith.constant 15 : i32
      %broadcast_in_dim3A_974 = vector.broadcast %broadcast_in_dim3A_973 : i32 to vector<16xi32>
      %mul3A_975 = arith.mulf %gather3A_972, %exp3A_879 : vector<16xf32>
      tpu.vector_store_idx %arg14[%add3A_847, %broadcast_in_dim3A_974], %mul3A_975 : memref<128x32xf32, #tpu.memory_space<vmem>>[vector<16xi32>, vector<16xi32>], vector<16xf32>,
      %broadcast_in_dim3A_976 = arith.constant 16 : i32
      %broadcast_in_dim3A_977 = vector.broadcast %broadcast_in_dim3A_976 : i32 to vector<16xi32>
      %gather3A_978 = tpu.vector_load_idx %arg12[%add3A_847, %broadcast_in_dim3A_977] : memref<128x32xf32, #tpu.memory_space<vmem>>[vector<16xi32>, vector<16xi32>], vector<16xf32>,
      %broadcast_in_dim3A_979 = arith.constant 16 : i32
      %broadcast_in_dim3A_980 = vector.broadcast %broadcast_in_dim3A_979 : i32 to vector<16xi32>
      %mul3A_981 = arith.mulf %gather3A_978, %exp3A_879 : vector<16xf32>
      tpu.vector_store_idx %arg14[%add3A_847, %broadcast_in_dim3A_980], %mul3A_981 : memref<128x32xf32, #tpu.memory_space<vmem>>[vector<16xi32>, vector<16xi32>], vector<16xf32>,
      %broadcast_in_dim3A_982 = arith.constant 17 : i32
      %broadcast_in_dim3A_983 = vector.broadcast %broadcast_in_dim3A_982 : i32 to vector<16xi32>
      %gather3A_984 = tpu.vector_load_idx %arg12[%add3A_847, %broadcast_in_dim3A_983] : memref<128x32xf32, #tpu.memory_space<vmem>>[vector<16xi32>, vector<16xi32>], vector<16xf32>,
      %broadcast_in_dim3A_985 = arith.constant 17 : i32
      %broadcast_in_dim3A_986 = vector.broadcast %broadcast_in_dim3A_985 : i32 to vector<16xi32>
      %mul3A_987 = arith.mulf %gather3A_984, %exp3A_879 : vector<16xf32>
      tpu.vector_store_idx %arg14[%add3A_847, %broadcast_in_dim3A_986], %mul3A_987 : memref<128x32xf32, #tpu.memory_space<vmem>>[vector<16xi32>, vector<16xi32>], vector<16xf32>,
      %broadcast_in_dim3A_988 = arith.constant 18 : i32
      %broadcast_in_dim3A_989 = vector.broadcast %broadcast_in_dim3A_988 : i32 to vector<16xi32>
      %gather3A_990 = tpu.vector_load_idx %arg12[%add3A_847, %broadcast_in_dim3A_989] : memref<128x32xf32, #tpu.memory_space<vmem>>[vector<16xi32>, vector<16xi32>], vector<16xf32>,
      %broadcast_in_dim3A_991 = arith.constant 18 : i32
      %broadcast_in_dim3A_992 = vector.broadcast %broadcast_in_dim3A_991 : i32 to vector<16xi32>
      %mul3A_993 = arith.mulf %gather3A_990, %exp3A_879 : vector<16xf32>
      tpu.vector_store_idx %arg14[%add3A_847, %broadcast_in_dim3A_992], %mul3A_993 : memref<128x32xf32, #tpu.memory_space<vmem>>[vector<16xi32>, vector<16xi32>], vector<16xf32>,
      %broadcast_in_dim3A_994 = arith.constant 19 : i32
      %broadcast_in_dim3A_995 = vector.broadcast %broadcast_in_dim3A_994 : i32 to vector<16xi32>
      %gather3A_996 = tpu.vector_load_idx %arg12[%add3A_847, %broadcast_in_dim3A_995] : memref<128x32xf32, #tpu.memory_space<vmem>>[vector<16xi32>, vector<16xi32>], vector<16xf32>,
      %broadcast_in_dim3A_997 = arith.constant 19 : i32
      %broadcast_in_dim3A_998 = vector.broadcast %broadcast_in_dim3A_997 : i32 to vector<16xi32>
      %mul3A_999 = arith.mulf %gather3A_996, %exp3A_879 : vector<16xf32>
      tpu.vector_store_idx %arg14[%add3A_847, %broadcast_in_dim3A_998], %mul3A_999 : memref<128x32xf32, #tpu.memory_space<vmem>>[vector<16xi32>, vector<16xi32>], vector<16xf32>,
      %broadcast_in_dim3A_1000 = arith.constant 20 : i32
      %broadcast_in_dim3A_1001 = vector.broadcast %broadcast_in_dim3A_1000 : i32 to vector<16xi32>
      tpu.vector_store_idx %arg14[%add3A_847, %broadcast_in_dim3A_1001], %exp3A_869 : memref<128x32xf32, #tpu.memory_space<vmem>>[vector<16xi32>, vector<16xi32>], vector<16xf32>,
      %broadcast_in_dim3A_1002 = arith.constant 21 : i32
      %broadcast_in_dim3A_1003 = vector.broadcast %broadcast_in_dim3A_1002 : i32 to vector<16xi32>
      tpu.vector_store_idx %arg14[%add3A_847, %broadcast_in_dim3A_1003], %exp3A_879 : memref<128x32xf32, #tpu.memory_space<vmem>>[vector<16xi32>, vector<16xi32>], vector<16xf32>,
      %add3A_1004 = arith.constant 96 : i32
      %add3A_1005 = vector.broadcast %add3A_1004 : i32 to vector<16xi32>
      %add3A_1006 = arith.addi %add3A_1005, %iota3A : vector<16xi32>
      %broadcast_in_dim3A_1007 = arith.constant 20 : i32
      %broadcast_in_dim3A_1008 = vector.broadcast %broadcast_in_dim3A_1007 : i32 to vector<16xi32>
      %gather3A_1009 = tpu.vector_load_idx %arg12[%add3A_1006, %broadcast_in_dim3A_1008] : memref<128x32xf32, #tpu.memory_space<vmem>>[vector<16xi32>, vector<16xi32>], vector<16xf32>,
      %broadcast_in_dim3A_1010 = arith.constant 21 : i32
      %broadcast_in_dim3A_1011 = vector.broadcast %broadcast_in_dim3A_1010 : i32 to vector<16xi32>
      %gather3A_1012 = tpu.vector_load_idx %arg12[%add3A_1006, %broadcast_in_dim3A_1011] : memref<128x32xf32, #tpu.memory_space<vmem>>[vector<16xi32>, vector<16xi32>], vector<16xf32>,
      %broadcast_in_dim3A_1013 = arith.constant 0 : i32
      %broadcast_in_dim3A_1014 = vector.broadcast %broadcast_in_dim3A_1013 : i32 to vector<16xi32>
      %gather3A_1015 = tpu.vector_load_idx %arg13[%add3A_1006, %broadcast_in_dim3A_1014] : memref<128x16xf32, #tpu.memory_space<vmem>>[vector<16xi32>, vector<16xi32>], vector<16xf32>,
      %broadcast_in_dim3A_1016 = arith.constant 1 : i32
      %broadcast_in_dim3A_1017 = vector.broadcast %broadcast_in_dim3A_1016 : i32 to vector<16xi32>
      %gather3A_1018 = tpu.vector_load_idx %arg13[%add3A_1006, %broadcast_in_dim3A_1017] : memref<128x16xf32, #tpu.memory_space<vmem>>[vector<16xi32>, vector<16xi32>], vector<16xf32>,
      %add3A_1019 = arith.addf %gather3A_1009, %gather3A_1015 : vector<16xf32>
      %ge3A_1020 = arith.constant 0.000000e+00 : f32
      %ge3A_1021 = vector.broadcast %ge3A_1020 : f32 to vector<16xf32>
      %ge3A_1022 = arith.cmpf oge, %add3A_1019, %ge3A_1021 : vector<16xf32>
      %mul3A_1023 = arith.constant 2.000000e-01 : f32
      %mul3A_1024 = vector.broadcast %mul3A_1023 : f32 to vector<16xf32>
      %mul3A_1025 = arith.mulf %mul3A_1024, %add3A_1019 : vector<16xf32>
      %select_n3A_1026 = arith.select %ge3A_1022, %add3A_1019, %mul3A_1025 : vector<16xi1>, vector<16xf32>
      %sub3A_1027 = arith.subf %select_n3A_1026, %get3A_21 : vector<16xf32>
      %exp3A_1028 = math.exp %sub3A_1027 : vector<16xf32>
      %add3A_1029 = arith.addf %gather3A_1012, %gather3A_1018 : vector<16xf32>
      %ge3A_1030 = arith.constant 0.000000e+00 : f32
      %ge3A_1031 = vector.broadcast %ge3A_1030 : f32 to vector<16xf32>
      %ge3A_1032 = arith.cmpf oge, %add3A_1029, %ge3A_1031 : vector<16xf32>
      %mul3A_1033 = arith.constant 2.000000e-01 : f32
      %mul3A_1034 = vector.broadcast %mul3A_1033 : f32 to vector<16xf32>
      %mul3A_1035 = arith.mulf %mul3A_1034, %add3A_1029 : vector<16xf32>
      %select_n3A_1036 = arith.select %ge3A_1032, %add3A_1029, %mul3A_1035 : vector<16xi1>, vector<16xf32>
      %sub3A_1037 = arith.subf %select_n3A_1036, %get3A_23 : vector<16xf32>
      %exp3A_1038 = math.exp %sub3A_1037 : vector<16xf32>
      %broadcast_in_dim3A_1039 = arith.constant 0 : i32
      %broadcast_in_dim3A_1040 = vector.broadcast %broadcast_in_dim3A_1039 : i32 to vector<16xi32>
      %gather3A_1041 = tpu.vector_load_idx %arg12[%add3A_1006, %broadcast_in_dim3A_1040] : memref<128x32xf32, #tpu.memory_space<vmem>>[vector<16xi32>, vector<16xi32>], vector<16xf32>,
      %broadcast_in_dim3A_1042 = arith.constant 0 : i32
      %broadcast_in_dim3A_1043 = vector.broadcast %broadcast_in_dim3A_1042 : i32 to vector<16xi32>
      %mul3A_1044 = arith.mulf %gather3A_1041, %exp3A_1028 : vector<16xf32>
      tpu.vector_store_idx %arg14[%add3A_1006, %broadcast_in_dim3A_1043], %mul3A_1044 : memref<128x32xf32, #tpu.memory_space<vmem>>[vector<16xi32>, vector<16xi32>], vector<16xf32>,
      %broadcast_in_dim3A_1045 = arith.constant 1 : i32
      %broadcast_in_dim3A_1046 = vector.broadcast %broadcast_in_dim3A_1045 : i32 to vector<16xi32>
      %gather3A_1047 = tpu.vector_load_idx %arg12[%add3A_1006, %broadcast_in_dim3A_1046] : memref<128x32xf32, #tpu.memory_space<vmem>>[vector<16xi32>, vector<16xi32>], vector<16xf32>,
      %broadcast_in_dim3A_1048 = arith.constant 1 : i32
      %broadcast_in_dim3A_1049 = vector.broadcast %broadcast_in_dim3A_1048 : i32 to vector<16xi32>
      %mul3A_1050 = arith.mulf %gather3A_1047, %exp3A_1028 : vector<16xf32>
      tpu.vector_store_idx %arg14[%add3A_1006, %broadcast_in_dim3A_1049], %mul3A_1050 : memref<128x32xf32, #tpu.memory_space<vmem>>[vector<16xi32>, vector<16xi32>], vector<16xf32>,
      %broadcast_in_dim3A_1051 = arith.constant 2 : i32
      %broadcast_in_dim3A_1052 = vector.broadcast %broadcast_in_dim3A_1051 : i32 to vector<16xi32>
      %gather3A_1053 = tpu.vector_load_idx %arg12[%add3A_1006, %broadcast_in_dim3A_1052] : memref<128x32xf32, #tpu.memory_space<vmem>>[vector<16xi32>, vector<16xi32>], vector<16xf32>,
      %broadcast_in_dim3A_1054 = arith.constant 2 : i32
      %broadcast_in_dim3A_1055 = vector.broadcast %broadcast_in_dim3A_1054 : i32 to vector<16xi32>
      %mul3A_1056 = arith.mulf %gather3A_1053, %exp3A_1028 : vector<16xf32>
      tpu.vector_store_idx %arg14[%add3A_1006, %broadcast_in_dim3A_1055], %mul3A_1056 : memref<128x32xf32, #tpu.memory_space<vmem>>[vector<16xi32>, vector<16xi32>], vector<16xf32>,
      %broadcast_in_dim3A_1057 = arith.constant 3 : i32
      %broadcast_in_dim3A_1058 = vector.broadcast %broadcast_in_dim3A_1057 : i32 to vector<16xi32>
      %gather3A_1059 = tpu.vector_load_idx %arg12[%add3A_1006, %broadcast_in_dim3A_1058] : memref<128x32xf32, #tpu.memory_space<vmem>>[vector<16xi32>, vector<16xi32>], vector<16xf32>,
      %broadcast_in_dim3A_1060 = arith.constant 3 : i32
      %broadcast_in_dim3A_1061 = vector.broadcast %broadcast_in_dim3A_1060 : i32 to vector<16xi32>
      %mul3A_1062 = arith.mulf %gather3A_1059, %exp3A_1028 : vector<16xf32>
      tpu.vector_store_idx %arg14[%add3A_1006, %broadcast_in_dim3A_1061], %mul3A_1062 : memref<128x32xf32, #tpu.memory_space<vmem>>[vector<16xi32>, vector<16xi32>], vector<16xf32>,
      %broadcast_in_dim3A_1063 = arith.constant 4 : i32
      %broadcast_in_dim3A_1064 = vector.broadcast %broadcast_in_dim3A_1063 : i32 to vector<16xi32>
      %gather3A_1065 = tpu.vector_load_idx %arg12[%add3A_1006, %broadcast_in_dim3A_1064] : memref<128x32xf32, #tpu.memory_space<vmem>>[vector<16xi32>, vector<16xi32>], vector<16xf32>,
      %broadcast_in_dim3A_1066 = arith.constant 4 : i32
      %broadcast_in_dim3A_1067 = vector.broadcast %broadcast_in_dim3A_1066 : i32 to vector<16xi32>
      %mul3A_1068 = arith.mulf %gather3A_1065, %exp3A_1028 : vector<16xf32>
      tpu.vector_store_idx %arg14[%add3A_1006, %broadcast_in_dim3A_1067], %mul3A_1068 : memref<128x32xf32, #tpu.memory_space<vmem>>[vector<16xi32>, vector<16xi32>], vector<16xf32>,
      %broadcast_in_dim3A_1069 = arith.constant 5 : i32
      %broadcast_in_dim3A_1070 = vector.broadcast %broadcast_in_dim3A_1069 : i32 to vector<16xi32>
      %gather3A_1071 = tpu.vector_load_idx %arg12[%add3A_1006, %broadcast_in_dim3A_1070] : memref<128x32xf32, #tpu.memory_space<vmem>>[vector<16xi32>, vector<16xi32>], vector<16xf32>,
      %broadcast_in_dim3A_1072 = arith.constant 5 : i32
      %broadcast_in_dim3A_1073 = vector.broadcast %broadcast_in_dim3A_1072 : i32 to vector<16xi32>
      %mul3A_1074 = arith.mulf %gather3A_1071, %exp3A_1028 : vector<16xf32>
      tpu.vector_store_idx %arg14[%add3A_1006, %broadcast_in_dim3A_1073], %mul3A_1074 : memref<128x32xf32, #tpu.memory_space<vmem>>[vector<16xi32>, vector<16xi32>], vector<16xf32>,
      %broadcast_in_dim3A_1075 = arith.constant 6 : i32
      %broadcast_in_dim3A_1076 = vector.broadcast %broadcast_in_dim3A_1075 : i32 to vector<16xi32>
      %gather3A_1077 = tpu.vector_load_idx %arg12[%add3A_1006, %broadcast_in_dim3A_1076] : memref<128x32xf32, #tpu.memory_space<vmem>>[vector<16xi32>, vector<16xi32>], vector<16xf32>,
      %broadcast_in_dim3A_1078 = arith.constant 6 : i32
      %broadcast_in_dim3A_1079 = vector.broadcast %broadcast_in_dim3A_1078 : i32 to vector<16xi32>
      %mul3A_1080 = arith.mulf %gather3A_1077, %exp3A_1028 : vector<16xf32>
      tpu.vector_store_idx %arg14[%add3A_1006, %broadcast_in_dim3A_1079], %mul3A_1080 : memref<128x32xf32, #tpu.memory_space<vmem>>[vector<16xi32>, vector<16xi32>], vector<16xf32>,
      %broadcast_in_dim3A_1081 = arith.constant 7 : i32
      %broadcast_in_dim3A_1082 = vector.broadcast %broadcast_in_dim3A_1081 : i32 to vector<16xi32>
      %gather3A_1083 = tpu.vector_load_idx %arg12[%add3A_1006, %broadcast_in_dim3A_1082] : memref<128x32xf32, #tpu.memory_space<vmem>>[vector<16xi32>, vector<16xi32>], vector<16xf32>,
      %broadcast_in_dim3A_1084 = arith.constant 7 : i32
      %broadcast_in_dim3A_1085 = vector.broadcast %broadcast_in_dim3A_1084 : i32 to vector<16xi32>
      %mul3A_1086 = arith.mulf %gather3A_1083, %exp3A_1028 : vector<16xf32>
      tpu.vector_store_idx %arg14[%add3A_1006, %broadcast_in_dim3A_1085], %mul3A_1086 : memref<128x32xf32, #tpu.memory_space<vmem>>[vector<16xi32>, vector<16xi32>], vector<16xf32>,
      %broadcast_in_dim3A_1087 = arith.constant 8 : i32
      %broadcast_in_dim3A_1088 = vector.broadcast %broadcast_in_dim3A_1087 : i32 to vector<16xi32>
      %gather3A_1089 = tpu.vector_load_idx %arg12[%add3A_1006, %broadcast_in_dim3A_1088] : memref<128x32xf32, #tpu.memory_space<vmem>>[vector<16xi32>, vector<16xi32>], vector<16xf32>,
      %broadcast_in_dim3A_1090 = arith.constant 8 : i32
      %broadcast_in_dim3A_1091 = vector.broadcast %broadcast_in_dim3A_1090 : i32 to vector<16xi32>
      %mul3A_1092 = arith.mulf %gather3A_1089, %exp3A_1028 : vector<16xf32>
      tpu.vector_store_idx %arg14[%add3A_1006, %broadcast_in_dim3A_1091], %mul3A_1092 : memref<128x32xf32, #tpu.memory_space<vmem>>[vector<16xi32>, vector<16xi32>], vector<16xf32>,
      %broadcast_in_dim3A_1093 = arith.constant 9 : i32
      %broadcast_in_dim3A_1094 = vector.broadcast %broadcast_in_dim3A_1093 : i32 to vector<16xi32>
      %gather3A_1095 = tpu.vector_load_idx %arg12[%add3A_1006, %broadcast_in_dim3A_1094] : memref<128x32xf32, #tpu.memory_space<vmem>>[vector<16xi32>, vector<16xi32>], vector<16xf32>,
      %broadcast_in_dim3A_1096 = arith.constant 9 : i32
      %broadcast_in_dim3A_1097 = vector.broadcast %broadcast_in_dim3A_1096 : i32 to vector<16xi32>
      %mul3A_1098 = arith.mulf %gather3A_1095, %exp3A_1028 : vector<16xf32>
      tpu.vector_store_idx %arg14[%add3A_1006, %broadcast_in_dim3A_1097], %mul3A_1098 : memref<128x32xf32, #tpu.memory_space<vmem>>[vector<16xi32>, vector<16xi32>], vector<16xf32>,
      %broadcast_in_dim3A_1099 = arith.constant 10 : i32
      %broadcast_in_dim3A_1100 = vector.broadcast %broadcast_in_dim3A_1099 : i32 to vector<16xi32>
      %gather3A_1101 = tpu.vector_load_idx %arg12[%add3A_1006, %broadcast_in_dim3A_1100] : memref<128x32xf32, #tpu.memory_space<vmem>>[vector<16xi32>, vector<16xi32>], vector<16xf32>,
      %broadcast_in_dim3A_1102 = arith.constant 10 : i32
      %broadcast_in_dim3A_1103 = vector.broadcast %broadcast_in_dim3A_1102 : i32 to vector<16xi32>
      %mul3A_1104 = arith.mulf %gather3A_1101, %exp3A_1038 : vector<16xf32>
      tpu.vector_store_idx %arg14[%add3A_1006, %broadcast_in_dim3A_1103], %mul3A_1104 : memref<128x32xf32, #tpu.memory_space<vmem>>[vector<16xi32>, vector<16xi32>], vector<16xf32>,
      %broadcast_in_dim3A_1105 = arith.constant 11 : i32
      %broadcast_in_dim3A_1106 = vector.broadcast %broadcast_in_dim3A_1105 : i32 to vector<16xi32>
      %gather3A_1107 = tpu.vector_load_idx %arg12[%add3A_1006, %broadcast_in_dim3A_1106] : memref<128x32xf32, #tpu.memory_space<vmem>>[vector<16xi32>, vector<16xi32>], vector<16xf32>,
      %broadcast_in_dim3A_1108 = arith.constant 11 : i32
      %broadcast_in_dim3A_1109 = vector.broadcast %broadcast_in_dim3A_1108 : i32 to vector<16xi32>
      %mul3A_1110 = arith.mulf %gather3A_1107, %exp3A_1038 : vector<16xf32>
      tpu.vector_store_idx %arg14[%add3A_1006, %broadcast_in_dim3A_1109], %mul3A_1110 : memref<128x32xf32, #tpu.memory_space<vmem>>[vector<16xi32>, vector<16xi32>], vector<16xf32>,
      %broadcast_in_dim3A_1111 = arith.constant 12 : i32
      %broadcast_in_dim3A_1112 = vector.broadcast %broadcast_in_dim3A_1111 : i32 to vector<16xi32>
      %gather3A_1113 = tpu.vector_load_idx %arg12[%add3A_1006, %broadcast_in_dim3A_1112] : memref<128x32xf32, #tpu.memory_space<vmem>>[vector<16xi32>, vector<16xi32>], vector<16xf32>,
      %broadcast_in_dim3A_1114 = arith.constant 12 : i32
      %broadcast_in_dim3A_1115 = vector.broadcast %broadcast_in_dim3A_1114 : i32 to vector<16xi32>
      %mul3A_1116 = arith.mulf %gather3A_1113, %exp3A_1038 : vector<16xf32>
      tpu.vector_store_idx %arg14[%add3A_1006, %broadcast_in_dim3A_1115], %mul3A_1116 : memref<128x32xf32, #tpu.memory_space<vmem>>[vector<16xi32>, vector<16xi32>], vector<16xf32>,
      %broadcast_in_dim3A_1117 = arith.constant 13 : i32
      %broadcast_in_dim3A_1118 = vector.broadcast %broadcast_in_dim3A_1117 : i32 to vector<16xi32>
      %gather3A_1119 = tpu.vector_load_idx %arg12[%add3A_1006, %broadcast_in_dim3A_1118] : memref<128x32xf32, #tpu.memory_space<vmem>>[vector<16xi32>, vector<16xi32>], vector<16xf32>,
      %broadcast_in_dim3A_1120 = arith.constant 13 : i32
      %broadcast_in_dim3A_1121 = vector.broadcast %broadcast_in_dim3A_1120 : i32 to vector<16xi32>
      %mul3A_1122 = arith.mulf %gather3A_1119, %exp3A_1038 : vector<16xf32>
      tpu.vector_store_idx %arg14[%add3A_1006, %broadcast_in_dim3A_1121], %mul3A_1122 : memref<128x32xf32, #tpu.memory_space<vmem>>[vector<16xi32>, vector<16xi32>], vector<16xf32>,
      %broadcast_in_dim3A_1123 = arith.constant 14 : i32
      %broadcast_in_dim3A_1124 = vector.broadcast %broadcast_in_dim3A_1123 : i32 to vector<16xi32>
      %gather3A_1125 = tpu.vector_load_idx %arg12[%add3A_1006, %broadcast_in_dim3A_1124] : memref<128x32xf32, #tpu.memory_space<vmem>>[vector<16xi32>, vector<16xi32>], vector<16xf32>,
      %broadcast_in_dim3A_1126 = arith.constant 14 : i32
      %broadcast_in_dim3A_1127 = vector.broadcast %broadcast_in_dim3A_1126 : i32 to vector<16xi32>
      %mul3A_1128 = arith.mulf %gather3A_1125, %exp3A_1038 : vector<16xf32>
      tpu.vector_store_idx %arg14[%add3A_1006, %broadcast_in_dim3A_1127], %mul3A_1128 : memref<128x32xf32, #tpu.memory_space<vmem>>[vector<16xi32>, vector<16xi32>], vector<16xf32>,
      %broadcast_in_dim3A_1129 = arith.constant 15 : i32
      %broadcast_in_dim3A_1130 = vector.broadcast %broadcast_in_dim3A_1129 : i32 to vector<16xi32>
      %gather3A_1131 = tpu.vector_load_idx %arg12[%add3A_1006, %broadcast_in_dim3A_1130] : memref<128x32xf32, #tpu.memory_space<vmem>>[vector<16xi32>, vector<16xi32>], vector<16xf32>,
      %broadcast_in_dim3A_1132 = arith.constant 15 : i32
      %broadcast_in_dim3A_1133 = vector.broadcast %broadcast_in_dim3A_1132 : i32 to vector<16xi32>
      %mul3A_1134 = arith.mulf %gather3A_1131, %exp3A_1038 : vector<16xf32>
      tpu.vector_store_idx %arg14[%add3A_1006, %broadcast_in_dim3A_1133], %mul3A_1134 : memref<128x32xf32, #tpu.memory_space<vmem>>[vector<16xi32>, vector<16xi32>], vector<16xf32>,
      %broadcast_in_dim3A_1135 = arith.constant 16 : i32
      %broadcast_in_dim3A_1136 = vector.broadcast %broadcast_in_dim3A_1135 : i32 to vector<16xi32>
      %gather3A_1137 = tpu.vector_load_idx %arg12[%add3A_1006, %broadcast_in_dim3A_1136] : memref<128x32xf32, #tpu.memory_space<vmem>>[vector<16xi32>, vector<16xi32>], vector<16xf32>,
      %broadcast_in_dim3A_1138 = arith.constant 16 : i32
      %broadcast_in_dim3A_1139 = vector.broadcast %broadcast_in_dim3A_1138 : i32 to vector<16xi32>
      %mul3A_1140 = arith.mulf %gather3A_1137, %exp3A_1038 : vector<16xf32>
      tpu.vector_store_idx %arg14[%add3A_1006, %broadcast_in_dim3A_1139], %mul3A_1140 : memref<128x32xf32, #tpu.memory_space<vmem>>[vector<16xi32>, vector<16xi32>], vector<16xf32>,
      %broadcast_in_dim3A_1141 = arith.constant 17 : i32
      %broadcast_in_dim3A_1142 = vector.broadcast %broadcast_in_dim3A_1141 : i32 to vector<16xi32>
      %gather3A_1143 = tpu.vector_load_idx %arg12[%add3A_1006, %broadcast_in_dim3A_1142] : memref<128x32xf32, #tpu.memory_space<vmem>>[vector<16xi32>, vector<16xi32>], vector<16xf32>,
      %broadcast_in_dim3A_1144 = arith.constant 17 : i32
      %broadcast_in_dim3A_1145 = vector.broadcast %broadcast_in_dim3A_1144 : i32 to vector<16xi32>
      %mul3A_1146 = arith.mulf %gather3A_1143, %exp3A_1038 : vector<16xf32>
      tpu.vector_store_idx %arg14[%add3A_1006, %broadcast_in_dim3A_1145], %mul3A_1146 : memref<128x32xf32, #tpu.memory_space<vmem>>[vector<16xi32>, vector<16xi32>], vector<16xf32>,
      %broadcast_in_dim3A_1147 = arith.constant 18 : i32
      %broadcast_in_dim3A_1148 = vector.broadcast %broadcast_in_dim3A_1147 : i32 to vector<16xi32>
      %gather3A_1149 = tpu.vector_load_idx %arg12[%add3A_1006, %broadcast_in_dim3A_1148] : memref<128x32xf32, #tpu.memory_space<vmem>>[vector<16xi32>, vector<16xi32>], vector<16xf32>,
      %broadcast_in_dim3A_1150 = arith.constant 18 : i32
      %broadcast_in_dim3A_1151 = vector.broadcast %broadcast_in_dim3A_1150 : i32 to vector<16xi32>
      %mul3A_1152 = arith.mulf %gather3A_1149, %exp3A_1038 : vector<16xf32>
      tpu.vector_store_idx %arg14[%add3A_1006, %broadcast_in_dim3A_1151], %mul3A_1152 : memref<128x32xf32, #tpu.memory_space<vmem>>[vector<16xi32>, vector<16xi32>], vector<16xf32>,
      %broadcast_in_dim3A_1153 = arith.constant 19 : i32
      %broadcast_in_dim3A_1154 = vector.broadcast %broadcast_in_dim3A_1153 : i32 to vector<16xi32>
      %gather3A_1155 = tpu.vector_load_idx %arg12[%add3A_1006, %broadcast_in_dim3A_1154] : memref<128x32xf32, #tpu.memory_space<vmem>>[vector<16xi32>, vector<16xi32>], vector<16xf32>,
      %broadcast_in_dim3A_1156 = arith.constant 19 : i32
      %broadcast_in_dim3A_1157 = vector.broadcast %broadcast_in_dim3A_1156 : i32 to vector<16xi32>
      %mul3A_1158 = arith.mulf %gather3A_1155, %exp3A_1038 : vector<16xf32>
      tpu.vector_store_idx %arg14[%add3A_1006, %broadcast_in_dim3A_1157], %mul3A_1158 : memref<128x32xf32, #tpu.memory_space<vmem>>[vector<16xi32>, vector<16xi32>], vector<16xf32>,
      %broadcast_in_dim3A_1159 = arith.constant 20 : i32
      %broadcast_in_dim3A_1160 = vector.broadcast %broadcast_in_dim3A_1159 : i32 to vector<16xi32>
      tpu.vector_store_idx %arg14[%add3A_1006, %broadcast_in_dim3A_1160], %exp3A_1028 : memref<128x32xf32, #tpu.memory_space<vmem>>[vector<16xi32>, vector<16xi32>], vector<16xf32>,
      %broadcast_in_dim3A_1161 = arith.constant 21 : i32
      %broadcast_in_dim3A_1162 = vector.broadcast %broadcast_in_dim3A_1161 : i32 to vector<16xi32>
      tpu.vector_store_idx %arg14[%add3A_1006, %broadcast_in_dim3A_1162], %exp3A_1038 : memref<128x32xf32, #tpu.memory_space<vmem>>[vector<16xi32>, vector<16xi32>], vector<16xf32>,
      %add3A_1163 = arith.constant 112 : i32
      %add3A_1164 = vector.broadcast %add3A_1163 : i32 to vector<16xi32>
      %add3A_1165 = arith.addi %add3A_1164, %iota3A : vector<16xi32>
      %broadcast_in_dim3A_1166 = arith.constant 20 : i32
      %broadcast_in_dim3A_1167 = vector.broadcast %broadcast_in_dim3A_1166 : i32 to vector<16xi32>
      %gather3A_1168 = tpu.vector_load_idx %arg12[%add3A_1165, %broadcast_in_dim3A_1167] : memref<128x32xf32, #tpu.memory_space<vmem>>[vector<16xi32>, vector<16xi32>], vector<16xf32>,
      %broadcast_in_dim3A_1169 = arith.constant 21 : i32
      %broadcast_in_dim3A_1170 = vector.broadcast %broadcast_in_dim3A_1169 : i32 to vector<16xi32>
      %gather3A_1171 = tpu.vector_load_idx %arg12[%add3A_1165, %broadcast_in_dim3A_1170] : memref<128x32xf32, #tpu.memory_space<vmem>>[vector<16xi32>, vector<16xi32>], vector<16xf32>,
      %broadcast_in_dim3A_1172 = arith.constant 0 : i32
      %broadcast_in_dim3A_1173 = vector.broadcast %broadcast_in_dim3A_1172 : i32 to vector<16xi32>
      %gather3A_1174 = tpu.vector_load_idx %arg13[%add3A_1165, %broadcast_in_dim3A_1173] : memref<128x16xf32, #tpu.memory_space<vmem>>[vector<16xi32>, vector<16xi32>], vector<16xf32>,
      %broadcast_in_dim3A_1175 = arith.constant 1 : i32
      %broadcast_in_dim3A_1176 = vector.broadcast %broadcast_in_dim3A_1175 : i32 to vector<16xi32>
      %gather3A_1177 = tpu.vector_load_idx %arg13[%add3A_1165, %broadcast_in_dim3A_1176] : memref<128x16xf32, #tpu.memory_space<vmem>>[vector<16xi32>, vector<16xi32>], vector<16xf32>,
      %add3A_1178 = arith.addf %gather3A_1168, %gather3A_1174 : vector<16xf32>
      %ge3A_1179 = arith.constant 0.000000e+00 : f32
      %ge3A_1180 = vector.broadcast %ge3A_1179 : f32 to vector<16xf32>
      %ge3A_1181 = arith.cmpf oge, %add3A_1178, %ge3A_1180 : vector<16xf32>
      %mul3A_1182 = arith.constant 2.000000e-01 : f32
      %mul3A_1183 = vector.broadcast %mul3A_1182 : f32 to vector<16xf32>
      %mul3A_1184 = arith.mulf %mul3A_1183, %add3A_1178 : vector<16xf32>
      %select_n3A_1185 = arith.select %ge3A_1181, %add3A_1178, %mul3A_1184 : vector<16xi1>, vector<16xf32>
      %sub3A_1186 = arith.subf %select_n3A_1185, %get3A_21 : vector<16xf32>
      %exp3A_1187 = math.exp %sub3A_1186 : vector<16xf32>
      %add3A_1188 = arith.addf %gather3A_1171, %gather3A_1177 : vector<16xf32>
      %ge3A_1189 = arith.constant 0.000000e+00 : f32
      %ge3A_1190 = vector.broadcast %ge3A_1189 : f32 to vector<16xf32>
      %ge3A_1191 = arith.cmpf oge, %add3A_1188, %ge3A_1190 : vector<16xf32>
      %mul3A_1192 = arith.constant 2.000000e-01 : f32
      %mul3A_1193 = vector.broadcast %mul3A_1192 : f32 to vector<16xf32>
      %mul3A_1194 = arith.mulf %mul3A_1193, %add3A_1188 : vector<16xf32>
      %select_n3A_1195 = arith.select %ge3A_1191, %add3A_1188, %mul3A_1194 : vector<16xi1>, vector<16xf32>
      %sub3A_1196 = arith.subf %select_n3A_1195, %get3A_23 : vector<16xf32>
      %exp3A_1197 = math.exp %sub3A_1196 : vector<16xf32>
      %broadcast_in_dim3A_1198 = arith.constant 0 : i32
      %broadcast_in_dim3A_1199 = vector.broadcast %broadcast_in_dim3A_1198 : i32 to vector<16xi32>
      %gather3A_1200 = tpu.vector_load_idx %arg12[%add3A_1165, %broadcast_in_dim3A_1199] : memref<128x32xf32, #tpu.memory_space<vmem>>[vector<16xi32>, vector<16xi32>], vector<16xf32>,
      %broadcast_in_dim3A_1201 = arith.constant 0 : i32
      %broadcast_in_dim3A_1202 = vector.broadcast %broadcast_in_dim3A_1201 : i32 to vector<16xi32>
      %mul3A_1203 = arith.mulf %gather3A_1200, %exp3A_1187 : vector<16xf32>
      tpu.vector_store_idx %arg14[%add3A_1165, %broadcast_in_dim3A_1202], %mul3A_1203 : memref<128x32xf32, #tpu.memory_space<vmem>>[vector<16xi32>, vector<16xi32>], vector<16xf32>,
      %broadcast_in_dim3A_1204 = arith.constant 1 : i32
      %broadcast_in_dim3A_1205 = vector.broadcast %broadcast_in_dim3A_1204 : i32 to vector<16xi32>
      %gather3A_1206 = tpu.vector_load_idx %arg12[%add3A_1165, %broadcast_in_dim3A_1205] : memref<128x32xf32, #tpu.memory_space<vmem>>[vector<16xi32>, vector<16xi32>], vector<16xf32>,
      %broadcast_in_dim3A_1207 = arith.constant 1 : i32
      %broadcast_in_dim3A_1208 = vector.broadcast %broadcast_in_dim3A_1207 : i32 to vector<16xi32>
      %mul3A_1209 = arith.mulf %gather3A_1206, %exp3A_1187 : vector<16xf32>
      tpu.vector_store_idx %arg14[%add3A_1165, %broadcast_in_dim3A_1208], %mul3A_1209 : memref<128x32xf32, #tpu.memory_space<vmem>>[vector<16xi32>, vector<16xi32>], vector<16xf32>,
      %broadcast_in_dim3A_1210 = arith.constant 2 : i32
      %broadcast_in_dim3A_1211 = vector.broadcast %broadcast_in_dim3A_1210 : i32 to vector<16xi32>
      %gather3A_1212 = tpu.vector_load_idx %arg12[%add3A_1165, %broadcast_in_dim3A_1211] : memref<128x32xf32, #tpu.memory_space<vmem>>[vector<16xi32>, vector<16xi32>], vector<16xf32>,
      %broadcast_in_dim3A_1213 = arith.constant 2 : i32
      %broadcast_in_dim3A_1214 = vector.broadcast %broadcast_in_dim3A_1213 : i32 to vector<16xi32>
      %mul3A_1215 = arith.mulf %gather3A_1212, %exp3A_1187 : vector<16xf32>
      tpu.vector_store_idx %arg14[%add3A_1165, %broadcast_in_dim3A_1214], %mul3A_1215 : memref<128x32xf32, #tpu.memory_space<vmem>>[vector<16xi32>, vector<16xi32>], vector<16xf32>,
      %broadcast_in_dim3A_1216 = arith.constant 3 : i32
      %broadcast_in_dim3A_1217 = vector.broadcast %broadcast_in_dim3A_1216 : i32 to vector<16xi32>
      %gather3A_1218 = tpu.vector_load_idx %arg12[%add3A_1165, %broadcast_in_dim3A_1217] : memref<128x32xf32, #tpu.memory_space<vmem>>[vector<16xi32>, vector<16xi32>], vector<16xf32>,
      %broadcast_in_dim3A_1219 = arith.constant 3 : i32
      %broadcast_in_dim3A_1220 = vector.broadcast %broadcast_in_dim3A_1219 : i32 to vector<16xi32>
      %mul3A_1221 = arith.mulf %gather3A_1218, %exp3A_1187 : vector<16xf32>
      tpu.vector_store_idx %arg14[%add3A_1165, %broadcast_in_dim3A_1220], %mul3A_1221 : memref<128x32xf32, #tpu.memory_space<vmem>>[vector<16xi32>, vector<16xi32>], vector<16xf32>,
      %broadcast_in_dim3A_1222 = arith.constant 4 : i32
      %broadcast_in_dim3A_1223 = vector.broadcast %broadcast_in_dim3A_1222 : i32 to vector<16xi32>
      %gather3A_1224 = tpu.vector_load_idx %arg12[%add3A_1165, %broadcast_in_dim3A_1223] : memref<128x32xf32, #tpu.memory_space<vmem>>[vector<16xi32>, vector<16xi32>], vector<16xf32>,
      %broadcast_in_dim3A_1225 = arith.constant 4 : i32
      %broadcast_in_dim3A_1226 = vector.broadcast %broadcast_in_dim3A_1225 : i32 to vector<16xi32>
      %mul3A_1227 = arith.mulf %gather3A_1224, %exp3A_1187 : vector<16xf32>
      tpu.vector_store_idx %arg14[%add3A_1165, %broadcast_in_dim3A_1226], %mul3A_1227 : memref<128x32xf32, #tpu.memory_space<vmem>>[vector<16xi32>, vector<16xi32>], vector<16xf32>,
      %broadcast_in_dim3A_1228 = arith.constant 5 : i32
      %broadcast_in_dim3A_1229 = vector.broadcast %broadcast_in_dim3A_1228 : i32 to vector<16xi32>
      %gather3A_1230 = tpu.vector_load_idx %arg12[%add3A_1165, %broadcast_in_dim3A_1229] : memref<128x32xf32, #tpu.memory_space<vmem>>[vector<16xi32>, vector<16xi32>], vector<16xf32>,
      %broadcast_in_dim3A_1231 = arith.constant 5 : i32
      %broadcast_in_dim3A_1232 = vector.broadcast %broadcast_in_dim3A_1231 : i32 to vector<16xi32>
      %mul3A_1233 = arith.mulf %gather3A_1230, %exp3A_1187 : vector<16xf32>
      tpu.vector_store_idx %arg14[%add3A_1165, %broadcast_in_dim3A_1232], %mul3A_1233 : memref<128x32xf32, #tpu.memory_space<vmem>>[vector<16xi32>, vector<16xi32>], vector<16xf32>,
      %broadcast_in_dim3A_1234 = arith.constant 6 : i32
      %broadcast_in_dim3A_1235 = vector.broadcast %broadcast_in_dim3A_1234 : i32 to vector<16xi32>
      %gather3A_1236 = tpu.vector_load_idx %arg12[%add3A_1165, %broadcast_in_dim3A_1235] : memref<128x32xf32, #tpu.memory_space<vmem>>[vector<16xi32>, vector<16xi32>], vector<16xf32>,
      %broadcast_in_dim3A_1237 = arith.constant 6 : i32
      %broadcast_in_dim3A_1238 = vector.broadcast %broadcast_in_dim3A_1237 : i32 to vector<16xi32>
      %mul3A_1239 = arith.mulf %gather3A_1236, %exp3A_1187 : vector<16xf32>
      tpu.vector_store_idx %arg14[%add3A_1165, %broadcast_in_dim3A_1238], %mul3A_1239 : memref<128x32xf32, #tpu.memory_space<vmem>>[vector<16xi32>, vector<16xi32>], vector<16xf32>,
      %broadcast_in_dim3A_1240 = arith.constant 7 : i32
      %broadcast_in_dim3A_1241 = vector.broadcast %broadcast_in_dim3A_1240 : i32 to vector<16xi32>
      %gather3A_1242 = tpu.vector_load_idx %arg12[%add3A_1165, %broadcast_in_dim3A_1241] : memref<128x32xf32, #tpu.memory_space<vmem>>[vector<16xi32>, vector<16xi32>], vector<16xf32>,
      %broadcast_in_dim3A_1243 = arith.constant 7 : i32
      %broadcast_in_dim3A_1244 = vector.broadcast %broadcast_in_dim3A_1243 : i32 to vector<16xi32>
      %mul3A_1245 = arith.mulf %gather3A_1242, %exp3A_1187 : vector<16xf32>
      tpu.vector_store_idx %arg14[%add3A_1165, %broadcast_in_dim3A_1244], %mul3A_1245 : memref<128x32xf32, #tpu.memory_space<vmem>>[vector<16xi32>, vector<16xi32>], vector<16xf32>,
      %broadcast_in_dim3A_1246 = arith.constant 8 : i32
      %broadcast_in_dim3A_1247 = vector.broadcast %broadcast_in_dim3A_1246 : i32 to vector<16xi32>
      %gather3A_1248 = tpu.vector_load_idx %arg12[%add3A_1165, %broadcast_in_dim3A_1247] : memref<128x32xf32, #tpu.memory_space<vmem>>[vector<16xi32>, vector<16xi32>], vector<16xf32>,
      %broadcast_in_dim3A_1249 = arith.constant 8 : i32
      %broadcast_in_dim3A_1250 = vector.broadcast %broadcast_in_dim3A_1249 : i32 to vector<16xi32>
      %mul3A_1251 = arith.mulf %gather3A_1248, %exp3A_1187 : vector<16xf32>
      tpu.vector_store_idx %arg14[%add3A_1165, %broadcast_in_dim3A_1250], %mul3A_1251 : memref<128x32xf32, #tpu.memory_space<vmem>>[vector<16xi32>, vector<16xi32>], vector<16xf32>,
      %broadcast_in_dim3A_1252 = arith.constant 9 : i32
      %broadcast_in_dim3A_1253 = vector.broadcast %broadcast_in_dim3A_1252 : i32 to vector<16xi32>
      %gather3A_1254 = tpu.vector_load_idx %arg12[%add3A_1165, %broadcast_in_dim3A_1253] : memref<128x32xf32, #tpu.memory_space<vmem>>[vector<16xi32>, vector<16xi32>], vector<16xf32>,
      %broadcast_in_dim3A_1255 = arith.constant 9 : i32
      %broadcast_in_dim3A_1256 = vector.broadcast %broadcast_in_dim3A_1255 : i32 to vector<16xi32>
      %mul3A_1257 = arith.mulf %gather3A_1254, %exp3A_1187 : vector<16xf32>
      tpu.vector_store_idx %arg14[%add3A_1165, %broadcast_in_dim3A_1256], %mul3A_1257 : memref<128x32xf32, #tpu.memory_space<vmem>>[vector<16xi32>, vector<16xi32>], vector<16xf32>,
      %broadcast_in_dim3A_1258 = arith.constant 10 : i32
      %broadcast_in_dim3A_1259 = vector.broadcast %broadcast_in_dim3A_1258 : i32 to vector<16xi32>
      %gather3A_1260 = tpu.vector_load_idx %arg12[%add3A_1165, %broadcast_in_dim3A_1259] : memref<128x32xf32, #tpu.memory_space<vmem>>[vector<16xi32>, vector<16xi32>], vector<16xf32>,
      %broadcast_in_dim3A_1261 = arith.constant 10 : i32
      %broadcast_in_dim3A_1262 = vector.broadcast %broadcast_in_dim3A_1261 : i32 to vector<16xi32>
      %mul3A_1263 = arith.mulf %gather3A_1260, %exp3A_1197 : vector<16xf32>
      tpu.vector_store_idx %arg14[%add3A_1165, %broadcast_in_dim3A_1262], %mul3A_1263 : memref<128x32xf32, #tpu.memory_space<vmem>>[vector<16xi32>, vector<16xi32>], vector<16xf32>,
      %broadcast_in_dim3A_1264 = arith.constant 11 : i32
      %broadcast_in_dim3A_1265 = vector.broadcast %broadcast_in_dim3A_1264 : i32 to vector<16xi32>
      %gather3A_1266 = tpu.vector_load_idx %arg12[%add3A_1165, %broadcast_in_dim3A_1265] : memref<128x32xf32, #tpu.memory_space<vmem>>[vector<16xi32>, vector<16xi32>], vector<16xf32>,
      %broadcast_in_dim3A_1267 = arith.constant 11 : i32
      %broadcast_in_dim3A_1268 = vector.broadcast %broadcast_in_dim3A_1267 : i32 to vector<16xi32>
      %mul3A_1269 = arith.mulf %gather3A_1266, %exp3A_1197 : vector<16xf32>
      tpu.vector_store_idx %arg14[%add3A_1165, %broadcast_in_dim3A_1268], %mul3A_1269 : memref<128x32xf32, #tpu.memory_space<vmem>>[vector<16xi32>, vector<16xi32>], vector<16xf32>,
      %broadcast_in_dim3A_1270 = arith.constant 12 : i32
      %broadcast_in_dim3A_1271 = vector.broadcast %broadcast_in_dim3A_1270 : i32 to vector<16xi32>
      %gather3A_1272 = tpu.vector_load_idx %arg12[%add3A_1165, %broadcast_in_dim3A_1271] : memref<128x32xf32, #tpu.memory_space<vmem>>[vector<16xi32>, vector<16xi32>], vector<16xf32>,
      %broadcast_in_dim3A_1273 = arith.constant 12 : i32
      %broadcast_in_dim3A_1274 = vector.broadcast %broadcast_in_dim3A_1273 : i32 to vector<16xi32>
      %mul3A_1275 = arith.mulf %gather3A_1272, %exp3A_1197 : vector<16xf32>
      tpu.vector_store_idx %arg14[%add3A_1165, %broadcast_in_dim3A_1274], %mul3A_1275 : memref<128x32xf32, #tpu.memory_space<vmem>>[vector<16xi32>, vector<16xi32>], vector<16xf32>,
      %broadcast_in_dim3A_1276 = arith.constant 13 : i32
      %broadcast_in_dim3A_1277 = vector.broadcast %broadcast_in_dim3A_1276 : i32 to vector<16xi32>
      %gather3A_1278 = tpu.vector_load_idx %arg12[%add3A_1165, %broadcast_in_dim3A_1277] : memref<128x32xf32, #tpu.memory_space<vmem>>[vector<16xi32>, vector<16xi32>], vector<16xf32>,
      %broadcast_in_dim3A_1279 = arith.constant 13 : i32
      %broadcast_in_dim3A_1280 = vector.broadcast %broadcast_in_dim3A_1279 : i32 to vector<16xi32>
      %mul3A_1281 = arith.mulf %gather3A_1278, %exp3A_1197 : vector<16xf32>
      tpu.vector_store_idx %arg14[%add3A_1165, %broadcast_in_dim3A_1280], %mul3A_1281 : memref<128x32xf32, #tpu.memory_space<vmem>>[vector<16xi32>, vector<16xi32>], vector<16xf32>,
      %broadcast_in_dim3A_1282 = arith.constant 14 : i32
      %broadcast_in_dim3A_1283 = vector.broadcast %broadcast_in_dim3A_1282 : i32 to vector<16xi32>
      %gather3A_1284 = tpu.vector_load_idx %arg12[%add3A_1165, %broadcast_in_dim3A_1283] : memref<128x32xf32, #tpu.memory_space<vmem>>[vector<16xi32>, vector<16xi32>], vector<16xf32>,
      %broadcast_in_dim3A_1285 = arith.constant 14 : i32
      %broadcast_in_dim3A_1286 = vector.broadcast %broadcast_in_dim3A_1285 : i32 to vector<16xi32>
      %mul3A_1287 = arith.mulf %gather3A_1284, %exp3A_1197 : vector<16xf32>
      tpu.vector_store_idx %arg14[%add3A_1165, %broadcast_in_dim3A_1286], %mul3A_1287 : memref<128x32xf32, #tpu.memory_space<vmem>>[vector<16xi32>, vector<16xi32>], vector<16xf32>,
      %broadcast_in_dim3A_1288 = arith.constant 15 : i32
      %broadcast_in_dim3A_1289 = vector.broadcast %broadcast_in_dim3A_1288 : i32 to vector<16xi32>
      %gather3A_1290 = tpu.vector_load_idx %arg12[%add3A_1165, %broadcast_in_dim3A_1289] : memref<128x32xf32, #tpu.memory_space<vmem>>[vector<16xi32>, vector<16xi32>], vector<16xf32>,
      %broadcast_in_dim3A_1291 = arith.constant 15 : i32
      %broadcast_in_dim3A_1292 = vector.broadcast %broadcast_in_dim3A_1291 : i32 to vector<16xi32>
      %mul3A_1293 = arith.mulf %gather3A_1290, %exp3A_1197 : vector<16xf32>
      tpu.vector_store_idx %arg14[%add3A_1165, %broadcast_in_dim3A_1292], %mul3A_1293 : memref<128x32xf32, #tpu.memory_space<vmem>>[vector<16xi32>, vector<16xi32>], vector<16xf32>,
      %broadcast_in_dim3A_1294 = arith.constant 16 : i32
      %broadcast_in_dim3A_1295 = vector.broadcast %broadcast_in_dim3A_1294 : i32 to vector<16xi32>
      %gather3A_1296 = tpu.vector_load_idx %arg12[%add3A_1165, %broadcast_in_dim3A_1295] : memref<128x32xf32, #tpu.memory_space<vmem>>[vector<16xi32>, vector<16xi32>], vector<16xf32>,
      %broadcast_in_dim3A_1297 = arith.constant 16 : i32
      %broadcast_in_dim3A_1298 = vector.broadcast %broadcast_in_dim3A_1297 : i32 to vector<16xi32>
      %mul3A_1299 = arith.mulf %gather3A_1296, %exp3A_1197 : vector<16xf32>
      tpu.vector_store_idx %arg14[%add3A_1165, %broadcast_in_dim3A_1298], %mul3A_1299 : memref<128x32xf32, #tpu.memory_space<vmem>>[vector<16xi32>, vector<16xi32>], vector<16xf32>,
      %broadcast_in_dim3A_1300 = arith.constant 17 : i32
      %broadcast_in_dim3A_1301 = vector.broadcast %broadcast_in_dim3A_1300 : i32 to vector<16xi32>
      %gather3A_1302 = tpu.vector_load_idx %arg12[%add3A_1165, %broadcast_in_dim3A_1301] : memref<128x32xf32, #tpu.memory_space<vmem>>[vector<16xi32>, vector<16xi32>], vector<16xf32>,
      %broadcast_in_dim3A_1303 = arith.constant 17 : i32
      %broadcast_in_dim3A_1304 = vector.broadcast %broadcast_in_dim3A_1303 : i32 to vector<16xi32>
      %mul3A_1305 = arith.mulf %gather3A_1302, %exp3A_1197 : vector<16xf32>
      tpu.vector_store_idx %arg14[%add3A_1165, %broadcast_in_dim3A_1304], %mul3A_1305 : memref<128x32xf32, #tpu.memory_space<vmem>>[vector<16xi32>, vector<16xi32>], vector<16xf32>,
      %broadcast_in_dim3A_1306 = arith.constant 18 : i32
      %broadcast_in_dim3A_1307 = vector.broadcast %broadcast_in_dim3A_1306 : i32 to vector<16xi32>
      %gather3A_1308 = tpu.vector_load_idx %arg12[%add3A_1165, %broadcast_in_dim3A_1307] : memref<128x32xf32, #tpu.memory_space<vmem>>[vector<16xi32>, vector<16xi32>], vector<16xf32>,
      %broadcast_in_dim3A_1309 = arith.constant 18 : i32
      %broadcast_in_dim3A_1310 = vector.broadcast %broadcast_in_dim3A_1309 : i32 to vector<16xi32>
      %mul3A_1311 = arith.mulf %gather3A_1308, %exp3A_1197 : vector<16xf32>
      tpu.vector_store_idx %arg14[%add3A_1165, %broadcast_in_dim3A_1310], %mul3A_1311 : memref<128x32xf32, #tpu.memory_space<vmem>>[vector<16xi32>, vector<16xi32>], vector<16xf32>,
      %broadcast_in_dim3A_1312 = arith.constant 19 : i32
      %broadcast_in_dim3A_1313 = vector.broadcast %broadcast_in_dim3A_1312 : i32 to vector<16xi32>
      %gather3A_1314 = tpu.vector_load_idx %arg12[%add3A_1165, %broadcast_in_dim3A_1313] : memref<128x32xf32, #tpu.memory_space<vmem>>[vector<16xi32>, vector<16xi32>], vector<16xf32>,
      %broadcast_in_dim3A_1315 = arith.constant 19 : i32
      %broadcast_in_dim3A_1316 = vector.broadcast %broadcast_in_dim3A_1315 : i32 to vector<16xi32>
      %mul3A_1317 = arith.mulf %gather3A_1314, %exp3A_1197 : vector<16xf32>
      tpu.vector_store_idx %arg14[%add3A_1165, %broadcast_in_dim3A_1316], %mul3A_1317 : memref<128x32xf32, #tpu.memory_space<vmem>>[vector<16xi32>, vector<16xi32>], vector<16xf32>,
      %broadcast_in_dim3A_1318 = arith.constant 20 : i32
      %broadcast_in_dim3A_1319 = vector.broadcast %broadcast_in_dim3A_1318 : i32 to vector<16xi32>
      tpu.vector_store_idx %arg14[%add3A_1165, %broadcast_in_dim3A_1319], %exp3A_1187 : memref<128x32xf32, #tpu.memory_space<vmem>>[vector<16xi32>, vector<16xi32>], vector<16xf32>,
      %broadcast_in_dim3A_1320 = arith.constant 21 : i32
      %broadcast_in_dim3A_1321 = vector.broadcast %broadcast_in_dim3A_1320 : i32 to vector<16xi32>
      tpu.vector_store_idx %arg14[%add3A_1165, %broadcast_in_dim3A_1321], %exp3A_1197 : memref<128x32xf32, #tpu.memory_space<vmem>>[vector<16xi32>, vector<16xi32>], vector<16xf32>,
      "tpu.region"() ({
        %run_scoped3A = tpu.sem_alloc : memref<!tpu.dma_semaphore, #tpu.memory_space<semaphore_mem>>
        %dma_start3A_1322 = arith.constant 0 : i32
        %dma_start3A_1323 = arith.constant 0 : i32
        %dma_start3A_1324 = tpu.memref_slice %arg9[%dma_start3A_1322, %dma_start3A_1323] : memref<10240x32xf32, #tpu.memory_space<vmem_shared>> -> memref<10240x32xf32, #tpu.memory_space<vmem_shared>>
        tpu.enqueue_indirect_dma source(%arg14 : memref<128x32xf32, #tpu.memory_space<vmem>>) target(%dma_start3A_1324 : memref<10240x32xf32, #tpu.memory_space<vmem_shared>>) offsets(%arg11 : memref<128xi32, #tpu.memory_space<vmem>>) semaphore(%run_scoped3A : memref<!tpu.dma_semaphore, #tpu.memory_space<semaphore_mem>>) {add = true}
        %dma_wait3A_1325 = arith.constant 0 : i32
        %dma_wait3A_1326 = arith.constant 0 : i32
        %dma_wait3A_1327 = tpu.memref_slice %arg9[%dma_wait3A_1325, %dma_wait3A_1326] : memref<10240x32xf32, #tpu.memory_space<vmem_shared>> -> memref<10240x32xf32, #tpu.memory_space<vmem_shared>>
        tpu.wait_indirect_dma semaphore(%run_scoped3A : memref<!tpu.dma_semaphore, #tpu.memory_space<semaphore_mem>>) src(%arg14 : memref<128x32xf32, #tpu.memory_space<vmem>>) dst(%dma_wait3A_1327 : memref<10240x32xf32, #tpu.memory_space<vmem_shared>>)
        tpu.yield
      }) : () -> ()
    }
    %scan3A_36 = arith.constant 82 : i32
    %barrier3A_37 = arith.constant 0 : index
    tpu.barrier barrier_id(%barrier3A_37)
    %mul3A_38 = arith.constant 640 : i32
    %mul3A_39 = arith.muli %arg1, %mul3A_38 : i32
    %mul3A_40 = arith.constant 640 : i32
    %mul3A_41 = arith.muli %arg1, %mul3A_40 : i32
    "tpu.region"() ({
      %run_scoped3A = tpu.sem_alloc : memref<!tpu.dma_semaphore, #tpu.memory_space<semaphore_mem>>
      %dma_start3A = arith.constant 0 : i32
      %dma_start3A_42 = tpu.memref_slice %arg8[%arg0, %mul3A_41, %dma_start3A] : memref<2x10240x32xf32, #tpu.memory_space<hbm>> -> memref<1x640x32xf32, #tpu.memory_space<hbm>>
      %dma_start3A_43 = tpu.memref_squeeze %dma_start3A_42 : memref<1x640x32xf32, #tpu.memory_space<hbm>> -> memref<640x32xf32, #tpu.memory_space<hbm>>
      %dma_start3A_44 = arith.constant 0 : i32
      %dma_start3A_45 = tpu.memref_slice %arg9[%mul3A_39, %dma_start3A_44] : memref<10240x32xf32, #tpu.memory_space<vmem_shared>> -> memref<640x32xf32, #tpu.memory_space<vmem_shared>>
      tpu.enqueue_dma source(%dma_start3A_45 : memref<640x32xf32, #tpu.memory_space<vmem_shared>>) target(%dma_start3A_43 : memref<640x32xf32, #tpu.memory_space<hbm>>) target_semaphore(%run_scoped3A : memref<!tpu.dma_semaphore, #tpu.memory_space<semaphore_mem>>)
      %dma_wait3A = arith.constant 0 : i32
      %dma_wait3A_46 = tpu.memref_slice %arg8[%arg0, %mul3A_41, %dma_wait3A] : memref<2x10240x32xf32, #tpu.memory_space<hbm>> -> memref<1x640x32xf32, #tpu.memory_space<hbm>>
      %dma_wait3A_47 = tpu.memref_squeeze %dma_wait3A_46 : memref<1x640x32xf32, #tpu.memory_space<hbm>> -> memref<640x32xf32, #tpu.memory_space<hbm>>
      %dma_wait3A_48 = arith.constant 0 : i32
      %dma_wait3A_49 = tpu.memref_slice %arg9[%mul3A_39, %dma_wait3A_48] : memref<10240x32xf32, #tpu.memory_space<vmem_shared>> -> memref<640x32xf32, #tpu.memory_space<vmem_shared>>
      tpu.wait_dma2 semaphore(%run_scoped3A : memref<!tpu.dma_semaphore, #tpu.memory_space<semaphore_mem>>) src(%dma_wait3A_49 : memref<640x32xf32, #tpu.memory_space<vmem_shared>>) dst(%dma_wait3A_47 : memref<640x32xf32, #tpu.memory_space<hbm>>)
      tpu.yield
    }) : () -> ()
    return
  }
}

#map = affine_map<(d0, d1) -> (0)>
#map1 = affine_map<(d0, d1) -> (0, 0)>
#map2 = affine_map<(d0, d1) -> (0, 0, 0)>
module attributes {stable_mosaic.version = 14 : i64} {
  func.func @_sc_body(%arg0: i32, %arg1: i32, %arg2: memref<335872xi32, #tpu.memory_space<hbm>>, %arg3: memref<335872xi32, #tpu.memory_space<hbm>>, %arg4: memref<10000x32xf32, #tpu.memory_space<hbm>>, %arg5: memref<10016x16xf32, #tpu.memory_space<hbm>>, %arg6: memref<32xf32, #tpu.memory_space<hbm>>, %arg7: memref<128x32xf32, #tpu.memory_space<hbm>>, %arg8: memref<2x10240x32xf32, #tpu.memory_space<hbm>>, %arg9: memref<10240x32xf32, #tpu.memory_space<vmem_shared>>, %arg10: memref<128xi32, #tpu.memory_space<vmem>>, %arg11: memref<128xi32, #tpu.memory_space<vmem>>, %arg12: memref<128x32xf32, #tpu.memory_space<vmem>>, %arg13: memref<128x16xf32, #tpu.memory_space<vmem>>, %arg14: memref<128x32xf32, #tpu.memory_space<vmem>>, %arg15: memref<32xf32, #tpu.memory_space<vmem>>, %arg16: memref<128x32xf32, #tpu.memory_space<vmem>>, %arg17: memref<!tpu.dma_semaphore, #tpu.memory_space<semaphore_mem>>, %arg18: memref<!tpu.dma_semaphore, #tpu.memory_space<semaphore_mem>>) attributes {dimension_semantics = [#tpu.dimension_semantics<core_parallel>, #tpu.dimension_semantics<subcore_parallel>], iteration_bounds = array<i64: 2, 16>, scalar_prefetch = 0 : i64, scratch_operands = 10 : i64, tpu.core_type = #tpu.core_type<sc_vector_subcore>, window_params = [{transform_indices = #map}, {transform_indices = #map}, {transform_indices = #map1}, {transform_indices = #map1}, {transform_indices = #map}, {transform_indices = #map1}, {transform_indices = #map2}]} {
    %mul3A = arith.constant 2 : i32
    %mul3A_0 = arith.muli %arg1, %mul3A : i32
    %add3A = arith.addi %mul3A_0, %arg0 : i32
    "tpu.region"() ({
      %run_scoped3A = tpu.sem_alloc : memref<!tpu.dma_semaphore, #tpu.memory_space<semaphore_mem>>
      tpu.enqueue_dma source(%arg6 : memref<32xf32, #tpu.memory_space<hbm>>) target(%arg15 : memref<32xf32, #tpu.memory_space<vmem>>) target_semaphore(%run_scoped3A : memref<!tpu.dma_semaphore, #tpu.memory_space<semaphore_mem>>)
      tpu.wait_dma2 semaphore(%run_scoped3A : memref<!tpu.dma_semaphore, #tpu.memory_space<semaphore_mem>>) src(%arg6 : memref<32xf32, #tpu.memory_space<hbm>>) dst(%arg15 : memref<32xf32, #tpu.memory_space<vmem>>)
      tpu.yield
    }) : () -> ()
    "tpu.region"() ({
      %run_scoped3A = tpu.sem_alloc : memref<!tpu.dma_semaphore, #tpu.memory_space<semaphore_mem>>
      tpu.enqueue_dma source(%arg7 : memref<128x32xf32, #tpu.memory_space<hbm>>) target(%arg16 : memref<128x32xf32, #tpu.memory_space<vmem>>) target_semaphore(%run_scoped3A : memref<!tpu.dma_semaphore, #tpu.memory_space<semaphore_mem>>)
      tpu.wait_dma2 semaphore(%run_scoped3A : memref<!tpu.dma_semaphore, #tpu.memory_space<semaphore_mem>>) src(%arg7 : memref<128x32xf32, #tpu.memory_space<hbm>>) dst(%arg16 : memref<128x32xf32, #tpu.memory_space<vmem>>)
      tpu.yield
    }) : () -> ()
    %mul3A_1 = arith.constant 640 : i32
    %mul3A_2 = arith.muli %arg1, %mul3A_1 : i32
    %add3A_3 = arith.constant 0 : i32
    %add3A_4 = arith.addi %mul3A_2, %add3A_3 : i32
    "tpu.region"() ({
      %run_scoped3A = tpu.sem_alloc : memref<!tpu.dma_semaphore, #tpu.memory_space<semaphore_mem>>
      %dma_start3A = arith.constant 0 : i32
      %dma_start3A_42 = tpu.memref_slice %arg9[%add3A_4, %dma_start3A] : memref<10240x32xf32, #tpu.memory_space<vmem_shared>> -> memref<128x32xf32, #tpu.memory_space<vmem_shared>>
      %dma_start3A_43 = arith.constant 0 : i32
      %dma_start3A_44 = tpu.memref_slice %arg9[%add3A_4, %dma_start3A_43] : memref<10240x32xf32, #tpu.memory_space<vmem_shared>> -> memref<128x32xf32, #tpu.memory_space<vmem_shared>>
      tpu.enqueue_dma source(%arg16 : memref<128x32xf32, #tpu.memory_space<vmem>>) target(%dma_start3A_44 : memref<128x32xf32, #tpu.memory_space<vmem_shared>>) target_semaphore(%run_scoped3A : memref<!tpu.dma_semaphore, #tpu.memory_space<semaphore_mem>>)
      %dma_wait3A = arith.constant 0 : i32
      %dma_wait3A_45 = tpu.memref_slice %arg9[%add3A_4, %dma_wait3A] : memref<10240x32xf32, #tpu.memory_space<vmem_shared>> -> memref<128x32xf32, #tpu.memory_space<vmem_shared>>
      %dma_wait3A_46 = arith.constant 0 : i32
      %dma_wait3A_47 = tpu.memref_slice %arg9[%add3A_4, %dma_wait3A_46] : memref<10240x32xf32, #tpu.memory_space<vmem_shared>> -> memref<128x32xf32, #tpu.memory_space<vmem_shared>>
      tpu.wait_dma2 semaphore(%run_scoped3A : memref<!tpu.dma_semaphore, #tpu.memory_space<semaphore_mem>>) src(%arg16 : memref<128x32xf32, #tpu.memory_space<vmem>>) dst(%dma_wait3A_47 : memref<128x32xf32, #tpu.memory_space<vmem_shared>>)
      tpu.yield
    }) : () -> ()
    %mul3A_5 = arith.constant 640 : i32
    %mul3A_6 = arith.muli %arg1, %mul3A_5 : i32
    %add3A_7 = arith.constant 128 : i32
    %add3A_8 = arith.addi %mul3A_6, %add3A_7 : i32
    "tpu.region"() ({
      %run_scoped3A = tpu.sem_alloc : memref<!tpu.dma_semaphore, #tpu.memory_space<semaphore_mem>>
      %dma_start3A = arith.constant 0 : i32
      %dma_start3A_42 = tpu.memref_slice %arg9[%add3A_8, %dma_start3A] : memref<10240x32xf32, #tpu.memory_space<vmem_shared>> -> memref<128x32xf32, #tpu.memory_space<vmem_shared>>
      %dma_start3A_43 = arith.constant 0 : i32
      %dma_start3A_44 = tpu.memref_slice %arg9[%add3A_8, %dma_start3A_43] : memref<10240x32xf32, #tpu.memory_space<vmem_shared>> -> memref<128x32xf32, #tpu.memory_space<vmem_shared>>
      tpu.enqueue_dma source(%arg16 : memref<128x32xf32, #tpu.memory_space<vmem>>) target(%dma_start3A_44 : memref<128x32xf32, #tpu.memory_space<vmem_shared>>) target_semaphore(%run_scoped3A : memref<!tpu.dma_semaphore, #tpu.memory_space<semaphore_mem>>)
      %dma_wait3A = arith.constant 0 : i32
      %dma_wait3A_45 = tpu.memref_slice %arg9[%add3A_8, %dma_wait3A] : memref<10240x32xf32, #tpu.memory_space<vmem_shared>> -> memref<128x32xf32, #tpu.memory_space<vmem_shared>>
      %dma_wait3A_46 = arith.constant 0 : i32
      %dma_wait3A_47 = tpu.memref_slice %arg9[%add3A_8, %dma_wait3A_46] : memref<10240x32xf32, #tpu.memory_space<vmem_shared>> -> memref<128x32xf32, #tpu.memory_space<vmem_shared>>
      tpu.wait_dma2 semaphore(%run_scoped3A : memref<!tpu.dma_semaphore, #tpu.memory_space<semaphore_mem>>) src(%arg16 : memref<128x32xf32, #tpu.memory_space<vmem>>) dst(%dma_wait3A_47 : memref<128x32xf32, #tpu.memory_space<vmem_shared>>)
      tpu.yield
    }) : () -> ()
    %mul3A_9 = arith.constant 640 : i32
    %mul3A_10 = arith.muli %arg1, %mul3A_9 : i32
    %add3A_11 = arith.constant 256 : i32
    %add3A_12 = arith.addi %mul3A_10, %add3A_11 : i32
    "tpu.region"() ({
      %run_scoped3A = tpu.sem_alloc : memref<!tpu.dma_semaphore, #tpu.memory_space<semaphore_mem>>
      %dma_start3A = arith.constant 0 : i32
      %dma_start3A_42 = tpu.memref_slice %arg9[%add3A_12, %dma_start3A] : memref<10240x32xf32, #tpu.memory_space<vmem_shared>> -> memref<128x32xf32, #tpu.memory_space<vmem_shared>>
      %dma_start3A_43 = arith.constant 0 : i32
      %dma_start3A_44 = tpu.memref_slice %arg9[%add3A_12, %dma_start3A_43] : memref<10240x32xf32, #tpu.memory_space<vmem_shared>> -> memref<128x32xf32, #tpu.memory_space<vmem_shared>>
      tpu.enqueue_dma source(%arg16 : memref<128x32xf32, #tpu.memory_space<vmem>>) target(%dma_start3A_44 : memref<128x32xf32, #tpu.memory_space<vmem_shared>>) target_semaphore(%run_scoped3A : memref<!tpu.dma_semaphore, #tpu.memory_space<semaphore_mem>>)
      %dma_wait3A = arith.constant 0 : i32
      %dma_wait3A_45 = tpu.memref_slice %arg9[%add3A_12, %dma_wait3A] : memref<10240x32xf32, #tpu.memory_space<vmem_shared>> -> memref<128x32xf32, #tpu.memory_space<vmem_shared>>
      %dma_wait3A_46 = arith.constant 0 : i32
      %dma_wait3A_47 = tpu.memref_slice %arg9[%add3A_12, %dma_wait3A_46] : memref<10240x32xf32, #tpu.memory_space<vmem_shared>> -> memref<128x32xf32, #tpu.memory_space<vmem_shared>>
      tpu.wait_dma2 semaphore(%run_scoped3A : memref<!tpu.dma_semaphore, #tpu.memory_space<semaphore_mem>>) src(%arg16 : memref<128x32xf32, #tpu.memory_space<vmem>>) dst(%dma_wait3A_47 : memref<128x32xf32, #tpu.memory_space<vmem_shared>>)
      tpu.yield
    }) : () -> ()
    %mul3A_13 = arith.constant 640 : i32
    %mul3A_14 = arith.muli %arg1, %mul3A_13 : i32
    %add3A_15 = arith.constant 384 : i32
    %add3A_16 = arith.addi %mul3A_14, %add3A_15 : i32
    "tpu.region"() ({
      %run_scoped3A = tpu.sem_alloc : memref<!tpu.dma_semaphore, #tpu.memory_space<semaphore_mem>>
      %dma_start3A = arith.constant 0 : i32
      %dma_start3A_42 = tpu.memref_slice %arg9[%add3A_16, %dma_start3A] : memref<10240x32xf32, #tpu.memory_space<vmem_shared>> -> memref<128x32xf32, #tpu.memory_space<vmem_shared>>
      %dma_start3A_43 = arith.constant 0 : i32
      %dma_start3A_44 = tpu.memref_slice %arg9[%add3A_16, %dma_start3A_43] : memref<10240x32xf32, #tpu.memory_space<vmem_shared>> -> memref<128x32xf32, #tpu.memory_space<vmem_shared>>
      tpu.enqueue_dma source(%arg16 : memref<128x32xf32, #tpu.memory_space<vmem>>) target(%dma_start3A_44 : memref<128x32xf32, #tpu.memory_space<vmem_shared>>) target_semaphore(%run_scoped3A : memref<!tpu.dma_semaphore, #tpu.memory_space<semaphore_mem>>)
      %dma_wait3A = arith.constant 0 : i32
      %dma_wait3A_45 = tpu.memref_slice %arg9[%add3A_16, %dma_wait3A] : memref<10240x32xf32, #tpu.memory_space<vmem_shared>> -> memref<128x32xf32, #tpu.memory_space<vmem_shared>>
      %dma_wait3A_46 = arith.constant 0 : i32
      %dma_wait3A_47 = tpu.memref_slice %arg9[%add3A_16, %dma_wait3A_46] : memref<10240x32xf32, #tpu.memory_space<vmem_shared>> -> memref<128x32xf32, #tpu.memory_space<vmem_shared>>
      tpu.wait_dma2 semaphore(%run_scoped3A : memref<!tpu.dma_semaphore, #tpu.memory_space<semaphore_mem>>) src(%arg16 : memref<128x32xf32, #tpu.memory_space<vmem>>) dst(%dma_wait3A_47 : memref<128x32xf32, #tpu.memory_space<vmem_shared>>)
      tpu.yield
    }) : () -> ()
    %mul3A_17 = arith.constant 640 : i32
    %mul3A_18 = arith.muli %arg1, %mul3A_17 : i32
    %add3A_19 = arith.constant 512 : i32
    %add3A_20 = arith.addi %mul3A_18, %add3A_19 : i32
    "tpu.region"() ({
      %run_scoped3A = tpu.sem_alloc : memref<!tpu.dma_semaphore, #tpu.memory_space<semaphore_mem>>
      %dma_start3A = arith.constant 0 : i32
      %dma_start3A_42 = tpu.memref_slice %arg9[%add3A_20, %dma_start3A] : memref<10240x32xf32, #tpu.memory_space<vmem_shared>> -> memref<128x32xf32, #tpu.memory_space<vmem_shared>>
      %dma_start3A_43 = arith.constant 0 : i32
      %dma_start3A_44 = tpu.memref_slice %arg9[%add3A_20, %dma_start3A_43] : memref<10240x32xf32, #tpu.memory_space<vmem_shared>> -> memref<128x32xf32, #tpu.memory_space<vmem_shared>>
      tpu.enqueue_dma source(%arg16 : memref<128x32xf32, #tpu.memory_space<vmem>>) target(%dma_start3A_44 : memref<128x32xf32, #tpu.memory_space<vmem_shared>>) target_semaphore(%run_scoped3A : memref<!tpu.dma_semaphore, #tpu.memory_space<semaphore_mem>>)
      %dma_wait3A = arith.constant 0 : i32
      %dma_wait3A_45 = tpu.memref_slice %arg9[%add3A_20, %dma_wait3A] : memref<10240x32xf32, #tpu.memory_space<vmem_shared>> -> memref<128x32xf32, #tpu.memory_space<vmem_shared>>
      %dma_wait3A_46 = arith.constant 0 : i32
      %dma_wait3A_47 = tpu.memref_slice %arg9[%add3A_20, %dma_wait3A_46] : memref<10240x32xf32, #tpu.memory_space<vmem_shared>> -> memref<128x32xf32, #tpu.memory_space<vmem_shared>>
      tpu.wait_dma2 semaphore(%run_scoped3A : memref<!tpu.dma_semaphore, #tpu.memory_space<semaphore_mem>>) src(%arg16 : memref<128x32xf32, #tpu.memory_space<vmem>>) dst(%dma_wait3A_47 : memref<128x32xf32, #tpu.memory_space<vmem_shared>>)
      tpu.yield
    }) : () -> ()
    %barrier3A = arith.constant 0 : index
    tpu.barrier barrier_id(%barrier3A)
    %get3A = arith.constant 0 : index
    %get3A_21 = tpu.vector_load %arg15[%get3A] {strides = array<i32>} : memref<32xf32, #tpu.memory_space<vmem>>, vector<16xf32>,
    %get3A_22 = arith.constant 16 : index
    %get3A_23 = tpu.vector_load %arg15[%get3A_22] {strides = array<i32>} : memref<32xf32, #tpu.memory_space<vmem>>, vector<16xf32>,
    %iota3A = tpu.iota {dimensions = array<i32: 0>} : vector<16xi32>
    %mul3A_24 = arith.constant 32 : i32
    %mul3A_25 = vector.broadcast %mul3A_24 : i32 to vector<16xi32>
    %mul3A_26 = arith.muli %iota3A, %mul3A_25 : vector<16xi32>
    %mul3A_27 = arith.constant 16 : i32
    %mul3A_28 = vector.broadcast %mul3A_27 : i32 to vector<16xi32>
    %mul3A_29 = arith.muli %iota3A, %mul3A_28 : vector<16xi32>
    %mul3A_30 = arith.constant 10496 : i32
    %mul3A_31 = arith.muli %add3A, %mul3A_30 : i32
    %scan3A = arith.constant 0 : i32
    %scan3A_32 = arith.constant 0 : i32
    %scan3A_33 = arith.constant 82 : i32
    %scan3A_34 = arith.addi %scan3A_32, %scan3A_33 : i32
    %scan3A_35 = arith.constant 1 : i32
    scf.for %scan3A_42 = %scan3A_32 to %scan3A_34 step %scan3A_35  : i32 {
      %mul3A_43 = arith.constant 128 : i32
      %mul3A_44 = arith.muli %scan3A_42, %mul3A_43 : i32
      %add3A_45 = arith.addi %mul3A_31, %mul3A_44 : i32
      "tpu.region"() ({
        %run_scoped3A = tpu.sem_alloc : memref<!tpu.dma_semaphore, #tpu.memory_space<semaphore_mem>>
        %dma_start3A_1322 = tpu.memref_slice %arg2[%add3A_45] : memref<335872xi32, #tpu.memory_space<hbm>> -> memref<128xi32, #tpu.memory_space<hbm>>
        %dma_start3A_1323 = tpu.memref_slice %arg2[%add3A_45] : memref<335872xi32, #tpu.memory_space<hbm>> -> memref<128xi32, #tpu.memory_space<hbm>>
        tpu.enqueue_dma source(%dma_start3A_1323 : memref<128xi32, #tpu.memory_space<hbm>>) target(%arg10 : memref<128xi32, #tpu.memory_space<vmem>>) target_semaphore(%run_scoped3A : memref<!tpu.dma_semaphore, #tpu.memory_space<semaphore_mem>>)
        %dma_wait3A_1324 = tpu.memref_slice %arg2[%add3A_45] : memref<335872xi32, #tpu.memory_space<hbm>> -> memref<128xi32, #tpu.memory_space<hbm>>
        %dma_wait3A_1325 = tpu.memref_slice %arg2[%add3A_45] : memref<335872xi32, #tpu.memory_space<hbm>> -> memref<128xi32, #tpu.memory_space<hbm>>
        tpu.wait_dma2 semaphore(%run_scoped3A : memref<!tpu.dma_semaphore, #tpu.memory_space<semaphore_mem>>) src(%dma_wait3A_1325 : memref<128xi32, #tpu.memory_space<hbm>>) dst(%arg10 : memref<128xi32, #tpu.memory_space<vmem>>)
        tpu.yield
      }) : () -> ()
      "tpu.region"() ({
        %run_scoped3A = tpu.sem_alloc : memref<!tpu.dma_semaphore, #tpu.memory_space<semaphore_mem>>
        %dma_start3A_1322 = tpu.memref_slice %arg3[%add3A_45] : memref<335872xi32, #tpu.memory_space<hbm>> -> memref<128xi32, #tpu.memory_space<hbm>>
        %dma_start3A_1323 = tpu.memref_slice %arg3[%add3A_45] : memref<335872xi32, #tpu.memory_space<hbm>> -> memref<128xi32, #tpu.memory_space<hbm>>
        tpu.enqueue_dma source(%dma_start3A_1323 : memref<128xi32, #tpu.memory_space<hbm>>) target(%arg11 : memref<128xi32, #tpu.memory_space<vmem>>) target_semaphore(%run_scoped3A : memref<!tpu.dma_semaphore, #tpu.memory_space<semaphore_mem>>)
        %dma_wait3A_1324 = tpu.memref_slice %arg3[%add3A_45] : memref<335872xi32, #tpu.memory_space<hbm>> -> memref<128xi32, #tpu.memory_space<hbm>>
        %dma_wait3A_1325 = tpu.memref_slice %arg3[%add3A_45] : memref<335872xi32, #tpu.memory_space<hbm>> -> memref<128xi32, #tpu.memory_space<hbm>>
        tpu.wait_dma2 semaphore(%run_scoped3A : memref<!tpu.dma_semaphore, #tpu.memory_space<semaphore_mem>>) src(%dma_wait3A_1325 : memref<128xi32, #tpu.memory_space<hbm>>) dst(%arg11 : memref<128xi32, #tpu.memory_space<vmem>>)
        tpu.yield
      }) : () -> ()
      %dma_start3A = arith.constant 0 : i32
      %dma_start3A_46 = arith.constant 0 : i32
      %dma_start3A_47 = tpu.memref_slice %arg4[%dma_start3A, %dma_start3A_46] : memref<10000x32xf32, #tpu.memory_space<hbm>> -> memref<10000x32xf32, #tpu.memory_space<hbm>>
      tpu.enqueue_indirect_dma source(%dma_start3A_47 : memref<10000x32xf32, #tpu.memory_space<hbm>>) target(%arg12 : memref<128x32xf32, #tpu.memory_space<vmem>>) offsets(%arg10 : memref<128xi32, #tpu.memory_space<vmem>>) semaphore(%arg17 : memref<!tpu.dma_semaphore, #tpu.memory_space<semaphore_mem>>)
      %dma_wait3A = arith.constant 0 : i32
      %dma_wait3A_48 = arith.constant 0 : i32
      %dma_wait3A_49 = tpu.memref_slice %arg4[%dma_wait3A, %dma_wait3A_48] : memref<10000x32xf32, #tpu.memory_space<hbm>> -> memref<10000x32xf32, #tpu.memory_space<hbm>>
      tpu.wait_indirect_dma semaphore(%arg17 : memref<!tpu.dma_semaphore, #tpu.memory_space<semaphore_mem>>) src(%dma_wait3A_49 : memref<10000x32xf32, #tpu.memory_space<hbm>>) dst(%arg12 : memref<128x32xf32, #tpu.memory_space<vmem>>)
      %dma_start3A_50 = arith.constant 0 : i32
      %dma_start3A_51 = arith.constant 0 : i32
      %dma_start3A_52 = tpu.memref_slice %arg5[%dma_start3A_50, %dma_start3A_51] : memref<10016x16xf32, #tpu.memory_space<hbm>> -> memref<10016x16xf32, #tpu.memory_space<hbm>>
      tpu.enqueue_indirect_dma source(%dma_start3A_52 : memref<10016x16xf32, #tpu.memory_space<hbm>>) target(%arg13 : memref<128x16xf32, #tpu.memory_space<vmem>>) offsets(%arg11 : memref<128xi32, #tpu.memory_space<vmem>>) semaphore(%arg18 : memref<!tpu.dma_semaphore, #tpu.memory_space<semaphore_mem>>)
      %dma_wait3A_53 = arith.constant 0 : i32
      %dma_wait3A_54 = arith.constant 0 : i32
      %dma_wait3A_55 = tpu.memref_slice %arg5[%dma_wait3A_53, %dma_wait3A_54] : memref<10016x16xf32, #tpu.memory_space<hbm>> -> memref<10016x16xf32, #tpu.memory_space<hbm>>
      tpu.wait_indirect_dma semaphore(%arg18 : memref<!tpu.dma_semaphore, #tpu.memory_space<semaphore_mem>>) src(%dma_wait3A_55 : memref<10016x16xf32, #tpu.memory_space<hbm>>) dst(%arg13 : memref<128x16xf32, #tpu.memory_space<vmem>>)
      %add3A_56 = arith.constant 0 : i32
      %add3A_57 = vector.broadcast %add3A_56 : i32 to vector<16xi32>
      %add3A_58 = arith.addi %add3A_57, %iota3A : vector<16xi32>
      %broadcast_in_dim3A = arith.constant 20 : i32
      %broadcast_in_dim3A_59 = vector.broadcast %broadcast_in_dim3A : i32 to vector<16xi32>
      %gather3A = tpu.vector_load_idx %arg12[%add3A_58, %broadcast_in_dim3A_59] : memref<128x32xf32, #tpu.memory_space<vmem>>[vector<16xi32>, vector<16xi32>], vector<16xf32>,
      %broadcast_in_dim3A_60 = arith.constant 21 : i32
      %broadcast_in_dim3A_61 = vector.broadcast %broadcast_in_dim3A_60 : i32 to vector<16xi32>
      %gather3A_62 = tpu.vector_load_idx %arg12[%add3A_58, %broadcast_in_dim3A_61] : memref<128x32xf32, #tpu.memory_space<vmem>>[vector<16xi32>, vector<16xi32>], vector<16xf32>,
      %broadcast_in_dim3A_63 = arith.constant 0 : i32
      %broadcast_in_dim3A_64 = vector.broadcast %broadcast_in_dim3A_63 : i32 to vector<16xi32>
      %gather3A_65 = tpu.vector_load_idx %arg13[%add3A_58, %broadcast_in_dim3A_64] : memref<128x16xf32, #tpu.memory_space<vmem>>[vector<16xi32>, vector<16xi32>], vector<16xf32>,
      %broadcast_in_dim3A_66 = arith.constant 1 : i32
      %broadcast_in_dim3A_67 = vector.broadcast %broadcast_in_dim3A_66 : i32 to vector<16xi32>
      %gather3A_68 = tpu.vector_load_idx %arg13[%add3A_58, %broadcast_in_dim3A_67] : memref<128x16xf32, #tpu.memory_space<vmem>>[vector<16xi32>, vector<16xi32>], vector<16xf32>,
      %add3A_69 = arith.addf %gather3A, %gather3A_65 : vector<16xf32>
      %ge3A = arith.constant 0.000000e+00 : f32
      %ge3A_70 = vector.broadcast %ge3A : f32 to vector<16xf32>
      %ge3A_71 = arith.cmpf oge, %add3A_69, %ge3A_70 : vector<16xf32>
      %mul3A_72 = arith.constant 2.000000e-01 : f32
      %mul3A_73 = vector.broadcast %mul3A_72 : f32 to vector<16xf32>
      %mul3A_74 = arith.mulf %mul3A_73, %add3A_69 : vector<16xf32>
      %select_n3A = arith.select %ge3A_71, %add3A_69, %mul3A_74 : vector<16xi1>, vector<16xf32>
      %sub3A = arith.subf %select_n3A, %get3A_21 : vector<16xf32>
      %exp3A = math.exp %sub3A : vector<16xf32>
      %add3A_75 = arith.addf %gather3A_62, %gather3A_68 : vector<16xf32>
      %ge3A_76 = arith.constant 0.000000e+00 : f32
      %ge3A_77 = vector.broadcast %ge3A_76 : f32 to vector<16xf32>
      %ge3A_78 = arith.cmpf oge, %add3A_75, %ge3A_77 : vector<16xf32>
      %mul3A_79 = arith.constant 2.000000e-01 : f32
      %mul3A_80 = vector.broadcast %mul3A_79 : f32 to vector<16xf32>
      %mul3A_81 = arith.mulf %mul3A_80, %add3A_75 : vector<16xf32>
      %select_n3A_82 = arith.select %ge3A_78, %add3A_75, %mul3A_81 : vector<16xi1>, vector<16xf32>
      %sub3A_83 = arith.subf %select_n3A_82, %get3A_23 : vector<16xf32>
      %exp3A_84 = math.exp %sub3A_83 : vector<16xf32>
      %broadcast_in_dim3A_85 = arith.constant 0 : i32
      %broadcast_in_dim3A_86 = vector.broadcast %broadcast_in_dim3A_85 : i32 to vector<16xi32>
      %gather3A_87 = tpu.vector_load_idx %arg12[%add3A_58, %broadcast_in_dim3A_86] : memref<128x32xf32, #tpu.memory_space<vmem>>[vector<16xi32>, vector<16xi32>], vector<16xf32>,
      %broadcast_in_dim3A_88 = arith.constant 0 : i32
      %broadcast_in_dim3A_89 = vector.broadcast %broadcast_in_dim3A_88 : i32 to vector<16xi32>
      %mul3A_90 = arith.mulf %gather3A_87, %exp3A : vector<16xf32>
      tpu.vector_store_idx %arg14[%add3A_58, %broadcast_in_dim3A_89], %mul3A_90 : memref<128x32xf32, #tpu.memory_space<vmem>>[vector<16xi32>, vector<16xi32>], vector<16xf32>,
      %broadcast_in_dim3A_91 = arith.constant 1 : i32
      %broadcast_in_dim3A_92 = vector.broadcast %broadcast_in_dim3A_91 : i32 to vector<16xi32>
      %gather3A_93 = tpu.vector_load_idx %arg12[%add3A_58, %broadcast_in_dim3A_92] : memref<128x32xf32, #tpu.memory_space<vmem>>[vector<16xi32>, vector<16xi32>], vector<16xf32>,
      %broadcast_in_dim3A_94 = arith.constant 1 : i32
      %broadcast_in_dim3A_95 = vector.broadcast %broadcast_in_dim3A_94 : i32 to vector<16xi32>
      %mul3A_96 = arith.mulf %gather3A_93, %exp3A : vector<16xf32>
      tpu.vector_store_idx %arg14[%add3A_58, %broadcast_in_dim3A_95], %mul3A_96 : memref<128x32xf32, #tpu.memory_space<vmem>>[vector<16xi32>, vector<16xi32>], vector<16xf32>,
      %broadcast_in_dim3A_97 = arith.constant 2 : i32
      %broadcast_in_dim3A_98 = vector.broadcast %broadcast_in_dim3A_97 : i32 to vector<16xi32>
      %gather3A_99 = tpu.vector_load_idx %arg12[%add3A_58, %broadcast_in_dim3A_98] : memref<128x32xf32, #tpu.memory_space<vmem>>[vector<16xi32>, vector<16xi32>], vector<16xf32>,
      %broadcast_in_dim3A_100 = arith.constant 2 : i32
      %broadcast_in_dim3A_101 = vector.broadcast %broadcast_in_dim3A_100 : i32 to vector<16xi32>
      %mul3A_102 = arith.mulf %gather3A_99, %exp3A : vector<16xf32>
      tpu.vector_store_idx %arg14[%add3A_58, %broadcast_in_dim3A_101], %mul3A_102 : memref<128x32xf32, #tpu.memory_space<vmem>>[vector<16xi32>, vector<16xi32>], vector<16xf32>,
      %broadcast_in_dim3A_103 = arith.constant 3 : i32
      %broadcast_in_dim3A_104 = vector.broadcast %broadcast_in_dim3A_103 : i32 to vector<16xi32>
      %gather3A_105 = tpu.vector_load_idx %arg12[%add3A_58, %broadcast_in_dim3A_104] : memref<128x32xf32, #tpu.memory_space<vmem>>[vector<16xi32>, vector<16xi32>], vector<16xf32>,
      %broadcast_in_dim3A_106 = arith.constant 3 : i32
      %broadcast_in_dim3A_107 = vector.broadcast %broadcast_in_dim3A_106 : i32 to vector<16xi32>
      %mul3A_108 = arith.mulf %gather3A_105, %exp3A : vector<16xf32>
      tpu.vector_store_idx %arg14[%add3A_58, %broadcast_in_dim3A_107], %mul3A_108 : memref<128x32xf32, #tpu.memory_space<vmem>>[vector<16xi32>, vector<16xi32>], vector<16xf32>,
      %broadcast_in_dim3A_109 = arith.constant 4 : i32
      %broadcast_in_dim3A_110 = vector.broadcast %broadcast_in_dim3A_109 : i32 to vector<16xi32>
      %gather3A_111 = tpu.vector_load_idx %arg12[%add3A_58, %broadcast_in_dim3A_110] : memref<128x32xf32, #tpu.memory_space<vmem>>[vector<16xi32>, vector<16xi32>], vector<16xf32>,
      %broadcast_in_dim3A_112 = arith.constant 4 : i32
      %broadcast_in_dim3A_113 = vector.broadcast %broadcast_in_dim3A_112 : i32 to vector<16xi32>
      %mul3A_114 = arith.mulf %gather3A_111, %exp3A : vector<16xf32>
      tpu.vector_store_idx %arg14[%add3A_58, %broadcast_in_dim3A_113], %mul3A_114 : memref<128x32xf32, #tpu.memory_space<vmem>>[vector<16xi32>, vector<16xi32>], vector<16xf32>,
      %broadcast_in_dim3A_115 = arith.constant 5 : i32
      %broadcast_in_dim3A_116 = vector.broadcast %broadcast_in_dim3A_115 : i32 to vector<16xi32>
      %gather3A_117 = tpu.vector_load_idx %arg12[%add3A_58, %broadcast_in_dim3A_116] : memref<128x32xf32, #tpu.memory_space<vmem>>[vector<16xi32>, vector<16xi32>], vector<16xf32>,
      %broadcast_in_dim3A_118 = arith.constant 5 : i32
      %broadcast_in_dim3A_119 = vector.broadcast %broadcast_in_dim3A_118 : i32 to vector<16xi32>
      %mul3A_120 = arith.mulf %gather3A_117, %exp3A : vector<16xf32>
      tpu.vector_store_idx %arg14[%add3A_58, %broadcast_in_dim3A_119], %mul3A_120 : memref<128x32xf32, #tpu.memory_space<vmem>>[vector<16xi32>, vector<16xi32>], vector<16xf32>,
      %broadcast_in_dim3A_121 = arith.constant 6 : i32
      %broadcast_in_dim3A_122 = vector.broadcast %broadcast_in_dim3A_121 : i32 to vector<16xi32>
      %gather3A_123 = tpu.vector_load_idx %arg12[%add3A_58, %broadcast_in_dim3A_122] : memref<128x32xf32, #tpu.memory_space<vmem>>[vector<16xi32>, vector<16xi32>], vector<16xf32>,
      %broadcast_in_dim3A_124 = arith.constant 6 : i32
      %broadcast_in_dim3A_125 = vector.broadcast %broadcast_in_dim3A_124 : i32 to vector<16xi32>
      %mul3A_126 = arith.mulf %gather3A_123, %exp3A : vector<16xf32>
      tpu.vector_store_idx %arg14[%add3A_58, %broadcast_in_dim3A_125], %mul3A_126 : memref<128x32xf32, #tpu.memory_space<vmem>>[vector<16xi32>, vector<16xi32>], vector<16xf32>,
      %broadcast_in_dim3A_127 = arith.constant 7 : i32
      %broadcast_in_dim3A_128 = vector.broadcast %broadcast_in_dim3A_127 : i32 to vector<16xi32>
      %gather3A_129 = tpu.vector_load_idx %arg12[%add3A_58, %broadcast_in_dim3A_128] : memref<128x32xf32, #tpu.memory_space<vmem>>[vector<16xi32>, vector<16xi32>], vector<16xf32>,
      %broadcast_in_dim3A_130 = arith.constant 7 : i32
      %broadcast_in_dim3A_131 = vector.broadcast %broadcast_in_dim3A_130 : i32 to vector<16xi32>
      %mul3A_132 = arith.mulf %gather3A_129, %exp3A : vector<16xf32>
      tpu.vector_store_idx %arg14[%add3A_58, %broadcast_in_dim3A_131], %mul3A_132 : memref<128x32xf32, #tpu.memory_space<vmem>>[vector<16xi32>, vector<16xi32>], vector<16xf32>,
      %broadcast_in_dim3A_133 = arith.constant 8 : i32
      %broadcast_in_dim3A_134 = vector.broadcast %broadcast_in_dim3A_133 : i32 to vector<16xi32>
      %gather3A_135 = tpu.vector_load_idx %arg12[%add3A_58, %broadcast_in_dim3A_134] : memref<128x32xf32, #tpu.memory_space<vmem>>[vector<16xi32>, vector<16xi32>], vector<16xf32>,
      %broadcast_in_dim3A_136 = arith.constant 8 : i32
      %broadcast_in_dim3A_137 = vector.broadcast %broadcast_in_dim3A_136 : i32 to vector<16xi32>
      %mul3A_138 = arith.mulf %gather3A_135, %exp3A : vector<16xf32>
      tpu.vector_store_idx %arg14[%add3A_58, %broadcast_in_dim3A_137], %mul3A_138 : memref<128x32xf32, #tpu.memory_space<vmem>>[vector<16xi32>, vector<16xi32>], vector<16xf32>,
      %broadcast_in_dim3A_139 = arith.constant 9 : i32
      %broadcast_in_dim3A_140 = vector.broadcast %broadcast_in_dim3A_139 : i32 to vector<16xi32>
      %gather3A_141 = tpu.vector_load_idx %arg12[%add3A_58, %broadcast_in_dim3A_140] : memref<128x32xf32, #tpu.memory_space<vmem>>[vector<16xi32>, vector<16xi32>], vector<16xf32>,
      %broadcast_in_dim3A_142 = arith.constant 9 : i32
      %broadcast_in_dim3A_143 = vector.broadcast %broadcast_in_dim3A_142 : i32 to vector<16xi32>
      %mul3A_144 = arith.mulf %gather3A_141, %exp3A : vector<16xf32>
      tpu.vector_store_idx %arg14[%add3A_58, %broadcast_in_dim3A_143], %mul3A_144 : memref<128x32xf32, #tpu.memory_space<vmem>>[vector<16xi32>, vector<16xi32>], vector<16xf32>,
      %broadcast_in_dim3A_145 = arith.constant 10 : i32
      %broadcast_in_dim3A_146 = vector.broadcast %broadcast_in_dim3A_145 : i32 to vector<16xi32>
      %gather3A_147 = tpu.vector_load_idx %arg12[%add3A_58, %broadcast_in_dim3A_146] : memref<128x32xf32, #tpu.memory_space<vmem>>[vector<16xi32>, vector<16xi32>], vector<16xf32>,
      %broadcast_in_dim3A_148 = arith.constant 10 : i32
      %broadcast_in_dim3A_149 = vector.broadcast %broadcast_in_dim3A_148 : i32 to vector<16xi32>
      %mul3A_150 = arith.mulf %gather3A_147, %exp3A_84 : vector<16xf32>
      tpu.vector_store_idx %arg14[%add3A_58, %broadcast_in_dim3A_149], %mul3A_150 : memref<128x32xf32, #tpu.memory_space<vmem>>[vector<16xi32>, vector<16xi32>], vector<16xf32>,
      %broadcast_in_dim3A_151 = arith.constant 11 : i32
      %broadcast_in_dim3A_152 = vector.broadcast %broadcast_in_dim3A_151 : i32 to vector<16xi32>
      %gather3A_153 = tpu.vector_load_idx %arg12[%add3A_58, %broadcast_in_dim3A_152] : memref<128x32xf32, #tpu.memory_space<vmem>>[vector<16xi32>, vector<16xi32>], vector<16xf32>,
      %broadcast_in_dim3A_154 = arith.constant 11 : i32
      %broadcast_in_dim3A_155 = vector.broadcast %broadcast_in_dim3A_154 : i32 to vector<16xi32>
      %mul3A_156 = arith.mulf %gather3A_153, %exp3A_84 : vector<16xf32>
      tpu.vector_store_idx %arg14[%add3A_58, %broadcast_in_dim3A_155], %mul3A_156 : memref<128x32xf32, #tpu.memory_space<vmem>>[vector<16xi32>, vector<16xi32>], vector<16xf32>,
      %broadcast_in_dim3A_157 = arith.constant 12 : i32
      %broadcast_in_dim3A_158 = vector.broadcast %broadcast_in_dim3A_157 : i32 to vector<16xi32>
      %gather3A_159 = tpu.vector_load_idx %arg12[%add3A_58, %broadcast_in_dim3A_158] : memref<128x32xf32, #tpu.memory_space<vmem>>[vector<16xi32>, vector<16xi32>], vector<16xf32>,
      %broadcast_in_dim3A_160 = arith.constant 12 : i32
      %broadcast_in_dim3A_161 = vector.broadcast %broadcast_in_dim3A_160 : i32 to vector<16xi32>
      %mul3A_162 = arith.mulf %gather3A_159, %exp3A_84 : vector<16xf32>
      tpu.vector_store_idx %arg14[%add3A_58, %broadcast_in_dim3A_161], %mul3A_162 : memref<128x32xf32, #tpu.memory_space<vmem>>[vector<16xi32>, vector<16xi32>], vector<16xf32>,
      %broadcast_in_dim3A_163 = arith.constant 13 : i32
      %broadcast_in_dim3A_164 = vector.broadcast %broadcast_in_dim3A_163 : i32 to vector<16xi32>
      %gather3A_165 = tpu.vector_load_idx %arg12[%add3A_58, %broadcast_in_dim3A_164] : memref<128x32xf32, #tpu.memory_space<vmem>>[vector<16xi32>, vector<16xi32>], vector<16xf32>,
      %broadcast_in_dim3A_166 = arith.constant 13 : i32
      %broadcast_in_dim3A_167 = vector.broadcast %broadcast_in_dim3A_166 : i32 to vector<16xi32>
      %mul3A_168 = arith.mulf %gather3A_165, %exp3A_84 : vector<16xf32>
      tpu.vector_store_idx %arg14[%add3A_58, %broadcast_in_dim3A_167], %mul3A_168 : memref<128x32xf32, #tpu.memory_space<vmem>>[vector<16xi32>, vector<16xi32>], vector<16xf32>,
      %broadcast_in_dim3A_169 = arith.constant 14 : i32
      %broadcast_in_dim3A_170 = vector.broadcast %broadcast_in_dim3A_169 : i32 to vector<16xi32>
      %gather3A_171 = tpu.vector_load_idx %arg12[%add3A_58, %broadcast_in_dim3A_170] : memref<128x32xf32, #tpu.memory_space<vmem>>[vector<16xi32>, vector<16xi32>], vector<16xf32>,
      %broadcast_in_dim3A_172 = arith.constant 14 : i32
      %broadcast_in_dim3A_173 = vector.broadcast %broadcast_in_dim3A_172 : i32 to vector<16xi32>
      %mul3A_174 = arith.mulf %gather3A_171, %exp3A_84 : vector<16xf32>
      tpu.vector_store_idx %arg14[%add3A_58, %broadcast_in_dim3A_173], %mul3A_174 : memref<128x32xf32, #tpu.memory_space<vmem>>[vector<16xi32>, vector<16xi32>], vector<16xf32>,
      %broadcast_in_dim3A_175 = arith.constant 15 : i32
      %broadcast_in_dim3A_176 = vector.broadcast %broadcast_in_dim3A_175 : i32 to vector<16xi32>
      %gather3A_177 = tpu.vector_load_idx %arg12[%add3A_58, %broadcast_in_dim3A_176] : memref<128x32xf32, #tpu.memory_space<vmem>>[vector<16xi32>, vector<16xi32>], vector<16xf32>,
      %broadcast_in_dim3A_178 = arith.constant 15 : i32
      %broadcast_in_dim3A_179 = vector.broadcast %broadcast_in_dim3A_178 : i32 to vector<16xi32>
      %mul3A_180 = arith.mulf %gather3A_177, %exp3A_84 : vector<16xf32>
      tpu.vector_store_idx %arg14[%add3A_58, %broadcast_in_dim3A_179], %mul3A_180 : memref<128x32xf32, #tpu.memory_space<vmem>>[vector<16xi32>, vector<16xi32>], vector<16xf32>,
      %broadcast_in_dim3A_181 = arith.constant 16 : i32
      %broadcast_in_dim3A_182 = vector.broadcast %broadcast_in_dim3A_181 : i32 to vector<16xi32>
      %gather3A_183 = tpu.vector_load_idx %arg12[%add3A_58, %broadcast_in_dim3A_182] : memref<128x32xf32, #tpu.memory_space<vmem>>[vector<16xi32>, vector<16xi32>], vector<16xf32>,
      %broadcast_in_dim3A_184 = arith.constant 16 : i32
      %broadcast_in_dim3A_185 = vector.broadcast %broadcast_in_dim3A_184 : i32 to vector<16xi32>
      %mul3A_186 = arith.mulf %gather3A_183, %exp3A_84 : vector<16xf32>
      tpu.vector_store_idx %arg14[%add3A_58, %broadcast_in_dim3A_185], %mul3A_186 : memref<128x32xf32, #tpu.memory_space<vmem>>[vector<16xi32>, vector<16xi32>], vector<16xf32>,
      %broadcast_in_dim3A_187 = arith.constant 17 : i32
      %broadcast_in_dim3A_188 = vector.broadcast %broadcast_in_dim3A_187 : i32 to vector<16xi32>
      %gather3A_189 = tpu.vector_load_idx %arg12[%add3A_58, %broadcast_in_dim3A_188] : memref<128x32xf32, #tpu.memory_space<vmem>>[vector<16xi32>, vector<16xi32>], vector<16xf32>,
      %broadcast_in_dim3A_190 = arith.constant 17 : i32
      %broadcast_in_dim3A_191 = vector.broadcast %broadcast_in_dim3A_190 : i32 to vector<16xi32>
      %mul3A_192 = arith.mulf %gather3A_189, %exp3A_84 : vector<16xf32>
      tpu.vector_store_idx %arg14[%add3A_58, %broadcast_in_dim3A_191], %mul3A_192 : memref<128x32xf32, #tpu.memory_space<vmem>>[vector<16xi32>, vector<16xi32>], vector<16xf32>,
      %broadcast_in_dim3A_193 = arith.constant 18 : i32
      %broadcast_in_dim3A_194 = vector.broadcast %broadcast_in_dim3A_193 : i32 to vector<16xi32>
      %gather3A_195 = tpu.vector_load_idx %arg12[%add3A_58, %broadcast_in_dim3A_194] : memref<128x32xf32, #tpu.memory_space<vmem>>[vector<16xi32>, vector<16xi32>], vector<16xf32>,
      %broadcast_in_dim3A_196 = arith.constant 18 : i32
      %broadcast_in_dim3A_197 = vector.broadcast %broadcast_in_dim3A_196 : i32 to vector<16xi32>
      %mul3A_198 = arith.mulf %gather3A_195, %exp3A_84 : vector<16xf32>
      tpu.vector_store_idx %arg14[%add3A_58, %broadcast_in_dim3A_197], %mul3A_198 : memref<128x32xf32, #tpu.memory_space<vmem>>[vector<16xi32>, vector<16xi32>], vector<16xf32>,
      %broadcast_in_dim3A_199 = arith.constant 19 : i32
      %broadcast_in_dim3A_200 = vector.broadcast %broadcast_in_dim3A_199 : i32 to vector<16xi32>
      %gather3A_201 = tpu.vector_load_idx %arg12[%add3A_58, %broadcast_in_dim3A_200] : memref<128x32xf32, #tpu.memory_space<vmem>>[vector<16xi32>, vector<16xi32>], vector<16xf32>,
      %broadcast_in_dim3A_202 = arith.constant 19 : i32
      %broadcast_in_dim3A_203 = vector.broadcast %broadcast_in_dim3A_202 : i32 to vector<16xi32>
      %mul3A_204 = arith.mulf %gather3A_201, %exp3A_84 : vector<16xf32>
      tpu.vector_store_idx %arg14[%add3A_58, %broadcast_in_dim3A_203], %mul3A_204 : memref<128x32xf32, #tpu.memory_space<vmem>>[vector<16xi32>, vector<16xi32>], vector<16xf32>,
      %broadcast_in_dim3A_205 = arith.constant 20 : i32
      %broadcast_in_dim3A_206 = vector.broadcast %broadcast_in_dim3A_205 : i32 to vector<16xi32>
      tpu.vector_store_idx %arg14[%add3A_58, %broadcast_in_dim3A_206], %exp3A : memref<128x32xf32, #tpu.memory_space<vmem>>[vector<16xi32>, vector<16xi32>], vector<16xf32>,
      %broadcast_in_dim3A_207 = arith.constant 21 : i32
      %broadcast_in_dim3A_208 = vector.broadcast %broadcast_in_dim3A_207 : i32 to vector<16xi32>
      tpu.vector_store_idx %arg14[%add3A_58, %broadcast_in_dim3A_208], %exp3A_84 : memref<128x32xf32, #tpu.memory_space<vmem>>[vector<16xi32>, vector<16xi32>], vector<16xf32>,
      %add3A_209 = arith.constant 16 : i32
      %add3A_210 = vector.broadcast %add3A_209 : i32 to vector<16xi32>
      %add3A_211 = arith.addi %add3A_210, %iota3A : vector<16xi32>
      %broadcast_in_dim3A_212 = arith.constant 20 : i32
      %broadcast_in_dim3A_213 = vector.broadcast %broadcast_in_dim3A_212 : i32 to vector<16xi32>
      %gather3A_214 = tpu.vector_load_idx %arg12[%add3A_211, %broadcast_in_dim3A_213] : memref<128x32xf32, #tpu.memory_space<vmem>>[vector<16xi32>, vector<16xi32>], vector<16xf32>,
      %broadcast_in_dim3A_215 = arith.constant 21 : i32
      %broadcast_in_dim3A_216 = vector.broadcast %broadcast_in_dim3A_215 : i32 to vector<16xi32>
      %gather3A_217 = tpu.vector_load_idx %arg12[%add3A_211, %broadcast_in_dim3A_216] : memref<128x32xf32, #tpu.memory_space<vmem>>[vector<16xi32>, vector<16xi32>], vector<16xf32>,
      %broadcast_in_dim3A_218 = arith.constant 0 : i32
      %broadcast_in_dim3A_219 = vector.broadcast %broadcast_in_dim3A_218 : i32 to vector<16xi32>
      %gather3A_220 = tpu.vector_load_idx %arg13[%add3A_211, %broadcast_in_dim3A_219] : memref<128x16xf32, #tpu.memory_space<vmem>>[vector<16xi32>, vector<16xi32>], vector<16xf32>,
      %broadcast_in_dim3A_221 = arith.constant 1 : i32
      %broadcast_in_dim3A_222 = vector.broadcast %broadcast_in_dim3A_221 : i32 to vector<16xi32>
      %gather3A_223 = tpu.vector_load_idx %arg13[%add3A_211, %broadcast_in_dim3A_222] : memref<128x16xf32, #tpu.memory_space<vmem>>[vector<16xi32>, vector<16xi32>], vector<16xf32>,
      %add3A_224 = arith.addf %gather3A_214, %gather3A_220 : vector<16xf32>
      %ge3A_225 = arith.constant 0.000000e+00 : f32
      %ge3A_226 = vector.broadcast %ge3A_225 : f32 to vector<16xf32>
      %ge3A_227 = arith.cmpf oge, %add3A_224, %ge3A_226 : vector<16xf32>
      %mul3A_228 = arith.constant 2.000000e-01 : f32
      %mul3A_229 = vector.broadcast %mul3A_228 : f32 to vector<16xf32>
      %mul3A_230 = arith.mulf %mul3A_229, %add3A_224 : vector<16xf32>
      %select_n3A_231 = arith.select %ge3A_227, %add3A_224, %mul3A_230 : vector<16xi1>, vector<16xf32>
      %sub3A_232 = arith.subf %select_n3A_231, %get3A_21 : vector<16xf32>
      %exp3A_233 = math.exp %sub3A_232 : vector<16xf32>
      %add3A_234 = arith.addf %gather3A_217, %gather3A_223 : vector<16xf32>
      %ge3A_235 = arith.constant 0.000000e+00 : f32
      %ge3A_236 = vector.broadcast %ge3A_235 : f32 to vector<16xf32>
      %ge3A_237 = arith.cmpf oge, %add3A_234, %ge3A_236 : vector<16xf32>
      %mul3A_238 = arith.constant 2.000000e-01 : f32
      %mul3A_239 = vector.broadcast %mul3A_238 : f32 to vector<16xf32>
      %mul3A_240 = arith.mulf %mul3A_239, %add3A_234 : vector<16xf32>
      %select_n3A_241 = arith.select %ge3A_237, %add3A_234, %mul3A_240 : vector<16xi1>, vector<16xf32>
      %sub3A_242 = arith.subf %select_n3A_241, %get3A_23 : vector<16xf32>
      %exp3A_243 = math.exp %sub3A_242 : vector<16xf32>
      %broadcast_in_dim3A_244 = arith.constant 0 : i32
      %broadcast_in_dim3A_245 = vector.broadcast %broadcast_in_dim3A_244 : i32 to vector<16xi32>
      %gather3A_246 = tpu.vector_load_idx %arg12[%add3A_211, %broadcast_in_dim3A_245] : memref<128x32xf32, #tpu.memory_space<vmem>>[vector<16xi32>, vector<16xi32>], vector<16xf32>,
      %broadcast_in_dim3A_247 = arith.constant 0 : i32
      %broadcast_in_dim3A_248 = vector.broadcast %broadcast_in_dim3A_247 : i32 to vector<16xi32>
      %mul3A_249 = arith.mulf %gather3A_246, %exp3A_233 : vector<16xf32>
      tpu.vector_store_idx %arg14[%add3A_211, %broadcast_in_dim3A_248], %mul3A_249 : memref<128x32xf32, #tpu.memory_space<vmem>>[vector<16xi32>, vector<16xi32>], vector<16xf32>,
      %broadcast_in_dim3A_250 = arith.constant 1 : i32
      %broadcast_in_dim3A_251 = vector.broadcast %broadcast_in_dim3A_250 : i32 to vector<16xi32>
      %gather3A_252 = tpu.vector_load_idx %arg12[%add3A_211, %broadcast_in_dim3A_251] : memref<128x32xf32, #tpu.memory_space<vmem>>[vector<16xi32>, vector<16xi32>], vector<16xf32>,
      %broadcast_in_dim3A_253 = arith.constant 1 : i32
      %broadcast_in_dim3A_254 = vector.broadcast %broadcast_in_dim3A_253 : i32 to vector<16xi32>
      %mul3A_255 = arith.mulf %gather3A_252, %exp3A_233 : vector<16xf32>
      tpu.vector_store_idx %arg14[%add3A_211, %broadcast_in_dim3A_254], %mul3A_255 : memref<128x32xf32, #tpu.memory_space<vmem>>[vector<16xi32>, vector<16xi32>], vector<16xf32>,
      %broadcast_in_dim3A_256 = arith.constant 2 : i32
      %broadcast_in_dim3A_257 = vector.broadcast %broadcast_in_dim3A_256 : i32 to vector<16xi32>
      %gather3A_258 = tpu.vector_load_idx %arg12[%add3A_211, %broadcast_in_dim3A_257] : memref<128x32xf32, #tpu.memory_space<vmem>>[vector<16xi32>, vector<16xi32>], vector<16xf32>,
      %broadcast_in_dim3A_259 = arith.constant 2 : i32
      %broadcast_in_dim3A_260 = vector.broadcast %broadcast_in_dim3A_259 : i32 to vector<16xi32>
      %mul3A_261 = arith.mulf %gather3A_258, %exp3A_233 : vector<16xf32>
      tpu.vector_store_idx %arg14[%add3A_211, %broadcast_in_dim3A_260], %mul3A_261 : memref<128x32xf32, #tpu.memory_space<vmem>>[vector<16xi32>, vector<16xi32>], vector<16xf32>,
      %broadcast_in_dim3A_262 = arith.constant 3 : i32
      %broadcast_in_dim3A_263 = vector.broadcast %broadcast_in_dim3A_262 : i32 to vector<16xi32>
      %gather3A_264 = tpu.vector_load_idx %arg12[%add3A_211, %broadcast_in_dim3A_263] : memref<128x32xf32, #tpu.memory_space<vmem>>[vector<16xi32>, vector<16xi32>], vector<16xf32>,
      %broadcast_in_dim3A_265 = arith.constant 3 : i32
      %broadcast_in_dim3A_266 = vector.broadcast %broadcast_in_dim3A_265 : i32 to vector<16xi32>
      %mul3A_267 = arith.mulf %gather3A_264, %exp3A_233 : vector<16xf32>
      tpu.vector_store_idx %arg14[%add3A_211, %broadcast_in_dim3A_266], %mul3A_267 : memref<128x32xf32, #tpu.memory_space<vmem>>[vector<16xi32>, vector<16xi32>], vector<16xf32>,
      %broadcast_in_dim3A_268 = arith.constant 4 : i32
      %broadcast_in_dim3A_269 = vector.broadcast %broadcast_in_dim3A_268 : i32 to vector<16xi32>
      %gather3A_270 = tpu.vector_load_idx %arg12[%add3A_211, %broadcast_in_dim3A_269] : memref<128x32xf32, #tpu.memory_space<vmem>>[vector<16xi32>, vector<16xi32>], vector<16xf32>,
      %broadcast_in_dim3A_271 = arith.constant 4 : i32
      %broadcast_in_dim3A_272 = vector.broadcast %broadcast_in_dim3A_271 : i32 to vector<16xi32>
      %mul3A_273 = arith.mulf %gather3A_270, %exp3A_233 : vector<16xf32>
      tpu.vector_store_idx %arg14[%add3A_211, %broadcast_in_dim3A_272], %mul3A_273 : memref<128x32xf32, #tpu.memory_space<vmem>>[vector<16xi32>, vector<16xi32>], vector<16xf32>,
      %broadcast_in_dim3A_274 = arith.constant 5 : i32
      %broadcast_in_dim3A_275 = vector.broadcast %broadcast_in_dim3A_274 : i32 to vector<16xi32>
      %gather3A_276 = tpu.vector_load_idx %arg12[%add3A_211, %broadcast_in_dim3A_275] : memref<128x32xf32, #tpu.memory_space<vmem>>[vector<16xi32>, vector<16xi32>], vector<16xf32>,
      %broadcast_in_dim3A_277 = arith.constant 5 : i32
      %broadcast_in_dim3A_278 = vector.broadcast %broadcast_in_dim3A_277 : i32 to vector<16xi32>
      %mul3A_279 = arith.mulf %gather3A_276, %exp3A_233 : vector<16xf32>
      tpu.vector_store_idx %arg14[%add3A_211, %broadcast_in_dim3A_278], %mul3A_279 : memref<128x32xf32, #tpu.memory_space<vmem>>[vector<16xi32>, vector<16xi32>], vector<16xf32>,
      %broadcast_in_dim3A_280 = arith.constant 6 : i32
      %broadcast_in_dim3A_281 = vector.broadcast %broadcast_in_dim3A_280 : i32 to vector<16xi32>
      %gather3A_282 = tpu.vector_load_idx %arg12[%add3A_211, %broadcast_in_dim3A_281] : memref<128x32xf32, #tpu.memory_space<vmem>>[vector<16xi32>, vector<16xi32>], vector<16xf32>,
      %broadcast_in_dim3A_283 = arith.constant 6 : i32
      %broadcast_in_dim3A_284 = vector.broadcast %broadcast_in_dim3A_283 : i32 to vector<16xi32>
      %mul3A_285 = arith.mulf %gather3A_282, %exp3A_233 : vector<16xf32>
      tpu.vector_store_idx %arg14[%add3A_211, %broadcast_in_dim3A_284], %mul3A_285 : memref<128x32xf32, #tpu.memory_space<vmem>>[vector<16xi32>, vector<16xi32>], vector<16xf32>,
      %broadcast_in_dim3A_286 = arith.constant 7 : i32
      %broadcast_in_dim3A_287 = vector.broadcast %broadcast_in_dim3A_286 : i32 to vector<16xi32>
      %gather3A_288 = tpu.vector_load_idx %arg12[%add3A_211, %broadcast_in_dim3A_287] : memref<128x32xf32, #tpu.memory_space<vmem>>[vector<16xi32>, vector<16xi32>], vector<16xf32>,
      %broadcast_in_dim3A_289 = arith.constant 7 : i32
      %broadcast_in_dim3A_290 = vector.broadcast %broadcast_in_dim3A_289 : i32 to vector<16xi32>
      %mul3A_291 = arith.mulf %gather3A_288, %exp3A_233 : vector<16xf32>
      tpu.vector_store_idx %arg14[%add3A_211, %broadcast_in_dim3A_290], %mul3A_291 : memref<128x32xf32, #tpu.memory_space<vmem>>[vector<16xi32>, vector<16xi32>], vector<16xf32>,
      %broadcast_in_dim3A_292 = arith.constant 8 : i32
      %broadcast_in_dim3A_293 = vector.broadcast %broadcast_in_dim3A_292 : i32 to vector<16xi32>
      %gather3A_294 = tpu.vector_load_idx %arg12[%add3A_211, %broadcast_in_dim3A_293] : memref<128x32xf32, #tpu.memory_space<vmem>>[vector<16xi32>, vector<16xi32>], vector<16xf32>,
      %broadcast_in_dim3A_295 = arith.constant 8 : i32
      %broadcast_in_dim3A_296 = vector.broadcast %broadcast_in_dim3A_295 : i32 to vector<16xi32>
      %mul3A_297 = arith.mulf %gather3A_294, %exp3A_233 : vector<16xf32>
      tpu.vector_store_idx %arg14[%add3A_211, %broadcast_in_dim3A_296], %mul3A_297 : memref<128x32xf32, #tpu.memory_space<vmem>>[vector<16xi32>, vector<16xi32>], vector<16xf32>,
      %broadcast_in_dim3A_298 = arith.constant 9 : i32
      %broadcast_in_dim3A_299 = vector.broadcast %broadcast_in_dim3A_298 : i32 to vector<16xi32>
      %gather3A_300 = tpu.vector_load_idx %arg12[%add3A_211, %broadcast_in_dim3A_299] : memref<128x32xf32, #tpu.memory_space<vmem>>[vector<16xi32>, vector<16xi32>], vector<16xf32>,
      %broadcast_in_dim3A_301 = arith.constant 9 : i32
      %broadcast_in_dim3A_302 = vector.broadcast %broadcast_in_dim3A_301 : i32 to vector<16xi32>
      %mul3A_303 = arith.mulf %gather3A_300, %exp3A_233 : vector<16xf32>
      tpu.vector_store_idx %arg14[%add3A_211, %broadcast_in_dim3A_302], %mul3A_303 : memref<128x32xf32, #tpu.memory_space<vmem>>[vector<16xi32>, vector<16xi32>], vector<16xf32>,
      %broadcast_in_dim3A_304 = arith.constant 10 : i32
      %broadcast_in_dim3A_305 = vector.broadcast %broadcast_in_dim3A_304 : i32 to vector<16xi32>
      %gather3A_306 = tpu.vector_load_idx %arg12[%add3A_211, %broadcast_in_dim3A_305] : memref<128x32xf32, #tpu.memory_space<vmem>>[vector<16xi32>, vector<16xi32>], vector<16xf32>,
      %broadcast_in_dim3A_307 = arith.constant 10 : i32
      %broadcast_in_dim3A_308 = vector.broadcast %broadcast_in_dim3A_307 : i32 to vector<16xi32>
      %mul3A_309 = arith.mulf %gather3A_306, %exp3A_243 : vector<16xf32>
      tpu.vector_store_idx %arg14[%add3A_211, %broadcast_in_dim3A_308], %mul3A_309 : memref<128x32xf32, #tpu.memory_space<vmem>>[vector<16xi32>, vector<16xi32>], vector<16xf32>,
      %broadcast_in_dim3A_310 = arith.constant 11 : i32
      %broadcast_in_dim3A_311 = vector.broadcast %broadcast_in_dim3A_310 : i32 to vector<16xi32>
      %gather3A_312 = tpu.vector_load_idx %arg12[%add3A_211, %broadcast_in_dim3A_311] : memref<128x32xf32, #tpu.memory_space<vmem>>[vector<16xi32>, vector<16xi32>], vector<16xf32>,
      %broadcast_in_dim3A_313 = arith.constant 11 : i32
      %broadcast_in_dim3A_314 = vector.broadcast %broadcast_in_dim3A_313 : i32 to vector<16xi32>
      %mul3A_315 = arith.mulf %gather3A_312, %exp3A_243 : vector<16xf32>
      tpu.vector_store_idx %arg14[%add3A_211, %broadcast_in_dim3A_314], %mul3A_315 : memref<128x32xf32, #tpu.memory_space<vmem>>[vector<16xi32>, vector<16xi32>], vector<16xf32>,
      %broadcast_in_dim3A_316 = arith.constant 12 : i32
      %broadcast_in_dim3A_317 = vector.broadcast %broadcast_in_dim3A_316 : i32 to vector<16xi32>
      %gather3A_318 = tpu.vector_load_idx %arg12[%add3A_211, %broadcast_in_dim3A_317] : memref<128x32xf32, #tpu.memory_space<vmem>>[vector<16xi32>, vector<16xi32>], vector<16xf32>,
      %broadcast_in_dim3A_319 = arith.constant 12 : i32
      %broadcast_in_dim3A_320 = vector.broadcast %broadcast_in_dim3A_319 : i32 to vector<16xi32>
      %mul3A_321 = arith.mulf %gather3A_318, %exp3A_243 : vector<16xf32>
      tpu.vector_store_idx %arg14[%add3A_211, %broadcast_in_dim3A_320], %mul3A_321 : memref<128x32xf32, #tpu.memory_space<vmem>>[vector<16xi32>, vector<16xi32>], vector<16xf32>,
      %broadcast_in_dim3A_322 = arith.constant 13 : i32
      %broadcast_in_dim3A_323 = vector.broadcast %broadcast_in_dim3A_322 : i32 to vector<16xi32>
      %gather3A_324 = tpu.vector_load_idx %arg12[%add3A_211, %broadcast_in_dim3A_323] : memref<128x32xf32, #tpu.memory_space<vmem>>[vector<16xi32>, vector<16xi32>], vector<16xf32>,
      %broadcast_in_dim3A_325 = arith.constant 13 : i32
      %broadcast_in_dim3A_326 = vector.broadcast %broadcast_in_dim3A_325 : i32 to vector<16xi32>
      %mul3A_327 = arith.mulf %gather3A_324, %exp3A_243 : vector<16xf32>
      tpu.vector_store_idx %arg14[%add3A_211, %broadcast_in_dim3A_326], %mul3A_327 : memref<128x32xf32, #tpu.memory_space<vmem>>[vector<16xi32>, vector<16xi32>], vector<16xf32>,
      %broadcast_in_dim3A_328 = arith.constant 14 : i32
      %broadcast_in_dim3A_329 = vector.broadcast %broadcast_in_dim3A_328 : i32 to vector<16xi32>
      %gather3A_330 = tpu.vector_load_idx %arg12[%add3A_211, %broadcast_in_dim3A_329] : memref<128x32xf32, #tpu.memory_space<vmem>>[vector<16xi32>, vector<16xi32>], vector<16xf32>,
      %broadcast_in_dim3A_331 = arith.constant 14 : i32
      %broadcast_in_dim3A_332 = vector.broadcast %broadcast_in_dim3A_331 : i32 to vector<16xi32>
      %mul3A_333 = arith.mulf %gather3A_330, %exp3A_243 : vector<16xf32>
      tpu.vector_store_idx %arg14[%add3A_211, %broadcast_in_dim3A_332], %mul3A_333 : memref<128x32xf32, #tpu.memory_space<vmem>>[vector<16xi32>, vector<16xi32>], vector<16xf32>,
      %broadcast_in_dim3A_334 = arith.constant 15 : i32
      %broadcast_in_dim3A_335 = vector.broadcast %broadcast_in_dim3A_334 : i32 to vector<16xi32>
      %gather3A_336 = tpu.vector_load_idx %arg12[%add3A_211, %broadcast_in_dim3A_335] : memref<128x32xf32, #tpu.memory_space<vmem>>[vector<16xi32>, vector<16xi32>], vector<16xf32>,
      %broadcast_in_dim3A_337 = arith.constant 15 : i32
      %broadcast_in_dim3A_338 = vector.broadcast %broadcast_in_dim3A_337 : i32 to vector<16xi32>
      %mul3A_339 = arith.mulf %gather3A_336, %exp3A_243 : vector<16xf32>
      tpu.vector_store_idx %arg14[%add3A_211, %broadcast_in_dim3A_338], %mul3A_339 : memref<128x32xf32, #tpu.memory_space<vmem>>[vector<16xi32>, vector<16xi32>], vector<16xf32>,
      %broadcast_in_dim3A_340 = arith.constant 16 : i32
      %broadcast_in_dim3A_341 = vector.broadcast %broadcast_in_dim3A_340 : i32 to vector<16xi32>
      %gather3A_342 = tpu.vector_load_idx %arg12[%add3A_211, %broadcast_in_dim3A_341] : memref<128x32xf32, #tpu.memory_space<vmem>>[vector<16xi32>, vector<16xi32>], vector<16xf32>,
      %broadcast_in_dim3A_343 = arith.constant 16 : i32
      %broadcast_in_dim3A_344 = vector.broadcast %broadcast_in_dim3A_343 : i32 to vector<16xi32>
      %mul3A_345 = arith.mulf %gather3A_342, %exp3A_243 : vector<16xf32>
      tpu.vector_store_idx %arg14[%add3A_211, %broadcast_in_dim3A_344], %mul3A_345 : memref<128x32xf32, #tpu.memory_space<vmem>>[vector<16xi32>, vector<16xi32>], vector<16xf32>,
      %broadcast_in_dim3A_346 = arith.constant 17 : i32
      %broadcast_in_dim3A_347 = vector.broadcast %broadcast_in_dim3A_346 : i32 to vector<16xi32>
      %gather3A_348 = tpu.vector_load_idx %arg12[%add3A_211, %broadcast_in_dim3A_347] : memref<128x32xf32, #tpu.memory_space<vmem>>[vector<16xi32>, vector<16xi32>], vector<16xf32>,
      %broadcast_in_dim3A_349 = arith.constant 17 : i32
      %broadcast_in_dim3A_350 = vector.broadcast %broadcast_in_dim3A_349 : i32 to vector<16xi32>
      %mul3A_351 = arith.mulf %gather3A_348, %exp3A_243 : vector<16xf32>
      tpu.vector_store_idx %arg14[%add3A_211, %broadcast_in_dim3A_350], %mul3A_351 : memref<128x32xf32, #tpu.memory_space<vmem>>[vector<16xi32>, vector<16xi32>], vector<16xf32>,
      %broadcast_in_dim3A_352 = arith.constant 18 : i32
      %broadcast_in_dim3A_353 = vector.broadcast %broadcast_in_dim3A_352 : i32 to vector<16xi32>
      %gather3A_354 = tpu.vector_load_idx %arg12[%add3A_211, %broadcast_in_dim3A_353] : memref<128x32xf32, #tpu.memory_space<vmem>>[vector<16xi32>, vector<16xi32>], vector<16xf32>,
      %broadcast_in_dim3A_355 = arith.constant 18 : i32
      %broadcast_in_dim3A_356 = vector.broadcast %broadcast_in_dim3A_355 : i32 to vector<16xi32>
      %mul3A_357 = arith.mulf %gather3A_354, %exp3A_243 : vector<16xf32>
      tpu.vector_store_idx %arg14[%add3A_211, %broadcast_in_dim3A_356], %mul3A_357 : memref<128x32xf32, #tpu.memory_space<vmem>>[vector<16xi32>, vector<16xi32>], vector<16xf32>,
      %broadcast_in_dim3A_358 = arith.constant 19 : i32
      %broadcast_in_dim3A_359 = vector.broadcast %broadcast_in_dim3A_358 : i32 to vector<16xi32>
      %gather3A_360 = tpu.vector_load_idx %arg12[%add3A_211, %broadcast_in_dim3A_359] : memref<128x32xf32, #tpu.memory_space<vmem>>[vector<16xi32>, vector<16xi32>], vector<16xf32>,
      %broadcast_in_dim3A_361 = arith.constant 19 : i32
      %broadcast_in_dim3A_362 = vector.broadcast %broadcast_in_dim3A_361 : i32 to vector<16xi32>
      %mul3A_363 = arith.mulf %gather3A_360, %exp3A_243 : vector<16xf32>
      tpu.vector_store_idx %arg14[%add3A_211, %broadcast_in_dim3A_362], %mul3A_363 : memref<128x32xf32, #tpu.memory_space<vmem>>[vector<16xi32>, vector<16xi32>], vector<16xf32>,
      %broadcast_in_dim3A_364 = arith.constant 20 : i32
      %broadcast_in_dim3A_365 = vector.broadcast %broadcast_in_dim3A_364 : i32 to vector<16xi32>
      tpu.vector_store_idx %arg14[%add3A_211, %broadcast_in_dim3A_365], %exp3A_233 : memref<128x32xf32, #tpu.memory_space<vmem>>[vector<16xi32>, vector<16xi32>], vector<16xf32>,
      %broadcast_in_dim3A_366 = arith.constant 21 : i32
      %broadcast_in_dim3A_367 = vector.broadcast %broadcast_in_dim3A_366 : i32 to vector<16xi32>
      tpu.vector_store_idx %arg14[%add3A_211, %broadcast_in_dim3A_367], %exp3A_243 : memref<128x32xf32, #tpu.memory_space<vmem>>[vector<16xi32>, vector<16xi32>], vector<16xf32>,
      %add3A_368 = arith.constant 32 : i32
      %add3A_369 = vector.broadcast %add3A_368 : i32 to vector<16xi32>
      %add3A_370 = arith.addi %add3A_369, %iota3A : vector<16xi32>
      %broadcast_in_dim3A_371 = arith.constant 20 : i32
      %broadcast_in_dim3A_372 = vector.broadcast %broadcast_in_dim3A_371 : i32 to vector<16xi32>
      %gather3A_373 = tpu.vector_load_idx %arg12[%add3A_370, %broadcast_in_dim3A_372] : memref<128x32xf32, #tpu.memory_space<vmem>>[vector<16xi32>, vector<16xi32>], vector<16xf32>,
      %broadcast_in_dim3A_374 = arith.constant 21 : i32
      %broadcast_in_dim3A_375 = vector.broadcast %broadcast_in_dim3A_374 : i32 to vector<16xi32>
      %gather3A_376 = tpu.vector_load_idx %arg12[%add3A_370, %broadcast_in_dim3A_375] : memref<128x32xf32, #tpu.memory_space<vmem>>[vector<16xi32>, vector<16xi32>], vector<16xf32>,
      %broadcast_in_dim3A_377 = arith.constant 0 : i32
      %broadcast_in_dim3A_378 = vector.broadcast %broadcast_in_dim3A_377 : i32 to vector<16xi32>
      %gather3A_379 = tpu.vector_load_idx %arg13[%add3A_370, %broadcast_in_dim3A_378] : memref<128x16xf32, #tpu.memory_space<vmem>>[vector<16xi32>, vector<16xi32>], vector<16xf32>,
      %broadcast_in_dim3A_380 = arith.constant 1 : i32
      %broadcast_in_dim3A_381 = vector.broadcast %broadcast_in_dim3A_380 : i32 to vector<16xi32>
      %gather3A_382 = tpu.vector_load_idx %arg13[%add3A_370, %broadcast_in_dim3A_381] : memref<128x16xf32, #tpu.memory_space<vmem>>[vector<16xi32>, vector<16xi32>], vector<16xf32>,
      %add3A_383 = arith.addf %gather3A_373, %gather3A_379 : vector<16xf32>
      %ge3A_384 = arith.constant 0.000000e+00 : f32
      %ge3A_385 = vector.broadcast %ge3A_384 : f32 to vector<16xf32>
      %ge3A_386 = arith.cmpf oge, %add3A_383, %ge3A_385 : vector<16xf32>
      %mul3A_387 = arith.constant 2.000000e-01 : f32
      %mul3A_388 = vector.broadcast %mul3A_387 : f32 to vector<16xf32>
      %mul3A_389 = arith.mulf %mul3A_388, %add3A_383 : vector<16xf32>
      %select_n3A_390 = arith.select %ge3A_386, %add3A_383, %mul3A_389 : vector<16xi1>, vector<16xf32>
      %sub3A_391 = arith.subf %select_n3A_390, %get3A_21 : vector<16xf32>
      %exp3A_392 = math.exp %sub3A_391 : vector<16xf32>
      %add3A_393 = arith.addf %gather3A_376, %gather3A_382 : vector<16xf32>
      %ge3A_394 = arith.constant 0.000000e+00 : f32
      %ge3A_395 = vector.broadcast %ge3A_394 : f32 to vector<16xf32>
      %ge3A_396 = arith.cmpf oge, %add3A_393, %ge3A_395 : vector<16xf32>
      %mul3A_397 = arith.constant 2.000000e-01 : f32
      %mul3A_398 = vector.broadcast %mul3A_397 : f32 to vector<16xf32>
      %mul3A_399 = arith.mulf %mul3A_398, %add3A_393 : vector<16xf32>
      %select_n3A_400 = arith.select %ge3A_396, %add3A_393, %mul3A_399 : vector<16xi1>, vector<16xf32>
      %sub3A_401 = arith.subf %select_n3A_400, %get3A_23 : vector<16xf32>
      %exp3A_402 = math.exp %sub3A_401 : vector<16xf32>
      %broadcast_in_dim3A_403 = arith.constant 0 : i32
      %broadcast_in_dim3A_404 = vector.broadcast %broadcast_in_dim3A_403 : i32 to vector<16xi32>
      %gather3A_405 = tpu.vector_load_idx %arg12[%add3A_370, %broadcast_in_dim3A_404] : memref<128x32xf32, #tpu.memory_space<vmem>>[vector<16xi32>, vector<16xi32>], vector<16xf32>,
      %broadcast_in_dim3A_406 = arith.constant 0 : i32
      %broadcast_in_dim3A_407 = vector.broadcast %broadcast_in_dim3A_406 : i32 to vector<16xi32>
      %mul3A_408 = arith.mulf %gather3A_405, %exp3A_392 : vector<16xf32>
      tpu.vector_store_idx %arg14[%add3A_370, %broadcast_in_dim3A_407], %mul3A_408 : memref<128x32xf32, #tpu.memory_space<vmem>>[vector<16xi32>, vector<16xi32>], vector<16xf32>,
      %broadcast_in_dim3A_409 = arith.constant 1 : i32
      %broadcast_in_dim3A_410 = vector.broadcast %broadcast_in_dim3A_409 : i32 to vector<16xi32>
      %gather3A_411 = tpu.vector_load_idx %arg12[%add3A_370, %broadcast_in_dim3A_410] : memref<128x32xf32, #tpu.memory_space<vmem>>[vector<16xi32>, vector<16xi32>], vector<16xf32>,
      %broadcast_in_dim3A_412 = arith.constant 1 : i32
      %broadcast_in_dim3A_413 = vector.broadcast %broadcast_in_dim3A_412 : i32 to vector<16xi32>
      %mul3A_414 = arith.mulf %gather3A_411, %exp3A_392 : vector<16xf32>
      tpu.vector_store_idx %arg14[%add3A_370, %broadcast_in_dim3A_413], %mul3A_414 : memref<128x32xf32, #tpu.memory_space<vmem>>[vector<16xi32>, vector<16xi32>], vector<16xf32>,
      %broadcast_in_dim3A_415 = arith.constant 2 : i32
      %broadcast_in_dim3A_416 = vector.broadcast %broadcast_in_dim3A_415 : i32 to vector<16xi32>
      %gather3A_417 = tpu.vector_load_idx %arg12[%add3A_370, %broadcast_in_dim3A_416] : memref<128x32xf32, #tpu.memory_space<vmem>>[vector<16xi32>, vector<16xi32>], vector<16xf32>,
      %broadcast_in_dim3A_418 = arith.constant 2 : i32
      %broadcast_in_dim3A_419 = vector.broadcast %broadcast_in_dim3A_418 : i32 to vector<16xi32>
      %mul3A_420 = arith.mulf %gather3A_417, %exp3A_392 : vector<16xf32>
      tpu.vector_store_idx %arg14[%add3A_370, %broadcast_in_dim3A_419], %mul3A_420 : memref<128x32xf32, #tpu.memory_space<vmem>>[vector<16xi32>, vector<16xi32>], vector<16xf32>,
      %broadcast_in_dim3A_421 = arith.constant 3 : i32
      %broadcast_in_dim3A_422 = vector.broadcast %broadcast_in_dim3A_421 : i32 to vector<16xi32>
      %gather3A_423 = tpu.vector_load_idx %arg12[%add3A_370, %broadcast_in_dim3A_422] : memref<128x32xf32, #tpu.memory_space<vmem>>[vector<16xi32>, vector<16xi32>], vector<16xf32>,
      %broadcast_in_dim3A_424 = arith.constant 3 : i32
      %broadcast_in_dim3A_425 = vector.broadcast %broadcast_in_dim3A_424 : i32 to vector<16xi32>
      %mul3A_426 = arith.mulf %gather3A_423, %exp3A_392 : vector<16xf32>
      tpu.vector_store_idx %arg14[%add3A_370, %broadcast_in_dim3A_425], %mul3A_426 : memref<128x32xf32, #tpu.memory_space<vmem>>[vector<16xi32>, vector<16xi32>], vector<16xf32>,
      %broadcast_in_dim3A_427 = arith.constant 4 : i32
      %broadcast_in_dim3A_428 = vector.broadcast %broadcast_in_dim3A_427 : i32 to vector<16xi32>
      %gather3A_429 = tpu.vector_load_idx %arg12[%add3A_370, %broadcast_in_dim3A_428] : memref<128x32xf32, #tpu.memory_space<vmem>>[vector<16xi32>, vector<16xi32>], vector<16xf32>,
      %broadcast_in_dim3A_430 = arith.constant 4 : i32
      %broadcast_in_dim3A_431 = vector.broadcast %broadcast_in_dim3A_430 : i32 to vector<16xi32>
      %mul3A_432 = arith.mulf %gather3A_429, %exp3A_392 : vector<16xf32>
      tpu.vector_store_idx %arg14[%add3A_370, %broadcast_in_dim3A_431], %mul3A_432 : memref<128x32xf32, #tpu.memory_space<vmem>>[vector<16xi32>, vector<16xi32>], vector<16xf32>,
      %broadcast_in_dim3A_433 = arith.constant 5 : i32
      %broadcast_in_dim3A_434 = vector.broadcast %broadcast_in_dim3A_433 : i32 to vector<16xi32>
      %gather3A_435 = tpu.vector_load_idx %arg12[%add3A_370, %broadcast_in_dim3A_434] : memref<128x32xf32, #tpu.memory_space<vmem>>[vector<16xi32>, vector<16xi32>], vector<16xf32>,
      %broadcast_in_dim3A_436 = arith.constant 5 : i32
      %broadcast_in_dim3A_437 = vector.broadcast %broadcast_in_dim3A_436 : i32 to vector<16xi32>
      %mul3A_438 = arith.mulf %gather3A_435, %exp3A_392 : vector<16xf32>
      tpu.vector_store_idx %arg14[%add3A_370, %broadcast_in_dim3A_437], %mul3A_438 : memref<128x32xf32, #tpu.memory_space<vmem>>[vector<16xi32>, vector<16xi32>], vector<16xf32>,
      %broadcast_in_dim3A_439 = arith.constant 6 : i32
      %broadcast_in_dim3A_440 = vector.broadcast %broadcast_in_dim3A_439 : i32 to vector<16xi32>
      %gather3A_441 = tpu.vector_load_idx %arg12[%add3A_370, %broadcast_in_dim3A_440] : memref<128x32xf32, #tpu.memory_space<vmem>>[vector<16xi32>, vector<16xi32>], vector<16xf32>,
      %broadcast_in_dim3A_442 = arith.constant 6 : i32
      %broadcast_in_dim3A_443 = vector.broadcast %broadcast_in_dim3A_442 : i32 to vector<16xi32>
      %mul3A_444 = arith.mulf %gather3A_441, %exp3A_392 : vector<16xf32>
      tpu.vector_store_idx %arg14[%add3A_370, %broadcast_in_dim3A_443], %mul3A_444 : memref<128x32xf32, #tpu.memory_space<vmem>>[vector<16xi32>, vector<16xi32>], vector<16xf32>,
      %broadcast_in_dim3A_445 = arith.constant 7 : i32
      %broadcast_in_dim3A_446 = vector.broadcast %broadcast_in_dim3A_445 : i32 to vector<16xi32>
      %gather3A_447 = tpu.vector_load_idx %arg12[%add3A_370, %broadcast_in_dim3A_446] : memref<128x32xf32, #tpu.memory_space<vmem>>[vector<16xi32>, vector<16xi32>], vector<16xf32>,
      %broadcast_in_dim3A_448 = arith.constant 7 : i32
      %broadcast_in_dim3A_449 = vector.broadcast %broadcast_in_dim3A_448 : i32 to vector<16xi32>
      %mul3A_450 = arith.mulf %gather3A_447, %exp3A_392 : vector<16xf32>
      tpu.vector_store_idx %arg14[%add3A_370, %broadcast_in_dim3A_449], %mul3A_450 : memref<128x32xf32, #tpu.memory_space<vmem>>[vector<16xi32>, vector<16xi32>], vector<16xf32>,
      %broadcast_in_dim3A_451 = arith.constant 8 : i32
      %broadcast_in_dim3A_452 = vector.broadcast %broadcast_in_dim3A_451 : i32 to vector<16xi32>
      %gather3A_453 = tpu.vector_load_idx %arg12[%add3A_370, %broadcast_in_dim3A_452] : memref<128x32xf32, #tpu.memory_space<vmem>>[vector<16xi32>, vector<16xi32>], vector<16xf32>,
      %broadcast_in_dim3A_454 = arith.constant 8 : i32
      %broadcast_in_dim3A_455 = vector.broadcast %broadcast_in_dim3A_454 : i32 to vector<16xi32>
      %mul3A_456 = arith.mulf %gather3A_453, %exp3A_392 : vector<16xf32>
      tpu.vector_store_idx %arg14[%add3A_370, %broadcast_in_dim3A_455], %mul3A_456 : memref<128x32xf32, #tpu.memory_space<vmem>>[vector<16xi32>, vector<16xi32>], vector<16xf32>,
      %broadcast_in_dim3A_457 = arith.constant 9 : i32
      %broadcast_in_dim3A_458 = vector.broadcast %broadcast_in_dim3A_457 : i32 to vector<16xi32>
      %gather3A_459 = tpu.vector_load_idx %arg12[%add3A_370, %broadcast_in_dim3A_458] : memref<128x32xf32, #tpu.memory_space<vmem>>[vector<16xi32>, vector<16xi32>], vector<16xf32>,
      %broadcast_in_dim3A_460 = arith.constant 9 : i32
      %broadcast_in_dim3A_461 = vector.broadcast %broadcast_in_dim3A_460 : i32 to vector<16xi32>
      %mul3A_462 = arith.mulf %gather3A_459, %exp3A_392 : vector<16xf32>
      tpu.vector_store_idx %arg14[%add3A_370, %broadcast_in_dim3A_461], %mul3A_462 : memref<128x32xf32, #tpu.memory_space<vmem>>[vector<16xi32>, vector<16xi32>], vector<16xf32>,
      %broadcast_in_dim3A_463 = arith.constant 10 : i32
      %broadcast_in_dim3A_464 = vector.broadcast %broadcast_in_dim3A_463 : i32 to vector<16xi32>
      %gather3A_465 = tpu.vector_load_idx %arg12[%add3A_370, %broadcast_in_dim3A_464] : memref<128x32xf32, #tpu.memory_space<vmem>>[vector<16xi32>, vector<16xi32>], vector<16xf32>,
      %broadcast_in_dim3A_466 = arith.constant 10 : i32
      %broadcast_in_dim3A_467 = vector.broadcast %broadcast_in_dim3A_466 : i32 to vector<16xi32>
      %mul3A_468 = arith.mulf %gather3A_465, %exp3A_402 : vector<16xf32>
      tpu.vector_store_idx %arg14[%add3A_370, %broadcast_in_dim3A_467], %mul3A_468 : memref<128x32xf32, #tpu.memory_space<vmem>>[vector<16xi32>, vector<16xi32>], vector<16xf32>,
      %broadcast_in_dim3A_469 = arith.constant 11 : i32
      %broadcast_in_dim3A_470 = vector.broadcast %broadcast_in_dim3A_469 : i32 to vector<16xi32>
      %gather3A_471 = tpu.vector_load_idx %arg12[%add3A_370, %broadcast_in_dim3A_470] : memref<128x32xf32, #tpu.memory_space<vmem>>[vector<16xi32>, vector<16xi32>], vector<16xf32>,
      %broadcast_in_dim3A_472 = arith.constant 11 : i32
      %broadcast_in_dim3A_473 = vector.broadcast %broadcast_in_dim3A_472 : i32 to vector<16xi32>
      %mul3A_474 = arith.mulf %gather3A_471, %exp3A_402 : vector<16xf32>
      tpu.vector_store_idx %arg14[%add3A_370, %broadcast_in_dim3A_473], %mul3A_474 : memref<128x32xf32, #tpu.memory_space<vmem>>[vector<16xi32>, vector<16xi32>], vector<16xf32>,
      %broadcast_in_dim3A_475 = arith.constant 12 : i32
      %broadcast_in_dim3A_476 = vector.broadcast %broadcast_in_dim3A_475 : i32 to vector<16xi32>
      %gather3A_477 = tpu.vector_load_idx %arg12[%add3A_370, %broadcast_in_dim3A_476] : memref<128x32xf32, #tpu.memory_space<vmem>>[vector<16xi32>, vector<16xi32>], vector<16xf32>,
      %broadcast_in_dim3A_478 = arith.constant 12 : i32
      %broadcast_in_dim3A_479 = vector.broadcast %broadcast_in_dim3A_478 : i32 to vector<16xi32>
      %mul3A_480 = arith.mulf %gather3A_477, %exp3A_402 : vector<16xf32>
      tpu.vector_store_idx %arg14[%add3A_370, %broadcast_in_dim3A_479], %mul3A_480 : memref<128x32xf32, #tpu.memory_space<vmem>>[vector<16xi32>, vector<16xi32>], vector<16xf32>,
      %broadcast_in_dim3A_481 = arith.constant 13 : i32
      %broadcast_in_dim3A_482 = vector.broadcast %broadcast_in_dim3A_481 : i32 to vector<16xi32>
      %gather3A_483 = tpu.vector_load_idx %arg12[%add3A_370, %broadcast_in_dim3A_482] : memref<128x32xf32, #tpu.memory_space<vmem>>[vector<16xi32>, vector<16xi32>], vector<16xf32>,
      %broadcast_in_dim3A_484 = arith.constant 13 : i32
      %broadcast_in_dim3A_485 = vector.broadcast %broadcast_in_dim3A_484 : i32 to vector<16xi32>
      %mul3A_486 = arith.mulf %gather3A_483, %exp3A_402 : vector<16xf32>
      tpu.vector_store_idx %arg14[%add3A_370, %broadcast_in_dim3A_485], %mul3A_486 : memref<128x32xf32, #tpu.memory_space<vmem>>[vector<16xi32>, vector<16xi32>], vector<16xf32>,
      %broadcast_in_dim3A_487 = arith.constant 14 : i32
      %broadcast_in_dim3A_488 = vector.broadcast %broadcast_in_dim3A_487 : i32 to vector<16xi32>
      %gather3A_489 = tpu.vector_load_idx %arg12[%add3A_370, %broadcast_in_dim3A_488] : memref<128x32xf32, #tpu.memory_space<vmem>>[vector<16xi32>, vector<16xi32>], vector<16xf32>,
      %broadcast_in_dim3A_490 = arith.constant 14 : i32
      %broadcast_in_dim3A_491 = vector.broadcast %broadcast_in_dim3A_490 : i32 to vector<16xi32>
      %mul3A_492 = arith.mulf %gather3A_489, %exp3A_402 : vector<16xf32>
      tpu.vector_store_idx %arg14[%add3A_370, %broadcast_in_dim3A_491], %mul3A_492 : memref<128x32xf32, #tpu.memory_space<vmem>>[vector<16xi32>, vector<16xi32>], vector<16xf32>,
      %broadcast_in_dim3A_493 = arith.constant 15 : i32
      %broadcast_in_dim3A_494 = vector.broadcast %broadcast_in_dim3A_493 : i32 to vector<16xi32>
      %gather3A_495 = tpu.vector_load_idx %arg12[%add3A_370, %broadcast_in_dim3A_494] : memref<128x32xf32, #tpu.memory_space<vmem>>[vector<16xi32>, vector<16xi32>], vector<16xf32>,
      %broadcast_in_dim3A_496 = arith.constant 15 : i32
      %broadcast_in_dim3A_497 = vector.broadcast %broadcast_in_dim3A_496 : i32 to vector<16xi32>
      %mul3A_498 = arith.mulf %gather3A_495, %exp3A_402 : vector<16xf32>
      tpu.vector_store_idx %arg14[%add3A_370, %broadcast_in_dim3A_497], %mul3A_498 : memref<128x32xf32, #tpu.memory_space<vmem>>[vector<16xi32>, vector<16xi32>], vector<16xf32>,
      %broadcast_in_dim3A_499 = arith.constant 16 : i32
      %broadcast_in_dim3A_500 = vector.broadcast %broadcast_in_dim3A_499 : i32 to vector<16xi32>
      %gather3A_501 = tpu.vector_load_idx %arg12[%add3A_370, %broadcast_in_dim3A_500] : memref<128x32xf32, #tpu.memory_space<vmem>>[vector<16xi32>, vector<16xi32>], vector<16xf32>,
      %broadcast_in_dim3A_502 = arith.constant 16 : i32
      %broadcast_in_dim3A_503 = vector.broadcast %broadcast_in_dim3A_502 : i32 to vector<16xi32>
      %mul3A_504 = arith.mulf %gather3A_501, %exp3A_402 : vector<16xf32>
      tpu.vector_store_idx %arg14[%add3A_370, %broadcast_in_dim3A_503], %mul3A_504 : memref<128x32xf32, #tpu.memory_space<vmem>>[vector<16xi32>, vector<16xi32>], vector<16xf32>,
      %broadcast_in_dim3A_505 = arith.constant 17 : i32
      %broadcast_in_dim3A_506 = vector.broadcast %broadcast_in_dim3A_505 : i32 to vector<16xi32>
      %gather3A_507 = tpu.vector_load_idx %arg12[%add3A_370, %broadcast_in_dim3A_506] : memref<128x32xf32, #tpu.memory_space<vmem>>[vector<16xi32>, vector<16xi32>], vector<16xf32>,
      %broadcast_in_dim3A_508 = arith.constant 17 : i32
      %broadcast_in_dim3A_509 = vector.broadcast %broadcast_in_dim3A_508 : i32 to vector<16xi32>
      %mul3A_510 = arith.mulf %gather3A_507, %exp3A_402 : vector<16xf32>
      tpu.vector_store_idx %arg14[%add3A_370, %broadcast_in_dim3A_509], %mul3A_510 : memref<128x32xf32, #tpu.memory_space<vmem>>[vector<16xi32>, vector<16xi32>], vector<16xf32>,
      %broadcast_in_dim3A_511 = arith.constant 18 : i32
      %broadcast_in_dim3A_512 = vector.broadcast %broadcast_in_dim3A_511 : i32 to vector<16xi32>
      %gather3A_513 = tpu.vector_load_idx %arg12[%add3A_370, %broadcast_in_dim3A_512] : memref<128x32xf32, #tpu.memory_space<vmem>>[vector<16xi32>, vector<16xi32>], vector<16xf32>,
      %broadcast_in_dim3A_514 = arith.constant 18 : i32
      %broadcast_in_dim3A_515 = vector.broadcast %broadcast_in_dim3A_514 : i32 to vector<16xi32>
      %mul3A_516 = arith.mulf %gather3A_513, %exp3A_402 : vector<16xf32>
      tpu.vector_store_idx %arg14[%add3A_370, %broadcast_in_dim3A_515], %mul3A_516 : memref<128x32xf32, #tpu.memory_space<vmem>>[vector<16xi32>, vector<16xi32>], vector<16xf32>,
      %broadcast_in_dim3A_517 = arith.constant 19 : i32
      %broadcast_in_dim3A_518 = vector.broadcast %broadcast_in_dim3A_517 : i32 to vector<16xi32>
      %gather3A_519 = tpu.vector_load_idx %arg12[%add3A_370, %broadcast_in_dim3A_518] : memref<128x32xf32, #tpu.memory_space<vmem>>[vector<16xi32>, vector<16xi32>], vector<16xf32>,
      %broadcast_in_dim3A_520 = arith.constant 19 : i32
      %broadcast_in_dim3A_521 = vector.broadcast %broadcast_in_dim3A_520 : i32 to vector<16xi32>
      %mul3A_522 = arith.mulf %gather3A_519, %exp3A_402 : vector<16xf32>
      tpu.vector_store_idx %arg14[%add3A_370, %broadcast_in_dim3A_521], %mul3A_522 : memref<128x32xf32, #tpu.memory_space<vmem>>[vector<16xi32>, vector<16xi32>], vector<16xf32>,
      %broadcast_in_dim3A_523 = arith.constant 20 : i32
      %broadcast_in_dim3A_524 = vector.broadcast %broadcast_in_dim3A_523 : i32 to vector<16xi32>
      tpu.vector_store_idx %arg14[%add3A_370, %broadcast_in_dim3A_524], %exp3A_392 : memref<128x32xf32, #tpu.memory_space<vmem>>[vector<16xi32>, vector<16xi32>], vector<16xf32>,
      %broadcast_in_dim3A_525 = arith.constant 21 : i32
      %broadcast_in_dim3A_526 = vector.broadcast %broadcast_in_dim3A_525 : i32 to vector<16xi32>
      tpu.vector_store_idx %arg14[%add3A_370, %broadcast_in_dim3A_526], %exp3A_402 : memref<128x32xf32, #tpu.memory_space<vmem>>[vector<16xi32>, vector<16xi32>], vector<16xf32>,
      %add3A_527 = arith.constant 48 : i32
      %add3A_528 = vector.broadcast %add3A_527 : i32 to vector<16xi32>
      %add3A_529 = arith.addi %add3A_528, %iota3A : vector<16xi32>
      %broadcast_in_dim3A_530 = arith.constant 20 : i32
      %broadcast_in_dim3A_531 = vector.broadcast %broadcast_in_dim3A_530 : i32 to vector<16xi32>
      %gather3A_532 = tpu.vector_load_idx %arg12[%add3A_529, %broadcast_in_dim3A_531] : memref<128x32xf32, #tpu.memory_space<vmem>>[vector<16xi32>, vector<16xi32>], vector<16xf32>,
      %broadcast_in_dim3A_533 = arith.constant 21 : i32
      %broadcast_in_dim3A_534 = vector.broadcast %broadcast_in_dim3A_533 : i32 to vector<16xi32>
      %gather3A_535 = tpu.vector_load_idx %arg12[%add3A_529, %broadcast_in_dim3A_534] : memref<128x32xf32, #tpu.memory_space<vmem>>[vector<16xi32>, vector<16xi32>], vector<16xf32>,
      %broadcast_in_dim3A_536 = arith.constant 0 : i32
      %broadcast_in_dim3A_537 = vector.broadcast %broadcast_in_dim3A_536 : i32 to vector<16xi32>
      %gather3A_538 = tpu.vector_load_idx %arg13[%add3A_529, %broadcast_in_dim3A_537] : memref<128x16xf32, #tpu.memory_space<vmem>>[vector<16xi32>, vector<16xi32>], vector<16xf32>,
      %broadcast_in_dim3A_539 = arith.constant 1 : i32
      %broadcast_in_dim3A_540 = vector.broadcast %broadcast_in_dim3A_539 : i32 to vector<16xi32>
      %gather3A_541 = tpu.vector_load_idx %arg13[%add3A_529, %broadcast_in_dim3A_540] : memref<128x16xf32, #tpu.memory_space<vmem>>[vector<16xi32>, vector<16xi32>], vector<16xf32>,
      %add3A_542 = arith.addf %gather3A_532, %gather3A_538 : vector<16xf32>
      %ge3A_543 = arith.constant 0.000000e+00 : f32
      %ge3A_544 = vector.broadcast %ge3A_543 : f32 to vector<16xf32>
      %ge3A_545 = arith.cmpf oge, %add3A_542, %ge3A_544 : vector<16xf32>
      %mul3A_546 = arith.constant 2.000000e-01 : f32
      %mul3A_547 = vector.broadcast %mul3A_546 : f32 to vector<16xf32>
      %mul3A_548 = arith.mulf %mul3A_547, %add3A_542 : vector<16xf32>
      %select_n3A_549 = arith.select %ge3A_545, %add3A_542, %mul3A_548 : vector<16xi1>, vector<16xf32>
      %sub3A_550 = arith.subf %select_n3A_549, %get3A_21 : vector<16xf32>
      %exp3A_551 = math.exp %sub3A_550 : vector<16xf32>
      %add3A_552 = arith.addf %gather3A_535, %gather3A_541 : vector<16xf32>
      %ge3A_553 = arith.constant 0.000000e+00 : f32
      %ge3A_554 = vector.broadcast %ge3A_553 : f32 to vector<16xf32>
      %ge3A_555 = arith.cmpf oge, %add3A_552, %ge3A_554 : vector<16xf32>
      %mul3A_556 = arith.constant 2.000000e-01 : f32
      %mul3A_557 = vector.broadcast %mul3A_556 : f32 to vector<16xf32>
      %mul3A_558 = arith.mulf %mul3A_557, %add3A_552 : vector<16xf32>
      %select_n3A_559 = arith.select %ge3A_555, %add3A_552, %mul3A_558 : vector<16xi1>, vector<16xf32>
      %sub3A_560 = arith.subf %select_n3A_559, %get3A_23 : vector<16xf32>
      %exp3A_561 = math.exp %sub3A_560 : vector<16xf32>
      %broadcast_in_dim3A_562 = arith.constant 0 : i32
      %broadcast_in_dim3A_563 = vector.broadcast %broadcast_in_dim3A_562 : i32 to vector<16xi32>
      %gather3A_564 = tpu.vector_load_idx %arg12[%add3A_529, %broadcast_in_dim3A_563] : memref<128x32xf32, #tpu.memory_space<vmem>>[vector<16xi32>, vector<16xi32>], vector<16xf32>,
      %broadcast_in_dim3A_565 = arith.constant 0 : i32
      %broadcast_in_dim3A_566 = vector.broadcast %broadcast_in_dim3A_565 : i32 to vector<16xi32>
      %mul3A_567 = arith.mulf %gather3A_564, %exp3A_551 : vector<16xf32>
      tpu.vector_store_idx %arg14[%add3A_529, %broadcast_in_dim3A_566], %mul3A_567 : memref<128x32xf32, #tpu.memory_space<vmem>>[vector<16xi32>, vector<16xi32>], vector<16xf32>,
      %broadcast_in_dim3A_568 = arith.constant 1 : i32
      %broadcast_in_dim3A_569 = vector.broadcast %broadcast_in_dim3A_568 : i32 to vector<16xi32>
      %gather3A_570 = tpu.vector_load_idx %arg12[%add3A_529, %broadcast_in_dim3A_569] : memref<128x32xf32, #tpu.memory_space<vmem>>[vector<16xi32>, vector<16xi32>], vector<16xf32>,
      %broadcast_in_dim3A_571 = arith.constant 1 : i32
      %broadcast_in_dim3A_572 = vector.broadcast %broadcast_in_dim3A_571 : i32 to vector<16xi32>
      %mul3A_573 = arith.mulf %gather3A_570, %exp3A_551 : vector<16xf32>
      tpu.vector_store_idx %arg14[%add3A_529, %broadcast_in_dim3A_572], %mul3A_573 : memref<128x32xf32, #tpu.memory_space<vmem>>[vector<16xi32>, vector<16xi32>], vector<16xf32>,
      %broadcast_in_dim3A_574 = arith.constant 2 : i32
      %broadcast_in_dim3A_575 = vector.broadcast %broadcast_in_dim3A_574 : i32 to vector<16xi32>
      %gather3A_576 = tpu.vector_load_idx %arg12[%add3A_529, %broadcast_in_dim3A_575] : memref<128x32xf32, #tpu.memory_space<vmem>>[vector<16xi32>, vector<16xi32>], vector<16xf32>,
      %broadcast_in_dim3A_577 = arith.constant 2 : i32
      %broadcast_in_dim3A_578 = vector.broadcast %broadcast_in_dim3A_577 : i32 to vector<16xi32>
      %mul3A_579 = arith.mulf %gather3A_576, %exp3A_551 : vector<16xf32>
      tpu.vector_store_idx %arg14[%add3A_529, %broadcast_in_dim3A_578], %mul3A_579 : memref<128x32xf32, #tpu.memory_space<vmem>>[vector<16xi32>, vector<16xi32>], vector<16xf32>,
      %broadcast_in_dim3A_580 = arith.constant 3 : i32
      %broadcast_in_dim3A_581 = vector.broadcast %broadcast_in_dim3A_580 : i32 to vector<16xi32>
      %gather3A_582 = tpu.vector_load_idx %arg12[%add3A_529, %broadcast_in_dim3A_581] : memref<128x32xf32, #tpu.memory_space<vmem>>[vector<16xi32>, vector<16xi32>], vector<16xf32>,
      %broadcast_in_dim3A_583 = arith.constant 3 : i32
      %broadcast_in_dim3A_584 = vector.broadcast %broadcast_in_dim3A_583 : i32 to vector<16xi32>
      %mul3A_585 = arith.mulf %gather3A_582, %exp3A_551 : vector<16xf32>
      tpu.vector_store_idx %arg14[%add3A_529, %broadcast_in_dim3A_584], %mul3A_585 : memref<128x32xf32, #tpu.memory_space<vmem>>[vector<16xi32>, vector<16xi32>], vector<16xf32>,
      %broadcast_in_dim3A_586 = arith.constant 4 : i32
      %broadcast_in_dim3A_587 = vector.broadcast %broadcast_in_dim3A_586 : i32 to vector<16xi32>
      %gather3A_588 = tpu.vector_load_idx %arg12[%add3A_529, %broadcast_in_dim3A_587] : memref<128x32xf32, #tpu.memory_space<vmem>>[vector<16xi32>, vector<16xi32>], vector<16xf32>,
      %broadcast_in_dim3A_589 = arith.constant 4 : i32
      %broadcast_in_dim3A_590 = vector.broadcast %broadcast_in_dim3A_589 : i32 to vector<16xi32>
      %mul3A_591 = arith.mulf %gather3A_588, %exp3A_551 : vector<16xf32>
      tpu.vector_store_idx %arg14[%add3A_529, %broadcast_in_dim3A_590], %mul3A_591 : memref<128x32xf32, #tpu.memory_space<vmem>>[vector<16xi32>, vector<16xi32>], vector<16xf32>,
      %broadcast_in_dim3A_592 = arith.constant 5 : i32
      %broadcast_in_dim3A_593 = vector.broadcast %broadcast_in_dim3A_592 : i32 to vector<16xi32>
      %gather3A_594 = tpu.vector_load_idx %arg12[%add3A_529, %broadcast_in_dim3A_593] : memref<128x32xf32, #tpu.memory_space<vmem>>[vector<16xi32>, vector<16xi32>], vector<16xf32>,
      %broadcast_in_dim3A_595 = arith.constant 5 : i32
      %broadcast_in_dim3A_596 = vector.broadcast %broadcast_in_dim3A_595 : i32 to vector<16xi32>
      %mul3A_597 = arith.mulf %gather3A_594, %exp3A_551 : vector<16xf32>
      tpu.vector_store_idx %arg14[%add3A_529, %broadcast_in_dim3A_596], %mul3A_597 : memref<128x32xf32, #tpu.memory_space<vmem>>[vector<16xi32>, vector<16xi32>], vector<16xf32>,
      %broadcast_in_dim3A_598 = arith.constant 6 : i32
      %broadcast_in_dim3A_599 = vector.broadcast %broadcast_in_dim3A_598 : i32 to vector<16xi32>
      %gather3A_600 = tpu.vector_load_idx %arg12[%add3A_529, %broadcast_in_dim3A_599] : memref<128x32xf32, #tpu.memory_space<vmem>>[vector<16xi32>, vector<16xi32>], vector<16xf32>,
      %broadcast_in_dim3A_601 = arith.constant 6 : i32
      %broadcast_in_dim3A_602 = vector.broadcast %broadcast_in_dim3A_601 : i32 to vector<16xi32>
      %mul3A_603 = arith.mulf %gather3A_600, %exp3A_551 : vector<16xf32>
      tpu.vector_store_idx %arg14[%add3A_529, %broadcast_in_dim3A_602], %mul3A_603 : memref<128x32xf32, #tpu.memory_space<vmem>>[vector<16xi32>, vector<16xi32>], vector<16xf32>,
      %broadcast_in_dim3A_604 = arith.constant 7 : i32
      %broadcast_in_dim3A_605 = vector.broadcast %broadcast_in_dim3A_604 : i32 to vector<16xi32>
      %gather3A_606 = tpu.vector_load_idx %arg12[%add3A_529, %broadcast_in_dim3A_605] : memref<128x32xf32, #tpu.memory_space<vmem>>[vector<16xi32>, vector<16xi32>], vector<16xf32>,
      %broadcast_in_dim3A_607 = arith.constant 7 : i32
      %broadcast_in_dim3A_608 = vector.broadcast %broadcast_in_dim3A_607 : i32 to vector<16xi32>
      %mul3A_609 = arith.mulf %gather3A_606, %exp3A_551 : vector<16xf32>
      tpu.vector_store_idx %arg14[%add3A_529, %broadcast_in_dim3A_608], %mul3A_609 : memref<128x32xf32, #tpu.memory_space<vmem>>[vector<16xi32>, vector<16xi32>], vector<16xf32>,
      %broadcast_in_dim3A_610 = arith.constant 8 : i32
      %broadcast_in_dim3A_611 = vector.broadcast %broadcast_in_dim3A_610 : i32 to vector<16xi32>
      %gather3A_612 = tpu.vector_load_idx %arg12[%add3A_529, %broadcast_in_dim3A_611] : memref<128x32xf32, #tpu.memory_space<vmem>>[vector<16xi32>, vector<16xi32>], vector<16xf32>,
      %broadcast_in_dim3A_613 = arith.constant 8 : i32
      %broadcast_in_dim3A_614 = vector.broadcast %broadcast_in_dim3A_613 : i32 to vector<16xi32>
      %mul3A_615 = arith.mulf %gather3A_612, %exp3A_551 : vector<16xf32>
      tpu.vector_store_idx %arg14[%add3A_529, %broadcast_in_dim3A_614], %mul3A_615 : memref<128x32xf32, #tpu.memory_space<vmem>>[vector<16xi32>, vector<16xi32>], vector<16xf32>,
      %broadcast_in_dim3A_616 = arith.constant 9 : i32
      %broadcast_in_dim3A_617 = vector.broadcast %broadcast_in_dim3A_616 : i32 to vector<16xi32>
      %gather3A_618 = tpu.vector_load_idx %arg12[%add3A_529, %broadcast_in_dim3A_617] : memref<128x32xf32, #tpu.memory_space<vmem>>[vector<16xi32>, vector<16xi32>], vector<16xf32>,
      %broadcast_in_dim3A_619 = arith.constant 9 : i32
      %broadcast_in_dim3A_620 = vector.broadcast %broadcast_in_dim3A_619 : i32 to vector<16xi32>
      %mul3A_621 = arith.mulf %gather3A_618, %exp3A_551 : vector<16xf32>
      tpu.vector_store_idx %arg14[%add3A_529, %broadcast_in_dim3A_620], %mul3A_621 : memref<128x32xf32, #tpu.memory_space<vmem>>[vector<16xi32>, vector<16xi32>], vector<16xf32>,
      %broadcast_in_dim3A_622 = arith.constant 10 : i32
      %broadcast_in_dim3A_623 = vector.broadcast %broadcast_in_dim3A_622 : i32 to vector<16xi32>
      %gather3A_624 = tpu.vector_load_idx %arg12[%add3A_529, %broadcast_in_dim3A_623] : memref<128x32xf32, #tpu.memory_space<vmem>>[vector<16xi32>, vector<16xi32>], vector<16xf32>,
      %broadcast_in_dim3A_625 = arith.constant 10 : i32
      %broadcast_in_dim3A_626 = vector.broadcast %broadcast_in_dim3A_625 : i32 to vector<16xi32>
      %mul3A_627 = arith.mulf %gather3A_624, %exp3A_561 : vector<16xf32>
      tpu.vector_store_idx %arg14[%add3A_529, %broadcast_in_dim3A_626], %mul3A_627 : memref<128x32xf32, #tpu.memory_space<vmem>>[vector<16xi32>, vector<16xi32>], vector<16xf32>,
      %broadcast_in_dim3A_628 = arith.constant 11 : i32
      %broadcast_in_dim3A_629 = vector.broadcast %broadcast_in_dim3A_628 : i32 to vector<16xi32>
      %gather3A_630 = tpu.vector_load_idx %arg12[%add3A_529, %broadcast_in_dim3A_629] : memref<128x32xf32, #tpu.memory_space<vmem>>[vector<16xi32>, vector<16xi32>], vector<16xf32>,
      %broadcast_in_dim3A_631 = arith.constant 11 : i32
      %broadcast_in_dim3A_632 = vector.broadcast %broadcast_in_dim3A_631 : i32 to vector<16xi32>
      %mul3A_633 = arith.mulf %gather3A_630, %exp3A_561 : vector<16xf32>
      tpu.vector_store_idx %arg14[%add3A_529, %broadcast_in_dim3A_632], %mul3A_633 : memref<128x32xf32, #tpu.memory_space<vmem>>[vector<16xi32>, vector<16xi32>], vector<16xf32>,
      %broadcast_in_dim3A_634 = arith.constant 12 : i32
      %broadcast_in_dim3A_635 = vector.broadcast %broadcast_in_dim3A_634 : i32 to vector<16xi32>
      %gather3A_636 = tpu.vector_load_idx %arg12[%add3A_529, %broadcast_in_dim3A_635] : memref<128x32xf32, #tpu.memory_space<vmem>>[vector<16xi32>, vector<16xi32>], vector<16xf32>,
      %broadcast_in_dim3A_637 = arith.constant 12 : i32
      %broadcast_in_dim3A_638 = vector.broadcast %broadcast_in_dim3A_637 : i32 to vector<16xi32>
      %mul3A_639 = arith.mulf %gather3A_636, %exp3A_561 : vector<16xf32>
      tpu.vector_store_idx %arg14[%add3A_529, %broadcast_in_dim3A_638], %mul3A_639 : memref<128x32xf32, #tpu.memory_space<vmem>>[vector<16xi32>, vector<16xi32>], vector<16xf32>,
      %broadcast_in_dim3A_640 = arith.constant 13 : i32
      %broadcast_in_dim3A_641 = vector.broadcast %broadcast_in_dim3A_640 : i32 to vector<16xi32>
      %gather3A_642 = tpu.vector_load_idx %arg12[%add3A_529, %broadcast_in_dim3A_641] : memref<128x32xf32, #tpu.memory_space<vmem>>[vector<16xi32>, vector<16xi32>], vector<16xf32>,
      %broadcast_in_dim3A_643 = arith.constant 13 : i32
      %broadcast_in_dim3A_644 = vector.broadcast %broadcast_in_dim3A_643 : i32 to vector<16xi32>
      %mul3A_645 = arith.mulf %gather3A_642, %exp3A_561 : vector<16xf32>
      tpu.vector_store_idx %arg14[%add3A_529, %broadcast_in_dim3A_644], %mul3A_645 : memref<128x32xf32, #tpu.memory_space<vmem>>[vector<16xi32>, vector<16xi32>], vector<16xf32>,
      %broadcast_in_dim3A_646 = arith.constant 14 : i32
      %broadcast_in_dim3A_647 = vector.broadcast %broadcast_in_dim3A_646 : i32 to vector<16xi32>
      %gather3A_648 = tpu.vector_load_idx %arg12[%add3A_529, %broadcast_in_dim3A_647] : memref<128x32xf32, #tpu.memory_space<vmem>>[vector<16xi32>, vector<16xi32>], vector<16xf32>,
      %broadcast_in_dim3A_649 = arith.constant 14 : i32
      %broadcast_in_dim3A_650 = vector.broadcast %broadcast_in_dim3A_649 : i32 to vector<16xi32>
      %mul3A_651 = arith.mulf %gather3A_648, %exp3A_561 : vector<16xf32>
      tpu.vector_store_idx %arg14[%add3A_529, %broadcast_in_dim3A_650], %mul3A_651 : memref<128x32xf32, #tpu.memory_space<vmem>>[vector<16xi32>, vector<16xi32>], vector<16xf32>,
      %broadcast_in_dim3A_652 = arith.constant 15 : i32
      %broadcast_in_dim3A_653 = vector.broadcast %broadcast_in_dim3A_652 : i32 to vector<16xi32>
      %gather3A_654 = tpu.vector_load_idx %arg12[%add3A_529, %broadcast_in_dim3A_653] : memref<128x32xf32, #tpu.memory_space<vmem>>[vector<16xi32>, vector<16xi32>], vector<16xf32>,
      %broadcast_in_dim3A_655 = arith.constant 15 : i32
      %broadcast_in_dim3A_656 = vector.broadcast %broadcast_in_dim3A_655 : i32 to vector<16xi32>
      %mul3A_657 = arith.mulf %gather3A_654, %exp3A_561 : vector<16xf32>
      tpu.vector_store_idx %arg14[%add3A_529, %broadcast_in_dim3A_656], %mul3A_657 : memref<128x32xf32, #tpu.memory_space<vmem>>[vector<16xi32>, vector<16xi32>], vector<16xf32>,
      %broadcast_in_dim3A_658 = arith.constant 16 : i32
      %broadcast_in_dim3A_659 = vector.broadcast %broadcast_in_dim3A_658 : i32 to vector<16xi32>
      %gather3A_660 = tpu.vector_load_idx %arg12[%add3A_529, %broadcast_in_dim3A_659] : memref<128x32xf32, #tpu.memory_space<vmem>>[vector<16xi32>, vector<16xi32>], vector<16xf32>,
      %broadcast_in_dim3A_661 = arith.constant 16 : i32
      %broadcast_in_dim3A_662 = vector.broadcast %broadcast_in_dim3A_661 : i32 to vector<16xi32>
      %mul3A_663 = arith.mulf %gather3A_660, %exp3A_561 : vector<16xf32>
      tpu.vector_store_idx %arg14[%add3A_529, %broadcast_in_dim3A_662], %mul3A_663 : memref<128x32xf32, #tpu.memory_space<vmem>>[vector<16xi32>, vector<16xi32>], vector<16xf32>,
      %broadcast_in_dim3A_664 = arith.constant 17 : i32
      %broadcast_in_dim3A_665 = vector.broadcast %broadcast_in_dim3A_664 : i32 to vector<16xi32>
      %gather3A_666 = tpu.vector_load_idx %arg12[%add3A_529, %broadcast_in_dim3A_665] : memref<128x32xf32, #tpu.memory_space<vmem>>[vector<16xi32>, vector<16xi32>], vector<16xf32>,
      %broadcast_in_dim3A_667 = arith.constant 17 : i32
      %broadcast_in_dim3A_668 = vector.broadcast %broadcast_in_dim3A_667 : i32 to vector<16xi32>
      %mul3A_669 = arith.mulf %gather3A_666, %exp3A_561 : vector<16xf32>
      tpu.vector_store_idx %arg14[%add3A_529, %broadcast_in_dim3A_668], %mul3A_669 : memref<128x32xf32, #tpu.memory_space<vmem>>[vector<16xi32>, vector<16xi32>], vector<16xf32>,
      %broadcast_in_dim3A_670 = arith.constant 18 : i32
      %broadcast_in_dim3A_671 = vector.broadcast %broadcast_in_dim3A_670 : i32 to vector<16xi32>
      %gather3A_672 = tpu.vector_load_idx %arg12[%add3A_529, %broadcast_in_dim3A_671] : memref<128x32xf32, #tpu.memory_space<vmem>>[vector<16xi32>, vector<16xi32>], vector<16xf32>,
      %broadcast_in_dim3A_673 = arith.constant 18 : i32
      %broadcast_in_dim3A_674 = vector.broadcast %broadcast_in_dim3A_673 : i32 to vector<16xi32>
      %mul3A_675 = arith.mulf %gather3A_672, %exp3A_561 : vector<16xf32>
      tpu.vector_store_idx %arg14[%add3A_529, %broadcast_in_dim3A_674], %mul3A_675 : memref<128x32xf32, #tpu.memory_space<vmem>>[vector<16xi32>, vector<16xi32>], vector<16xf32>,
      %broadcast_in_dim3A_676 = arith.constant 19 : i32
      %broadcast_in_dim3A_677 = vector.broadcast %broadcast_in_dim3A_676 : i32 to vector<16xi32>
      %gather3A_678 = tpu.vector_load_idx %arg12[%add3A_529, %broadcast_in_dim3A_677] : memref<128x32xf32, #tpu.memory_space<vmem>>[vector<16xi32>, vector<16xi32>], vector<16xf32>,
      %broadcast_in_dim3A_679 = arith.constant 19 : i32
      %broadcast_in_dim3A_680 = vector.broadcast %broadcast_in_dim3A_679 : i32 to vector<16xi32>
      %mul3A_681 = arith.mulf %gather3A_678, %exp3A_561 : vector<16xf32>
      tpu.vector_store_idx %arg14[%add3A_529, %broadcast_in_dim3A_680], %mul3A_681 : memref<128x32xf32, #tpu.memory_space<vmem>>[vector<16xi32>, vector<16xi32>], vector<16xf32>,
      %broadcast_in_dim3A_682 = arith.constant 20 : i32
      %broadcast_in_dim3A_683 = vector.broadcast %broadcast_in_dim3A_682 : i32 to vector<16xi32>
      tpu.vector_store_idx %arg14[%add3A_529, %broadcast_in_dim3A_683], %exp3A_551 : memref<128x32xf32, #tpu.memory_space<vmem>>[vector<16xi32>, vector<16xi32>], vector<16xf32>,
      %broadcast_in_dim3A_684 = arith.constant 21 : i32
      %broadcast_in_dim3A_685 = vector.broadcast %broadcast_in_dim3A_684 : i32 to vector<16xi32>
      tpu.vector_store_idx %arg14[%add3A_529, %broadcast_in_dim3A_685], %exp3A_561 : memref<128x32xf32, #tpu.memory_space<vmem>>[vector<16xi32>, vector<16xi32>], vector<16xf32>,
      %add3A_686 = arith.constant 64 : i32
      %add3A_687 = vector.broadcast %add3A_686 : i32 to vector<16xi32>
      %add3A_688 = arith.addi %add3A_687, %iota3A : vector<16xi32>
      %broadcast_in_dim3A_689 = arith.constant 20 : i32
      %broadcast_in_dim3A_690 = vector.broadcast %broadcast_in_dim3A_689 : i32 to vector<16xi32>
      %gather3A_691 = tpu.vector_load_idx %arg12[%add3A_688, %broadcast_in_dim3A_690] : memref<128x32xf32, #tpu.memory_space<vmem>>[vector<16xi32>, vector<16xi32>], vector<16xf32>,
      %broadcast_in_dim3A_692 = arith.constant 21 : i32
      %broadcast_in_dim3A_693 = vector.broadcast %broadcast_in_dim3A_692 : i32 to vector<16xi32>
      %gather3A_694 = tpu.vector_load_idx %arg12[%add3A_688, %broadcast_in_dim3A_693] : memref<128x32xf32, #tpu.memory_space<vmem>>[vector<16xi32>, vector<16xi32>], vector<16xf32>,
      %broadcast_in_dim3A_695 = arith.constant 0 : i32
      %broadcast_in_dim3A_696 = vector.broadcast %broadcast_in_dim3A_695 : i32 to vector<16xi32>
      %gather3A_697 = tpu.vector_load_idx %arg13[%add3A_688, %broadcast_in_dim3A_696] : memref<128x16xf32, #tpu.memory_space<vmem>>[vector<16xi32>, vector<16xi32>], vector<16xf32>,
      %broadcast_in_dim3A_698 = arith.constant 1 : i32
      %broadcast_in_dim3A_699 = vector.broadcast %broadcast_in_dim3A_698 : i32 to vector<16xi32>
      %gather3A_700 = tpu.vector_load_idx %arg13[%add3A_688, %broadcast_in_dim3A_699] : memref<128x16xf32, #tpu.memory_space<vmem>>[vector<16xi32>, vector<16xi32>], vector<16xf32>,
      %add3A_701 = arith.addf %gather3A_691, %gather3A_697 : vector<16xf32>
      %ge3A_702 = arith.constant 0.000000e+00 : f32
      %ge3A_703 = vector.broadcast %ge3A_702 : f32 to vector<16xf32>
      %ge3A_704 = arith.cmpf oge, %add3A_701, %ge3A_703 : vector<16xf32>
      %mul3A_705 = arith.constant 2.000000e-01 : f32
      %mul3A_706 = vector.broadcast %mul3A_705 : f32 to vector<16xf32>
      %mul3A_707 = arith.mulf %mul3A_706, %add3A_701 : vector<16xf32>
      %select_n3A_708 = arith.select %ge3A_704, %add3A_701, %mul3A_707 : vector<16xi1>, vector<16xf32>
      %sub3A_709 = arith.subf %select_n3A_708, %get3A_21 : vector<16xf32>
      %exp3A_710 = math.exp %sub3A_709 : vector<16xf32>
      %add3A_711 = arith.addf %gather3A_694, %gather3A_700 : vector<16xf32>
      %ge3A_712 = arith.constant 0.000000e+00 : f32
      %ge3A_713 = vector.broadcast %ge3A_712 : f32 to vector<16xf32>
      %ge3A_714 = arith.cmpf oge, %add3A_711, %ge3A_713 : vector<16xf32>
      %mul3A_715 = arith.constant 2.000000e-01 : f32
      %mul3A_716 = vector.broadcast %mul3A_715 : f32 to vector<16xf32>
      %mul3A_717 = arith.mulf %mul3A_716, %add3A_711 : vector<16xf32>
      %select_n3A_718 = arith.select %ge3A_714, %add3A_711, %mul3A_717 : vector<16xi1>, vector<16xf32>
      %sub3A_719 = arith.subf %select_n3A_718, %get3A_23 : vector<16xf32>
      %exp3A_720 = math.exp %sub3A_719 : vector<16xf32>
      %broadcast_in_dim3A_721 = arith.constant 0 : i32
      %broadcast_in_dim3A_722 = vector.broadcast %broadcast_in_dim3A_721 : i32 to vector<16xi32>
      %gather3A_723 = tpu.vector_load_idx %arg12[%add3A_688, %broadcast_in_dim3A_722] : memref<128x32xf32, #tpu.memory_space<vmem>>[vector<16xi32>, vector<16xi32>], vector<16xf32>,
      %broadcast_in_dim3A_724 = arith.constant 0 : i32
      %broadcast_in_dim3A_725 = vector.broadcast %broadcast_in_dim3A_724 : i32 to vector<16xi32>
      %mul3A_726 = arith.mulf %gather3A_723, %exp3A_710 : vector<16xf32>
      tpu.vector_store_idx %arg14[%add3A_688, %broadcast_in_dim3A_725], %mul3A_726 : memref<128x32xf32, #tpu.memory_space<vmem>>[vector<16xi32>, vector<16xi32>], vector<16xf32>,
      %broadcast_in_dim3A_727 = arith.constant 1 : i32
      %broadcast_in_dim3A_728 = vector.broadcast %broadcast_in_dim3A_727 : i32 to vector<16xi32>
      %gather3A_729 = tpu.vector_load_idx %arg12[%add3A_688, %broadcast_in_dim3A_728] : memref<128x32xf32, #tpu.memory_space<vmem>>[vector<16xi32>, vector<16xi32>], vector<16xf32>,
      %broadcast_in_dim3A_730 = arith.constant 1 : i32
      %broadcast_in_dim3A_731 = vector.broadcast %broadcast_in_dim3A_730 : i32 to vector<16xi32>
      %mul3A_732 = arith.mulf %gather3A_729, %exp3A_710 : vector<16xf32>
      tpu.vector_store_idx %arg14[%add3A_688, %broadcast_in_dim3A_731], %mul3A_732 : memref<128x32xf32, #tpu.memory_space<vmem>>[vector<16xi32>, vector<16xi32>], vector<16xf32>,
      %broadcast_in_dim3A_733 = arith.constant 2 : i32
      %broadcast_in_dim3A_734 = vector.broadcast %broadcast_in_dim3A_733 : i32 to vector<16xi32>
      %gather3A_735 = tpu.vector_load_idx %arg12[%add3A_688, %broadcast_in_dim3A_734] : memref<128x32xf32, #tpu.memory_space<vmem>>[vector<16xi32>, vector<16xi32>], vector<16xf32>,
      %broadcast_in_dim3A_736 = arith.constant 2 : i32
      %broadcast_in_dim3A_737 = vector.broadcast %broadcast_in_dim3A_736 : i32 to vector<16xi32>
      %mul3A_738 = arith.mulf %gather3A_735, %exp3A_710 : vector<16xf32>
      tpu.vector_store_idx %arg14[%add3A_688, %broadcast_in_dim3A_737], %mul3A_738 : memref<128x32xf32, #tpu.memory_space<vmem>>[vector<16xi32>, vector<16xi32>], vector<16xf32>,
      %broadcast_in_dim3A_739 = arith.constant 3 : i32
      %broadcast_in_dim3A_740 = vector.broadcast %broadcast_in_dim3A_739 : i32 to vector<16xi32>
      %gather3A_741 = tpu.vector_load_idx %arg12[%add3A_688, %broadcast_in_dim3A_740] : memref<128x32xf32, #tpu.memory_space<vmem>>[vector<16xi32>, vector<16xi32>], vector<16xf32>,
      %broadcast_in_dim3A_742 = arith.constant 3 : i32
      %broadcast_in_dim3A_743 = vector.broadcast %broadcast_in_dim3A_742 : i32 to vector<16xi32>
      %mul3A_744 = arith.mulf %gather3A_741, %exp3A_710 : vector<16xf32>
      tpu.vector_store_idx %arg14[%add3A_688, %broadcast_in_dim3A_743], %mul3A_744 : memref<128x32xf32, #tpu.memory_space<vmem>>[vector<16xi32>, vector<16xi32>], vector<16xf32>,
      %broadcast_in_dim3A_745 = arith.constant 4 : i32
      %broadcast_in_dim3A_746 = vector.broadcast %broadcast_in_dim3A_745 : i32 to vector<16xi32>
      %gather3A_747 = tpu.vector_load_idx %arg12[%add3A_688, %broadcast_in_dim3A_746] : memref<128x32xf32, #tpu.memory_space<vmem>>[vector<16xi32>, vector<16xi32>], vector<16xf32>,
      %broadcast_in_dim3A_748 = arith.constant 4 : i32
      %broadcast_in_dim3A_749 = vector.broadcast %broadcast_in_dim3A_748 : i32 to vector<16xi32>
      %mul3A_750 = arith.mulf %gather3A_747, %exp3A_710 : vector<16xf32>
      tpu.vector_store_idx %arg14[%add3A_688, %broadcast_in_dim3A_749], %mul3A_750 : memref<128x32xf32, #tpu.memory_space<vmem>>[vector<16xi32>, vector<16xi32>], vector<16xf32>,
      %broadcast_in_dim3A_751 = arith.constant 5 : i32
      %broadcast_in_dim3A_752 = vector.broadcast %broadcast_in_dim3A_751 : i32 to vector<16xi32>
      %gather3A_753 = tpu.vector_load_idx %arg12[%add3A_688, %broadcast_in_dim3A_752] : memref<128x32xf32, #tpu.memory_space<vmem>>[vector<16xi32>, vector<16xi32>], vector<16xf32>,
      %broadcast_in_dim3A_754 = arith.constant 5 : i32
      %broadcast_in_dim3A_755 = vector.broadcast %broadcast_in_dim3A_754 : i32 to vector<16xi32>
      %mul3A_756 = arith.mulf %gather3A_753, %exp3A_710 : vector<16xf32>
      tpu.vector_store_idx %arg14[%add3A_688, %broadcast_in_dim3A_755], %mul3A_756 : memref<128x32xf32, #tpu.memory_space<vmem>>[vector<16xi32>, vector<16xi32>], vector<16xf32>,
      %broadcast_in_dim3A_757 = arith.constant 6 : i32
      %broadcast_in_dim3A_758 = vector.broadcast %broadcast_in_dim3A_757 : i32 to vector<16xi32>
      %gather3A_759 = tpu.vector_load_idx %arg12[%add3A_688, %broadcast_in_dim3A_758] : memref<128x32xf32, #tpu.memory_space<vmem>>[vector<16xi32>, vector<16xi32>], vector<16xf32>,
      %broadcast_in_dim3A_760 = arith.constant 6 : i32
      %broadcast_in_dim3A_761 = vector.broadcast %broadcast_in_dim3A_760 : i32 to vector<16xi32>
      %mul3A_762 = arith.mulf %gather3A_759, %exp3A_710 : vector<16xf32>
      tpu.vector_store_idx %arg14[%add3A_688, %broadcast_in_dim3A_761], %mul3A_762 : memref<128x32xf32, #tpu.memory_space<vmem>>[vector<16xi32>, vector<16xi32>], vector<16xf32>,
      %broadcast_in_dim3A_763 = arith.constant 7 : i32
      %broadcast_in_dim3A_764 = vector.broadcast %broadcast_in_dim3A_763 : i32 to vector<16xi32>
      %gather3A_765 = tpu.vector_load_idx %arg12[%add3A_688, %broadcast_in_dim3A_764] : memref<128x32xf32, #tpu.memory_space<vmem>>[vector<16xi32>, vector<16xi32>], vector<16xf32>,
      %broadcast_in_dim3A_766 = arith.constant 7 : i32
      %broadcast_in_dim3A_767 = vector.broadcast %broadcast_in_dim3A_766 : i32 to vector<16xi32>
      %mul3A_768 = arith.mulf %gather3A_765, %exp3A_710 : vector<16xf32>
      tpu.vector_store_idx %arg14[%add3A_688, %broadcast_in_dim3A_767], %mul3A_768 : memref<128x32xf32, #tpu.memory_space<vmem>>[vector<16xi32>, vector<16xi32>], vector<16xf32>,
      %broadcast_in_dim3A_769 = arith.constant 8 : i32
      %broadcast_in_dim3A_770 = vector.broadcast %broadcast_in_dim3A_769 : i32 to vector<16xi32>
      %gather3A_771 = tpu.vector_load_idx %arg12[%add3A_688, %broadcast_in_dim3A_770] : memref<128x32xf32, #tpu.memory_space<vmem>>[vector<16xi32>, vector<16xi32>], vector<16xf32>,
      %broadcast_in_dim3A_772 = arith.constant 8 : i32
      %broadcast_in_dim3A_773 = vector.broadcast %broadcast_in_dim3A_772 : i32 to vector<16xi32>
      %mul3A_774 = arith.mulf %gather3A_771, %exp3A_710 : vector<16xf32>
      tpu.vector_store_idx %arg14[%add3A_688, %broadcast_in_dim3A_773], %mul3A_774 : memref<128x32xf32, #tpu.memory_space<vmem>>[vector<16xi32>, vector<16xi32>], vector<16xf32>,
      %broadcast_in_dim3A_775 = arith.constant 9 : i32
      %broadcast_in_dim3A_776 = vector.broadcast %broadcast_in_dim3A_775 : i32 to vector<16xi32>
      %gather3A_777 = tpu.vector_load_idx %arg12[%add3A_688, %broadcast_in_dim3A_776] : memref<128x32xf32, #tpu.memory_space<vmem>>[vector<16xi32>, vector<16xi32>], vector<16xf32>,
      %broadcast_in_dim3A_778 = arith.constant 9 : i32
      %broadcast_in_dim3A_779 = vector.broadcast %broadcast_in_dim3A_778 : i32 to vector<16xi32>
      %mul3A_780 = arith.mulf %gather3A_777, %exp3A_710 : vector<16xf32>
      tpu.vector_store_idx %arg14[%add3A_688, %broadcast_in_dim3A_779], %mul3A_780 : memref<128x32xf32, #tpu.memory_space<vmem>>[vector<16xi32>, vector<16xi32>], vector<16xf32>,
      %broadcast_in_dim3A_781 = arith.constant 10 : i32
      %broadcast_in_dim3A_782 = vector.broadcast %broadcast_in_dim3A_781 : i32 to vector<16xi32>
      %gather3A_783 = tpu.vector_load_idx %arg12[%add3A_688, %broadcast_in_dim3A_782] : memref<128x32xf32, #tpu.memory_space<vmem>>[vector<16xi32>, vector<16xi32>], vector<16xf32>,
      %broadcast_in_dim3A_784 = arith.constant 10 : i32
      %broadcast_in_dim3A_785 = vector.broadcast %broadcast_in_dim3A_784 : i32 to vector<16xi32>
      %mul3A_786 = arith.mulf %gather3A_783, %exp3A_720 : vector<16xf32>
      tpu.vector_store_idx %arg14[%add3A_688, %broadcast_in_dim3A_785], %mul3A_786 : memref<128x32xf32, #tpu.memory_space<vmem>>[vector<16xi32>, vector<16xi32>], vector<16xf32>,
      %broadcast_in_dim3A_787 = arith.constant 11 : i32
      %broadcast_in_dim3A_788 = vector.broadcast %broadcast_in_dim3A_787 : i32 to vector<16xi32>
      %gather3A_789 = tpu.vector_load_idx %arg12[%add3A_688, %broadcast_in_dim3A_788] : memref<128x32xf32, #tpu.memory_space<vmem>>[vector<16xi32>, vector<16xi32>], vector<16xf32>,
      %broadcast_in_dim3A_790 = arith.constant 11 : i32
      %broadcast_in_dim3A_791 = vector.broadcast %broadcast_in_dim3A_790 : i32 to vector<16xi32>
      %mul3A_792 = arith.mulf %gather3A_789, %exp3A_720 : vector<16xf32>
      tpu.vector_store_idx %arg14[%add3A_688, %broadcast_in_dim3A_791], %mul3A_792 : memref<128x32xf32, #tpu.memory_space<vmem>>[vector<16xi32>, vector<16xi32>], vector<16xf32>,
      %broadcast_in_dim3A_793 = arith.constant 12 : i32
      %broadcast_in_dim3A_794 = vector.broadcast %broadcast_in_dim3A_793 : i32 to vector<16xi32>
      %gather3A_795 = tpu.vector_load_idx %arg12[%add3A_688, %broadcast_in_dim3A_794] : memref<128x32xf32, #tpu.memory_space<vmem>>[vector<16xi32>, vector<16xi32>], vector<16xf32>,
      %broadcast_in_dim3A_796 = arith.constant 12 : i32
      %broadcast_in_dim3A_797 = vector.broadcast %broadcast_in_dim3A_796 : i32 to vector<16xi32>
      %mul3A_798 = arith.mulf %gather3A_795, %exp3A_720 : vector<16xf32>
      tpu.vector_store_idx %arg14[%add3A_688, %broadcast_in_dim3A_797], %mul3A_798 : memref<128x32xf32, #tpu.memory_space<vmem>>[vector<16xi32>, vector<16xi32>], vector<16xf32>,
      %broadcast_in_dim3A_799 = arith.constant 13 : i32
      %broadcast_in_dim3A_800 = vector.broadcast %broadcast_in_dim3A_799 : i32 to vector<16xi32>
      %gather3A_801 = tpu.vector_load_idx %arg12[%add3A_688, %broadcast_in_dim3A_800] : memref<128x32xf32, #tpu.memory_space<vmem>>[vector<16xi32>, vector<16xi32>], vector<16xf32>,
      %broadcast_in_dim3A_802 = arith.constant 13 : i32
      %broadcast_in_dim3A_803 = vector.broadcast %broadcast_in_dim3A_802 : i32 to vector<16xi32>
      %mul3A_804 = arith.mulf %gather3A_801, %exp3A_720 : vector<16xf32>
      tpu.vector_store_idx %arg14[%add3A_688, %broadcast_in_dim3A_803], %mul3A_804 : memref<128x32xf32, #tpu.memory_space<vmem>>[vector<16xi32>, vector<16xi32>], vector<16xf32>,
      %broadcast_in_dim3A_805 = arith.constant 14 : i32
      %broadcast_in_dim3A_806 = vector.broadcast %broadcast_in_dim3A_805 : i32 to vector<16xi32>
      %gather3A_807 = tpu.vector_load_idx %arg12[%add3A_688, %broadcast_in_dim3A_806] : memref<128x32xf32, #tpu.memory_space<vmem>>[vector<16xi32>, vector<16xi32>], vector<16xf32>,
      %broadcast_in_dim3A_808 = arith.constant 14 : i32
      %broadcast_in_dim3A_809 = vector.broadcast %broadcast_in_dim3A_808 : i32 to vector<16xi32>
      %mul3A_810 = arith.mulf %gather3A_807, %exp3A_720 : vector<16xf32>
      tpu.vector_store_idx %arg14[%add3A_688, %broadcast_in_dim3A_809], %mul3A_810 : memref<128x32xf32, #tpu.memory_space<vmem>>[vector<16xi32>, vector<16xi32>], vector<16xf32>,
      %broadcast_in_dim3A_811 = arith.constant 15 : i32
      %broadcast_in_dim3A_812 = vector.broadcast %broadcast_in_dim3A_811 : i32 to vector<16xi32>
      %gather3A_813 = tpu.vector_load_idx %arg12[%add3A_688, %broadcast_in_dim3A_812] : memref<128x32xf32, #tpu.memory_space<vmem>>[vector<16xi32>, vector<16xi32>], vector<16xf32>,
      %broadcast_in_dim3A_814 = arith.constant 15 : i32
      %broadcast_in_dim3A_815 = vector.broadcast %broadcast_in_dim3A_814 : i32 to vector<16xi32>
      %mul3A_816 = arith.mulf %gather3A_813, %exp3A_720 : vector<16xf32>
      tpu.vector_store_idx %arg14[%add3A_688, %broadcast_in_dim3A_815], %mul3A_816 : memref<128x32xf32, #tpu.memory_space<vmem>>[vector<16xi32>, vector<16xi32>], vector<16xf32>,
      %broadcast_in_dim3A_817 = arith.constant 16 : i32
      %broadcast_in_dim3A_818 = vector.broadcast %broadcast_in_dim3A_817 : i32 to vector<16xi32>
      %gather3A_819 = tpu.vector_load_idx %arg12[%add3A_688, %broadcast_in_dim3A_818] : memref<128x32xf32, #tpu.memory_space<vmem>>[vector<16xi32>, vector<16xi32>], vector<16xf32>,
      %broadcast_in_dim3A_820 = arith.constant 16 : i32
      %broadcast_in_dim3A_821 = vector.broadcast %broadcast_in_dim3A_820 : i32 to vector<16xi32>
      %mul3A_822 = arith.mulf %gather3A_819, %exp3A_720 : vector<16xf32>
      tpu.vector_store_idx %arg14[%add3A_688, %broadcast_in_dim3A_821], %mul3A_822 : memref<128x32xf32, #tpu.memory_space<vmem>>[vector<16xi32>, vector<16xi32>], vector<16xf32>,
      %broadcast_in_dim3A_823 = arith.constant 17 : i32
      %broadcast_in_dim3A_824 = vector.broadcast %broadcast_in_dim3A_823 : i32 to vector<16xi32>
      %gather3A_825 = tpu.vector_load_idx %arg12[%add3A_688, %broadcast_in_dim3A_824] : memref<128x32xf32, #tpu.memory_space<vmem>>[vector<16xi32>, vector<16xi32>], vector<16xf32>,
      %broadcast_in_dim3A_826 = arith.constant 17 : i32
      %broadcast_in_dim3A_827 = vector.broadcast %broadcast_in_dim3A_826 : i32 to vector<16xi32>
      %mul3A_828 = arith.mulf %gather3A_825, %exp3A_720 : vector<16xf32>
      tpu.vector_store_idx %arg14[%add3A_688, %broadcast_in_dim3A_827], %mul3A_828 : memref<128x32xf32, #tpu.memory_space<vmem>>[vector<16xi32>, vector<16xi32>], vector<16xf32>,
      %broadcast_in_dim3A_829 = arith.constant 18 : i32
      %broadcast_in_dim3A_830 = vector.broadcast %broadcast_in_dim3A_829 : i32 to vector<16xi32>
      %gather3A_831 = tpu.vector_load_idx %arg12[%add3A_688, %broadcast_in_dim3A_830] : memref<128x32xf32, #tpu.memory_space<vmem>>[vector<16xi32>, vector<16xi32>], vector<16xf32>,
      %broadcast_in_dim3A_832 = arith.constant 18 : i32
      %broadcast_in_dim3A_833 = vector.broadcast %broadcast_in_dim3A_832 : i32 to vector<16xi32>
      %mul3A_834 = arith.mulf %gather3A_831, %exp3A_720 : vector<16xf32>
      tpu.vector_store_idx %arg14[%add3A_688, %broadcast_in_dim3A_833], %mul3A_834 : memref<128x32xf32, #tpu.memory_space<vmem>>[vector<16xi32>, vector<16xi32>], vector<16xf32>,
      %broadcast_in_dim3A_835 = arith.constant 19 : i32
      %broadcast_in_dim3A_836 = vector.broadcast %broadcast_in_dim3A_835 : i32 to vector<16xi32>
      %gather3A_837 = tpu.vector_load_idx %arg12[%add3A_688, %broadcast_in_dim3A_836] : memref<128x32xf32, #tpu.memory_space<vmem>>[vector<16xi32>, vector<16xi32>], vector<16xf32>,
      %broadcast_in_dim3A_838 = arith.constant 19 : i32
      %broadcast_in_dim3A_839 = vector.broadcast %broadcast_in_dim3A_838 : i32 to vector<16xi32>
      %mul3A_840 = arith.mulf %gather3A_837, %exp3A_720 : vector<16xf32>
      tpu.vector_store_idx %arg14[%add3A_688, %broadcast_in_dim3A_839], %mul3A_840 : memref<128x32xf32, #tpu.memory_space<vmem>>[vector<16xi32>, vector<16xi32>], vector<16xf32>,
      %broadcast_in_dim3A_841 = arith.constant 20 : i32
      %broadcast_in_dim3A_842 = vector.broadcast %broadcast_in_dim3A_841 : i32 to vector<16xi32>
      tpu.vector_store_idx %arg14[%add3A_688, %broadcast_in_dim3A_842], %exp3A_710 : memref<128x32xf32, #tpu.memory_space<vmem>>[vector<16xi32>, vector<16xi32>], vector<16xf32>,
      %broadcast_in_dim3A_843 = arith.constant 21 : i32
      %broadcast_in_dim3A_844 = vector.broadcast %broadcast_in_dim3A_843 : i32 to vector<16xi32>
      tpu.vector_store_idx %arg14[%add3A_688, %broadcast_in_dim3A_844], %exp3A_720 : memref<128x32xf32, #tpu.memory_space<vmem>>[vector<16xi32>, vector<16xi32>], vector<16xf32>,
      %add3A_845 = arith.constant 80 : i32
      %add3A_846 = vector.broadcast %add3A_845 : i32 to vector<16xi32>
      %add3A_847 = arith.addi %add3A_846, %iota3A : vector<16xi32>
      %broadcast_in_dim3A_848 = arith.constant 20 : i32
      %broadcast_in_dim3A_849 = vector.broadcast %broadcast_in_dim3A_848 : i32 to vector<16xi32>
      %gather3A_850 = tpu.vector_load_idx %arg12[%add3A_847, %broadcast_in_dim3A_849] : memref<128x32xf32, #tpu.memory_space<vmem>>[vector<16xi32>, vector<16xi32>], vector<16xf32>,
      %broadcast_in_dim3A_851 = arith.constant 21 : i32
      %broadcast_in_dim3A_852 = vector.broadcast %broadcast_in_dim3A_851 : i32 to vector<16xi32>
      %gather3A_853 = tpu.vector_load_idx %arg12[%add3A_847, %broadcast_in_dim3A_852] : memref<128x32xf32, #tpu.memory_space<vmem>>[vector<16xi32>, vector<16xi32>], vector<16xf32>,
      %broadcast_in_dim3A_854 = arith.constant 0 : i32
      %broadcast_in_dim3A_855 = vector.broadcast %broadcast_in_dim3A_854 : i32 to vector<16xi32>
      %gather3A_856 = tpu.vector_load_idx %arg13[%add3A_847, %broadcast_in_dim3A_855] : memref<128x16xf32, #tpu.memory_space<vmem>>[vector<16xi32>, vector<16xi32>], vector<16xf32>,
      %broadcast_in_dim3A_857 = arith.constant 1 : i32
      %broadcast_in_dim3A_858 = vector.broadcast %broadcast_in_dim3A_857 : i32 to vector<16xi32>
      %gather3A_859 = tpu.vector_load_idx %arg13[%add3A_847, %broadcast_in_dim3A_858] : memref<128x16xf32, #tpu.memory_space<vmem>>[vector<16xi32>, vector<16xi32>], vector<16xf32>,
      %add3A_860 = arith.addf %gather3A_850, %gather3A_856 : vector<16xf32>
      %ge3A_861 = arith.constant 0.000000e+00 : f32
      %ge3A_862 = vector.broadcast %ge3A_861 : f32 to vector<16xf32>
      %ge3A_863 = arith.cmpf oge, %add3A_860, %ge3A_862 : vector<16xf32>
      %mul3A_864 = arith.constant 2.000000e-01 : f32
      %mul3A_865 = vector.broadcast %mul3A_864 : f32 to vector<16xf32>
      %mul3A_866 = arith.mulf %mul3A_865, %add3A_860 : vector<16xf32>
      %select_n3A_867 = arith.select %ge3A_863, %add3A_860, %mul3A_866 : vector<16xi1>, vector<16xf32>
      %sub3A_868 = arith.subf %select_n3A_867, %get3A_21 : vector<16xf32>
      %exp3A_869 = math.exp %sub3A_868 : vector<16xf32>
      %add3A_870 = arith.addf %gather3A_853, %gather3A_859 : vector<16xf32>
      %ge3A_871 = arith.constant 0.000000e+00 : f32
      %ge3A_872 = vector.broadcast %ge3A_871 : f32 to vector<16xf32>
      %ge3A_873 = arith.cmpf oge, %add3A_870, %ge3A_872 : vector<16xf32>
      %mul3A_874 = arith.constant 2.000000e-01 : f32
      %mul3A_875 = vector.broadcast %mul3A_874 : f32 to vector<16xf32>
      %mul3A_876 = arith.mulf %mul3A_875, %add3A_870 : vector<16xf32>
      %select_n3A_877 = arith.select %ge3A_873, %add3A_870, %mul3A_876 : vector<16xi1>, vector<16xf32>
      %sub3A_878 = arith.subf %select_n3A_877, %get3A_23 : vector<16xf32>
      %exp3A_879 = math.exp %sub3A_878 : vector<16xf32>
      %broadcast_in_dim3A_880 = arith.constant 0 : i32
      %broadcast_in_dim3A_881 = vector.broadcast %broadcast_in_dim3A_880 : i32 to vector<16xi32>
      %gather3A_882 = tpu.vector_load_idx %arg12[%add3A_847, %broadcast_in_dim3A_881] : memref<128x32xf32, #tpu.memory_space<vmem>>[vector<16xi32>, vector<16xi32>], vector<16xf32>,
      %broadcast_in_dim3A_883 = arith.constant 0 : i32
      %broadcast_in_dim3A_884 = vector.broadcast %broadcast_in_dim3A_883 : i32 to vector<16xi32>
      %mul3A_885 = arith.mulf %gather3A_882, %exp3A_869 : vector<16xf32>
      tpu.vector_store_idx %arg14[%add3A_847, %broadcast_in_dim3A_884], %mul3A_885 : memref<128x32xf32, #tpu.memory_space<vmem>>[vector<16xi32>, vector<16xi32>], vector<16xf32>,
      %broadcast_in_dim3A_886 = arith.constant 1 : i32
      %broadcast_in_dim3A_887 = vector.broadcast %broadcast_in_dim3A_886 : i32 to vector<16xi32>
      %gather3A_888 = tpu.vector_load_idx %arg12[%add3A_847, %broadcast_in_dim3A_887] : memref<128x32xf32, #tpu.memory_space<vmem>>[vector<16xi32>, vector<16xi32>], vector<16xf32>,
      %broadcast_in_dim3A_889 = arith.constant 1 : i32
      %broadcast_in_dim3A_890 = vector.broadcast %broadcast_in_dim3A_889 : i32 to vector<16xi32>
      %mul3A_891 = arith.mulf %gather3A_888, %exp3A_869 : vector<16xf32>
      tpu.vector_store_idx %arg14[%add3A_847, %broadcast_in_dim3A_890], %mul3A_891 : memref<128x32xf32, #tpu.memory_space<vmem>>[vector<16xi32>, vector<16xi32>], vector<16xf32>,
      %broadcast_in_dim3A_892 = arith.constant 2 : i32
      %broadcast_in_dim3A_893 = vector.broadcast %broadcast_in_dim3A_892 : i32 to vector<16xi32>
      %gather3A_894 = tpu.vector_load_idx %arg12[%add3A_847, %broadcast_in_dim3A_893] : memref<128x32xf32, #tpu.memory_space<vmem>>[vector<16xi32>, vector<16xi32>], vector<16xf32>,
      %broadcast_in_dim3A_895 = arith.constant 2 : i32
      %broadcast_in_dim3A_896 = vector.broadcast %broadcast_in_dim3A_895 : i32 to vector<16xi32>
      %mul3A_897 = arith.mulf %gather3A_894, %exp3A_869 : vector<16xf32>
      tpu.vector_store_idx %arg14[%add3A_847, %broadcast_in_dim3A_896], %mul3A_897 : memref<128x32xf32, #tpu.memory_space<vmem>>[vector<16xi32>, vector<16xi32>], vector<16xf32>,
      %broadcast_in_dim3A_898 = arith.constant 3 : i32
      %broadcast_in_dim3A_899 = vector.broadcast %broadcast_in_dim3A_898 : i32 to vector<16xi32>
      %gather3A_900 = tpu.vector_load_idx %arg12[%add3A_847, %broadcast_in_dim3A_899] : memref<128x32xf32, #tpu.memory_space<vmem>>[vector<16xi32>, vector<16xi32>], vector<16xf32>,
      %broadcast_in_dim3A_901 = arith.constant 3 : i32
      %broadcast_in_dim3A_902 = vector.broadcast %broadcast_in_dim3A_901 : i32 to vector<16xi32>
      %mul3A_903 = arith.mulf %gather3A_900, %exp3A_869 : vector<16xf32>
      tpu.vector_store_idx %arg14[%add3A_847, %broadcast_in_dim3A_902], %mul3A_903 : memref<128x32xf32, #tpu.memory_space<vmem>>[vector<16xi32>, vector<16xi32>], vector<16xf32>,
      %broadcast_in_dim3A_904 = arith.constant 4 : i32
      %broadcast_in_dim3A_905 = vector.broadcast %broadcast_in_dim3A_904 : i32 to vector<16xi32>
      %gather3A_906 = tpu.vector_load_idx %arg12[%add3A_847, %broadcast_in_dim3A_905] : memref<128x32xf32, #tpu.memory_space<vmem>>[vector<16xi32>, vector<16xi32>], vector<16xf32>,
      %broadcast_in_dim3A_907 = arith.constant 4 : i32
      %broadcast_in_dim3A_908 = vector.broadcast %broadcast_in_dim3A_907 : i32 to vector<16xi32>
      %mul3A_909 = arith.mulf %gather3A_906, %exp3A_869 : vector<16xf32>
      tpu.vector_store_idx %arg14[%add3A_847, %broadcast_in_dim3A_908], %mul3A_909 : memref<128x32xf32, #tpu.memory_space<vmem>>[vector<16xi32>, vector<16xi32>], vector<16xf32>,
      %broadcast_in_dim3A_910 = arith.constant 5 : i32
      %broadcast_in_dim3A_911 = vector.broadcast %broadcast_in_dim3A_910 : i32 to vector<16xi32>
      %gather3A_912 = tpu.vector_load_idx %arg12[%add3A_847, %broadcast_in_dim3A_911] : memref<128x32xf32, #tpu.memory_space<vmem>>[vector<16xi32>, vector<16xi32>], vector<16xf32>,
      %broadcast_in_dim3A_913 = arith.constant 5 : i32
      %broadcast_in_dim3A_914 = vector.broadcast %broadcast_in_dim3A_913 : i32 to vector<16xi32>
      %mul3A_915 = arith.mulf %gather3A_912, %exp3A_869 : vector<16xf32>
      tpu.vector_store_idx %arg14[%add3A_847, %broadcast_in_dim3A_914], %mul3A_915 : memref<128x32xf32, #tpu.memory_space<vmem>>[vector<16xi32>, vector<16xi32>], vector<16xf32>,
      %broadcast_in_dim3A_916 = arith.constant 6 : i32
      %broadcast_in_dim3A_917 = vector.broadcast %broadcast_in_dim3A_916 : i32 to vector<16xi32>
      %gather3A_918 = tpu.vector_load_idx %arg12[%add3A_847, %broadcast_in_dim3A_917] : memref<128x32xf32, #tpu.memory_space<vmem>>[vector<16xi32>, vector<16xi32>], vector<16xf32>,
      %broadcast_in_dim3A_919 = arith.constant 6 : i32
      %broadcast_in_dim3A_920 = vector.broadcast %broadcast_in_dim3A_919 : i32 to vector<16xi32>
      %mul3A_921 = arith.mulf %gather3A_918, %exp3A_869 : vector<16xf32>
      tpu.vector_store_idx %arg14[%add3A_847, %broadcast_in_dim3A_920], %mul3A_921 : memref<128x32xf32, #tpu.memory_space<vmem>>[vector<16xi32>, vector<16xi32>], vector<16xf32>,
      %broadcast_in_dim3A_922 = arith.constant 7 : i32
      %broadcast_in_dim3A_923 = vector.broadcast %broadcast_in_dim3A_922 : i32 to vector<16xi32>
      %gather3A_924 = tpu.vector_load_idx %arg12[%add3A_847, %broadcast_in_dim3A_923] : memref<128x32xf32, #tpu.memory_space<vmem>>[vector<16xi32>, vector<16xi32>], vector<16xf32>,
      %broadcast_in_dim3A_925 = arith.constant 7 : i32
      %broadcast_in_dim3A_926 = vector.broadcast %broadcast_in_dim3A_925 : i32 to vector<16xi32>
      %mul3A_927 = arith.mulf %gather3A_924, %exp3A_869 : vector<16xf32>
      tpu.vector_store_idx %arg14[%add3A_847, %broadcast_in_dim3A_926], %mul3A_927 : memref<128x32xf32, #tpu.memory_space<vmem>>[vector<16xi32>, vector<16xi32>], vector<16xf32>,
      %broadcast_in_dim3A_928 = arith.constant 8 : i32
      %broadcast_in_dim3A_929 = vector.broadcast %broadcast_in_dim3A_928 : i32 to vector<16xi32>
      %gather3A_930 = tpu.vector_load_idx %arg12[%add3A_847, %broadcast_in_dim3A_929] : memref<128x32xf32, #tpu.memory_space<vmem>>[vector<16xi32>, vector<16xi32>], vector<16xf32>,
      %broadcast_in_dim3A_931 = arith.constant 8 : i32
      %broadcast_in_dim3A_932 = vector.broadcast %broadcast_in_dim3A_931 : i32 to vector<16xi32>
      %mul3A_933 = arith.mulf %gather3A_930, %exp3A_869 : vector<16xf32>
      tpu.vector_store_idx %arg14[%add3A_847, %broadcast_in_dim3A_932], %mul3A_933 : memref<128x32xf32, #tpu.memory_space<vmem>>[vector<16xi32>, vector<16xi32>], vector<16xf32>,
      %broadcast_in_dim3A_934 = arith.constant 9 : i32
      %broadcast_in_dim3A_935 = vector.broadcast %broadcast_in_dim3A_934 : i32 to vector<16xi32>
      %gather3A_936 = tpu.vector_load_idx %arg12[%add3A_847, %broadcast_in_dim3A_935] : memref<128x32xf32, #tpu.memory_space<vmem>>[vector<16xi32>, vector<16xi32>], vector<16xf32>,
      %broadcast_in_dim3A_937 = arith.constant 9 : i32
      %broadcast_in_dim3A_938 = vector.broadcast %broadcast_in_dim3A_937 : i32 to vector<16xi32>
      %mul3A_939 = arith.mulf %gather3A_936, %exp3A_869 : vector<16xf32>
      tpu.vector_store_idx %arg14[%add3A_847, %broadcast_in_dim3A_938], %mul3A_939 : memref<128x32xf32, #tpu.memory_space<vmem>>[vector<16xi32>, vector<16xi32>], vector<16xf32>,
      %broadcast_in_dim3A_940 = arith.constant 10 : i32
      %broadcast_in_dim3A_941 = vector.broadcast %broadcast_in_dim3A_940 : i32 to vector<16xi32>
      %gather3A_942 = tpu.vector_load_idx %arg12[%add3A_847, %broadcast_in_dim3A_941] : memref<128x32xf32, #tpu.memory_space<vmem>>[vector<16xi32>, vector<16xi32>], vector<16xf32>,
      %broadcast_in_dim3A_943 = arith.constant 10 : i32
      %broadcast_in_dim3A_944 = vector.broadcast %broadcast_in_dim3A_943 : i32 to vector<16xi32>
      %mul3A_945 = arith.mulf %gather3A_942, %exp3A_879 : vector<16xf32>
      tpu.vector_store_idx %arg14[%add3A_847, %broadcast_in_dim3A_944], %mul3A_945 : memref<128x32xf32, #tpu.memory_space<vmem>>[vector<16xi32>, vector<16xi32>], vector<16xf32>,
      %broadcast_in_dim3A_946 = arith.constant 11 : i32
      %broadcast_in_dim3A_947 = vector.broadcast %broadcast_in_dim3A_946 : i32 to vector<16xi32>
      %gather3A_948 = tpu.vector_load_idx %arg12[%add3A_847, %broadcast_in_dim3A_947] : memref<128x32xf32, #tpu.memory_space<vmem>>[vector<16xi32>, vector<16xi32>], vector<16xf32>,
      %broadcast_in_dim3A_949 = arith.constant 11 : i32
      %broadcast_in_dim3A_950 = vector.broadcast %broadcast_in_dim3A_949 : i32 to vector<16xi32>
      %mul3A_951 = arith.mulf %gather3A_948, %exp3A_879 : vector<16xf32>
      tpu.vector_store_idx %arg14[%add3A_847, %broadcast_in_dim3A_950], %mul3A_951 : memref<128x32xf32, #tpu.memory_space<vmem>>[vector<16xi32>, vector<16xi32>], vector<16xf32>,
      %broadcast_in_dim3A_952 = arith.constant 12 : i32
      %broadcast_in_dim3A_953 = vector.broadcast %broadcast_in_dim3A_952 : i32 to vector<16xi32>
      %gather3A_954 = tpu.vector_load_idx %arg12[%add3A_847, %broadcast_in_dim3A_953] : memref<128x32xf32, #tpu.memory_space<vmem>>[vector<16xi32>, vector<16xi32>], vector<16xf32>,
      %broadcast_in_dim3A_955 = arith.constant 12 : i32
      %broadcast_in_dim3A_956 = vector.broadcast %broadcast_in_dim3A_955 : i32 to vector<16xi32>
      %mul3A_957 = arith.mulf %gather3A_954, %exp3A_879 : vector<16xf32>
      tpu.vector_store_idx %arg14[%add3A_847, %broadcast_in_dim3A_956], %mul3A_957 : memref<128x32xf32, #tpu.memory_space<vmem>>[vector<16xi32>, vector<16xi32>], vector<16xf32>,
      %broadcast_in_dim3A_958 = arith.constant 13 : i32
      %broadcast_in_dim3A_959 = vector.broadcast %broadcast_in_dim3A_958 : i32 to vector<16xi32>
      %gather3A_960 = tpu.vector_load_idx %arg12[%add3A_847, %broadcast_in_dim3A_959] : memref<128x32xf32, #tpu.memory_space<vmem>>[vector<16xi32>, vector<16xi32>], vector<16xf32>,
      %broadcast_in_dim3A_961 = arith.constant 13 : i32
      %broadcast_in_dim3A_962 = vector.broadcast %broadcast_in_dim3A_961 : i32 to vector<16xi32>
      %mul3A_963 = arith.mulf %gather3A_960, %exp3A_879 : vector<16xf32>
      tpu.vector_store_idx %arg14[%add3A_847, %broadcast_in_dim3A_962], %mul3A_963 : memref<128x32xf32, #tpu.memory_space<vmem>>[vector<16xi32>, vector<16xi32>], vector<16xf32>,
      %broadcast_in_dim3A_964 = arith.constant 14 : i32
      %broadcast_in_dim3A_965 = vector.broadcast %broadcast_in_dim3A_964 : i32 to vector<16xi32>
      %gather3A_966 = tpu.vector_load_idx %arg12[%add3A_847, %broadcast_in_dim3A_965] : memref<128x32xf32, #tpu.memory_space<vmem>>[vector<16xi32>, vector<16xi32>], vector<16xf32>,
      %broadcast_in_dim3A_967 = arith.constant 14 : i32
      %broadcast_in_dim3A_968 = vector.broadcast %broadcast_in_dim3A_967 : i32 to vector<16xi32>
      %mul3A_969 = arith.mulf %gather3A_966, %exp3A_879 : vector<16xf32>
      tpu.vector_store_idx %arg14[%add3A_847, %broadcast_in_dim3A_968], %mul3A_969 : memref<128x32xf32, #tpu.memory_space<vmem>>[vector<16xi32>, vector<16xi32>], vector<16xf32>,
      %broadcast_in_dim3A_970 = arith.constant 15 : i32
      %broadcast_in_dim3A_971 = vector.broadcast %broadcast_in_dim3A_970 : i32 to vector<16xi32>
      %gather3A_972 = tpu.vector_load_idx %arg12[%add3A_847, %broadcast_in_dim3A_971] : memref<128x32xf32, #tpu.memory_space<vmem>>[vector<16xi32>, vector<16xi32>], vector<16xf32>,
      %broadcast_in_dim3A_973 = arith.constant 15 : i32
      %broadcast_in_dim3A_974 = vector.broadcast %broadcast_in_dim3A_973 : i32 to vector<16xi32>
      %mul3A_975 = arith.mulf %gather3A_972, %exp3A_879 : vector<16xf32>
      tpu.vector_store_idx %arg14[%add3A_847, %broadcast_in_dim3A_974], %mul3A_975 : memref<128x32xf32, #tpu.memory_space<vmem>>[vector<16xi32>, vector<16xi32>], vector<16xf32>,
      %broadcast_in_dim3A_976 = arith.constant 16 : i32
      %broadcast_in_dim3A_977 = vector.broadcast %broadcast_in_dim3A_976 : i32 to vector<16xi32>
      %gather3A_978 = tpu.vector_load_idx %arg12[%add3A_847, %broadcast_in_dim3A_977] : memref<128x32xf32, #tpu.memory_space<vmem>>[vector<16xi32>, vector<16xi32>], vector<16xf32>,
      %broadcast_in_dim3A_979 = arith.constant 16 : i32
      %broadcast_in_dim3A_980 = vector.broadcast %broadcast_in_dim3A_979 : i32 to vector<16xi32>
      %mul3A_981 = arith.mulf %gather3A_978, %exp3A_879 : vector<16xf32>
      tpu.vector_store_idx %arg14[%add3A_847, %broadcast_in_dim3A_980], %mul3A_981 : memref<128x32xf32, #tpu.memory_space<vmem>>[vector<16xi32>, vector<16xi32>], vector<16xf32>,
      %broadcast_in_dim3A_982 = arith.constant 17 : i32
      %broadcast_in_dim3A_983 = vector.broadcast %broadcast_in_dim3A_982 : i32 to vector<16xi32>
      %gather3A_984 = tpu.vector_load_idx %arg12[%add3A_847, %broadcast_in_dim3A_983] : memref<128x32xf32, #tpu.memory_space<vmem>>[vector<16xi32>, vector<16xi32>], vector<16xf32>,
      %broadcast_in_dim3A_985 = arith.constant 17 : i32
      %broadcast_in_dim3A_986 = vector.broadcast %broadcast_in_dim3A_985 : i32 to vector<16xi32>
      %mul3A_987 = arith.mulf %gather3A_984, %exp3A_879 : vector<16xf32>
      tpu.vector_store_idx %arg14[%add3A_847, %broadcast_in_dim3A_986], %mul3A_987 : memref<128x32xf32, #tpu.memory_space<vmem>>[vector<16xi32>, vector<16xi32>], vector<16xf32>,
      %broadcast_in_dim3A_988 = arith.constant 18 : i32
      %broadcast_in_dim3A_989 = vector.broadcast %broadcast_in_dim3A_988 : i32 to vector<16xi32>
      %gather3A_990 = tpu.vector_load_idx %arg12[%add3A_847, %broadcast_in_dim3A_989] : memref<128x32xf32, #tpu.memory_space<vmem>>[vector<16xi32>, vector<16xi32>], vector<16xf32>,
      %broadcast_in_dim3A_991 = arith.constant 18 : i32
      %broadcast_in_dim3A_992 = vector.broadcast %broadcast_in_dim3A_991 : i32 to vector<16xi32>
      %mul3A_993 = arith.mulf %gather3A_990, %exp3A_879 : vector<16xf32>
      tpu.vector_store_idx %arg14[%add3A_847, %broadcast_in_dim3A_992], %mul3A_993 : memref<128x32xf32, #tpu.memory_space<vmem>>[vector<16xi32>, vector<16xi32>], vector<16xf32>,
      %broadcast_in_dim3A_994 = arith.constant 19 : i32
      %broadcast_in_dim3A_995 = vector.broadcast %broadcast_in_dim3A_994 : i32 to vector<16xi32>
      %gather3A_996 = tpu.vector_load_idx %arg12[%add3A_847, %broadcast_in_dim3A_995] : memref<128x32xf32, #tpu.memory_space<vmem>>[vector<16xi32>, vector<16xi32>], vector<16xf32>,
      %broadcast_in_dim3A_997 = arith.constant 19 : i32
      %broadcast_in_dim3A_998 = vector.broadcast %broadcast_in_dim3A_997 : i32 to vector<16xi32>
      %mul3A_999 = arith.mulf %gather3A_996, %exp3A_879 : vector<16xf32>
      tpu.vector_store_idx %arg14[%add3A_847, %broadcast_in_dim3A_998], %mul3A_999 : memref<128x32xf32, #tpu.memory_space<vmem>>[vector<16xi32>, vector<16xi32>], vector<16xf32>,
      %broadcast_in_dim3A_1000 = arith.constant 20 : i32
      %broadcast_in_dim3A_1001 = vector.broadcast %broadcast_in_dim3A_1000 : i32 to vector<16xi32>
      tpu.vector_store_idx %arg14[%add3A_847, %broadcast_in_dim3A_1001], %exp3A_869 : memref<128x32xf32, #tpu.memory_space<vmem>>[vector<16xi32>, vector<16xi32>], vector<16xf32>,
      %broadcast_in_dim3A_1002 = arith.constant 21 : i32
      %broadcast_in_dim3A_1003 = vector.broadcast %broadcast_in_dim3A_1002 : i32 to vector<16xi32>
      tpu.vector_store_idx %arg14[%add3A_847, %broadcast_in_dim3A_1003], %exp3A_879 : memref<128x32xf32, #tpu.memory_space<vmem>>[vector<16xi32>, vector<16xi32>], vector<16xf32>,
      %add3A_1004 = arith.constant 96 : i32
      %add3A_1005 = vector.broadcast %add3A_1004 : i32 to vector<16xi32>
      %add3A_1006 = arith.addi %add3A_1005, %iota3A : vector<16xi32>
      %broadcast_in_dim3A_1007 = arith.constant 20 : i32
      %broadcast_in_dim3A_1008 = vector.broadcast %broadcast_in_dim3A_1007 : i32 to vector<16xi32>
      %gather3A_1009 = tpu.vector_load_idx %arg12[%add3A_1006, %broadcast_in_dim3A_1008] : memref<128x32xf32, #tpu.memory_space<vmem>>[vector<16xi32>, vector<16xi32>], vector<16xf32>,
      %broadcast_in_dim3A_1010 = arith.constant 21 : i32
      %broadcast_in_dim3A_1011 = vector.broadcast %broadcast_in_dim3A_1010 : i32 to vector<16xi32>
      %gather3A_1012 = tpu.vector_load_idx %arg12[%add3A_1006, %broadcast_in_dim3A_1011] : memref<128x32xf32, #tpu.memory_space<vmem>>[vector<16xi32>, vector<16xi32>], vector<16xf32>,
      %broadcast_in_dim3A_1013 = arith.constant 0 : i32
      %broadcast_in_dim3A_1014 = vector.broadcast %broadcast_in_dim3A_1013 : i32 to vector<16xi32>
      %gather3A_1015 = tpu.vector_load_idx %arg13[%add3A_1006, %broadcast_in_dim3A_1014] : memref<128x16xf32, #tpu.memory_space<vmem>>[vector<16xi32>, vector<16xi32>], vector<16xf32>,
      %broadcast_in_dim3A_1016 = arith.constant 1 : i32
      %broadcast_in_dim3A_1017 = vector.broadcast %broadcast_in_dim3A_1016 : i32 to vector<16xi32>
      %gather3A_1018 = tpu.vector_load_idx %arg13[%add3A_1006, %broadcast_in_dim3A_1017] : memref<128x16xf32, #tpu.memory_space<vmem>>[vector<16xi32>, vector<16xi32>], vector<16xf32>,
      %add3A_1019 = arith.addf %gather3A_1009, %gather3A_1015 : vector<16xf32>
      %ge3A_1020 = arith.constant 0.000000e+00 : f32
      %ge3A_1021 = vector.broadcast %ge3A_1020 : f32 to vector<16xf32>
      %ge3A_1022 = arith.cmpf oge, %add3A_1019, %ge3A_1021 : vector<16xf32>
      %mul3A_1023 = arith.constant 2.000000e-01 : f32
      %mul3A_1024 = vector.broadcast %mul3A_1023 : f32 to vector<16xf32>
      %mul3A_1025 = arith.mulf %mul3A_1024, %add3A_1019 : vector<16xf32>
      %select_n3A_1026 = arith.select %ge3A_1022, %add3A_1019, %mul3A_1025 : vector<16xi1>, vector<16xf32>
      %sub3A_1027 = arith.subf %select_n3A_1026, %get3A_21 : vector<16xf32>
      %exp3A_1028 = math.exp %sub3A_1027 : vector<16xf32>
      %add3A_1029 = arith.addf %gather3A_1012, %gather3A_1018 : vector<16xf32>
      %ge3A_1030 = arith.constant 0.000000e+00 : f32
      %ge3A_1031 = vector.broadcast %ge3A_1030 : f32 to vector<16xf32>
      %ge3A_1032 = arith.cmpf oge, %add3A_1029, %ge3A_1031 : vector<16xf32>
      %mul3A_1033 = arith.constant 2.000000e-01 : f32
      %mul3A_1034 = vector.broadcast %mul3A_1033 : f32 to vector<16xf32>
      %mul3A_1035 = arith.mulf %mul3A_1034, %add3A_1029 : vector<16xf32>
      %select_n3A_1036 = arith.select %ge3A_1032, %add3A_1029, %mul3A_1035 : vector<16xi1>, vector<16xf32>
      %sub3A_1037 = arith.subf %select_n3A_1036, %get3A_23 : vector<16xf32>
      %exp3A_1038 = math.exp %sub3A_1037 : vector<16xf32>
      %broadcast_in_dim3A_1039 = arith.constant 0 : i32
      %broadcast_in_dim3A_1040 = vector.broadcast %broadcast_in_dim3A_1039 : i32 to vector<16xi32>
      %gather3A_1041 = tpu.vector_load_idx %arg12[%add3A_1006, %broadcast_in_dim3A_1040] : memref<128x32xf32, #tpu.memory_space<vmem>>[vector<16xi32>, vector<16xi32>], vector<16xf32>,
      %broadcast_in_dim3A_1042 = arith.constant 0 : i32
      %broadcast_in_dim3A_1043 = vector.broadcast %broadcast_in_dim3A_1042 : i32 to vector<16xi32>
      %mul3A_1044 = arith.mulf %gather3A_1041, %exp3A_1028 : vector<16xf32>
      tpu.vector_store_idx %arg14[%add3A_1006, %broadcast_in_dim3A_1043], %mul3A_1044 : memref<128x32xf32, #tpu.memory_space<vmem>>[vector<16xi32>, vector<16xi32>], vector<16xf32>,
      %broadcast_in_dim3A_1045 = arith.constant 1 : i32
      %broadcast_in_dim3A_1046 = vector.broadcast %broadcast_in_dim3A_1045 : i32 to vector<16xi32>
      %gather3A_1047 = tpu.vector_load_idx %arg12[%add3A_1006, %broadcast_in_dim3A_1046] : memref<128x32xf32, #tpu.memory_space<vmem>>[vector<16xi32>, vector<16xi32>], vector<16xf32>,
      %broadcast_in_dim3A_1048 = arith.constant 1 : i32
      %broadcast_in_dim3A_1049 = vector.broadcast %broadcast_in_dim3A_1048 : i32 to vector<16xi32>
      %mul3A_1050 = arith.mulf %gather3A_1047, %exp3A_1028 : vector<16xf32>
      tpu.vector_store_idx %arg14[%add3A_1006, %broadcast_in_dim3A_1049], %mul3A_1050 : memref<128x32xf32, #tpu.memory_space<vmem>>[vector<16xi32>, vector<16xi32>], vector<16xf32>,
      %broadcast_in_dim3A_1051 = arith.constant 2 : i32
      %broadcast_in_dim3A_1052 = vector.broadcast %broadcast_in_dim3A_1051 : i32 to vector<16xi32>
      %gather3A_1053 = tpu.vector_load_idx %arg12[%add3A_1006, %broadcast_in_dim3A_1052] : memref<128x32xf32, #tpu.memory_space<vmem>>[vector<16xi32>, vector<16xi32>], vector<16xf32>,
      %broadcast_in_dim3A_1054 = arith.constant 2 : i32
      %broadcast_in_dim3A_1055 = vector.broadcast %broadcast_in_dim3A_1054 : i32 to vector<16xi32>
      %mul3A_1056 = arith.mulf %gather3A_1053, %exp3A_1028 : vector<16xf32>
      tpu.vector_store_idx %arg14[%add3A_1006, %broadcast_in_dim3A_1055], %mul3A_1056 : memref<128x32xf32, #tpu.memory_space<vmem>>[vector<16xi32>, vector<16xi32>], vector<16xf32>,
      %broadcast_in_dim3A_1057 = arith.constant 3 : i32
      %broadcast_in_dim3A_1058 = vector.broadcast %broadcast_in_dim3A_1057 : i32 to vector<16xi32>
      %gather3A_1059 = tpu.vector_load_idx %arg12[%add3A_1006, %broadcast_in_dim3A_1058] : memref<128x32xf32, #tpu.memory_space<vmem>>[vector<16xi32>, vector<16xi32>], vector<16xf32>,
      %broadcast_in_dim3A_1060 = arith.constant 3 : i32
      %broadcast_in_dim3A_1061 = vector.broadcast %broadcast_in_dim3A_1060 : i32 to vector<16xi32>
      %mul3A_1062 = arith.mulf %gather3A_1059, %exp3A_1028 : vector<16xf32>
      tpu.vector_store_idx %arg14[%add3A_1006, %broadcast_in_dim3A_1061], %mul3A_1062 : memref<128x32xf32, #tpu.memory_space<vmem>>[vector<16xi32>, vector<16xi32>], vector<16xf32>,
      %broadcast_in_dim3A_1063 = arith.constant 4 : i32
      %broadcast_in_dim3A_1064 = vector.broadcast %broadcast_in_dim3A_1063 : i32 to vector<16xi32>
      %gather3A_1065 = tpu.vector_load_idx %arg12[%add3A_1006, %broadcast_in_dim3A_1064] : memref<128x32xf32, #tpu.memory_space<vmem>>[vector<16xi32>, vector<16xi32>], vector<16xf32>,
      %broadcast_in_dim3A_1066 = arith.constant 4 : i32
      %broadcast_in_dim3A_1067 = vector.broadcast %broadcast_in_dim3A_1066 : i32 to vector<16xi32>
      %mul3A_1068 = arith.mulf %gather3A_1065, %exp3A_1028 : vector<16xf32>
      tpu.vector_store_idx %arg14[%add3A_1006, %broadcast_in_dim3A_1067], %mul3A_1068 : memref<128x32xf32, #tpu.memory_space<vmem>>[vector<16xi32>, vector<16xi32>], vector<16xf32>,
      %broadcast_in_dim3A_1069 = arith.constant 5 : i32
      %broadcast_in_dim3A_1070 = vector.broadcast %broadcast_in_dim3A_1069 : i32 to vector<16xi32>
      %gather3A_1071 = tpu.vector_load_idx %arg12[%add3A_1006, %broadcast_in_dim3A_1070] : memref<128x32xf32, #tpu.memory_space<vmem>>[vector<16xi32>, vector<16xi32>], vector<16xf32>,
      %broadcast_in_dim3A_1072 = arith.constant 5 : i32
      %broadcast_in_dim3A_1073 = vector.broadcast %broadcast_in_dim3A_1072 : i32 to vector<16xi32>
      %mul3A_1074 = arith.mulf %gather3A_1071, %exp3A_1028 : vector<16xf32>
      tpu.vector_store_idx %arg14[%add3A_1006, %broadcast_in_dim3A_1073], %mul3A_1074 : memref<128x32xf32, #tpu.memory_space<vmem>>[vector<16xi32>, vector<16xi32>], vector<16xf32>,
      %broadcast_in_dim3A_1075 = arith.constant 6 : i32
      %broadcast_in_dim3A_1076 = vector.broadcast %broadcast_in_dim3A_1075 : i32 to vector<16xi32>
      %gather3A_1077 = tpu.vector_load_idx %arg12[%add3A_1006, %broadcast_in_dim3A_1076] : memref<128x32xf32, #tpu.memory_space<vmem>>[vector<16xi32>, vector<16xi32>], vector<16xf32>,
      %broadcast_in_dim3A_1078 = arith.constant 6 : i32
      %broadcast_in_dim3A_1079 = vector.broadcast %broadcast_in_dim3A_1078 : i32 to vector<16xi32>
      %mul3A_1080 = arith.mulf %gather3A_1077, %exp3A_1028 : vector<16xf32>
      tpu.vector_store_idx %arg14[%add3A_1006, %broadcast_in_dim3A_1079], %mul3A_1080 : memref<128x32xf32, #tpu.memory_space<vmem>>[vector<16xi32>, vector<16xi32>], vector<16xf32>,
      %broadcast_in_dim3A_1081 = arith.constant 7 : i32
      %broadcast_in_dim3A_1082 = vector.broadcast %broadcast_in_dim3A_1081 : i32 to vector<16xi32>
      %gather3A_1083 = tpu.vector_load_idx %arg12[%add3A_1006, %broadcast_in_dim3A_1082] : memref<128x32xf32, #tpu.memory_space<vmem>>[vector<16xi32>, vector<16xi32>], vector<16xf32>,
      %broadcast_in_dim3A_1084 = arith.constant 7 : i32
      %broadcast_in_dim3A_1085 = vector.broadcast %broadcast_in_dim3A_1084 : i32 to vector<16xi32>
      %mul3A_1086 = arith.mulf %gather3A_1083, %exp3A_1028 : vector<16xf32>
      tpu.vector_store_idx %arg14[%add3A_1006, %broadcast_in_dim3A_1085], %mul3A_1086 : memref<128x32xf32, #tpu.memory_space<vmem>>[vector<16xi32>, vector<16xi32>], vector<16xf32>,
      %broadcast_in_dim3A_1087 = arith.constant 8 : i32
      %broadcast_in_dim3A_1088 = vector.broadcast %broadcast_in_dim3A_1087 : i32 to vector<16xi32>
      %gather3A_1089 = tpu.vector_load_idx %arg12[%add3A_1006, %broadcast_in_dim3A_1088] : memref<128x32xf32, #tpu.memory_space<vmem>>[vector<16xi32>, vector<16xi32>], vector<16xf32>,
      %broadcast_in_dim3A_1090 = arith.constant 8 : i32
      %broadcast_in_dim3A_1091 = vector.broadcast %broadcast_in_dim3A_1090 : i32 to vector<16xi32>
      %mul3A_1092 = arith.mulf %gather3A_1089, %exp3A_1028 : vector<16xf32>
      tpu.vector_store_idx %arg14[%add3A_1006, %broadcast_in_dim3A_1091], %mul3A_1092 : memref<128x32xf32, #tpu.memory_space<vmem>>[vector<16xi32>, vector<16xi32>], vector<16xf32>,
      %broadcast_in_dim3A_1093 = arith.constant 9 : i32
      %broadcast_in_dim3A_1094 = vector.broadcast %broadcast_in_dim3A_1093 : i32 to vector<16xi32>
      %gather3A_1095 = tpu.vector_load_idx %arg12[%add3A_1006, %broadcast_in_dim3A_1094] : memref<128x32xf32, #tpu.memory_space<vmem>>[vector<16xi32>, vector<16xi32>], vector<16xf32>,
      %broadcast_in_dim3A_1096 = arith.constant 9 : i32
      %broadcast_in_dim3A_1097 = vector.broadcast %broadcast_in_dim3A_1096 : i32 to vector<16xi32>
      %mul3A_1098 = arith.mulf %gather3A_1095, %exp3A_1028 : vector<16xf32>
      tpu.vector_store_idx %arg14[%add3A_1006, %broadcast_in_dim3A_1097], %mul3A_1098 : memref<128x32xf32, #tpu.memory_space<vmem>>[vector<16xi32>, vector<16xi32>], vector<16xf32>,
      %broadcast_in_dim3A_1099 = arith.constant 10 : i32
      %broadcast_in_dim3A_1100 = vector.broadcast %broadcast_in_dim3A_1099 : i32 to vector<16xi32>
      %gather3A_1101 = tpu.vector_load_idx %arg12[%add3A_1006, %broadcast_in_dim3A_1100] : memref<128x32xf32, #tpu.memory_space<vmem>>[vector<16xi32>, vector<16xi32>], vector<16xf32>,
      %broadcast_in_dim3A_1102 = arith.constant 10 : i32
      %broadcast_in_dim3A_1103 = vector.broadcast %broadcast_in_dim3A_1102 : i32 to vector<16xi32>
      %mul3A_1104 = arith.mulf %gather3A_1101, %exp3A_1038 : vector<16xf32>
      tpu.vector_store_idx %arg14[%add3A_1006, %broadcast_in_dim3A_1103], %mul3A_1104 : memref<128x32xf32, #tpu.memory_space<vmem>>[vector<16xi32>, vector<16xi32>], vector<16xf32>,
      %broadcast_in_dim3A_1105 = arith.constant 11 : i32
      %broadcast_in_dim3A_1106 = vector.broadcast %broadcast_in_dim3A_1105 : i32 to vector<16xi32>
      %gather3A_1107 = tpu.vector_load_idx %arg12[%add3A_1006, %broadcast_in_dim3A_1106] : memref<128x32xf32, #tpu.memory_space<vmem>>[vector<16xi32>, vector<16xi32>], vector<16xf32>,
      %broadcast_in_dim3A_1108 = arith.constant 11 : i32
      %broadcast_in_dim3A_1109 = vector.broadcast %broadcast_in_dim3A_1108 : i32 to vector<16xi32>
      %mul3A_1110 = arith.mulf %gather3A_1107, %exp3A_1038 : vector<16xf32>
      tpu.vector_store_idx %arg14[%add3A_1006, %broadcast_in_dim3A_1109], %mul3A_1110 : memref<128x32xf32, #tpu.memory_space<vmem>>[vector<16xi32>, vector<16xi32>], vector<16xf32>,
      %broadcast_in_dim3A_1111 = arith.constant 12 : i32
      %broadcast_in_dim3A_1112 = vector.broadcast %broadcast_in_dim3A_1111 : i32 to vector<16xi32>
      %gather3A_1113 = tpu.vector_load_idx %arg12[%add3A_1006, %broadcast_in_dim3A_1112] : memref<128x32xf32, #tpu.memory_space<vmem>>[vector<16xi32>, vector<16xi32>], vector<16xf32>,
      %broadcast_in_dim3A_1114 = arith.constant 12 : i32
      %broadcast_in_dim3A_1115 = vector.broadcast %broadcast_in_dim3A_1114 : i32 to vector<16xi32>
      %mul3A_1116 = arith.mulf %gather3A_1113, %exp3A_1038 : vector<16xf32>
      tpu.vector_store_idx %arg14[%add3A_1006, %broadcast_in_dim3A_1115], %mul3A_1116 : memref<128x32xf32, #tpu.memory_space<vmem>>[vector<16xi32>, vector<16xi32>], vector<16xf32>,
      %broadcast_in_dim3A_1117 = arith.constant 13 : i32
      %broadcast_in_dim3A_1118 = vector.broadcast %broadcast_in_dim3A_1117 : i32 to vector<16xi32>
      %gather3A_1119 = tpu.vector_load_idx %arg12[%add3A_1006, %broadcast_in_dim3A_1118] : memref<128x32xf32, #tpu.memory_space<vmem>>[vector<16xi32>, vector<16xi32>], vector<16xf32>,
      %broadcast_in_dim3A_1120 = arith.constant 13 : i32
      %broadcast_in_dim3A_1121 = vector.broadcast %broadcast_in_dim3A_1120 : i32 to vector<16xi32>
      %mul3A_1122 = arith.mulf %gather3A_1119, %exp3A_1038 : vector<16xf32>
      tpu.vector_store_idx %arg14[%add3A_1006, %broadcast_in_dim3A_1121], %mul3A_1122 : memref<128x32xf32, #tpu.memory_space<vmem>>[vector<16xi32>, vector<16xi32>], vector<16xf32>,
      %broadcast_in_dim3A_1123 = arith.constant 14 : i32
      %broadcast_in_dim3A_1124 = vector.broadcast %broadcast_in_dim3A_1123 : i32 to vector<16xi32>
      %gather3A_1125 = tpu.vector_load_idx %arg12[%add3A_1006, %broadcast_in_dim3A_1124] : memref<128x32xf32, #tpu.memory_space<vmem>>[vector<16xi32>, vector<16xi32>], vector<16xf32>,
      %broadcast_in_dim3A_1126 = arith.constant 14 : i32
      %broadcast_in_dim3A_1127 = vector.broadcast %broadcast_in_dim3A_1126 : i32 to vector<16xi32>
      %mul3A_1128 = arith.mulf %gather3A_1125, %exp3A_1038 : vector<16xf32>
      tpu.vector_store_idx %arg14[%add3A_1006, %broadcast_in_dim3A_1127], %mul3A_1128 : memref<128x32xf32, #tpu.memory_space<vmem>>[vector<16xi32>, vector<16xi32>], vector<16xf32>,
      %broadcast_in_dim3A_1129 = arith.constant 15 : i32
      %broadcast_in_dim3A_1130 = vector.broadcast %broadcast_in_dim3A_1129 : i32 to vector<16xi32>
      %gather3A_1131 = tpu.vector_load_idx %arg12[%add3A_1006, %broadcast_in_dim3A_1130] : memref<128x32xf32, #tpu.memory_space<vmem>>[vector<16xi32>, vector<16xi32>], vector<16xf32>,
      %broadcast_in_dim3A_1132 = arith.constant 15 : i32
      %broadcast_in_dim3A_1133 = vector.broadcast %broadcast_in_dim3A_1132 : i32 to vector<16xi32>
      %mul3A_1134 = arith.mulf %gather3A_1131, %exp3A_1038 : vector<16xf32>
      tpu.vector_store_idx %arg14[%add3A_1006, %broadcast_in_dim3A_1133], %mul3A_1134 : memref<128x32xf32, #tpu.memory_space<vmem>>[vector<16xi32>, vector<16xi32>], vector<16xf32>,
      %broadcast_in_dim3A_1135 = arith.constant 16 : i32
      %broadcast_in_dim3A_1136 = vector.broadcast %broadcast_in_dim3A_1135 : i32 to vector<16xi32>
      %gather3A_1137 = tpu.vector_load_idx %arg12[%add3A_1006, %broadcast_in_dim3A_1136] : memref<128x32xf32, #tpu.memory_space<vmem>>[vector<16xi32>, vector<16xi32>], vector<16xf32>,
      %broadcast_in_dim3A_1138 = arith.constant 16 : i32
      %broadcast_in_dim3A_1139 = vector.broadcast %broadcast_in_dim3A_1138 : i32 to vector<16xi32>
      %mul3A_1140 = arith.mulf %gather3A_1137, %exp3A_1038 : vector<16xf32>
      tpu.vector_store_idx %arg14[%add3A_1006, %broadcast_in_dim3A_1139], %mul3A_1140 : memref<128x32xf32, #tpu.memory_space<vmem>>[vector<16xi32>, vector<16xi32>], vector<16xf32>,
      %broadcast_in_dim3A_1141 = arith.constant 17 : i32
      %broadcast_in_dim3A_1142 = vector.broadcast %broadcast_in_dim3A_1141 : i32 to vector<16xi32>
      %gather3A_1143 = tpu.vector_load_idx %arg12[%add3A_1006, %broadcast_in_dim3A_1142] : memref<128x32xf32, #tpu.memory_space<vmem>>[vector<16xi32>, vector<16xi32>], vector<16xf32>,
      %broadcast_in_dim3A_1144 = arith.constant 17 : i32
      %broadcast_in_dim3A_1145 = vector.broadcast %broadcast_in_dim3A_1144 : i32 to vector<16xi32>
      %mul3A_1146 = arith.mulf %gather3A_1143, %exp3A_1038 : vector<16xf32>
      tpu.vector_store_idx %arg14[%add3A_1006, %broadcast_in_dim3A_1145], %mul3A_1146 : memref<128x32xf32, #tpu.memory_space<vmem>>[vector<16xi32>, vector<16xi32>], vector<16xf32>,
      %broadcast_in_dim3A_1147 = arith.constant 18 : i32
      %broadcast_in_dim3A_1148 = vector.broadcast %broadcast_in_dim3A_1147 : i32 to vector<16xi32>
      %gather3A_1149 = tpu.vector_load_idx %arg12[%add3A_1006, %broadcast_in_dim3A_1148] : memref<128x32xf32, #tpu.memory_space<vmem>>[vector<16xi32>, vector<16xi32>], vector<16xf32>,
      %broadcast_in_dim3A_1150 = arith.constant 18 : i32
      %broadcast_in_dim3A_1151 = vector.broadcast %broadcast_in_dim3A_1150 : i32 to vector<16xi32>
      %mul3A_1152 = arith.mulf %gather3A_1149, %exp3A_1038 : vector<16xf32>
      tpu.vector_store_idx %arg14[%add3A_1006, %broadcast_in_dim3A_1151], %mul3A_1152 : memref<128x32xf32, #tpu.memory_space<vmem>>[vector<16xi32>, vector<16xi32>], vector<16xf32>,
      %broadcast_in_dim3A_1153 = arith.constant 19 : i32
      %broadcast_in_dim3A_1154 = vector.broadcast %broadcast_in_dim3A_1153 : i32 to vector<16xi32>
      %gather3A_1155 = tpu.vector_load_idx %arg12[%add3A_1006, %broadcast_in_dim3A_1154] : memref<128x32xf32, #tpu.memory_space<vmem>>[vector<16xi32>, vector<16xi32>], vector<16xf32>,
      %broadcast_in_dim3A_1156 = arith.constant 19 : i32
      %broadcast_in_dim3A_1157 = vector.broadcast %broadcast_in_dim3A_1156 : i32 to vector<16xi32>
      %mul3A_1158 = arith.mulf %gather3A_1155, %exp3A_1038 : vector<16xf32>
      tpu.vector_store_idx %arg14[%add3A_1006, %broadcast_in_dim3A_1157], %mul3A_1158 : memref<128x32xf32, #tpu.memory_space<vmem>>[vector<16xi32>, vector<16xi32>], vector<16xf32>,
      %broadcast_in_dim3A_1159 = arith.constant 20 : i32
      %broadcast_in_dim3A_1160 = vector.broadcast %broadcast_in_dim3A_1159 : i32 to vector<16xi32>
      tpu.vector_store_idx %arg14[%add3A_1006, %broadcast_in_dim3A_1160], %exp3A_1028 : memref<128x32xf32, #tpu.memory_space<vmem>>[vector<16xi32>, vector<16xi32>], vector<16xf32>,
      %broadcast_in_dim3A_1161 = arith.constant 21 : i32
      %broadcast_in_dim3A_1162 = vector.broadcast %broadcast_in_dim3A_1161 : i32 to vector<16xi32>
      tpu.vector_store_idx %arg14[%add3A_1006, %broadcast_in_dim3A_1162], %exp3A_1038 : memref<128x32xf32, #tpu.memory_space<vmem>>[vector<16xi32>, vector<16xi32>], vector<16xf32>,
      %add3A_1163 = arith.constant 112 : i32
      %add3A_1164 = vector.broadcast %add3A_1163 : i32 to vector<16xi32>
      %add3A_1165 = arith.addi %add3A_1164, %iota3A : vector<16xi32>
      %broadcast_in_dim3A_1166 = arith.constant 20 : i32
      %broadcast_in_dim3A_1167 = vector.broadcast %broadcast_in_dim3A_1166 : i32 to vector<16xi32>
      %gather3A_1168 = tpu.vector_load_idx %arg12[%add3A_1165, %broadcast_in_dim3A_1167] : memref<128x32xf32, #tpu.memory_space<vmem>>[vector<16xi32>, vector<16xi32>], vector<16xf32>,
      %broadcast_in_dim3A_1169 = arith.constant 21 : i32
      %broadcast_in_dim3A_1170 = vector.broadcast %broadcast_in_dim3A_1169 : i32 to vector<16xi32>
      %gather3A_1171 = tpu.vector_load_idx %arg12[%add3A_1165, %broadcast_in_dim3A_1170] : memref<128x32xf32, #tpu.memory_space<vmem>>[vector<16xi32>, vector<16xi32>], vector<16xf32>,
      %broadcast_in_dim3A_1172 = arith.constant 0 : i32
      %broadcast_in_dim3A_1173 = vector.broadcast %broadcast_in_dim3A_1172 : i32 to vector<16xi32>
      %gather3A_1174 = tpu.vector_load_idx %arg13[%add3A_1165, %broadcast_in_dim3A_1173] : memref<128x16xf32, #tpu.memory_space<vmem>>[vector<16xi32>, vector<16xi32>], vector<16xf32>,
      %broadcast_in_dim3A_1175 = arith.constant 1 : i32
      %broadcast_in_dim3A_1176 = vector.broadcast %broadcast_in_dim3A_1175 : i32 to vector<16xi32>
      %gather3A_1177 = tpu.vector_load_idx %arg13[%add3A_1165, %broadcast_in_dim3A_1176] : memref<128x16xf32, #tpu.memory_space<vmem>>[vector<16xi32>, vector<16xi32>], vector<16xf32>,
      %add3A_1178 = arith.addf %gather3A_1168, %gather3A_1174 : vector<16xf32>
      %ge3A_1179 = arith.constant 0.000000e+00 : f32
      %ge3A_1180 = vector.broadcast %ge3A_1179 : f32 to vector<16xf32>
      %ge3A_1181 = arith.cmpf oge, %add3A_1178, %ge3A_1180 : vector<16xf32>
      %mul3A_1182 = arith.constant 2.000000e-01 : f32
      %mul3A_1183 = vector.broadcast %mul3A_1182 : f32 to vector<16xf32>
      %mul3A_1184 = arith.mulf %mul3A_1183, %add3A_1178 : vector<16xf32>
      %select_n3A_1185 = arith.select %ge3A_1181, %add3A_1178, %mul3A_1184 : vector<16xi1>, vector<16xf32>
      %sub3A_1186 = arith.subf %select_n3A_1185, %get3A_21 : vector<16xf32>
      %exp3A_1187 = math.exp %sub3A_1186 : vector<16xf32>
      %add3A_1188 = arith.addf %gather3A_1171, %gather3A_1177 : vector<16xf32>
      %ge3A_1189 = arith.constant 0.000000e+00 : f32
      %ge3A_1190 = vector.broadcast %ge3A_1189 : f32 to vector<16xf32>
      %ge3A_1191 = arith.cmpf oge, %add3A_1188, %ge3A_1190 : vector<16xf32>
      %mul3A_1192 = arith.constant 2.000000e-01 : f32
      %mul3A_1193 = vector.broadcast %mul3A_1192 : f32 to vector<16xf32>
      %mul3A_1194 = arith.mulf %mul3A_1193, %add3A_1188 : vector<16xf32>
      %select_n3A_1195 = arith.select %ge3A_1191, %add3A_1188, %mul3A_1194 : vector<16xi1>, vector<16xf32>
      %sub3A_1196 = arith.subf %select_n3A_1195, %get3A_23 : vector<16xf32>
      %exp3A_1197 = math.exp %sub3A_1196 : vector<16xf32>
      %broadcast_in_dim3A_1198 = arith.constant 0 : i32
      %broadcast_in_dim3A_1199 = vector.broadcast %broadcast_in_dim3A_1198 : i32 to vector<16xi32>
      %gather3A_1200 = tpu.vector_load_idx %arg12[%add3A_1165, %broadcast_in_dim3A_1199] : memref<128x32xf32, #tpu.memory_space<vmem>>[vector<16xi32>, vector<16xi32>], vector<16xf32>,
      %broadcast_in_dim3A_1201 = arith.constant 0 : i32
      %broadcast_in_dim3A_1202 = vector.broadcast %broadcast_in_dim3A_1201 : i32 to vector<16xi32>
      %mul3A_1203 = arith.mulf %gather3A_1200, %exp3A_1187 : vector<16xf32>
      tpu.vector_store_idx %arg14[%add3A_1165, %broadcast_in_dim3A_1202], %mul3A_1203 : memref<128x32xf32, #tpu.memory_space<vmem>>[vector<16xi32>, vector<16xi32>], vector<16xf32>,
      %broadcast_in_dim3A_1204 = arith.constant 1 : i32
      %broadcast_in_dim3A_1205 = vector.broadcast %broadcast_in_dim3A_1204 : i32 to vector<16xi32>
      %gather3A_1206 = tpu.vector_load_idx %arg12[%add3A_1165, %broadcast_in_dim3A_1205] : memref<128x32xf32, #tpu.memory_space<vmem>>[vector<16xi32>, vector<16xi32>], vector<16xf32>,
      %broadcast_in_dim3A_1207 = arith.constant 1 : i32
      %broadcast_in_dim3A_1208 = vector.broadcast %broadcast_in_dim3A_1207 : i32 to vector<16xi32>
      %mul3A_1209 = arith.mulf %gather3A_1206, %exp3A_1187 : vector<16xf32>
      tpu.vector_store_idx %arg14[%add3A_1165, %broadcast_in_dim3A_1208], %mul3A_1209 : memref<128x32xf32, #tpu.memory_space<vmem>>[vector<16xi32>, vector<16xi32>], vector<16xf32>,
      %broadcast_in_dim3A_1210 = arith.constant 2 : i32
      %broadcast_in_dim3A_1211 = vector.broadcast %broadcast_in_dim3A_1210 : i32 to vector<16xi32>
      %gather3A_1212 = tpu.vector_load_idx %arg12[%add3A_1165, %broadcast_in_dim3A_1211] : memref<128x32xf32, #tpu.memory_space<vmem>>[vector<16xi32>, vector<16xi32>], vector<16xf32>,
      %broadcast_in_dim3A_1213 = arith.constant 2 : i32
      %broadcast_in_dim3A_1214 = vector.broadcast %broadcast_in_dim3A_1213 : i32 to vector<16xi32>
      %mul3A_1215 = arith.mulf %gather3A_1212, %exp3A_1187 : vector<16xf32>
      tpu.vector_store_idx %arg14[%add3A_1165, %broadcast_in_dim3A_1214], %mul3A_1215 : memref<128x32xf32, #tpu.memory_space<vmem>>[vector<16xi32>, vector<16xi32>], vector<16xf32>,
      %broadcast_in_dim3A_1216 = arith.constant 3 : i32
      %broadcast_in_dim3A_1217 = vector.broadcast %broadcast_in_dim3A_1216 : i32 to vector<16xi32>
      %gather3A_1218 = tpu.vector_load_idx %arg12[%add3A_1165, %broadcast_in_dim3A_1217] : memref<128x32xf32, #tpu.memory_space<vmem>>[vector<16xi32>, vector<16xi32>], vector<16xf32>,
      %broadcast_in_dim3A_1219 = arith.constant 3 : i32
      %broadcast_in_dim3A_1220 = vector.broadcast %broadcast_in_dim3A_1219 : i32 to vector<16xi32>
      %mul3A_1221 = arith.mulf %gather3A_1218, %exp3A_1187 : vector<16xf32>
      tpu.vector_store_idx %arg14[%add3A_1165, %broadcast_in_dim3A_1220], %mul3A_1221 : memref<128x32xf32, #tpu.memory_space<vmem>>[vector<16xi32>, vector<16xi32>], vector<16xf32>,
      %broadcast_in_dim3A_1222 = arith.constant 4 : i32
      %broadcast_in_dim3A_1223 = vector.broadcast %broadcast_in_dim3A_1222 : i32 to vector<16xi32>
      %gather3A_1224 = tpu.vector_load_idx %arg12[%add3A_1165, %broadcast_in_dim3A_1223] : memref<128x32xf32, #tpu.memory_space<vmem>>[vector<16xi32>, vector<16xi32>], vector<16xf32>,
      %broadcast_in_dim3A_1225 = arith.constant 4 : i32
      %broadcast_in_dim3A_1226 = vector.broadcast %broadcast_in_dim3A_1225 : i32 to vector<16xi32>
      %mul3A_1227 = arith.mulf %gather3A_1224, %exp3A_1187 : vector<16xf32>
      tpu.vector_store_idx %arg14[%add3A_1165, %broadcast_in_dim3A_1226], %mul3A_1227 : memref<128x32xf32, #tpu.memory_space<vmem>>[vector<16xi32>, vector<16xi32>], vector<16xf32>,
      %broadcast_in_dim3A_1228 = arith.constant 5 : i32
      %broadcast_in_dim3A_1229 = vector.broadcast %broadcast_in_dim3A_1228 : i32 to vector<16xi32>
      %gather3A_1230 = tpu.vector_load_idx %arg12[%add3A_1165, %broadcast_in_dim3A_1229] : memref<128x32xf32, #tpu.memory_space<vmem>>[vector<16xi32>, vector<16xi32>], vector<16xf32>,
      %broadcast_in_dim3A_1231 = arith.constant 5 : i32
      %broadcast_in_dim3A_1232 = vector.broadcast %broadcast_in_dim3A_1231 : i32 to vector<16xi32>
      %mul3A_1233 = arith.mulf %gather3A_1230, %exp3A_1187 : vector<16xf32>
      tpu.vector_store_idx %arg14[%add3A_1165, %broadcast_in_dim3A_1232], %mul3A_1233 : memref<128x32xf32, #tpu.memory_space<vmem>>[vector<16xi32>, vector<16xi32>], vector<16xf32>,
      %broadcast_in_dim3A_1234 = arith.constant 6 : i32
      %broadcast_in_dim3A_1235 = vector.broadcast %broadcast_in_dim3A_1234 : i32 to vector<16xi32>
      %gather3A_1236 = tpu.vector_load_idx %arg12[%add3A_1165, %broadcast_in_dim3A_1235] : memref<128x32xf32, #tpu.memory_space<vmem>>[vector<16xi32>, vector<16xi32>], vector<16xf32>,
      %broadcast_in_dim3A_1237 = arith.constant 6 : i32
      %broadcast_in_dim3A_1238 = vector.broadcast %broadcast_in_dim3A_1237 : i32 to vector<16xi32>
      %mul3A_1239 = arith.mulf %gather3A_1236, %exp3A_1187 : vector<16xf32>
      tpu.vector_store_idx %arg14[%add3A_1165, %broadcast_in_dim3A_1238], %mul3A_1239 : memref<128x32xf32, #tpu.memory_space<vmem>>[vector<16xi32>, vector<16xi32>], vector<16xf32>,
      %broadcast_in_dim3A_1240 = arith.constant 7 : i32
      %broadcast_in_dim3A_1241 = vector.broadcast %broadcast_in_dim3A_1240 : i32 to vector<16xi32>
      %gather3A_1242 = tpu.vector_load_idx %arg12[%add3A_1165, %broadcast_in_dim3A_1241] : memref<128x32xf32, #tpu.memory_space<vmem>>[vector<16xi32>, vector<16xi32>], vector<16xf32>,
      %broadcast_in_dim3A_1243 = arith.constant 7 : i32
      %broadcast_in_dim3A_1244 = vector.broadcast %broadcast_in_dim3A_1243 : i32 to vector<16xi32>
      %mul3A_1245 = arith.mulf %gather3A_1242, %exp3A_1187 : vector<16xf32>
      tpu.vector_store_idx %arg14[%add3A_1165, %broadcast_in_dim3A_1244], %mul3A_1245 : memref<128x32xf32, #tpu.memory_space<vmem>>[vector<16xi32>, vector<16xi32>], vector<16xf32>,
      %broadcast_in_dim3A_1246 = arith.constant 8 : i32
      %broadcast_in_dim3A_1247 = vector.broadcast %broadcast_in_dim3A_1246 : i32 to vector<16xi32>
      %gather3A_1248 = tpu.vector_load_idx %arg12[%add3A_1165, %broadcast_in_dim3A_1247] : memref<128x32xf32, #tpu.memory_space<vmem>>[vector<16xi32>, vector<16xi32>], vector<16xf32>,
      %broadcast_in_dim3A_1249 = arith.constant 8 : i32
      %broadcast_in_dim3A_1250 = vector.broadcast %broadcast_in_dim3A_1249 : i32 to vector<16xi32>
      %mul3A_1251 = arith.mulf %gather3A_1248, %exp3A_1187 : vector<16xf32>
      tpu.vector_store_idx %arg14[%add3A_1165, %broadcast_in_dim3A_1250], %mul3A_1251 : memref<128x32xf32, #tpu.memory_space<vmem>>[vector<16xi32>, vector<16xi32>], vector<16xf32>,
      %broadcast_in_dim3A_1252 = arith.constant 9 : i32
      %broadcast_in_dim3A_1253 = vector.broadcast %broadcast_in_dim3A_1252 : i32 to vector<16xi32>
      %gather3A_1254 = tpu.vector_load_idx %arg12[%add3A_1165, %broadcast_in_dim3A_1253] : memref<128x32xf32, #tpu.memory_space<vmem>>[vector<16xi32>, vector<16xi32>], vector<16xf32>,
      %broadcast_in_dim3A_1255 = arith.constant 9 : i32
      %broadcast_in_dim3A_1256 = vector.broadcast %broadcast_in_dim3A_1255 : i32 to vector<16xi32>
      %mul3A_1257 = arith.mulf %gather3A_1254, %exp3A_1187 : vector<16xf32>
      tpu.vector_store_idx %arg14[%add3A_1165, %broadcast_in_dim3A_1256], %mul3A_1257 : memref<128x32xf32, #tpu.memory_space<vmem>>[vector<16xi32>, vector<16xi32>], vector<16xf32>,
      %broadcast_in_dim3A_1258 = arith.constant 10 : i32
      %broadcast_in_dim3A_1259 = vector.broadcast %broadcast_in_dim3A_1258 : i32 to vector<16xi32>
      %gather3A_1260 = tpu.vector_load_idx %arg12[%add3A_1165, %broadcast_in_dim3A_1259] : memref<128x32xf32, #tpu.memory_space<vmem>>[vector<16xi32>, vector<16xi32>], vector<16xf32>,
      %broadcast_in_dim3A_1261 = arith.constant 10 : i32
      %broadcast_in_dim3A_1262 = vector.broadcast %broadcast_in_dim3A_1261 : i32 to vector<16xi32>
      %mul3A_1263 = arith.mulf %gather3A_1260, %exp3A_1197 : vector<16xf32>
      tpu.vector_store_idx %arg14[%add3A_1165, %broadcast_in_dim3A_1262], %mul3A_1263 : memref<128x32xf32, #tpu.memory_space<vmem>>[vector<16xi32>, vector<16xi32>], vector<16xf32>,
      %broadcast_in_dim3A_1264 = arith.constant 11 : i32
      %broadcast_in_dim3A_1265 = vector.broadcast %broadcast_in_dim3A_1264 : i32 to vector<16xi32>
      %gather3A_1266 = tpu.vector_load_idx %arg12[%add3A_1165, %broadcast_in_dim3A_1265] : memref<128x32xf32, #tpu.memory_space<vmem>>[vector<16xi32>, vector<16xi32>], vector<16xf32>,
      %broadcast_in_dim3A_1267 = arith.constant 11 : i32
      %broadcast_in_dim3A_1268 = vector.broadcast %broadcast_in_dim3A_1267 : i32 to vector<16xi32>
      %mul3A_1269 = arith.mulf %gather3A_1266, %exp3A_1197 : vector<16xf32>
      tpu.vector_store_idx %arg14[%add3A_1165, %broadcast_in_dim3A_1268], %mul3A_1269 : memref<128x32xf32, #tpu.memory_space<vmem>>[vector<16xi32>, vector<16xi32>], vector<16xf32>,
      %broadcast_in_dim3A_1270 = arith.constant 12 : i32
      %broadcast_in_dim3A_1271 = vector.broadcast %broadcast_in_dim3A_1270 : i32 to vector<16xi32>
      %gather3A_1272 = tpu.vector_load_idx %arg12[%add3A_1165, %broadcast_in_dim3A_1271] : memref<128x32xf32, #tpu.memory_space<vmem>>[vector<16xi32>, vector<16xi32>], vector<16xf32>,
      %broadcast_in_dim3A_1273 = arith.constant 12 : i32
      %broadcast_in_dim3A_1274 = vector.broadcast %broadcast_in_dim3A_1273 : i32 to vector<16xi32>
      %mul3A_1275 = arith.mulf %gather3A_1272, %exp3A_1197 : vector<16xf32>
      tpu.vector_store_idx %arg14[%add3A_1165, %broadcast_in_dim3A_1274], %mul3A_1275 : memref<128x32xf32, #tpu.memory_space<vmem>>[vector<16xi32>, vector<16xi32>], vector<16xf32>,
      %broadcast_in_dim3A_1276 = arith.constant 13 : i32
      %broadcast_in_dim3A_1277 = vector.broadcast %broadcast_in_dim3A_1276 : i32 to vector<16xi32>
      %gather3A_1278 = tpu.vector_load_idx %arg12[%add3A_1165, %broadcast_in_dim3A_1277] : memref<128x32xf32, #tpu.memory_space<vmem>>[vector<16xi32>, vector<16xi32>], vector<16xf32>,
      %broadcast_in_dim3A_1279 = arith.constant 13 : i32
      %broadcast_in_dim3A_1280 = vector.broadcast %broadcast_in_dim3A_1279 : i32 to vector<16xi32>
      %mul3A_1281 = arith.mulf %gather3A_1278, %exp3A_1197 : vector<16xf32>
      tpu.vector_store_idx %arg14[%add3A_1165, %broadcast_in_dim3A_1280], %mul3A_1281 : memref<128x32xf32, #tpu.memory_space<vmem>>[vector<16xi32>, vector<16xi32>], vector<16xf32>,
      %broadcast_in_dim3A_1282 = arith.constant 14 : i32
      %broadcast_in_dim3A_1283 = vector.broadcast %broadcast_in_dim3A_1282 : i32 to vector<16xi32>
      %gather3A_1284 = tpu.vector_load_idx %arg12[%add3A_1165, %broadcast_in_dim3A_1283] : memref<128x32xf32, #tpu.memory_space<vmem>>[vector<16xi32>, vector<16xi32>], vector<16xf32>,
      %broadcast_in_dim3A_1285 = arith.constant 14 : i32
      %broadcast_in_dim3A_1286 = vector.broadcast %broadcast_in_dim3A_1285 : i32 to vector<16xi32>
      %mul3A_1287 = arith.mulf %gather3A_1284, %exp3A_1197 : vector<16xf32>
      tpu.vector_store_idx %arg14[%add3A_1165, %broadcast_in_dim3A_1286], %mul3A_1287 : memref<128x32xf32, #tpu.memory_space<vmem>>[vector<16xi32>, vector<16xi32>], vector<16xf32>,
      %broadcast_in_dim3A_1288 = arith.constant 15 : i32
      %broadcast_in_dim3A_1289 = vector.broadcast %broadcast_in_dim3A_1288 : i32 to vector<16xi32>
      %gather3A_1290 = tpu.vector_load_idx %arg12[%add3A_1165, %broadcast_in_dim3A_1289] : memref<128x32xf32, #tpu.memory_space<vmem>>[vector<16xi32>, vector<16xi32>], vector<16xf32>,
      %broadcast_in_dim3A_1291 = arith.constant 15 : i32
      %broadcast_in_dim3A_1292 = vector.broadcast %broadcast_in_dim3A_1291 : i32 to vector<16xi32>
      %mul3A_1293 = arith.mulf %gather3A_1290, %exp3A_1197 : vector<16xf32>
      tpu.vector_store_idx %arg14[%add3A_1165, %broadcast_in_dim3A_1292], %mul3A_1293 : memref<128x32xf32, #tpu.memory_space<vmem>>[vector<16xi32>, vector<16xi32>], vector<16xf32>,
      %broadcast_in_dim3A_1294 = arith.constant 16 : i32
      %broadcast_in_dim3A_1295 = vector.broadcast %broadcast_in_dim3A_1294 : i32 to vector<16xi32>
      %gather3A_1296 = tpu.vector_load_idx %arg12[%add3A_1165, %broadcast_in_dim3A_1295] : memref<128x32xf32, #tpu.memory_space<vmem>>[vector<16xi32>, vector<16xi32>], vector<16xf32>,
      %broadcast_in_dim3A_1297 = arith.constant 16 : i32
      %broadcast_in_dim3A_1298 = vector.broadcast %broadcast_in_dim3A_1297 : i32 to vector<16xi32>
      %mul3A_1299 = arith.mulf %gather3A_1296, %exp3A_1197 : vector<16xf32>
      tpu.vector_store_idx %arg14[%add3A_1165, %broadcast_in_dim3A_1298], %mul3A_1299 : memref<128x32xf32, #tpu.memory_space<vmem>>[vector<16xi32>, vector<16xi32>], vector<16xf32>,
      %broadcast_in_dim3A_1300 = arith.constant 17 : i32
      %broadcast_in_dim3A_1301 = vector.broadcast %broadcast_in_dim3A_1300 : i32 to vector<16xi32>
      %gather3A_1302 = tpu.vector_load_idx %arg12[%add3A_1165, %broadcast_in_dim3A_1301] : memref<128x32xf32, #tpu.memory_space<vmem>>[vector<16xi32>, vector<16xi32>], vector<16xf32>,
      %broadcast_in_dim3A_1303 = arith.constant 17 : i32
      %broadcast_in_dim3A_1304 = vector.broadcast %broadcast_in_dim3A_1303 : i32 to vector<16xi32>
      %mul3A_1305 = arith.mulf %gather3A_1302, %exp3A_1197 : vector<16xf32>
      tpu.vector_store_idx %arg14[%add3A_1165, %broadcast_in_dim3A_1304], %mul3A_1305 : memref<128x32xf32, #tpu.memory_space<vmem>>[vector<16xi32>, vector<16xi32>], vector<16xf32>,
      %broadcast_in_dim3A_1306 = arith.constant 18 : i32
      %broadcast_in_dim3A_1307 = vector.broadcast %broadcast_in_dim3A_1306 : i32 to vector<16xi32>
      %gather3A_1308 = tpu.vector_load_idx %arg12[%add3A_1165, %broadcast_in_dim3A_1307] : memref<128x32xf32, #tpu.memory_space<vmem>>[vector<16xi32>, vector<16xi32>], vector<16xf32>,
      %broadcast_in_dim3A_1309 = arith.constant 18 : i32
      %broadcast_in_dim3A_1310 = vector.broadcast %broadcast_in_dim3A_1309 : i32 to vector<16xi32>
      %mul3A_1311 = arith.mulf %gather3A_1308, %exp3A_1197 : vector<16xf32>
      tpu.vector_store_idx %arg14[%add3A_1165, %broadcast_in_dim3A_1310], %mul3A_1311 : memref<128x32xf32, #tpu.memory_space<vmem>>[vector<16xi32>, vector<16xi32>], vector<16xf32>,
      %broadcast_in_dim3A_1312 = arith.constant 19 : i32
      %broadcast_in_dim3A_1313 = vector.broadcast %broadcast_in_dim3A_1312 : i32 to vector<16xi32>
      %gather3A_1314 = tpu.vector_load_idx %arg12[%add3A_1165, %broadcast_in_dim3A_1313] : memref<128x32xf32, #tpu.memory_space<vmem>>[vector<16xi32>, vector<16xi32>], vector<16xf32>,
      %broadcast_in_dim3A_1315 = arith.constant 19 : i32
      %broadcast_in_dim3A_1316 = vector.broadcast %broadcast_in_dim3A_1315 : i32 to vector<16xi32>
      %mul3A_1317 = arith.mulf %gather3A_1314, %exp3A_1197 : vector<16xf32>
      tpu.vector_store_idx %arg14[%add3A_1165, %broadcast_in_dim3A_1316], %mul3A_1317 : memref<128x32xf32, #tpu.memory_space<vmem>>[vector<16xi32>, vector<16xi32>], vector<16xf32>,
      %broadcast_in_dim3A_1318 = arith.constant 20 : i32
      %broadcast_in_dim3A_1319 = vector.broadcast %broadcast_in_dim3A_1318 : i32 to vector<16xi32>
      tpu.vector_store_idx %arg14[%add3A_1165, %broadcast_in_dim3A_1319], %exp3A_1187 : memref<128x32xf32, #tpu.memory_space<vmem>>[vector<16xi32>, vector<16xi32>], vector<16xf32>,
      %broadcast_in_dim3A_1320 = arith.constant 21 : i32
      %broadcast_in_dim3A_1321 = vector.broadcast %broadcast_in_dim3A_1320 : i32 to vector<16xi32>
      tpu.vector_store_idx %arg14[%add3A_1165, %broadcast_in_dim3A_1321], %exp3A_1197 : memref<128x32xf32, #tpu.memory_space<vmem>>[vector<16xi32>, vector<16xi32>], vector<16xf32>,
      "tpu.region"() ({
        %run_scoped3A = tpu.sem_alloc : memref<!tpu.dma_semaphore, #tpu.memory_space<semaphore_mem>>
        %dma_start3A_1322 = arith.constant 0 : i32
        %dma_start3A_1323 = arith.constant 0 : i32
        %dma_start3A_1324 = tpu.memref_slice %arg9[%dma_start3A_1322, %dma_start3A_1323] : memref<10240x32xf32, #tpu.memory_space<vmem_shared>> -> memref<10240x32xf32, #tpu.memory_space<vmem_shared>>
        tpu.enqueue_indirect_dma source(%arg14 : memref<128x32xf32, #tpu.memory_space<vmem>>) target(%dma_start3A_1324 : memref<10240x32xf32, #tpu.memory_space<vmem_shared>>) offsets(%arg11 : memref<128xi32, #tpu.memory_space<vmem>>) semaphore(%run_scoped3A : memref<!tpu.dma_semaphore, #tpu.memory_space<semaphore_mem>>) {add = true}
        %dma_wait3A_1325 = arith.constant 0 : i32
        %dma_wait3A_1326 = arith.constant 0 : i32
        %dma_wait3A_1327 = tpu.memref_slice %arg9[%dma_wait3A_1325, %dma_wait3A_1326] : memref<10240x32xf32, #tpu.memory_space<vmem_shared>> -> memref<10240x32xf32, #tpu.memory_space<vmem_shared>>
        tpu.wait_indirect_dma semaphore(%run_scoped3A : memref<!tpu.dma_semaphore, #tpu.memory_space<semaphore_mem>>) src(%arg14 : memref<128x32xf32, #tpu.memory_space<vmem>>) dst(%dma_wait3A_1327 : memref<10240x32xf32, #tpu.memory_space<vmem_shared>>)
        tpu.yield
      }) : () -> ()
    }
    %scan3A_36 = arith.constant 82 : i32
    %barrier3A_37 = arith.constant 0 : index
    tpu.barrier barrier_id(%barrier3A_37)
    %mul3A_38 = arith.constant 640 : i32
    %mul3A_39 = arith.muli %arg1, %mul3A_38 : i32
    %mul3A_40 = arith.constant 640 : i32
    %mul3A_41 = arith.muli %arg1, %mul3A_40 : i32
    "tpu.region"() ({
      %run_scoped3A = tpu.sem_alloc : memref<!tpu.dma_semaphore, #tpu.memory_space<semaphore_mem>>
      %dma_start3A = arith.constant 0 : i32
      %dma_start3A_42 = tpu.memref_slice %arg8[%arg0, %mul3A_41, %dma_start3A] : memref<2x10240x32xf32, #tpu.memory_space<hbm>> -> memref<1x640x32xf32, #tpu.memory_space<hbm>>
      %dma_start3A_43 = tpu.memref_squeeze %dma_start3A_42 : memref<1x640x32xf32, #tpu.memory_space<hbm>> -> memref<640x32xf32, #tpu.memory_space<hbm>>
      %dma_start3A_44 = arith.constant 0 : i32
      %dma_start3A_45 = tpu.memref_slice %arg9[%mul3A_39, %dma_start3A_44] : memref<10240x32xf32, #tpu.memory_space<vmem_shared>> -> memref<640x32xf32, #tpu.memory_space<vmem_shared>>
      tpu.enqueue_dma source(%dma_start3A_45 : memref<640x32xf32, #tpu.memory_space<vmem_shared>>) target(%dma_start3A_43 : memref<640x32xf32, #tpu.memory_space<hbm>>) target_semaphore(%run_scoped3A : memref<!tpu.dma_semaphore, #tpu.memory_space<semaphore_mem>>)
      %dma_wait3A = arith.constant 0 : i32
      %dma_wait3A_46 = tpu.memref_slice %arg8[%arg0, %mul3A_41, %dma_wait3A] : memref<2x10240x32xf32, #tpu.memory_space<hbm>> -> memref<1x640x32xf32, #tpu.memory_space<hbm>>
      %dma_wait3A_47 = tpu.memref_squeeze %dma_wait3A_46 : memref<1x640x32xf32, #tpu.memory_space<hbm>> -> memref<640x32xf32, #tpu.memory_space<hbm>>
      %dma_wait3A_48 = arith.constant 0 : i32
      %dma_wait3A_49 = tpu.memref_slice %arg9[%mul3A_39, %dma_wait3A_48] : memref<10240x32xf32, #tpu.memory_space<vmem_shared>> -> memref<640x32xf32, #tpu.memory_space<vmem_shared>>
      tpu.wait_dma2 semaphore(%run_scoped3A : memref<!tpu.dma_semaphore, #tpu.memory_space<semaphore_mem>>) src(%dma_wait3A_49 : memref<640x32xf32, #tpu.memory_space<vmem_shared>>) dst(%dma_wait3A_47 : memref<640x32xf32, #tpu.memory_space<hbm>>)
      tpu.yield
    }) : () -> ()
    return
  }
}

module attributes {stable_mosaic.version = 14 : i64} {
  func.func @_tc0_body(%arg0: i32, %arg1: memref<1000x128xf32, #tpu.memory_space<vmem>>, %arg2: memref<128x32xf32, #tpu.memory_space<vmem>>, %arg3: memref<128x16xf32, #tpu.memory_space<vmem>>, %arg4: memref<1000x32xf32, #tpu.memory_space<vmem>>, %arg5: memref<1000x16xf32, #tpu.memory_space<vmem>>, %arg6: memref<1x32xf32, #tpu.memory_space<vmem>>, %arg7: memref<1x16xf32, #tpu.memory_space<vmem>>) attributes {dimension_semantics = [#tpu.dimension_semantics<arbitrary>], iteration_bounds = array<i64: 10>, scalar_prefetch = 0 : i64, scratch_operands = 0 : i64, tpu.core_type = #tpu.core_type<tc>, window_params = [{transform_indices = @transform_0, window_bounds = array<i64: 1000, 128>}, {pipeline_mode = #tpu.pipeline_mode<synchronous>, transform_indices = @transform_1, window_bounds = array<i64: 128, 32>}, {pipeline_mode = #tpu.pipeline_mode<synchronous>, transform_indices = @transform_2, window_bounds = array<i64: 128, 16>}, {transform_indices = @transform_3, window_bounds = array<i64: 1000, 32>}, {transform_indices = @transform_4, window_bounds = array<i64: 1000, 16>}, {pipeline_mode = #tpu.pipeline_mode<synchronous>, transform_indices = @transform_5, window_bounds = array<i64: 1, 32>}, {pipeline_mode = #tpu.pipeline_mode<synchronous>, transform_indices = @transform_6, window_bounds = array<i64: 1, 16>}]} {
    %get3A = arith.constant 0 : index
    %get3A_0 = arith.constant 0 : index
    %get3A_1 = vector.load %arg1[%get3A, %get3A_0] : memref<1000x128xf32, #tpu.memory_space<vmem>>, vector<1000x128xf32>
    %get3A_2 = arith.constant 0 : index
    %get3A_3 = arith.constant 0 : index
    %get3A_4 = vector.load %arg2[%get3A_2, %get3A_3] : memref<128x32xf32, #tpu.memory_space<vmem>>, vector<128x32xf32>
    %dot_general3A = arith.constant dense<0.000000e+00> : vector<1000x32xf32>
    %dot_general3A_5 = tpu.matmul %get3A_1, %get3A_4, %dot_general3A {dimension_numbers = #tpu.dot_dimension_numbers<[1], [0], [0], [1], [0, 0, 1, 1], [], []>, transpose_lhs_hint = false} : vector<1000x128xf32>, vector<128x32xf32>, vector<1000x32xf32> -> vector<1000x32xf32>
    %get3A_6 = arith.constant 0 : index
    %get3A_7 = arith.constant 0 : index
    %get3A_8 = vector.load %arg3[%get3A_6, %get3A_7] : memref<128x16xf32, #tpu.memory_space<vmem>>, vector<128x16xf32>
    %dot_general3A_9 = arith.constant dense<0.000000e+00> : vector<1000x16xf32>
    %dot_general3A_10 = tpu.matmul %get3A_1, %get3A_8, %dot_general3A_9 {dimension_numbers = #tpu.dot_dimension_numbers<[1], [0], [0], [1], [0, 0, 1, 1], [], []>, transpose_lhs_hint = false} : vector<1000x128xf32>, vector<128x16xf32>, vector<1000x16xf32> -> vector<1000x16xf32>
    %swap3A = arith.constant 0 : index
    %swap3A_11 = arith.constant 0 : index
    %swap3A_12 = vector.load %arg4[%swap3A, %swap3A_11] : memref<1000x32xf32, #tpu.memory_space<vmem>>, vector<1000x32xf32>
    tpu.vector_store %arg4[%swap3A, %swap3A_11], %dot_general3A_5 {strides = array<i32>} : memref<1000x32xf32, #tpu.memory_space<vmem>>, vector<1000x32xf32>,
    %swap3A_13 = arith.constant 0 : index
    %swap3A_14 = arith.constant 0 : index
    %swap3A_15 = vector.load %arg5[%swap3A_13, %swap3A_14] : memref<1000x16xf32, #tpu.memory_space<vmem>>, vector<1000x16xf32>
    tpu.vector_store %arg5[%swap3A_13, %swap3A_14], %dot_general3A_10 {strides = array<i32>} : memref<1000x16xf32, #tpu.memory_space<vmem>>, vector<1000x16xf32>,
    %reduce_max3A = arith.constant dense<0xFF800000> : vector<32xf32>
    %reduce_max3A_16 = vector.multi_reduction <maximumf>, %dot_general3A_5, %reduce_max3A [0] : vector<1000x32xf32> to vector<32xf32>
    %broadcast_in_dim3A = vector.shape_cast %reduce_max3A_16 : vector<32xf32> to vector<1x32xf32>
    %reduce_max3A_17 = arith.constant dense<0xFF800000> : vector<16xf32>
    %reduce_max3A_18 = vector.multi_reduction <maximumf>, %dot_general3A_10, %reduce_max3A_17 [0] : vector<1000x16xf32> to vector<16xf32>
    %broadcast_in_dim3A_19 = vector.shape_cast %reduce_max3A_18 : vector<16xf32> to vector<1x16xf32>
    %eq3A = arith.constant 0 : i32
    %eq3A_20 = arith.cmpi eq, %arg0, %eq3A : i32
    %convert_element_type3A = arith.extui %eq3A_20 : i1 to i32
    %cond3A = arith.constant 0 : i32
    %cond3A_21 = arith.cmpi ne, %convert_element_type3A, %cond3A : i32
    scf.if %cond3A_21 {
      %swap3A_26 = arith.constant 0 : index
      %swap3A_27 = arith.constant 0 : index
      %swap3A_28 = vector.load %arg6[%swap3A_26, %swap3A_27] : memref<1x32xf32, #tpu.memory_space<vmem>>, vector<1x32xf32>
      tpu.vector_store %arg6[%swap3A_26, %swap3A_27], %broadcast_in_dim3A {strides = array<i32>} : memref<1x32xf32, #tpu.memory_space<vmem>>, vector<1x32xf32>,
      %swap3A_29 = arith.constant 0 : index
      %swap3A_30 = arith.constant 0 : index
      %swap3A_31 = vector.load %arg7[%swap3A_29, %swap3A_30] : memref<1x16xf32, #tpu.memory_space<vmem>>, vector<1x16xf32>
      tpu.vector_store %arg7[%swap3A_29, %swap3A_30], %broadcast_in_dim3A_19 {strides = array<i32>} : memref<1x16xf32, #tpu.memory_space<vmem>>, vector<1x16xf32>,
    } else {
    }
    %ne3A = arith.constant 0 : i32
    %ne3A_22 = arith.cmpi ne, %arg0, %ne3A : i32
    %convert_element_type3A_23 = arith.extui %ne3A_22 : i1 to i32
    %cond3A_24 = arith.constant 0 : i32
    %cond3A_25 = arith.cmpi ne, %convert_element_type3A_23, %cond3A_24 : i32
    scf.if %cond3A_25 {
      %get3A_26 = arith.constant 0 : index
      %get3A_27 = arith.constant 0 : index
      %get3A_28 = vector.load %arg6[%get3A_26, %get3A_27] : memref<1x32xf32, #tpu.memory_space<vmem>>, vector<1x32xf32>
      %max3A = arith.maximumf %get3A_28, %broadcast_in_dim3A : vector<1x32xf32>
      %swap3A_29 = arith.constant 0 : index
      %swap3A_30 = arith.constant 0 : index
      %swap3A_31 = vector.load %arg6[%swap3A_29, %swap3A_30] : memref<1x32xf32, #tpu.memory_space<vmem>>, vector<1x32xf32>
      tpu.vector_store %arg6[%swap3A_29, %swap3A_30], %max3A {strides = array<i32>} : memref<1x32xf32, #tpu.memory_space<vmem>>, vector<1x32xf32>,
      %get3A_32 = arith.constant 0 : index
      %get3A_33 = arith.constant 0 : index
      %get3A_34 = vector.load %arg7[%get3A_32, %get3A_33] : memref<1x16xf32, #tpu.memory_space<vmem>>, vector<1x16xf32>
      %max3A_35 = arith.maximumf %get3A_34, %broadcast_in_dim3A_19 : vector<1x16xf32>
      %swap3A_36 = arith.constant 0 : index
      %swap3A_37 = arith.constant 0 : index
      %swap3A_38 = vector.load %arg7[%swap3A_36, %swap3A_37] : memref<1x16xf32, #tpu.memory_space<vmem>>, vector<1x16xf32>
      tpu.vector_store %arg7[%swap3A_36, %swap3A_37], %max3A_35 {strides = array<i32>} : memref<1x16xf32, #tpu.memory_space<vmem>>, vector<1x16xf32>,
    } else {
    }
    return
  }
  func.func @transform_0(%arg0: i32) -> (i32, i32) {
    %c0_i32 = arith.constant 0 : i32
    %c0_i32_0 = arith.constant 0 : i32
    return %arg0, %c0_i32 : i32, i32
  }
  func.func @transform_1(%arg0: i32) -> (i32, i32) {
    %c0_i32 = arith.constant 0 : i32
    %c0_i32_0 = arith.constant 0 : i32
    %c0_i32_1 = arith.constant 0 : i32
    return %c0_i32, %c0_i32_0 : i32, i32
  }
  func.func @transform_2(%arg0: i32) -> (i32, i32) {
    %c0_i32 = arith.constant 0 : i32
    %c0_i32_0 = arith.constant 0 : i32
    %c0_i32_1 = arith.constant 0 : i32
    return %c0_i32, %c0_i32_0 : i32, i32
  }
  func.func @transform_3(%arg0: i32) -> (i32, i32) {
    %c0_i32 = arith.constant 0 : i32
    %c0_i32_0 = arith.constant 0 : i32
    return %arg0, %c0_i32 : i32, i32
  }
  func.func @transform_4(%arg0: i32) -> (i32, i32) {
    %c0_i32 = arith.constant 0 : i32
    %c0_i32_0 = arith.constant 0 : i32
    return %arg0, %c0_i32 : i32, i32
  }
  func.func @transform_5(%arg0: i32) -> (i32, i32) {
    %c0_i32 = arith.constant 0 : i32
    %c0_i32_0 = arith.constant 0 : i32
    %c0_i32_1 = arith.constant 0 : i32
    return %c0_i32, %c0_i32_0 : i32, i32
  }
  func.func @transform_6(%arg0: i32) -> (i32, i32) {
    %c0_i32 = arith.constant 0 : i32
    %c0_i32_0 = arith.constant 0 : i32
    %c0_i32_1 = arith.constant 0 : i32
    return %c0_i32, %c0_i32_0 : i32, i32
  }
}

module attributes {stable_mosaic.version = 14 : i64} {
  func.func @_tc1_body(%arg0: i32, %arg1: memref<2x1000x32xf32, #tpu.memory_space<vmem>>, %arg2: memref<1x32xf32, #tpu.memory_space<vmem>>, %arg3: memref<32x32xf32, #tpu.memory_space<vmem>>, %arg4: memref<32x16xf32, #tpu.memory_space<vmem>>, %arg5: memref<1000x32xf32, #tpu.memory_space<vmem>>, %arg6: memref<1000x16xf32, #tpu.memory_space<vmem>>, %arg7: memref<1x32xf32, #tpu.memory_space<vmem>>, %arg8: memref<1x16xf32, #tpu.memory_space<vmem>>) attributes {dimension_semantics = [#tpu.dimension_semantics<arbitrary>], iteration_bounds = array<i64: 10>, scalar_prefetch = 0 : i64, scratch_operands = 0 : i64, tpu.core_type = #tpu.core_type<tc>, window_params = [{transform_indices = @transform_0, window_bounds = array<i64: 2, 1000, 32>}, {pipeline_mode = #tpu.pipeline_mode<synchronous>, transform_indices = @transform_1, window_bounds = array<i64: 1, 32>}, {pipeline_mode = #tpu.pipeline_mode<synchronous>, transform_indices = @transform_2, window_bounds = array<i64: 32, 32>}, {pipeline_mode = #tpu.pipeline_mode<synchronous>, transform_indices = @transform_3, window_bounds = array<i64: 32, 16>}, {transform_indices = @transform_4, window_bounds = array<i64: 1000, 32>}, {transform_indices = @transform_5, window_bounds = array<i64: 1000, 16>}, {pipeline_mode = #tpu.pipeline_mode<synchronous>, transform_indices = @transform_6, window_bounds = array<i64: 1, 32>}, {pipeline_mode = #tpu.pipeline_mode<synchronous>, transform_indices = @transform_7, window_bounds = array<i64: 1, 16>}]} {
    %get3A = arith.constant 0 : index
    %get3A_0 = arith.constant 0 : index
    %get3A_1 = arith.constant 0 : index
    %get3A_2 = vector.load %arg1[%get3A, %get3A_0, %get3A_1] : memref<2x1000x32xf32, #tpu.memory_space<vmem>>, vector<1x1000x32xf32>
    %get3A_3 = vector.shape_cast %get3A_2 : vector<1x1000x32xf32> to vector<1000x32xf32>
    %get3A_4 = arith.constant 1 : index
    %get3A_5 = arith.constant 0 : index
    %get3A_6 = arith.constant 0 : index
    %get3A_7 = vector.load %arg1[%get3A_4, %get3A_5, %get3A_6] : memref<2x1000x32xf32, #tpu.memory_space<vmem>>, vector<1x1000x32xf32>
    %get3A_8 = vector.shape_cast %get3A_7 : vector<1x1000x32xf32> to vector<1000x32xf32>
    %add3A = arith.addf %get3A_3, %get3A_8 : vector<1000x32xf32>
    %iota3A = tpu.iota {dimensions = array<i32: 1>} : vector<1000x32xi32>
    %lt3A = arith.constant 10 : i32
    %lt3A_9 = vector.broadcast %lt3A : i32 to vector<1000x32xi32>
    %lt3A_10 = arith.cmpi slt, %iota3A, %lt3A_9 : vector<1000x32xi32>
    %slice3A = vector.extract_strided_slice %add3A {offsets = [0, 20], sizes = [1000, 1], strides = [1, 1]} : vector<1000x32xf32> to vector<1000x1xf32>
    %slice3A_11 = vector.extract_strided_slice %add3A {offsets = [0, 21], sizes = [1000, 1], strides = [1, 1]} : vector<1000x32xf32> to vector<1000x1xf32>
    %broadcast_in_dim3A = vector.shape_cast %slice3A : vector<1000x1xf32> to vector<1000x1xf32>
    %broadcast_in_dim3A_12 = vector.broadcast %broadcast_in_dim3A : vector<1000x1xf32> to vector<1000x32xf32>
    %broadcast_in_dim3A_13 = vector.shape_cast %slice3A_11 : vector<1000x1xf32> to vector<1000x1xf32>
    %broadcast_in_dim3A_14 = vector.broadcast %broadcast_in_dim3A_13 : vector<1000x1xf32> to vector<1000x32xf32>
    %select_n3A = arith.select %lt3A_10, %broadcast_in_dim3A_12, %broadcast_in_dim3A_14 : vector<1000x32xi1>, vector<1000x32xf32>
    %add3A_15 = arith.constant 1.000000e-30 : f32
    %add3A_16 = vector.broadcast %add3A_15 : f32 to vector<1000x32xf32>
    %add3A_17 = arith.addf %select_n3A, %add3A_16 : vector<1000x32xf32>
    %div3A = arith.divf %add3A, %add3A_17 : vector<1000x32xf32>
    %get3A_18 = arith.constant 0 : index
    %get3A_19 = arith.constant 0 : index
    %get3A_20 = vector.load %arg2[%get3A_18, %get3A_19] : memref<1x32xf32, #tpu.memory_space<vmem>>, vector<1x32xf32>
    %add3A_21 = vector.broadcast %get3A_20 : vector<1x32xf32> to vector<1000x32xf32>
    %add3A_22 = arith.addf %div3A, %add3A_21 : vector<1000x32xf32>
    %gt3A = arith.constant 0.000000e+00 : f32
    %gt3A_23 = vector.broadcast %gt3A : f32 to vector<1000x32xf32>
    %gt3A_24 = arith.cmpf ogt, %add3A_22, %gt3A_23 : vector<1000x32xf32>
    %exp3A = math.exp %add3A_22 : vector<1000x32xf32>
    %sub3A = arith.constant 1.000000e+00 : f32
    %sub3A_25 = vector.broadcast %sub3A : f32 to vector<1000x32xf32>
    %sub3A_26 = arith.subf %exp3A, %sub3A_25 : vector<1000x32xf32>
    %select_n3A_27 = arith.select %gt3A_24, %add3A_22, %sub3A_26 : vector<1000x32xi1>, vector<1000x32xf32>
    %lt3A_28 = arith.constant 20 : i32
    %lt3A_29 = vector.broadcast %lt3A_28 : i32 to vector<1000x32xi32>
    %lt3A_30 = arith.cmpi slt, %iota3A, %lt3A_29 : vector<1000x32xi32>
    %jit3A = arith.constant 0.000000e+00 : f32
    %broadcast_in_dim3A_31 = vector.broadcast %jit3A : f32 to vector<1000x32xf32>
    %select_n3A_32 = arith.select %lt3A_30, %select_n3A_27, %broadcast_in_dim3A_31 : vector<1000x32xi1>, vector<1000x32xf32>
    %get3A_33 = arith.constant 0 : index
    %get3A_34 = arith.constant 0 : index
    %get3A_35 = vector.load %arg3[%get3A_33, %get3A_34] : memref<32x32xf32, #tpu.memory_space<vmem>>, vector<32x32xf32>
    %dot_general3A = arith.constant dense<0.000000e+00> : vector<1000x32xf32>
    %dot_general3A_36 = tpu.matmul %select_n3A_32, %get3A_35, %dot_general3A {dimension_numbers = #tpu.dot_dimension_numbers<[1], [0], [0], [1], [0, 0, 1, 1], [], []>, transpose_lhs_hint = false} : vector<1000x32xf32>, vector<32x32xf32>, vector<1000x32xf32> -> vector<1000x32xf32>
    %get3A_37 = arith.constant 0 : index
    %get3A_38 = arith.constant 0 : index
    %get3A_39 = vector.load %arg4[%get3A_37, %get3A_38] : memref<32x16xf32, #tpu.memory_space<vmem>>, vector<32x16xf32>
    %dot_general3A_40 = arith.constant dense<0.000000e+00> : vector<1000x16xf32>
    %dot_general3A_41 = tpu.matmul %select_n3A_32, %get3A_39, %dot_general3A_40 {dimension_numbers = #tpu.dot_dimension_numbers<[1], [0], [0], [1], [0, 0, 1, 1], [], []>, transpose_lhs_hint = false} : vector<1000x32xf32>, vector<32x16xf32>, vector<1000x16xf32> -> vector<1000x16xf32>
    %swap3A = arith.constant 0 : index
    %swap3A_42 = arith.constant 0 : index
    %swap3A_43 = vector.load %arg5[%swap3A, %swap3A_42] : memref<1000x32xf32, #tpu.memory_space<vmem>>, vector<1000x32xf32>
    tpu.vector_store %arg5[%swap3A, %swap3A_42], %dot_general3A_36 {strides = array<i32>} : memref<1000x32xf32, #tpu.memory_space<vmem>>, vector<1000x32xf32>,
    %swap3A_44 = arith.constant 0 : index
    %swap3A_45 = arith.constant 0 : index
    %swap3A_46 = vector.load %arg6[%swap3A_44, %swap3A_45] : memref<1000x16xf32, #tpu.memory_space<vmem>>, vector<1000x16xf32>
    tpu.vector_store %arg6[%swap3A_44, %swap3A_45], %dot_general3A_41 {strides = array<i32>} : memref<1000x16xf32, #tpu.memory_space<vmem>>, vector<1000x16xf32>,
    %reduce_max3A = arith.constant dense<0xFF800000> : vector<32xf32>
    %reduce_max3A_47 = vector.multi_reduction <maximumf>, %dot_general3A_36, %reduce_max3A [0] : vector<1000x32xf32> to vector<32xf32>
    %broadcast_in_dim3A_48 = vector.shape_cast %reduce_max3A_47 : vector<32xf32> to vector<1x32xf32>
    %reduce_max3A_49 = arith.constant dense<0xFF800000> : vector<16xf32>
    %reduce_max3A_50 = vector.multi_reduction <maximumf>, %dot_general3A_41, %reduce_max3A_49 [0] : vector<1000x16xf32> to vector<16xf32>
    %broadcast_in_dim3A_51 = vector.shape_cast %reduce_max3A_50 : vector<16xf32> to vector<1x16xf32>
    %eq3A = arith.constant 0 : i32
    %eq3A_52 = arith.cmpi eq, %arg0, %eq3A : i32
    %convert_element_type3A = arith.extui %eq3A_52 : i1 to i32
    %cond3A = arith.constant 0 : i32
    %cond3A_53 = arith.cmpi ne, %convert_element_type3A, %cond3A : i32
    scf.if %cond3A_53 {
      %swap3A_58 = arith.constant 0 : index
      %swap3A_59 = arith.constant 0 : index
      %swap3A_60 = vector.load %arg7[%swap3A_58, %swap3A_59] : memref<1x32xf32, #tpu.memory_space<vmem>>, vector<1x32xf32>
      tpu.vector_store %arg7[%swap3A_58, %swap3A_59], %broadcast_in_dim3A_48 {strides = array<i32>} : memref<1x32xf32, #tpu.memory_space<vmem>>, vector<1x32xf32>,
      %swap3A_61 = arith.constant 0 : index
      %swap3A_62 = arith.constant 0 : index
      %swap3A_63 = vector.load %arg8[%swap3A_61, %swap3A_62] : memref<1x16xf32, #tpu.memory_space<vmem>>, vector<1x16xf32>
      tpu.vector_store %arg8[%swap3A_61, %swap3A_62], %broadcast_in_dim3A_51 {strides = array<i32>} : memref<1x16xf32, #tpu.memory_space<vmem>>, vector<1x16xf32>,
    } else {
    }
    %ne3A = arith.constant 0 : i32
    %ne3A_54 = arith.cmpi ne, %arg0, %ne3A : i32
    %convert_element_type3A_55 = arith.extui %ne3A_54 : i1 to i32
    %cond3A_56 = arith.constant 0 : i32
    %cond3A_57 = arith.cmpi ne, %convert_element_type3A_55, %cond3A_56 : i32
    scf.if %cond3A_57 {
      %get3A_58 = arith.constant 0 : index
      %get3A_59 = arith.constant 0 : index
      %get3A_60 = vector.load %arg7[%get3A_58, %get3A_59] : memref<1x32xf32, #tpu.memory_space<vmem>>, vector<1x32xf32>
      %max3A = arith.maximumf %get3A_60, %broadcast_in_dim3A_48 : vector<1x32xf32>
      %swap3A_61 = arith.constant 0 : index
      %swap3A_62 = arith.constant 0 : index
      %swap3A_63 = vector.load %arg7[%swap3A_61, %swap3A_62] : memref<1x32xf32, #tpu.memory_space<vmem>>, vector<1x32xf32>
      tpu.vector_store %arg7[%swap3A_61, %swap3A_62], %max3A {strides = array<i32>} : memref<1x32xf32, #tpu.memory_space<vmem>>, vector<1x32xf32>,
      %get3A_64 = arith.constant 0 : index
      %get3A_65 = arith.constant 0 : index
      %get3A_66 = vector.load %arg8[%get3A_64, %get3A_65] : memref<1x16xf32, #tpu.memory_space<vmem>>, vector<1x16xf32>
      %max3A_67 = arith.maximumf %get3A_66, %broadcast_in_dim3A_51 : vector<1x16xf32>
      %swap3A_68 = arith.constant 0 : index
      %swap3A_69 = arith.constant 0 : index
      %swap3A_70 = vector.load %arg8[%swap3A_68, %swap3A_69] : memref<1x16xf32, #tpu.memory_space<vmem>>, vector<1x16xf32>
      tpu.vector_store %arg8[%swap3A_68, %swap3A_69], %max3A_67 {strides = array<i32>} : memref<1x16xf32, #tpu.memory_space<vmem>>, vector<1x16xf32>,
    } else {
    }
    return
  }
  func.func @transform_0(%arg0: i32) -> (i32, i32, i32) {
    %c0_i32 = arith.constant 0 : i32
    %c0_i32_0 = arith.constant 0 : i32
    %c0_i32_1 = arith.constant 0 : i32
    return %c0_i32, %arg0, %c0_i32_0 : i32, i32, i32
  }
  func.func @transform_1(%arg0: i32) -> (i32, i32) {
    %c0_i32 = arith.constant 0 : i32
    %c0_i32_0 = arith.constant 0 : i32
    %c0_i32_1 = arith.constant 0 : i32
    return %c0_i32, %c0_i32_0 : i32, i32
  }
  func.func @transform_2(%arg0: i32) -> (i32, i32) {
    %c0_i32 = arith.constant 0 : i32
    %c0_i32_0 = arith.constant 0 : i32
    %c0_i32_1 = arith.constant 0 : i32
    return %c0_i32, %c0_i32_0 : i32, i32
  }
  func.func @transform_3(%arg0: i32) -> (i32, i32) {
    %c0_i32 = arith.constant 0 : i32
    %c0_i32_0 = arith.constant 0 : i32
    %c0_i32_1 = arith.constant 0 : i32
    return %c0_i32, %c0_i32_0 : i32, i32
  }
  func.func @transform_4(%arg0: i32) -> (i32, i32) {
    %c0_i32 = arith.constant 0 : i32
    %c0_i32_0 = arith.constant 0 : i32
    return %arg0, %c0_i32 : i32, i32
  }
  func.func @transform_5(%arg0: i32) -> (i32, i32) {
    %c0_i32 = arith.constant 0 : i32
    %c0_i32_0 = arith.constant 0 : i32
    return %arg0, %c0_i32 : i32, i32
  }
  func.func @transform_6(%arg0: i32) -> (i32, i32) {
    %c0_i32 = arith.constant 0 : i32
    %c0_i32_0 = arith.constant 0 : i32
    %c0_i32_1 = arith.constant 0 : i32
    return %c0_i32, %c0_i32_0 : i32, i32
  }
  func.func @transform_7(%arg0: i32) -> (i32, i32) {
    %c0_i32 = arith.constant 0 : i32
    %c0_i32_0 = arith.constant 0 : i32
    %c0_i32_1 = arith.constant 0 : i32
    return %c0_i32, %c0_i32_0 : i32, i32
  }
}

module attributes {stable_mosaic.version = 14 : i64} {
  func.func @_tc2_body(%arg0: i32, %arg1: memref<2x1000x32xf32, #tpu.memory_space<vmem>>, %arg2: memref<1x32xf32, #tpu.memory_space<vmem>>, %arg3: memref<32x32xf32, #tpu.memory_space<vmem>>, %arg4: memref<1x32xf32, #tpu.memory_space<vmem>>, %arg5: memref<1x32xf32, #tpu.memory_space<vmem>>, %arg6: memref<1x32xf32, #tpu.memory_space<vmem>>) attributes {dimension_semantics = [#tpu.dimension_semantics<arbitrary>], iteration_bounds = array<i64: 10>, scalar_prefetch = 0 : i64, scratch_operands = 1 : i64, tpu.core_type = #tpu.core_type<tc>, window_params = [{transform_indices = @transform_0, window_bounds = array<i64: 2, 1000, 32>}, {pipeline_mode = #tpu.pipeline_mode<synchronous>, transform_indices = @transform_1, window_bounds = array<i64: 1, 32>}, {pipeline_mode = #tpu.pipeline_mode<synchronous>, transform_indices = @transform_2, window_bounds = array<i64: 32, 32>}, {pipeline_mode = #tpu.pipeline_mode<synchronous>, transform_indices = @transform_3, window_bounds = array<i64: 1, 32>}, {pipeline_mode = #tpu.pipeline_mode<synchronous>, transform_indices = @transform_4, window_bounds = array<i64: 1, 32>}]} {
    %get3A = arith.constant 0 : index
    %get3A_0 = arith.constant 0 : index
    %get3A_1 = arith.constant 0 : index
    %get3A_2 = vector.load %arg1[%get3A, %get3A_0, %get3A_1] : memref<2x1000x32xf32, #tpu.memory_space<vmem>>, vector<1x1000x32xf32>
    %get3A_3 = vector.shape_cast %get3A_2 : vector<1x1000x32xf32> to vector<1000x32xf32>
    %get3A_4 = arith.constant 1 : index
    %get3A_5 = arith.constant 0 : index
    %get3A_6 = arith.constant 0 : index
    %get3A_7 = vector.load %arg1[%get3A_4, %get3A_5, %get3A_6] : memref<2x1000x32xf32, #tpu.memory_space<vmem>>, vector<1x1000x32xf32>
    %get3A_8 = vector.shape_cast %get3A_7 : vector<1x1000x32xf32> to vector<1000x32xf32>
    %add3A = arith.addf %get3A_3, %get3A_8 : vector<1000x32xf32>
    %iota3A = tpu.iota {dimensions = array<i32: 1>} : vector<1000x32xi32>
    %lt3A = arith.constant 10 : i32
    %lt3A_9 = vector.broadcast %lt3A : i32 to vector<1000x32xi32>
    %lt3A_10 = arith.cmpi slt, %iota3A, %lt3A_9 : vector<1000x32xi32>
    %slice3A = vector.extract_strided_slice %add3A {offsets = [0, 20], sizes = [1000, 1], strides = [1, 1]} : vector<1000x32xf32> to vector<1000x1xf32>
    %slice3A_11 = vector.extract_strided_slice %add3A {offsets = [0, 21], sizes = [1000, 1], strides = [1, 1]} : vector<1000x32xf32> to vector<1000x1xf32>
    %broadcast_in_dim3A = vector.shape_cast %slice3A : vector<1000x1xf32> to vector<1000x1xf32>
    %broadcast_in_dim3A_12 = vector.broadcast %broadcast_in_dim3A : vector<1000x1xf32> to vector<1000x32xf32>
    %broadcast_in_dim3A_13 = vector.shape_cast %slice3A_11 : vector<1000x1xf32> to vector<1000x1xf32>
    %broadcast_in_dim3A_14 = vector.broadcast %broadcast_in_dim3A_13 : vector<1000x1xf32> to vector<1000x32xf32>
    %select_n3A = arith.select %lt3A_10, %broadcast_in_dim3A_12, %broadcast_in_dim3A_14 : vector<1000x32xi1>, vector<1000x32xf32>
    %add3A_15 = arith.constant 1.000000e-30 : f32
    %add3A_16 = vector.broadcast %add3A_15 : f32 to vector<1000x32xf32>
    %add3A_17 = arith.addf %select_n3A, %add3A_16 : vector<1000x32xf32>
    %div3A = arith.divf %add3A, %add3A_17 : vector<1000x32xf32>
    %lt3A_18 = arith.constant 20 : i32
    %lt3A_19 = vector.broadcast %lt3A_18 : i32 to vector<1000x32xi32>
    %lt3A_20 = arith.cmpi slt, %iota3A, %lt3A_19 : vector<1000x32xi32>
    %jit3A = arith.constant 0.000000e+00 : f32
    %broadcast_in_dim3A_21 = vector.broadcast %jit3A : f32 to vector<1000x32xf32>
    %select_n3A_22 = arith.select %lt3A_20, %div3A, %broadcast_in_dim3A_21 : vector<1000x32xi1>, vector<1000x32xf32>
    %reduce_sum3A = arith.constant dense<0.000000e+00> : vector<32xf32>
    %reduce_sum3A_23 = vector.multi_reduction <add>, %select_n3A_22, %reduce_sum3A [0] : vector<1000x32xf32> to vector<32xf32>
    %broadcast_in_dim3A_24 = vector.shape_cast %reduce_sum3A_23 : vector<32xf32> to vector<1x32xf32>
    %eq3A = arith.constant 0 : i32
    %eq3A_25 = arith.cmpi eq, %arg0, %eq3A : i32
    %convert_element_type3A = arith.extui %eq3A_25 : i1 to i32
    %cond3A = arith.constant 0 : i32
    %cond3A_26 = arith.cmpi ne, %convert_element_type3A, %cond3A : i32
    scf.if %cond3A_26 {
      %swap3A = arith.constant 0 : index
      %swap3A_36 = arith.constant 0 : index
      %swap3A_37 = vector.load %arg6[%swap3A, %swap3A_36] : memref<1x32xf32, #tpu.memory_space<vmem>>, vector<1x32xf32>
      tpu.vector_store %arg6[%swap3A, %swap3A_36], %broadcast_in_dim3A_24 {strides = array<i32>} : memref<1x32xf32, #tpu.memory_space<vmem>>, vector<1x32xf32>,
    } else {
    }
    %ne3A = arith.constant 0 : i32
    %ne3A_27 = arith.cmpi ne, %arg0, %ne3A : i32
    %convert_element_type3A_28 = arith.extui %ne3A_27 : i1 to i32
    %cond3A_29 = arith.constant 0 : i32
    %cond3A_30 = arith.cmpi ne, %convert_element_type3A_28, %cond3A_29 : i32
    scf.if %cond3A_30 {
      %get3A_36 = arith.constant 0 : index
      %get3A_37 = arith.constant 0 : index
      %get3A_38 = vector.load %arg6[%get3A_36, %get3A_37] : memref<1x32xf32, #tpu.memory_space<vmem>>, vector<1x32xf32>
      %add3A_39 = arith.addf %get3A_38, %broadcast_in_dim3A_24 : vector<1x32xf32>
      %swap3A = arith.constant 0 : index
      %swap3A_40 = arith.constant 0 : index
      %swap3A_41 = vector.load %arg6[%swap3A, %swap3A_40] : memref<1x32xf32, #tpu.memory_space<vmem>>, vector<1x32xf32>
      tpu.vector_store %arg6[%swap3A, %swap3A_40], %add3A_39 {strides = array<i32>} : memref<1x32xf32, #tpu.memory_space<vmem>>, vector<1x32xf32>,
    } else {
    }
    %eq3A_31 = arith.constant 9 : i32
    %eq3A_32 = arith.cmpi eq, %arg0, %eq3A_31 : i32
    %convert_element_type3A_33 = arith.extui %eq3A_32 : i1 to i32
    %cond3A_34 = arith.constant 0 : i32
    %cond3A_35 = arith.cmpi ne, %convert_element_type3A_33, %cond3A_34 : i32
    scf.if %cond3A_35 {
      %get3A_36 = arith.constant 0 : index
      %get3A_37 = arith.constant 0 : index
      %get3A_38 = vector.load %arg6[%get3A_36, %get3A_37] : memref<1x32xf32, #tpu.memory_space<vmem>>, vector<1x32xf32>
      %div3A_39 = arith.constant 1.000000e+04 : f32
      %div3A_40 = vector.broadcast %div3A_39 : f32 to vector<1x32xf32>
      %div3A_41 = arith.divf %get3A_38, %div3A_40 : vector<1x32xf32>
      %get3A_42 = arith.constant 0 : index
      %get3A_43 = arith.constant 0 : index
      %get3A_44 = vector.load %arg2[%get3A_42, %get3A_43] : memref<1x32xf32, #tpu.memory_space<vmem>>, vector<1x32xf32>
      %add3A_45 = arith.addf %div3A_41, %get3A_44 : vector<1x32xf32>
      %get3A_46 = arith.constant 0 : index
      %get3A_47 = arith.constant 0 : index
      %get3A_48 = vector.load %arg3[%get3A_46, %get3A_47] : memref<32x32xf32, #tpu.memory_space<vmem>>, vector<32x32xf32>
      %dot_general3A = arith.constant dense<0.000000e+00> : vector<1x32xf32>
      %dot_general3A_49 = tpu.matmul %add3A_45, %get3A_48, %dot_general3A {dimension_numbers = #tpu.dot_dimension_numbers<[1], [0], [0], [1], [0, 0, 1, 1], [], []>, transpose_lhs_hint = false} : vector<1x32xf32>, vector<32x32xf32>, vector<1x32xf32> -> vector<1x32xf32>
      %get3A_50 = arith.constant 0 : index
      %get3A_51 = arith.constant 0 : index
      %get3A_52 = vector.load %arg4[%get3A_50, %get3A_51] : memref<1x32xf32, #tpu.memory_space<vmem>>, vector<1x32xf32>
      %add3A_53 = arith.addf %dot_general3A_49, %get3A_52 : vector<1x32xf32>
      %reduce_max3A = arith.constant dense<0xFF800000> : vector<1xf32>
      %reduce_max3A_54 = vector.multi_reduction <maximumf>, %add3A_53, %reduce_max3A [1] : vector<1x32xf32> to vector<1xf32>
      %broadcast_in_dim3A_55 = vector.shape_cast %reduce_max3A_54 : vector<1xf32> to vector<1x1xf32>
      %sub3A = vector.broadcast %broadcast_in_dim3A_55 : vector<1x1xf32> to vector<1x32xf32>
      %sub3A_56 = arith.subf %add3A_53, %sub3A : vector<1x32xf32>
      %exp3A = math.exp %sub3A_56 : vector<1x32xf32>
      %reduce_sum3A_57 = arith.constant dense<0.000000e+00> : vector<1xf32>
      %reduce_sum3A_58 = vector.multi_reduction <add>, %exp3A, %reduce_sum3A_57 [1] : vector<1x32xf32> to vector<1xf32>
      %broadcast_in_dim3A_59 = vector.shape_cast %reduce_sum3A_58 : vector<1xf32> to vector<1x1xf32>
      %div3A_60 = vector.broadcast %broadcast_in_dim3A_59 : vector<1x1xf32> to vector<1x32xf32>
      %div3A_61 = arith.divf %exp3A, %div3A_60 : vector<1x32xf32>
      %swap3A = arith.constant 0 : index
      %swap3A_62 = arith.constant 0 : index
      %swap3A_63 = vector.load %arg5[%swap3A, %swap3A_62] : memref<1x32xf32, #tpu.memory_space<vmem>>, vector<1x32xf32>
      tpu.vector_store %arg5[%swap3A, %swap3A_62], %div3A_61 {strides = array<i32>} : memref<1x32xf32, #tpu.memory_space<vmem>>, vector<1x32xf32>,
    } else {
    }
    return
  }
  func.func @transform_0(%arg0: i32) -> (i32, i32, i32) {
    %c0_i32 = arith.constant 0 : i32
    %c0_i32_0 = arith.constant 0 : i32
    %c0_i32_1 = arith.constant 0 : i32
    return %c0_i32, %arg0, %c0_i32_0 : i32, i32, i32
  }
  func.func @transform_1(%arg0: i32) -> (i32, i32) {
    %c0_i32 = arith.constant 0 : i32
    %c0_i32_0 = arith.constant 0 : i32
    %c0_i32_1 = arith.constant 0 : i32
    return %c0_i32, %c0_i32_0 : i32, i32
  }
  func.func @transform_2(%arg0: i32) -> (i32, i32) {
    %c0_i32 = arith.constant 0 : i32
    %c0_i32_0 = arith.constant 0 : i32
    %c0_i32_1 = arith.constant 0 : i32
    return %c0_i32, %c0_i32_0 : i32, i32
  }
  func.func @transform_3(%arg0: i32) -> (i32, i32) {
    %c0_i32 = arith.constant 0 : i32
    %c0_i32_0 = arith.constant 0 : i32
    %c0_i32_1 = arith.constant 0 : i32
    return %c0_i32, %c0_i32_0 : i32, i32
  }
  func.func @transform_4(%arg0: i32) -> (i32, i32) {
    %c0_i32 = arith.constant 0 : i32
    %c0_i32_0 = arith.constant 0 : i32
    %c0_i32_1 = arith.constant 0 : i32
    return %c0_i32, %c0_i32_0 : i32, i32
  }
}

</mosaic_0001>

<sc_bundles>
// kernel: kernel.10.cloned.1.call-start
scs
__scs_entry_jumppad:
0x0: {  	(pc) =	sbr.rel $0x88, $3  }
0x1: {  	(tag) =	ssettag $0x0;
	lr =	simm.s32 $0x1  }
0x2: {  	[smem:$0x3F95] =	sst lr;
	_ =	strace $0xD0000000  }
0x3: {  	_ = 	snop  }
0x4: {  	_ = 	snop  }
0x5: {  	_ = 	snop  }
0x6: {  	_ = 	snop  }
0x7: {  	_ = 	snop  }
__scs_overlays_trampoline_lowered:
0x8: {  	[smem:$0x3FA4] =	sst s0  }
0x9: {  	[smem:$0x3FA5] =	sst s1  }
0xa: {  	[smem:$0x3FA6] =	sst s2  }
0xb: {  	[smem:$0x3FA7] =	sst s3  }
0xc: {  	[smem:$0x3FA8] =	sst s4  }
0xd: {  	[smem:$0x3FA9] =	sst s5  }
0xe: {  	[smem:$0x3FAA] =	sst s6  }
0xf: {  	[smem:$0x3FAB] =	sst s7  }
0x10: {  	[smem:$0x3FAC] =	sst s8  }
0x11: {  	[smem:$0x3FAD] =	sst s9;
	s0 =	simm.s32 @!p0 $0x0  }
0x12: {  	s1 =	sld [smem:$0x3F93];
	s0 =	simm.s32 @p0 $0x1  }
0x13: {  	[smem:$0x3FAE] =	sst s0;
	s0 =	simm.s32 @!p1 $0x0  }
0x14: {  	s2 =	sld [smem:$0x3F92];
	s0 =	simm.s32 @p1 $0x1  }
0x15: {  	[smem:$0x3FAF] =	sst s0;
	s0 =	simm.s32 @!p2 $0x0  }
0x16: {  	s3 =	sld [smem:$0x3FDB];
	s0 =	simm.s32 @p2 $0x1  }
0x17: {  	s4 =	simm.s32 $0x1BF5;
	[smem:$0x3FB1] =	sst s0  }
0x18: {  	s0 =	sld [smem:$0x3F94];
	_ =	swait.ge [sflag:s4], $0x0  }
0x19: {  	s7 =	sld [smem:$0x3F95]  }
0x1a: {  	s8 =	sadd.s32 $0xFFFFE003, lr  }
0x1b: {  	s9 =	sadd.s32 $0xFFFFFEF7, lr;
	s5 =	simm.s32 $0xFFFFFFFF;
	p2 =	slt.u32 s8, $0xFFFFF086  }
0x1c: {  	p1 =	slt.u32 s9, $0xF7A;
	s5 =	simm.s32 @!p2 $0x0  }
0x1d: {  	s5 =	simm.s32 @p1 $0x1;
	p0 =	seq.s32 s7, s2  }
0x1e: {  	s7 =	smul.u32 @!p0 $0xF7A, s2;
	p2 =	seq.s32 @!p0 s5, $0x0  }
0x1f: {  	s9 =	smul.u32 $0xF7A, s1;
	s8 =	simm.s32 @!p0 $0x1BF5;
	p2 =	por !p2, p0  }
0x20: {  	[sflag:s8] =	ssyncset.s32 @!p0 $0xFFFFF086;
	s6 =	sadd.s32 @!p0 s3, s7;
	s7 =	simm.s32 @!p0 $0x108  }
0x21: {  	s3 =	sadd.s32 s3, s9;
	s6 =	sadd.s32 @!p0 $0x88, s6;
	s7 =	simm.s32 @p2 $0x1082  }
0x22: {  	[simem:s7], [sflag:s8] =	dma.local @!p0 [hbm:s6], $0xF7A  }
0x23: {  	s9 =	sor.u32 $0xD0000000, s2;
	s6 =	simm.s32 $0x108;
	_ =	swait.ge @!p0 [sflag:s8], $0x0  }
0x24: {  	s3 =	sadd.s32 $0x88, s3;
	s6 =	simm.s32 @!p1 $0x1082;
	[sflag:s4] =	ssyncset.s32 $0xFFFFF086  }
0x25: {  	[simem:s6], [sflag:s4] =	dma.local [hbm:s3], $0xF7A  }
0x26: {  	[smem:$0x3F95] =	sst s1;
	(tag) =	ssettag s2;
	_ =	strace s9  }
0x27: {  	s1 =	sld [smem:$0x3FA5]  }
0x28: {  	s2 =	sld [smem:$0x3FA6]  }
0x29: {  	s4 =	sld [smem:$0x3FA8]  }
0x2a: {  	p0 =	seq.s32 s5, $0x0;
	s5 =	sld [smem:$0x3FA9]  }
0x2b: {  	s6 =	sld [smem:$0x3FAA]  }
0x2c: {  	s7 =	sld [smem:$0x3FAB]  }
0x2d: {  	s3 =	simm.s32 $0x108;
	s8 =	sld [smem:$0x3FAC]  }
0x2e: {  	s3 =	simm.s32 @!p0 $0x1082;
	s9 =	sld [smem:$0x3FAD]  }
0x2f: {  	lr =	sadd.s32 s0, s3;
	s0 =	sld [smem:$0x3FA4]  }
0x30: {  	s3 =	sld [smem:$0x3FA7]  }
0x31: {  	[smem:$0x3FB0] =	sst s10  }
0x32: {  	s10 =	sld [smem:$0x3FAE];
	_ =	sdelay $0x3  }
0x33: {  	p0 =	seq.s32 s10, $0x1;
	s10 =	sld [smem:$0x3FB0];
	_ =	sdelay $0x3  }
0x34: {  	[smem:$0x3FB0] =	sst s10  }
0x35: {  	s10 =	sld [smem:$0x3FAF];
	_ =	sdelay $0x3  }
0x36: {  	p1 =	seq.s32 s10, $0x1;
	s10 =	sld [smem:$0x3FB0];
	_ =	sdelay $0x3  }
0x37: {  	[smem:$0x3FB0] =	sst s10  }
0x38: {  	s10 =	sld [smem:$0x3FB1]  }
0x39: {  	_ = 	snop;
	(pc) =	sbr.ind lr, $3  }
0x3a: {  	_ = 	snop  }
0x3b: {  	_ = 	snop  }
0x3c: {  	p2 =	seq.s32 s10, $0x1;
	s10 =	sld [smem:$0x3FB0]  }
0x3d: {  	_ =	shalt  }
0x3e: {  	_ =	shalt  }
0x3f: {  	_ =	shalt  }
0x40: {  	_ =	shalt  }
0x41: {  	_ =	shalt  }
0x42: {  	_ =	shalt  }
0x43: {  	_ =	shalt  }
0x44: {  	_ =	shalt  }
0x45: {  	_ =	shalt  }
0x46: {  	_ =	shalt  }
0x47: {  	_ =	shalt  }
0x48: {  	_ =	shalt  }
0x49: {  	_ =	shalt  }
0x4a: {  	_ =	shalt  }
0x4b: {  	_ =	shalt  }
0x4c: {  	_ =	shalt  }
0x4d: {  	_ =	shalt  }
0x4e: {  	_ =	shalt  }
0x4f: {  	_ =	shalt  }
0x50: {  	_ =	shalt  }
0x51: {  	_ =	shalt  }
0x52: {  	_ =	shalt  }
0x53: {  	_ =	shalt  }
0x54: {  	_ =	shalt  }
0x55: {  	_ =	shalt  }
0x56: {  	_ =	shalt  }
0x57: {  	_ =	shalt  }
0x58: {  	_ =	shalt  }
0x59: {  	_ =	shalt  }
0x5a: {  	_ =	shalt  }
0x5b: {  	_ =	shalt  }
0x5c: {  	_ =	shalt  }
0x5d: {  	_ =	shalt  }
0x5e: {  	_ =	shalt  }
0x5f: {  	_ =	shalt  }
0x60: {  	_ =	shalt  }
0x61: {  	_ =	shalt  }
0x62: {  	_ =	shalt  }
0x63: {  	_ =	shalt  }
0x64: {  	_ =	shalt  }
0x65: {  	_ =	shalt  }
0x66: {  	_ =	shalt  }
0x67: {  	_ =	shalt  }
0x68: {  	_ =	shalt  }
0x69: {  	_ =	shalt  }
0x6a: {  	_ =	shalt  }
0x6b: {  	_ =	shalt  }
0x6c: {  	_ =	shalt  }
0x6d: {  	_ =	shalt  }
0x6e: {  	_ =	shalt  }
0x6f: {  	_ =	shalt  }
0x70: {  	_ =	shalt  }
0x71: {  	_ =	shalt  }
0x72: {  	_ =	shalt  }
0x73: {  	_ =	shalt  }
0x74: {  	_ =	shalt  }
0x75: {  	_ =	shalt  }
0x76: {  	_ =	shalt  }
0x77: {  	_ =	shalt  }
0x78: {  	_ =	shalt  }
0x79: {  	_ =	shalt  }
0x7a: {  	_ =	shalt  }
0x7b: {  	_ =	shalt  }
0x7c: {  	_ =	shalt  }
0x7d: {  	_ =	shalt  }
0x7e: {  	_ =	shalt  }
0x7f: {  	_ =	shalt  }
0x80: {  	_ =	shalt  }
0x81: {  	_ =	shalt  }
0x82: {  	_ =	shalt  }
0x83: {  	_ =	shalt  }
0x84: {  	_ =	shalt  }
0x85: {  	_ =	shalt  }
0x86: {  	_ =	shalt  }
0x87: {  	_ =	shalt  }
.Lfunc_end0:
.L_simem_size_0:
called_computation.1_lowered:
.L_overlay_start_0:
0x88: {  	s2 =	sld [smem:$0x3FD9]  }
0x89: {  	s3 =	sld [smem:$0x3FFE];
	_ =	sdelay $0x1  }
0x8a: {  	s1 =	srdreg.scid  }
0x8b: {  	s0 =	sand.u32 $0x1, s1  }
0x8c: {  	s17 =	sshll.u32 s0, $0xA;
	s2 =	sadd.s32 s3, s2  }
0x8d: {  	s2 =	sadd.s32 s2, s17  }
0x8e: {  	[smem:$0x3FBC] =	sst s2  }
0x8f: {  	_ = 	snop  }
0x90: {  	s2 =	sld [smem:$0x3FD0];
	(tm) =	ssettm $0x1  }
0x91: {  	s18 =	sld [smem:$0x3FFB];
	_ =	sdelay $0x3  }
0x92: {  	_ =	strace s18  }
0x93: {  	s3 =	sld [smem:$0x3FFC];
	_ =	sdelay $0x3  }
0x94: {  	_ =	strace s3  }
0x95: {  	s3 =	sld [smem:$0x3FFD];
	_ =	sdelay $0x3  }
0x96: {  	_ =	strace s3  }
0x97: {  	_ =	strace $0x8FFFFFFF  }
0x98: {  	s19 =	sld [smem:$0x3FDB];
	_ =	sdelay $0x1  }
0x99: {  	s4 =	simm.s32 $_scs_section_size  }
0x9a: {  	s5 =	simm.s32 $_size__tile_overlayer_lowered;
	s6 =	simm.s32 $_tile_overlayer_lowered  }
0x9b: {  	s22 =	simm.s32 $0x1BFF;
	s21 =	sshll.u32 s6, $0x1;
	s3 =	sadd.s32 s4, s19  }
0x9c: {  	s7 =	simm.s32 $0x0;
	s20 =	sshll.u32 s5, $0x1;
	s5 =	sadd.s32 s21, s3  }
0x9d: {  	[timem:s7], [sflag:s22] =	dma.local [hbm:s5], s20  }
0x9e: {  	_ =	swait.ge [sflag:s22], s20  }
0x9f: {  	s4 =	ssub.s32 $0x0, s20;
	[sflag:s22] =	ssyncset.done $0x0  }
0xa0: {  	[sflag:s22] =	ssyncadd.s32 s4;
	_ =	sdelay $0x1  }
0xa1: {  	s23 =	simm.s32 $0x1B8B  }
0xa2: {  	_ =	swait.ge [sflag:s23], $0x1  }
0xa3: {  	[sflag:s23] =	ssyncset.done $0x0  }
0xa4: {  	s25 =	simm.s32 $0x1B8E;
	s24 =	sld [smem:$0x3FFE];
	[sflag:s23] =	ssyncadd.s32 $0xFFFFFFFF  }
0xa5: {  	s26 =	simm.s32 $execute0_lowered;
	[smem:$0x3FD2] =	sst s25  }
0xa6: {  	s5 =	sshll.u32 s26, $0x1;
	_ =	strace $0x80000049;
	[dreg:$0x1] =	wrdreg $0xFFFFFFFF  }
0xa7: {  	s28 =	simm.s32 $_size_execute0_lowered;
	s3 =	sadd.s32 s3, s5;
	[dreg:$0x0] =	wrdreg $0x0  }
0xa8: {  	s5 =	sshll.u32 s28, $0x1;
	[dreg:$0x2] =	wrdreg s3  }
0xa9: {  	[dreg:$0x3] =	wrdreg s5  }
0xaa: {  	[dreg:$0x4] =	wrdreg $0xC0  }
0xab: {  	_ =	task [dreg:s7], $0x5FFFF  }
0xac: {  	[dreg:$0x1] =	wrdreg $0xFFFFFFFF  }
0xad: {  	[dreg:$0x0] =	wrdreg $0x60  }
0xae: {  	[dreg:$0x2] =	wrdreg s24  }
0xaf: {  	[dreg:$0x3] =	wrdreg s2  }
0xb0: {  	[dreg:$0x4] =	wrdreg $0x0  }
0xb1: {  	[dreg:$0x5] =	wrdreg $0x9  }
0xb2: {  	_ =	task.clear_ibuf [dreg:s7], $0x6FFFF;
	_ =	strace $0x90000049  }
0xb3: {  	s29 =	simm.s32 $0x9;
	_ =	strace $0x8000004B  }
0xb4: {  	_ =	swait.ge [sflag:s29], $0x1  }
0xb5: {  	[sflag:s29] =	ssyncadd.s32 $0xFFFFFFFF  }
0xb6: {  	_ =	strace $0x9000004B  }
0xb7: {  	_ =	sfence  }
0xb8: {  	s30 =	sld [smem:$0x0];
	_ =	sdelay $0x2  }
0xb9: {  	s31 =	sshll.u32 s1, $0xD;
	s1 =	sshrl.u32 s1, $0x2  }
0xba: {  	s3 =	sand.u32 $0x4000, s31;
	s1 =	sadd.s32 s1, s30  }
0xbb: {  	s0 =	sor.u32 s3, s0;
	s1 =	sshll.u32 s1, $0x11  }
0xbc: {  	s0 =	sor.u32 s1, s0  }
0xbd: {  	s0 =	sadd.s32 $0x8F2B, s0  }
0xbe: {  	[sflag:s0] =	ssyncadd.remote.s32 $0x1  }
0xbf: {  	_ =	sfence.sel $0xFFFF  }
0xc0: {  	[dreg:$0x0] =	wrdreg $0xFFFFFFFF;
	(pc) =	sbr.abs _section_cstart, $3  }
0xc1: {  	[dreg:$0x1] =	wrdreg $0xFFFFFFFF  }
0xc2: {  	_ =	task.clear_ibuf [dreg:s7], $0x2FFFF;
	_ =	strace $0x9FFFFFFF  }
0xc3: {  	(tm) =	ssettm $0x7FFFFFFF  }
tec
execute0_lowered:
.L_overlay_start_1:
0x0: {  	(tag) =	ssettag $0x1  }
0x1: {  	v1 =	vlaneseq.u32  }
0x2: {  	v0 =	vmul.u32 $0x20, v1  }
0x3: {  	v1 =	vmul.u32 $0x10, v1  }
0x4: {  	v2 =	vor.u32 $0x14, v0;
	v6 =	vor.u32 $0x15, v0  }
0x5: {  	v7 =	vor.u32 $0x1, v1;
	v8 =	vor.u32 $0x1, v0;
	v9 =	vor.u32 $0x2, v0  }
0x6: {  	s8 =	rddreg [dreg:$0x0];
	v10 =	vor.u32 $0x3, v0;
	v11 =	vor.u32 $0x4, v0;
	v12 =	vor.u32 $0x5, v0  }
0x7: {  	s1 =	srdreg.scid;
	s3 =	rddreg [dreg:$0x2];
	v13 =	vor.u32 $0x6, v0;
	v14 =	vor.u32 $0x7, v0;
	v16 =	vor.u32 $0x9, v0  }
0x8: {  	s0 =	stileid.u32;
	s2 =	rddreg [dreg:$0x3];
	v17 =	vor.u32 $0xA, v0;
	v18 =	vor.u32 $0xB, v0;
	v19 =	vor.u32 $0xC, v0  }
0x9: {  	s4 =	simm.s32 $0x0;
	s17 =	simm.s32 $0x7900;
	s18 =	simm.s32 $0x3;
	v20 =	vor.u32 $0xD, v0;
	v21 =	vor.u32 $0xE, v0;
	v22 =	vor.u32 $0xF, v0  }
0xa: {  	s19 =	simm.s32 $0x7920;
	s20 =	simm.s32 $0x5000;
	s21 =	simm.s32 $0x5080;
	v23 =	vor.u32 $0x10, v0;
	v24 =	vor.u32 $0x11, v0;
	v25 =	vor.u32 $0x12, v0  }
0xb: {  	s22 =	simm.s32 $0x80;
	s23 =	simm.s32 $0x5100;
	s24 =	simm.s32 $0x1;
	v28 =	vor.u32 $0x13, v0;
	v29 =	vor.u32 $0x214, v0;
	v30 =	vor.u32 $0x215, v0  }
0xc: {  	s25 =	simm.s32 $0x6100;
	s26 =	simm.s32 $0x2;
	s5 =	smul.u32 $0x5200, s0;
	v31 =	vor.u32 $0x100, v1;
	v32 =	vor.u32 $0x101, v1;
	v33 =	vor.u32 $0x200, v0  }
0xd: {  	s28 =	simm.s32 $0x6900;
	s29 =	simm.s32 $0x0;
	s10 =	smul.u32 $0x5000, s0;
	v34 =	vor.u32 $0x201, v0;
	v35 =	vor.u32 $0x202, v0;
	v36 =	vor.u32 $0x203, v0  }
0xe: {  	s9 =	sand.u32 $0x1, s1;
	s1 =	rddreg [dreg:$0x1];
	s12 =	smul.u32 $0x14000, s0;
	v37 =	vor.u32 $0x204, v0;
	v38 =	vor.u32 $0x205, v0;
	v39 =	vor.u32 $0x206, v0  }
0xf: {  	[smem:$0x7FF] =	sst s4;
	s7 =	sadd.s32 $0xA00, s8;
	s6 =	smul.u32 $0x2900, s9;
	v40 =	vor.u32 $0x207, v0;
	v41 =	vor.u32 $0x208, v0;
	v42 =	vor.u32 $0x209, v0  }
0x10: {  	_ =	strace $0x8000004A;
	s11 =	smul.u32 $0x50000, s9;
	s9 =	ssub.s32 $0x2, s9;
	v43 =	vor.u32 $0x20A, v0;
	v44 =	vor.u32 $0x20B, v0;
	v4 =	vor.u32 $0x406, v0  }
0x11: {  	s13 =	sshrl.u32 s9, $0x1;
	s12 =	sshrl.u32 s12, $0x2;
	v45 =	vor.u32 $0x20C, v0;
	v46 =	vor.u32 $0x20D, v0;
	v47 =	vor.u32 $0x20E, v0;
	s5 =	sadd.s32 s6, s5;
	[tilespmem:$0x1FF90] =	vst v4  }
0x12: {  	v48 =	vor.u32 $0x20F, v0;
	v49 =	vor.u32 $0x210, v0;
	v3 =	vor.u32 $0x404, v0;
	s6 =	sadd.s32 $0xC00, s8;
	s11 =	sadd.s32 s10, s11;
	s15 =	ssub.s32 s9, s13;
	[tilespmem:$0x1FFC0] =	vst v2  }
0x13: {  	v52 =	vor.u32 $0x211, v0;
	v53 =	vor.u32 $0x212, v0;
	v50 =	vor.u32 $0x405, v0;
	s12 =	sadd.s32 s12, s3;
	[tilespmem:$0x1FFD0] =	vst v3;
	s5 =	sshrl.u32 s5, $0x3;
	s11 =	sshrl.u32 s11, $0x3  }
0x14: {  	v54 =	vor.u32 $0x213, v0;
	v55 =	vor.u32 $0x414, v0;
	v51 =	vor.u32 $0x201, v1;
	[tilespmem:$0x1FFE0] =	vst v50;
	s9 =	sadd.s32 $0x1000, s12;
	s16 =	sadd.s32 s5, s8;
	s5 =	sadd.s32 $0x5C00, s8  }
0x15: {  	v56 =	vor.u32 $0x415, v0;
	v5 =	vor.u32 $0x200, v1;
	v4 =	vor.u32 $0x407, v0;
	[tilespmem:$0x1FFF0] =	vst v51;
	s14 =	sadd.s32 s11, s8;
	s8 =	sadd.s32 s10, s3;
	s10 =	sadd.s32 $0x2000, s12  }
0x16: {  	v15 =	vor.u32 $0x8, v0;
	v57 =	vor.u32 $0x400, v0;
	[tilespmem:$0x1FFA0] =	vst v4;
	v4 =	vor.u32 $0x408, v0;
	s11 =	sadd.s32 $0x3000, s12;
	s12 =	sadd.s32 $0x4000, s12;
	s13 =	sadd.s32 $0x24800, s14  }
0x17: {  	v58 =	vor.u32 $0x401, v0;
	v59 =	vor.u32 $0x402, v0;
	v60 =	vor.u32 $0x403, v0;
	[tilespmem:$0x1FFB0] =	vst v4;
	s14 =	smax.u32 s15, $0x1;
	s15 =	sadd.s32 $0x10000, s16;
	s16 =	sadd.s32 $0x1A400, s16  }
.LBB2_1:
0x18: {  	[tilespmem:s17], [sflag:$0x3] =	stream.linear.gather [hbm4b:s1+s4], $0x20, $0x38;
	[tilespmem:$0x8920] =	vst v63  }
0x19: {  	_ =	swait.ge [sflag:s18], $0x20  }
0x1a: {  	[sflag:s18] =	ssyncset.done $0x0  }
0x1b: {  	[sflag:s18] =	ssyncadd.s32 $0xFFFFFFE0  }
0x1c: {  	[tilespmem:s19], [sflag:$0x3] =	stream.linear.gather [hbm4b:s7+s4], $0x1000, $0x38;
	[tilespmem:$0x8920] =	vst v63  }
0x1d: {  	_ =	swait.ge [sflag:s18], $0x1000  }
0x1e: {  	[sflag:s18] =	ssyncset.done $0x0  }
0x1f: {  	[sflag:s18] =	ssyncadd.s32 $0xFFFFF000  }
0x20: {  	[spmem:s8] =	stream.linear.scatter [tilespmem:s19], [sflag:$0x3], $0x1000, $0x38;
	[tilespmem:$0x8920] =	vst v63  }
0x21: {  	_ =	swait.ge [sflag:s18], $0x1000  }
0x22: {  	[sflag:s18] =	ssyncset.done $0x0  }
0x23: {  	[sflag:s18] =	ssyncadd.s32 $0xFFFFF000  }
0x24: {  	[spmem:s9] =	stream.linear.scatter [tilespmem:s19], [sflag:$0x3], $0x1000, $0x38;
	[tilespmem:$0x8920] =	vst v63  }
0x25: {  	_ =	swait.ge [sflag:s18], $0x1000  }
0x26: {  	[sflag:s18] =	ssyncset.done $0x0  }
0x27: {  	[sflag:s18] =	ssyncadd.s32 $0xFFFFF000  }
0x28: {  	[spmem:s10] =	stream.linear.scatter [tilespmem:s19], [sflag:$0x3], $0x1000, $0x38;
	[tilespmem:$0x8920] =	vst v63  }
0x29: {  	_ =	swait.ge [sflag:s18], $0x1000  }
0x2a: {  	[sflag:s18] =	ssyncset.done $0x0  }
0x2b: {  	[sflag:s18] =	ssyncadd.s32 $0xFFFFF000  }
0x2c: {  	[spmem:s11] =	stream.linear.scatter [tilespmem:s19], [sflag:$0x3], $0x1000, $0x38;
	[tilespmem:$0x8920] =	vst v63  }
0x2d: {  	_ =	swait.ge [sflag:s18], $0x1000  }
0x2e: {  	[sflag:s18] =	ssyncset.done $0x0  }
0x2f: {  	[sflag:s18] =	ssyncadd.s32 $0xFFFFF000  }
0x30: {  	[spmem:s12] =	stream.linear.scatter [tilespmem:s19], [sflag:$0x3], $0x1000, $0x38;
	[tilespmem:$0x8920] =	vst v63  }
0x31: {  	_ =	swait.ge [sflag:s18], $0x1000  }
0x32: {  	[sflag:s18] =	ssyncset.done $0x0  }
0x33: {  	[sflag:s18] =	ssyncadd.s32 $0xFFFFF000  }
0x34: {  	[bflag:$0x0] =	sbarrier.arrive $0xFFFF  }
0x35: {  	v61 =	vld [tilespmem:$0x7900]  }
0x36: {  	s30 =	simm.s32 $0x0;
	v62 =	vld [tilespmem:$0x7910]  }
.LBB2_2:
0x37: {  	s31 =	sadd.s32 s30, s16  }
0x38: {  	[tilespmem:s20], [sflag:$0x3] =	stream.linear.gather [hbm4b:s31+s4], $0x80, $0x38;
	[tilespmem:$0x8920] =	vst v63  }
0x39: {  	_ =	swait.ge [sflag:s18], $0x80  }
0x3a: {  	[sflag:s18] =	ssyncset.done $0x0  }
0x3b: {  	s31 =	sadd.s32 s30, s15;
	[sflag:s18] =	ssyncadd.s32 $0xFFFFFF80  }
0x3c: {  	[tilespmem:s21], [sflag:$0x3] =	stream.linear.gather [hbm4b:s31+s4], $0x80, $0x38;
	[tilespmem:$0x8920] =	vst v63  }
0x3d: {  	_ =	swait.ge [sflag:s18], $0x80  }
0x3e: {  	[sflag:s18] =	ssyncset.done $0x0  }
0x3f: {  	[sflag:s18] =	ssyncadd.s32 $0xFFFFFF80  }
0x40: {  	[tilespmem:s23], [sflag:$0x1] =	stream.indirect.gather [hbm4b:s5+s22], $0x20, s20, s22, $0xb8;
	[tilespmem:$0x8920] =	vst v63  }
0x41: {  	_ =	swait.ge [sflag:s24], $0x1000  }
0x42: {  	[sflag:s24] =	ssyncset.done $0x0  }
0x43: {  	[sflag:s24] =	ssyncadd.s32 $0xFFFFF000  }
0x44: {  	[tilespmem:s25], [sflag:$0x2] =	stream.indirect.gather [hbm4b:s6+s22], $0x10, s21, s22, $0xb8;
	[tilespmem:$0x8920] =	vst v63  }
0x45: {  	_ =	swait.ge [sflag:s26], $0x800  }
0x46: {  	[sflag:s26] =	ssyncset.done $0x0  }
0x47: {  	[sflag:s26] =	ssyncadd.s32 $0xFFFFF800  }
0x48: {  	v63 =	vld.idx.msk [tilespmem:v2+s23+$0x0], $0xffff  }
0x49: {  	v4 =	vld.idx.msk [tilespmem:v1+s25+$0x0], $0xffff;
	_ =	sdelay $0x4  }
0x4a: {  	v4 =	vadd.f32 v4, v63;
	_ =	sdelay $0x1  }
0x4b: {  	v63 =	vmul.f32 $2.000000030e-01, v4  }
0x4c: {  	vm0 =	vge.f32 v4, $0.0e+00  }
0x4d: {  	v4 =	vsel vm0, v4, v63  }
0x4e: {  	v4 =	vsub.f32 v4, v61;
	_ =	sdelay $0x1  }
0x4f: {  	v4 =	vmul.f32 $1.442695020e+00, v4;
	_ =	sdelay $0x1  }
0x50: {  	(erf) = vpow2.f32 v4;
	_ =	sdelay $0x4  }
0x51: {  	v4 =	vld.idx.msk [tilespmem:v0+s23+$0x0], $0xffff;
	_ =	sdelay $0x3  }
0x52: {  	v63 =	vpop (erf)  }
0x53: {  	v4 =	vmul.f32 v63, v4  }
0x54: {  	v26 =	vld.idx.msk [tilespmem:v6+s23+$0x0], $0xffff  }
0x55: {  	v27 =	vld.idx.msk [tilespmem:v7+s25+$0x0], $0xffff;
	[tilespmem:v0+s28+$0x0] =	vst.idx.msk $0xffff, v4  }
0x56: {  	v4 =	vld.idx.msk [tilespmem:v8+s23+$0x0], $0xffff;
	_ =	sdelay $0x4  }
0x57: {  	v4 =	vmul.f32 v63, v4;
	_ =	sdelay $0x1  }
0x58: {  	[tilespmem:v8+s28+$0x0] =	vst.idx.msk $0xffff, v4  }
0x59: {  	v4 =	vld.idx.msk [tilespmem:v9+s23+$0x0], $0xffff;
	_ =	sdelay $0x4  }
0x5a: {  	v4 =	vmul.f32 v63, v4;
	_ =	sdelay $0x1  }
0x5b: {  	[tilespmem:v9+s28+$0x0] =	vst.idx.msk $0xffff, v4  }
0x5c: {  	v4 =	vld.idx.msk [tilespmem:v10+s23+$0x0], $0xffff;
	_ =	sdelay $0x4  }
0x5d: {  	v4 =	vmul.f32 v4, v63;
	_ =	sdelay $0x1  }
0x5e: {  	[tilespmem:v10+s28+$0x0] =	vst.idx.msk $0xffff, v4  }
0x5f: {  	v4 =	vld.idx.msk [tilespmem:v11+s23+$0x0], $0xffff;
	_ =	sdelay $0x4  }
0x60: {  	v4 =	vmul.f32 v4, v63;
	_ =	sdelay $0x1  }
0x61: {  	[tilespmem:v11+s28+$0x0] =	vst.idx.msk $0xffff, v4  }
0x62: {  	v4 =	vld.idx.msk [tilespmem:v12+s23+$0x0], $0xffff;
	_ =	sdelay $0x4  }
0x63: {  	v4 =	vmul.f32 v4, v63;
	_ =	sdelay $0x1  }
0x64: {  	[tilespmem:v12+s28+$0x0] =	vst.idx.msk $0xffff, v4  }
0x65: {  	v4 =	vld.idx.msk [tilespmem:v13+s23+$0x0], $0xffff;
	_ =	sdelay $0x4  }
0x66: {  	v4 =	vmul.f32 v4, v63;
	_ =	sdelay $0x1  }
0x67: {  	[tilespmem:v13+s28+$0x0] =	vst.idx.msk $0xffff, v4  }
0x68: {  	v4 =	vld.idx.msk [tilespmem:v14+s23+$0x0], $0xffff;
	_ =	sdelay $0x4  }
0x69: {  	v4 =	vmul.f32 v4, v63;
	_ =	sdelay $0x1  }
0x6a: {  	[tilespmem:v14+s28+$0x0] =	vst.idx.msk $0xffff, v4  }
0x6b: {  	v4 =	vld.idx.msk [tilespmem:v15+s23+$0x0], $0xffff;
	_ =	sdelay $0x1  }
0x6c: {  	v26 =	vadd.f32 v27, v26;
	_ =	sdelay $0x1  }
0x6d: {  	v27 =	vmul.f32 $2.000000030e-01, v26  }
0x6e: {  	vm13 =	vge.f32 v26, $0.0e+00;
	v4 =	vmul.f32 v4, v63  }
0x6f: {  	v26 =	vsel vm13, v26, v27  }
0x70: {  	v26 =	vsub.f32 v26, v62;
	[tilespmem:v15+s28+$0x0] =	vst.idx.msk $0xffff, v4  }
0x71: {  	v4 =	vld.idx.msk [tilespmem:v16+s23+$0x0], $0xffff  }
0x72: {  	v26 =	vmul.f32 $1.442695020e+00, v26;
	_ =	sdelay $0x1  }
0x73: {  	(erf) = vpow2.f32 v26;
	_ =	sdelay $0x1  }
0x74: {  	v4 =	vmul.f32 v4, v63;
	_ =	sdelay $0x1  }
0x75: {  	[tilespmem:v16+s28+$0x0] =	vst.idx.msk $0xffff, v4  }
0x76: {  	v4 =	vld.idx.msk [tilespmem:v17+s23+$0x0], $0xffff;
	_ =	sdelay $0x3  }
0x77: {  	v26 =	vpop (erf)  }
0x78: {  	v4 =	vmul.f32 v4, v26;
	_ =	sdelay $0x1  }
0x79: {  	[tilespmem:v17+s28+$0x0] =	vst.idx.msk $0xffff, v4  }
0x7a: {  	v4 =	vld.idx.msk [tilespmem:v18+s23+$0x0], $0xffff;
	_ =	sdelay $0x4  }
0x7b: {  	v4 =	vmul.f32 v4, v26;
	_ =	sdelay $0x1  }
0x7c: {  	[tilespmem:v18+s28+$0x0] =	vst.idx.msk $0xffff, v4  }
0x7d: {  	v4 =	vld.idx.msk [tilespmem:v19+s23+$0x0], $0xffff;
	_ =	sdelay $0x4  }
0x7e: {  	v4 =	vmul.f32 v4, v26;
	_ =	sdelay $0x1  }
0x7f: {  	[tilespmem:v19+s28+$0x0] =	vst.idx.msk $0xffff, v4  }
0x80: {  	v4 =	vld.idx.msk [tilespmem:v20+s23+$0x0], $0xffff;
	_ =	sdelay $0x4  }
0x81: {  	v4 =	vmul.f32 v4, v26;
	_ =	sdelay $0x1  }
0x82: {  	[tilespmem:v20+s28+$0x0] =	vst.idx.msk $0xffff, v4  }
0x83: {  	v4 =	vld.idx.msk [tilespmem:v21+s23+$0x0], $0xffff;
	_ =	sdelay $0x4  }
0x84: {  	v4 =	vmul.f32 v4, v26;
	_ =	sdelay $0x1  }
0x85: {  	[tilespmem:v21+s28+$0x0] =	vst.idx.msk $0xffff, v4  }
0x86: {  	v4 =	vld.idx.msk [tilespmem:v22+s23+$0x0], $0xffff;
	_ =	sdelay $0x4  }
0x87: {  	v4 =	vmul.f32 v4, v26;
	_ =	sdelay $0x1  }
0x88: {  	[tilespmem:v22+s28+$0x0] =	vst.idx.msk $0xffff, v4  }
0x89: {  	v4 =	vld.idx.msk [tilespmem:v23+s23+$0x0], $0xffff;
	_ =	sdelay $0x4  }
0x8a: {  	v4 =	vmul.f32 v4, v26;
	_ =	sdelay $0x1  }
0x8b: {  	[tilespmem:v23+s28+$0x0] =	vst.idx.msk $0xffff, v4  }
0x8c: {  	v4 =	vld.idx.msk [tilespmem:v24+s23+$0x0], $0xffff;
	_ =	sdelay $0x4  }
0x8d: {  	v4 =	vmul.f32 v4, v26;
	_ =	sdelay $0x1  }
0x8e: {  	[tilespmem:v24+s28+$0x0] =	vst.idx.msk $0xffff, v4  }
0x8f: {  	v4 =	vld.idx.msk [tilespmem:v25+s23+$0x0], $0xffff;
	_ =	sdelay $0x4  }
0x90: {  	v4 =	vmul.f32 v4, v26;
	_ =	sdelay $0x1  }
0x91: {  	[tilespmem:v25+s28+$0x0] =	vst.idx.msk $0xffff, v4  }
0x92: {  	v4 =	vld.idx.msk [tilespmem:v28+s23+$0x0], $0xffff;
	_ =	sdelay $0x4  }
0x93: {  	v4 =	vmul.f32 v4, v26;
	_ =	sdelay $0x1  }
0x94: {  	[tilespmem:v28+s28+$0x0] =	vst.idx.msk $0xffff, v4  }
0x95: {  	[tilespmem:v2+s28+$0x0] =	vst.idx.msk $0xffff, v63  }
0x96: {  	[tilespmem:v6+s28+$0x0] =	vst.idx.msk $0xffff, v26  }
0x97: {  	v4 =	vld.idx.msk [tilespmem:v29+s23+$0x0], $0xffff  }
0x98: {  	v26 =	vld.idx.msk [tilespmem:v31+s25+$0x0], $0xffff;
	_ =	sdelay $0x4  }
0x99: {  	v4 =	vadd.f32 v26, v4;
	_ =	sdelay $0x1  }
0x9a: {  	v26 =	vmul.f32 $2.000000030e-01, v4  }
0x9b: {  	vm14 =	vge.f32 v4, $0.0e+00  }
0x9c: {  	v4 =	vsel vm14, v4, v26  }
0x9d: {  	v4 =	vsub.f32 v4, v61;
	_ =	sdelay $0x1  }
0x9e: {  	v4 =	vmul.f32 $1.442695020e+00, v4;
	_ =	sdelay $0x1  }
0x9f: {  	(erf) = vpow2.f32 v4;
	_ =	sdelay $0x4  }
0xa0: {  	v4 =	vld.idx.msk [tilespmem:v33+s23+$0x0], $0xffff;
	_ =	sdelay $0x3  }
0xa1: {  	v26 =	vpop (erf)  }
0xa2: {  	v4 =	vmul.f32 v26, v4  }
0xa3: {  	v27 =	vld.idx.msk [tilespmem:v30+s23+$0x0], $0xffff  }
0xa4: {  	v63 =	vld.idx.msk [tilespmem:v32+s25+$0x0], $0xffff;
	[tilespmem:v33+s28+$0x0] =	vst.idx.msk $0xffff, v4  }
0xa5: {  	v4 =	vld.idx.msk [tilespmem:v34+s23+$0x0], $0xffff;
	_ =	sdelay $0x4  }
0xa6: {  	v4 =	vmul.f32 v26, v4;
	_ =	sdelay $0x1  }
0xa7: {  	[tilespmem:v34+s28+$0x0] =	vst.idx.msk $0xffff, v4  }
0xa8: {  	v4 =	vld.idx.msk [tilespmem:v35+s23+$0x0], $0xffff;
	_ =	sdelay $0x4  }
0xa9: {  	v4 =	vmul.f32 v26, v4;
	_ =	sdelay $0x1  }
0xaa: {  	[tilespmem:v35+s28+$0x0] =	vst.idx.msk $0xffff, v4  }
0xab: {  	v4 =	vld.idx.msk [tilespmem:v36+s23+$0x0], $0xffff;
	_ =	sdelay $0x4  }
0xac: {  	v4 =	vmul.f32 v4, v26;
	_ =	sdelay $0x1  }
0xad: {  	[tilespmem:v36+s28+$0x0] =	vst.idx.msk $0xffff, v4  }
0xae: {  	v4 =	vld.idx.msk [tilespmem:v37+s23+$0x0], $0xffff;
	_ =	sdelay $0x4  }
0xaf: {  	v4 =	vmul.f32 v4, v26;
	_ =	sdelay $0x1  }
0xb0: {  	[tilespmem:v37+s28+$0x0] =	vst.idx.msk $0xffff, v4  }
0xb1: {  	v4 =	vld.idx.msk [tilespmem:v38+s23+$0x0], $0xffff;
	_ =	sdelay $0x4  }
0xb2: {  	v4 =	vmul.f32 v4, v26;
	_ =	sdelay $0x1  }
0xb3: {  	[tilespmem:v38+s28+$0x0] =	vst.idx.msk $0xffff, v4  }
0xb4: {  	v4 =	vld.idx.msk [tilespmem:v39+s23+$0x0], $0xffff;
	_ =	sdelay $0x4  }
0xb5: {  	v4 =	vmul.f32 v4, v26;
	_ =	sdelay $0x1  }
0xb6: {  	[tilespmem:v39+s28+$0x0] =	vst.idx.msk $0xffff, v4  }
0xb7: {  	v4 =	vld.idx.msk [tilespmem:v40+s23+$0x0], $0xffff;
	_ =	sdelay $0x4  }
0xb8: {  	v4 =	vmul.f32 v4, v26;
	_ =	sdelay $0x1  }
0xb9: {  	[tilespmem:v40+s28+$0x0] =	vst.idx.msk $0xffff, v4  }
0xba: {  	v4 =	vld.idx.msk [tilespmem:v41+s23+$0x0], $0xffff;
	_ =	sdelay $0x1  }
0xbb: {  	v27 =	vadd.f32 v63, v27;
	_ =	sdelay $0x1  }
0xbc: {  	v63 =	vmul.f32 $2.000000030e-01, v27  }
0xbd: {  	vm15 =	vge.f32 v27, $0.0e+00;
	v4 =	vmul.f32 v4, v26  }
0xbe: {  	v27 =	vsel vm15, v27, v63  }
0xbf: {  	v27 =	vsub.f32 v27, v62;
	[tilespmem:v41+s28+$0x0] =	vst.idx.msk $0xffff, v4  }
0xc0: {  	v4 =	vld.idx.msk [tilespmem:v42+s23+$0x0], $0xffff  }
0xc1: {  	v27 =	vmul.f32 $1.442695020e+00, v27;
	_ =	sdelay $0x1  }
0xc2: {  	(erf) = vpow2.f32 v27;
	_ =	sdelay $0x1  }
0xc3: {  	v4 =	vmul.f32 v4, v26;
	_ =	sdelay $0x1  }
0xc4: {  	[tilespmem:v42+s28+$0x0] =	vst.idx.msk $0xffff, v4  }
0xc5: {  	v4 =	vld.idx.msk [tilespmem:v43+s23+$0x0], $0xffff;
	_ =	sdelay $0x3  }
0xc6: {  	v27 =	vpop (erf)  }
0xc7: {  	v4 =	vmul.f32 v4, v27;
	_ =	sdelay $0x1  }
0xc8: {  	[tilespmem:v43+s28+$0x0] =	vst.idx.msk $0xffff, v4  }
0xc9: {  	v4 =	vld.idx.msk [tilespmem:v44+s23+$0x0], $0xffff;
	_ =	sdelay $0x4  }
0xca: {  	v4 =	vmul.f32 v4, v27;
	_ =	sdelay $0x1  }
0xcb: {  	[tilespmem:v44+s28+$0x0] =	vst.idx.msk $0xffff, v4  }
0xcc: {  	v4 =	vld.idx.msk [tilespmem:v45+s23+$0x0], $0xffff;
	_ =	sdelay $0x4  }
0xcd: {  	v4 =	vmul.f32 v4, v27;
	_ =	sdelay $0x1  }
0xce: {  	[tilespmem:v45+s28+$0x0] =	vst.idx.msk $0xffff, v4  }
0xcf: {  	v4 =	vld.idx.msk [tilespmem:v46+s23+$0x0], $0xffff;
	_ =	sdelay $0x4  }
0xd0: {  	v4 =	vmul.f32 v4, v27;
	_ =	sdelay $0x1  }
0xd1: {  	[tilespmem:v46+s28+$0x0] =	vst.idx.msk $0xffff, v4  }
0xd2: {  	v4 =	vld.idx.msk [tilespmem:v47+s23+$0x0], $0xffff;
	_ =	sdelay $0x4  }
0xd3: {  	v4 =	vmul.f32 v4, v27;
	_ =	sdelay $0x1  }
0xd4: {  	[tilespmem:v47+s28+$0x0] =	vst.idx.msk $0xffff, v4  }
0xd5: {  	v4 =	vld.idx.msk [tilespmem:v48+s23+$0x0], $0xffff;
	_ =	sdelay $0x4  }
0xd6: {  	v4 =	vmul.f32 v4, v27;
	_ =	sdelay $0x1  }
0xd7: {  	[tilespmem:v48+s28+$0x0] =	vst.idx.msk $0xffff, v4  }
0xd8: {  	v4 =	vld.idx.msk [tilespmem:v49+s23+$0x0], $0xffff;
	_ =	sdelay $0x4  }
0xd9: {  	v4 =	vmul.f32 v4, v27;
	_ =	sdelay $0x1  }
0xda: {  	[tilespmem:v49+s28+$0x0] =	vst.idx.msk $0xffff, v4  }
0xdb: {  	v4 =	vld.idx.msk [tilespmem:v52+s23+$0x0], $0xffff;
	_ =	sdelay $0x4  }
0xdc: {  	v4 =	vmul.f32 v4, v27;
	_ =	sdelay $0x1  }
0xdd: {  	[tilespmem:v52+s28+$0x0] =	vst.idx.msk $0xffff, v4  }
0xde: {  	v4 =	vld.idx.msk [tilespmem:v53+s23+$0x0], $0xffff;
	_ =	sdelay $0x4  }
0xdf: {  	v4 =	vmul.f32 v4, v27;
	_ =	sdelay $0x1  }
0xe0: {  	[tilespmem:v53+s28+$0x0] =	vst.idx.msk $0xffff, v4  }
0xe1: {  	v4 =	vld.idx.msk [tilespmem:v54+s23+$0x0], $0xffff;
	_ =	sdelay $0x4  }
0xe2: {  	v4 =	vmul.f32 v4, v27;
	_ =	sdelay $0x1  }
0xe3: {  	[tilespmem:v54+s28+$0x0] =	vst.idx.msk $0xffff, v4  }
0xe4: {  	[tilespmem:v29+s28+$0x0] =	vst.idx.msk $0xffff, v26  }
0xe5: {  	[tilespmem:v30+s28+$0x0] =	vst.idx.msk $0xffff, v27  }
0xe6: {  	v4 =	vld.idx.msk [tilespmem:v55+s23+$0x0], $0xffff  }
0xe7: {  	v26 =	vld.idx.msk [tilespmem:v5+s25+$0x0], $0xffff;
	_ =	sdelay $0x4  }
0xe8: {  	v4 =	vadd.f32 v26, v4;
	_ =	sdelay $0x1  }
0xe9: {  	v26 =	vmul.f32 $2.000000030e-01, v4  }
0xea: {  	vm4 =	vge.f32 v4, $0.0e+00  }
0xeb: {  	v4 =	vsel vm4, v4, v26  }
0xec: {  	v4 =	vsub.f32 v4, v61;
	_ =	sdelay $0x1  }
0xed: {  	v4 =	vmul.f32 $1.442695020e+00, v4;
	_ =	sdelay $0x1  }
0xee: {  	(erf) = vpow2.f32 v4;
	_ =	sdelay $0x4  }
0xef: {  	v4 =	vld.idx.msk [tilespmem:v57+s23+$0x0], $0xffff;
	_ =	sdelay $0x3  }
0xf0: {  	v26 =	vpop (erf)  }
0xf1: {  	v4 =	vmul.f32 v26, v4  }
0xf2: {  	v27 =	vld.idx.msk [tilespmem:v56+s23+$0x0], $0xffff  }
0xf3: {  	v51 =	vld.idx.msk [tilespmem:v51+s25+$0x0], $0xffff;
	[tilespmem:v57+s28+$0x0] =	vst.idx.msk $0xffff, v4  }
0xf4: {  	v4 =	vld.idx.msk [tilespmem:v58+s23+$0x0], $0xffff;
	_ =	sdelay $0x4  }
0xf5: {  	v4 =	vmul.f32 v26, v4;
	_ =	sdelay $0x1  }
0xf6: {  	[tilespmem:v58+s28+$0x0] =	vst.idx.msk $0xffff, v4  }
0xf7: {  	v4 =	vld.idx.msk [tilespmem:v59+s23+$0x0], $0xffff;
	_ =	sdelay $0x4  }
0xf8: {  	v4 =	vmul.f32 v26, v4;
	_ =	sdelay $0x1  }
0xf9: {  	[tilespmem:v59+s28+$0x0] =	vst.idx.msk $0xffff, v4  }
0xfa: {  	v4 =	vld.idx.msk [tilespmem:v60+s23+$0x0], $0xffff;
	_ =	sdelay $0x4  }
0xfb: {  	v4 =	vmul.f32 v4, v26;
	_ =	sdelay $0x1  }
0xfc: {  	[tilespmem:v60+s28+$0x0] =	vst.idx.msk $0xffff, v4  }
0xfd: {  	v4 =	vld.idx.msk [tilespmem:v3+s23+$0x0], $0xffff;
	_ =	sdelay $0x4  }
0xfe: {  	v4 =	vmul.f32 v4, v26;
	_ =	sdelay $0x1  }
0xff: {  	v2 =	vld [tilespmem:$0x1FF90];
	[tilespmem:v3+s28+$0x0] =	vst.idx.msk $0xffff, v4  }
0x100: {  	v4 =	vld.idx.msk [tilespmem:v50+s23+$0x0], $0xffff;
	_ =	sdelay $0x4  }
0x101: {  	v4 =	vmul.f32 v4, v26;
	_ =	sdelay $0x1  }
0x102: {  	[tilespmem:v50+s28+$0x0] =	vst.idx.msk $0xffff, v4  }
0x103: {  	v4 =	vld.idx.msk [tilespmem:v2+s23+$0x0], $0xffff;
	_ =	sdelay $0x4  }
0x104: {  	v4 =	vmul.f32 v4, v26;
	_ =	sdelay $0x1  }
0x105: {  	[tilespmem:v2+s28+$0x0] =	vst.idx.msk $0xffff, v4;
	v2 =	vld [tilespmem:$0x1FFA0];
	_ =	sdelay $0x7  }
0x106: {  	v4 =	vld.idx.msk [tilespmem:v2+s23+$0x0], $0xffff;
	_ =	sdelay $0x4  }
0x107: {  	v4 =	vmul.f32 v4, v26;
	_ =	sdelay $0x1  }
0x108: {  	[tilespmem:v2+s28+$0x0] =	vst.idx.msk $0xffff, v4;
	v2 =	vld [tilespmem:$0x1FFB0];
	_ =	sdelay $0x7  }
0x109: {  	v4 =	vld.idx.msk [tilespmem:v2+s23+$0x0], $0xffff;
	_ =	sdelay $0x1  }
0x10a: {  	v27 =	vadd.f32 v51, v27  }
0x10b: {  	v63 =	vor.u32 $0x409, v0  }
0x10c: {  	v50 =	vmul.f32 $2.000000030e-01, v27  }
0x10d: {  	vm5 =	vge.f32 v27, $0.0e+00;
	v4 =	vmul.f32 v4, v26  }
0x10e: {  	v27 =	vsel vm5, v27, v50  }
0x10f: {  	v27 =	vsub.f32 v27, v62;
	[tilespmem:v2+s28+$0x0] =	vst.idx.msk $0xffff, v4  }
0x110: {  	v4 =	vld.idx.msk [tilespmem:v63+s23+$0x0], $0xffff  }
0x111: {  	v27 =	vmul.f32 $1.442695020e+00, v27;
	_ =	sdelay $0x1  }
0x112: {  	(erf) = vpow2.f32 v27;
	v27 =	vor.u32 $0x40A, v0;
	_ =	sdelay $0x1  }
0x113: {  	v4 =	vmul.f32 v4, v26;
	_ =	sdelay $0x1  }
0x114: {  	[tilespmem:v63+s28+$0x0] =	vst.idx.msk $0xffff, v4  }
0x115: {  	v4 =	vld.idx.msk [tilespmem:v27+s23+$0x0], $0xffff;
	_ =	sdelay $0x2  }
0x116: {  	v50 =	vor.u32 $0x40B, v0  }
0x117: {  	v63 =	vpop (erf)  }
0x118: {  	v4 =	vmul.f32 v4, v63;
	_ =	sdelay $0x1  }
0x119: {  	[tilespmem:v27+s28+$0x0] =	vst.idx.msk $0xffff, v4  }
0x11a: {  	v4 =	vld.idx.msk [tilespmem:v50+s23+$0x0], $0xffff;
	_ =	sdelay $0x2  }
0x11b: {  	v27 =	vor.u32 $0x40C, v0;
	_ =	sdelay $0x1  }
0x11c: {  	v4 =	vmul.f32 v4, v63;
	_ =	sdelay $0x1  }
0x11d: {  	[tilespmem:v50+s28+$0x0] =	vst.idx.msk $0xffff, v4  }
0x11e: {  	v4 =	vld.idx.msk [tilespmem:v27+s23+$0x0], $0xffff;
	_ =	sdelay $0x2  }
0x11f: {  	v50 =	vor.u32 $0x40D, v0;
	_ =	sdelay $0x1  }
0x120: {  	v4 =	vmul.f32 v4, v63;
	_ =	sdelay $0x1  }
0x121: {  	[tilespmem:v27+s28+$0x0] =	vst.idx.msk $0xffff, v4  }
0x122: {  	v4 =	vld.idx.msk [tilespmem:v50+s23+$0x0], $0xffff;
	_ =	sdelay $0x2  }
0x123: {  	v27 =	vor.u32 $0x40E, v0;
	_ =	sdelay $0x1  }
0x124: {  	v4 =	vmul.f32 v4, v63;
	_ =	sdelay $0x1  }
0x125: {  	[tilespmem:v50+s28+$0x0] =	vst.idx.msk $0xffff, v4  }
0x126: {  	v4 =	vld.idx.msk [tilespmem:v27+s23+$0x0], $0xffff;
	_ =	sdelay $0x2  }
0x127: {  	v50 =	vor.u32 $0x40F, v0;
	_ =	sdelay $0x1  }
0x128: {  	v4 =	vmul.f32 v4, v63;
	_ =	sdelay $0x1  }
0x129: {  	[tilespmem:v27+s28+$0x0] =	vst.idx.msk $0xffff, v4  }
0x12a: {  	v4 =	vld.idx.msk [tilespmem:v50+s23+$0x0], $0xffff;
	_ =	sdelay $0x2  }
0x12b: {  	v27 =	vor.u32 $0x410, v0;
	_ =	sdelay $0x1  }
0x12c: {  	v4 =	vmul.f32 v4, v63;
	_ =	sdelay $0x1  }
0x12d: {  	[tilespmem:v50+s28+$0x0] =	vst.idx.msk $0xffff, v4  }
0x12e: {  	v4 =	vld.idx.msk [tilespmem:v27+s23+$0x0], $0xffff;
	_ =	sdelay $0x2  }
0x12f: {  	v50 =	vor.u32 $0x411, v0;
	_ =	sdelay $0x1  }
0x130: {  	v4 =	vmul.f32 v4, v63;
	_ =	sdelay $0x1  }
0x131: {  	[tilespmem:v27+s28+$0x0] =	vst.idx.msk $0xffff, v4  }
0x132: {  	v4 =	vld.idx.msk [tilespmem:v50+s23+$0x0], $0xffff;
	_ =	sdelay $0x2  }
0x133: {  	v27 =	vor.u32 $0x412, v0;
	_ =	sdelay $0x1  }
0x134: {  	v4 =	vmul.f32 v4, v63;
	_ =	sdelay $0x1  }
0x135: {  	[tilespmem:v50+s28+$0x0] =	vst.idx.msk $0xffff, v4  }
0x136: {  	v4 =	vld.idx.msk [tilespmem:v27+s23+$0x0], $0xffff;
	_ =	sdelay $0x2  }
0x137: {  	v50 =	vor.u32 $0x413, v0;
	_ =	sdelay $0x1  }
0x138: {  	v4 =	vmul.f32 v4, v63;
	_ =	sdelay $0x1  }
0x139: {  	[tilespmem:v27+s28+$0x0] =	vst.idx.msk $0xffff, v4  }
0x13a: {  	v4 =	vld.idx.msk [tilespmem:v50+s23+$0x0], $0xffff;
	_ =	sdelay $0x4  }
0x13b: {  	v27 =	vor.u32 $0x614, v0;
	v4 =	vmul.f32 v4, v63  }
0x13c: {  	v51 =	vor.u32 $0x300, v1  }
0x13d: {  	[tilespmem:v50+s28+$0x0] =	vst.idx.msk $0xffff, v4  }
0x13e: {  	[tilespmem:v55+s28+$0x0] =	vst.idx.msk $0xffff, v26  }
0x13f: {  	[tilespmem:v56+s28+$0x0] =	vst.idx.msk $0xffff, v63  }
0x140: {  	v4 =	vld.idx.msk [tilespmem:v27+s23+$0x0], $0xffff  }
0x141: {  	v26 =	vld.idx.msk [tilespmem:v51+s25+$0x0], $0xffff;
	_ =	sdelay $0x4  }
0x142: {  	v4 =	vadd.f32 v26, v4;
	_ =	sdelay $0x1  }
0x143: {  	v26 =	vmul.f32 $2.000000030e-01, v4  }
0x144: {  	vm6 =	vge.f32 v4, $0.0e+00  }
0x145: {  	v4 =	vsel vm6, v4, v26  }
0x146: {  	v4 =	vsub.f32 v4, v61;
	_ =	sdelay $0x1  }
0x147: {  	v4 =	vmul.f32 $1.442695020e+00, v4;
	_ =	sdelay $0x1  }
0x148: {  	(erf) = vpow2.f32 v4;
	v4 =	vor.u32 $0x600, v0;
	_ =	sdelay $0x4  }
0x149: {  	v50 =	vld.idx.msk [tilespmem:v4+s23+$0x0], $0xffff  }
0x14a: {  	v51 =	vor.u32 $0x301, v1  }
0x14b: {  	v26 =	vor.u32 $0x615, v0  }
0x14c: {  	v63 =	vor.u32 $0x601, v0  }
0x14d: {  	v2 =	vpop (erf)  }
0x14e: {  	v50 =	vmul.f32 v2, v50  }
0x14f: {  	v51 =	vld.idx.msk [tilespmem:v51+s25+$0x0], $0xffff  }
0x150: {  	v3 =	vld.idx.msk [tilespmem:v26+s23+$0x0], $0xffff;
	[tilespmem:v4+s28+$0x0] =	vst.idx.msk $0xffff, v50  }
0x151: {  	v4 =	vld.idx.msk [tilespmem:v63+s23+$0x0], $0xffff;
	_ =	sdelay $0x2  }
0x152: {  	v50 =	vor.u32 $0x602, v0;
	_ =	sdelay $0x1  }
0x153: {  	v4 =	vmul.f32 v2, v4;
	_ =	sdelay $0x1  }
0x154: {  	[tilespmem:v63+s28+$0x0] =	vst.idx.msk $0xffff, v4  }
0x155: {  	v4 =	vld.idx.msk [tilespmem:v50+s23+$0x0], $0xffff;
	_ =	sdelay $0x2  }
0x156: {  	v63 =	vor.u32 $0x603, v0;
	_ =	sdelay $0x1  }
0x157: {  	v4 =	vmul.f32 v2, v4;
	_ =	sdelay $0x1  }
0x158: {  	[tilespmem:v50+s28+$0x0] =	vst.idx.msk $0xffff, v4  }
0x159: {  	v4 =	vld.idx.msk [tilespmem:v63+s23+$0x0], $0xffff;
	_ =	sdelay $0x2  }
0x15a: {  	v50 =	vor.u32 $0x604, v0;
	_ =	sdelay $0x1  }
0x15b: {  	v4 =	vmul.f32 v4, v2;
	_ =	sdelay $0x1  }
0x15c: {  	[tilespmem:v63+s28+$0x0] =	vst.idx.msk $0xffff, v4  }
0x15d: {  	v4 =	vld.idx.msk [tilespmem:v50+s23+$0x0], $0xffff;
	_ =	sdelay $0x2  }
0x15e: {  	v63 =	vor.u32 $0x605, v0;
	_ =	sdelay $0x1  }
0x15f: {  	v4 =	vmul.f32 v4, v2;
	_ =	sdelay $0x1  }
0x160: {  	[tilespmem:v50+s28+$0x0] =	vst.idx.msk $0xffff, v4  }
0x161: {  	v4 =	vld.idx.msk [tilespmem:v63+s23+$0x0], $0xffff;
	_ =	sdelay $0x2  }
0x162: {  	v50 =	vor.u32 $0x606, v0;
	_ =	sdelay $0x1  }
0x163: {  	v4 =	vmul.f32 v4, v2;
	_ =	sdelay $0x1  }
0x164: {  	[tilespmem:v63+s28+$0x0] =	vst.idx.msk $0xffff, v4  }
0x165: {  	v4 =	vld.idx.msk [tilespmem:v50+s23+$0x0], $0xffff;
	_ =	sdelay $0x2  }
0x166: {  	v63 =	vor.u32 $0x607, v0;
	_ =	sdelay $0x1  }
0x167: {  	v4 =	vmul.f32 v4, v2;
	_ =	sdelay $0x1  }
0x168: {  	[tilespmem:v50+s28+$0x0] =	vst.idx.msk $0xffff, v4  }
0x169: {  	v4 =	vld.idx.msk [tilespmem:v63+s23+$0x0], $0xffff;
	_ =	sdelay $0x2  }
0x16a: {  	v50 =	vor.u32 $0x608, v0;
	_ =	sdelay $0x1  }
0x16b: {  	v4 =	vmul.f32 v4, v2;
	_ =	sdelay $0x1  }
0x16c: {  	[tilespmem:v63+s28+$0x0] =	vst.idx.msk $0xffff, v4  }
0x16d: {  	v4 =	vld.idx.msk [tilespmem:v50+s23+$0x0], $0xffff;
	_ =	sdelay $0x1  }
0x16e: {  	v3 =	vadd.f32 v51, v3  }
0x16f: {  	v51 =	vor.u32 $0x609, v0  }
0x170: {  	v63 =	vmul.f32 $2.000000030e-01, v3  }
0x171: {  	vm7 =	vge.f32 v3, $0.0e+00;
	v4 =	vmul.f32 v4, v2  }
0x172: {  	v3 =	vsel vm7, v3, v63  }
0x173: {  	v3 =	vsub.f32 v3, v62;
	[tilespmem:v50+s28+$0x0] =	vst.idx.msk $0xffff, v4  }
0x174: {  	v4 =	vld.idx.msk [tilespmem:v51+s23+$0x0], $0xffff  }
0x175: {  	v3 =	vmul.f32 $1.442695020e+00, v3;
	_ =	sdelay $0x1  }
0x176: {  	(erf) = vpow2.f32 v3;
	v3 =	vor.u32 $0x60A, v0;
	_ =	sdelay $0x1  }
0x177: {  	v4 =	vmul.f32 v4, v2;
	_ =	sdelay $0x1  }
0x178: {  	[tilespmem:v51+s28+$0x0] =	vst.idx.msk $0xffff, v4  }
0x179: {  	v4 =	vld.idx.msk [tilespmem:v3+s23+$0x0], $0xffff;
	_ =	sdelay $0x2  }
0x17a: {  	v63 =	vor.u32 $0x60B, v0  }
0x17b: {  	v51 =	vpop (erf)  }
0x17c: {  	v4 =	vmul.f32 v4, v51;
	_ =	sdelay $0x1  }
0x17d: {  	[tilespmem:v3+s28+$0x0] =	vst.idx.msk $0xffff, v4  }
0x17e: {  	v3 =	vld.idx.msk [tilespmem:v63+s23+$0x0], $0xffff;
	_ =	sdelay $0x2  }
0x17f: {  	v4 =	vor.u32 $0x60C, v0;
	_ =	sdelay $0x1  }
0x180: {  	v3 =	vmul.f32 v3, v51;
	_ =	sdelay $0x1  }
0x181: {  	[tilespmem:v63+s28+$0x0] =	vst.idx.msk $0xffff, v3  }
0x182: {  	v3 =	vld.idx.msk [tilespmem:v4+s23+$0x0], $0xffff;
	_ =	sdelay $0x2  }
0x183: {  	v63 =	vor.u32 $0x60D, v0;
	_ =	sdelay $0x1  }
0x184: {  	v3 =	vmul.f32 v3, v51;
	_ =	sdelay $0x1  }
0x185: {  	[tilespmem:v4+s28+$0x0] =	vst.idx.msk $0xffff, v3  }
0x186: {  	v3 =	vld.idx.msk [tilespmem:v63+s23+$0x0], $0xffff;
	_ =	sdelay $0x2  }
0x187: {  	v4 =	vor.u32 $0x60E, v0;
	_ =	sdelay $0x1  }
0x188: {  	v3 =	vmul.f32 v3, v51;
	_ =	sdelay $0x1  }
0x189: {  	[tilespmem:v63+s28+$0x0] =	vst.idx.msk $0xffff, v3  }
0x18a: {  	v3 =	vld.idx.msk [tilespmem:v4+s23+$0x0], $0xffff;
	_ =	sdelay $0x2  }
0x18b: {  	v63 =	vor.u32 $0x60F, v0;
	_ =	sdelay $0x1  }
0x18c: {  	v3 =	vmul.f32 v3, v51;
	_ =	sdelay $0x1  }
0x18d: {  	[tilespmem:v4+s28+$0x0] =	vst.idx.msk $0xffff, v3  }
0x18e: {  	v3 =	vld.idx.msk [tilespmem:v63+s23+$0x0], $0xffff;
	_ =	sdelay $0x2  }
0x18f: {  	v4 =	vor.u32 $0x610, v0;
	_ =	sdelay $0x1  }
0x190: {  	v3 =	vmul.f32 v3, v51;
	_ =	sdelay $0x1  }
0x191: {  	[tilespmem:v63+s28+$0x0] =	vst.idx.msk $0xffff, v3  }
0x192: {  	v3 =	vld.idx.msk [tilespmem:v4+s23+$0x0], $0xffff;
	_ =	sdelay $0x2  }
0x193: {  	v63 =	vor.u32 $0x611, v0;
	_ =	sdelay $0x1  }
0x194: {  	v3 =	vmul.f32 v3, v51;
	_ =	sdelay $0x1  }
0x195: {  	[tilespmem:v4+s28+$0x0] =	vst.idx.msk $0xffff, v3  }
0x196: {  	v3 =	vld.idx.msk [tilespmem:v63+s23+$0x0], $0xffff;
	_ =	sdelay $0x2  }
0x197: {  	v4 =	vor.u32 $0x612, v0;
	_ =	sdelay $0x1  }
0x198: {  	v3 =	vmul.f32 v3, v51;
	_ =	sdelay $0x1  }
0x199: {  	[tilespmem:v63+s28+$0x0] =	vst.idx.msk $0xffff, v3  }
0x19a: {  	v3 =	vld.idx.msk [tilespmem:v4+s23+$0x0], $0xffff;
	_ =	sdelay $0x2  }
0x19b: {  	v50 =	vor.u32 $0x613, v0;
	_ =	sdelay $0x1  }
0x19c: {  	v3 =	vmul.f32 v3, v51;
	_ =	sdelay $0x1  }
0x19d: {  	[tilespmem:v4+s28+$0x0] =	vst.idx.msk $0xffff, v3  }
0x19e: {  	v3 =	vld.idx.msk [tilespmem:v50+s23+$0x0], $0xffff;
	_ =	sdelay $0x4  }
0x19f: {  	v4 =	vor.u32 $0x814, v0;
	v3 =	vmul.f32 v3, v51  }
0x1a0: {  	v63 =	vor.u32 $0x400, v1  }
0x1a1: {  	[tilespmem:v50+s28+$0x0] =	vst.idx.msk $0xffff, v3  }
0x1a2: {  	[tilespmem:v27+s28+$0x0] =	vst.idx.msk $0xffff, v2  }
0x1a3: {  	[tilespmem:v26+s28+$0x0] =	vst.idx.msk $0xffff, v51  }
0x1a4: {  	v2 =	vld.idx.msk [tilespmem:v4+s23+$0x0], $0xffff  }
0x1a5: {  	v3 =	vld.idx.msk [tilespmem:v63+s25+$0x0], $0xffff;
	_ =	sdelay $0x4  }
0x1a6: {  	v2 =	vadd.f32 v3, v2;
	_ =	sdelay $0x1  }
0x1a7: {  	v3 =	vmul.f32 $2.000000030e-01, v2  }
0x1a8: {  	vm8 =	vge.f32 v2, $0.0e+00  }
0x1a9: {  	v2 =	vsel vm8, v2, v3  }
0x1aa: {  	v2 =	vsub.f32 v2, v61;
	_ =	sdelay $0x1  }
0x1ab: {  	v2 =	vmul.f32 $1.442695020e+00, v2;
	_ =	sdelay $0x1  }
0x1ac: {  	(erf) = vpow2.f32 v2;
	v2 =	vor.u32 $0x800, v0;
	_ =	sdelay $0x4  }
0x1ad: {  	v26 =	vld.idx.msk [tilespmem:v2+s23+$0x0], $0xffff  }
0x1ae: {  	v27 =	vor.u32 $0x401, v1  }
0x1af: {  	v3 =	vor.u32 $0x815, v0  }
0x1b0: {  	v50 =	vor.u32 $0x801, v0  }
0x1b1: {  	v51 =	vpop (erf)  }
0x1b2: {  	v26 =	vmul.f32 v51, v26  }
0x1b3: {  	v27 =	vld.idx.msk [tilespmem:v27+s25+$0x0], $0xffff  }
0x1b4: {  	v63 =	vld.idx.msk [tilespmem:v3+s23+$0x0], $0xffff;
	[tilespmem:v2+s28+$0x0] =	vst.idx.msk $0xffff, v26  }
0x1b5: {  	v2 =	vld.idx.msk [tilespmem:v50+s23+$0x0], $0xffff;
	_ =	sdelay $0x2  }
0x1b6: {  	v26 =	vor.u32 $0x802, v0;
	_ =	sdelay $0x1  }
0x1b7: {  	v2 =	vmul.f32 v51, v2;
	_ =	sdelay $0x1  }
0x1b8: {  	[tilespmem:v50+s28+$0x0] =	vst.idx.msk $0xffff, v2  }
0x1b9: {  	v2 =	vld.idx.msk [tilespmem:v26+s23+$0x0], $0xffff;
	_ =	sdelay $0x2  }
0x1ba: {  	v50 =	vor.u32 $0x803, v0;
	_ =	sdelay $0x1  }
0x1bb: {  	v2 =	vmul.f32 v51, v2;
	_ =	sdelay $0x1  }
0x1bc: {  	[tilespmem:v26+s28+$0x0] =	vst.idx.msk $0xffff, v2  }
0x1bd: {  	v2 =	vld.idx.msk [tilespmem:v50+s23+$0x0], $0xffff;
	_ =	sdelay $0x2  }
0x1be: {  	v26 =	vor.u32 $0x804, v0;
	_ =	sdelay $0x1  }
0x1bf: {  	v2 =	vmul.f32 v2, v51;
	_ =	sdelay $0x1  }
0x1c0: {  	[tilespmem:v50+s28+$0x0] =	vst.idx.msk $0xffff, v2  }
0x1c1: {  	v2 =	vld.idx.msk [tilespmem:v26+s23+$0x0], $0xffff;
	_ =	sdelay $0x2  }
0x1c2: {  	v50 =	vor.u32 $0x805, v0;
	_ =	sdelay $0x1  }
0x1c3: {  	v2 =	vmul.f32 v2, v51;
	_ =	sdelay $0x1  }
0x1c4: {  	[tilespmem:v26+s28+$0x0] =	vst.idx.msk $0xffff, v2  }
0x1c5: {  	v2 =	vld.idx.msk [tilespmem:v50+s23+$0x0], $0xffff;
	_ =	sdelay $0x2  }
0x1c6: {  	v26 =	vor.u32 $0x806, v0;
	_ =	sdelay $0x1  }
0x1c7: {  	v2 =	vmul.f32 v2, v51;
	_ =	sdelay $0x1  }
0x1c8: {  	[tilespmem:v50+s28+$0x0] =	vst.idx.msk $0xffff, v2  }
0x1c9: {  	v2 =	vld.idx.msk [tilespmem:v26+s23+$0x0], $0xffff;
	_ =	sdelay $0x2  }
0x1ca: {  	v50 =	vor.u32 $0x807, v0;
	_ =	sdelay $0x1  }
0x1cb: {  	v2 =	vmul.f32 v2, v51;
	_ =	sdelay $0x1  }
0x1cc: {  	[tilespmem:v26+s28+$0x0] =	vst.idx.msk $0xffff, v2  }
0x1cd: {  	v2 =	vld.idx.msk [tilespmem:v50+s23+$0x0], $0xffff;
	_ =	sdelay $0x2  }
0x1ce: {  	v26 =	vor.u32 $0x808, v0;
	_ =	sdelay $0x1  }
0x1cf: {  	v2 =	vmul.f32 v2, v51;
	_ =	sdelay $0x1  }
0x1d0: {  	[tilespmem:v50+s28+$0x0] =	vst.idx.msk $0xffff, v2  }
0x1d1: {  	v2 =	vld.idx.msk [tilespmem:v26+s23+$0x0], $0xffff;
	_ =	sdelay $0x1  }
0x1d2: {  	v27 =	vadd.f32 v27, v63  }
0x1d3: {  	v50 =	vor.u32 $0x809, v0  }
0x1d4: {  	v63 =	vmul.f32 $2.000000030e-01, v27  }
0x1d5: {  	vm9 =	vge.f32 v27, $0.0e+00;
	v2 =	vmul.f32 v2, v51  }
0x1d6: {  	v27 =	vsel vm9, v27, v63  }
0x1d7: {  	v27 =	vsub.f32 v27, v62;
	[tilespmem:v26+s28+$0x0] =	vst.idx.msk $0xffff, v2  }
0x1d8: {  	v2 =	vld.idx.msk [tilespmem:v50+s23+$0x0], $0xffff  }
0x1d9: {  	v26 =	vmul.f32 $1.442695020e+00, v27;
	_ =	sdelay $0x1  }
0x1da: {  	(erf) = vpow2.f32 v26;
	v26 =	vor.u32 $0x80A, v0;
	_ =	sdelay $0x1  }
0x1db: {  	v2 =	vmul.f32 v2, v51;
	_ =	sdelay $0x1  }
0x1dc: {  	[tilespmem:v50+s28+$0x0] =	vst.idx.msk $0xffff, v2  }
0x1dd: {  	v2 =	vld.idx.msk [tilespmem:v26+s23+$0x0], $0xffff;
	_ =	sdelay $0x2  }
0x1de: {  	v27 =	vor.u32 $0x80B, v0  }
0x1df: {  	v50 =	vpop (erf)  }
0x1e0: {  	v2 =	vmul.f32 v2, v50;
	_ =	sdelay $0x1  }
0x1e1: {  	[tilespmem:v26+s28+$0x0] =	vst.idx.msk $0xffff, v2  }
0x1e2: {  	v2 =	vld.idx.msk [tilespmem:v27+s23+$0x0], $0xffff;
	_ =	sdelay $0x2  }
0x1e3: {  	v26 =	vor.u32 $0x80C, v0;
	_ =	sdelay $0x1  }
0x1e4: {  	v2 =	vmul.f32 v2, v50;
	_ =	sdelay $0x1  }
0x1e5: {  	[tilespmem:v27+s28+$0x0] =	vst.idx.msk $0xffff, v2  }
0x1e6: {  	v2 =	vld.idx.msk [tilespmem:v26+s23+$0x0], $0xffff;
	_ =	sdelay $0x2  }
0x1e7: {  	v27 =	vor.u32 $0x80D, v0;
	_ =	sdelay $0x1  }
0x1e8: {  	v2 =	vmul.f32 v2, v50;
	_ =	sdelay $0x1  }
0x1e9: {  	[tilespmem:v26+s28+$0x0] =	vst.idx.msk $0xffff, v2  }
0x1ea: {  	v2 =	vld.idx.msk [tilespmem:v27+s23+$0x0], $0xffff;
	_ =	sdelay $0x2  }
0x1eb: {  	v26 =	vor.u32 $0x80E, v0;
	_ =	sdelay $0x1  }
0x1ec: {  	v2 =	vmul.f32 v2, v50;
	_ =	sdelay $0x1  }
0x1ed: {  	[tilespmem:v27+s28+$0x0] =	vst.idx.msk $0xffff, v2  }
0x1ee: {  	v2 =	vld.idx.msk [tilespmem:v26+s23+$0x0], $0xffff;
	_ =	sdelay $0x2  }
0x1ef: {  	v27 =	vor.u32 $0x80F, v0;
	_ =	sdelay $0x1  }
0x1f0: {  	v2 =	vmul.f32 v2, v50;
	_ =	sdelay $0x1  }
0x1f1: {  	[tilespmem:v26+s28+$0x0] =	vst.idx.msk $0xffff, v2  }
0x1f2: {  	v2 =	vld.idx.msk [tilespmem:v27+s23+$0x0], $0xffff;
	_ =	sdelay $0x2  }
0x1f3: {  	v26 =	vor.u32 $0x810, v0;
	_ =	sdelay $0x1  }
0x1f4: {  	v2 =	vmul.f32 v2, v50;
	_ =	sdelay $0x1  }
0x1f5: {  	[tilespmem:v27+s28+$0x0] =	vst.idx.msk $0xffff, v2  }
0x1f6: {  	v2 =	vld.idx.msk [tilespmem:v26+s23+$0x0], $0xffff;
	_ =	sdelay $0x2  }
0x1f7: {  	v27 =	vor.u32 $0x811, v0;
	_ =	sdelay $0x1  }
0x1f8: {  	v2 =	vmul.f32 v2, v50;
	_ =	sdelay $0x1  }
0x1f9: {  	[tilespmem:v26+s28+$0x0] =	vst.idx.msk $0xffff, v2  }
0x1fa: {  	v2 =	vld.idx.msk [tilespmem:v27+s23+$0x0], $0xffff;
	_ =	sdelay $0x2  }
0x1fb: {  	v26 =	vor.u32 $0x812, v0;
	_ =	sdelay $0x1  }
0x1fc: {  	v2 =	vmul.f32 v2, v50;
	_ =	sdelay $0x1  }
0x1fd: {  	[tilespmem:v27+s28+$0x0] =	vst.idx.msk $0xffff, v2  }
0x1fe: {  	v2 =	vld.idx.msk [tilespmem:v26+s23+$0x0], $0xffff;
	_ =	sdelay $0x2  }
0x1ff: {  	v27 =	vor.u32 $0x813, v0;
	_ =	sdelay $0x1  }
0x200: {  	v2 =	vmul.f32 v2, v50;
	_ =	sdelay $0x1  }
0x201: {  	[tilespmem:v26+s28+$0x0] =	vst.idx.msk $0xffff, v2  }
0x202: {  	v2 =	vld.idx.msk [tilespmem:v27+s23+$0x0], $0xffff;
	_ =	sdelay $0x4  }
0x203: {  	v26 =	vor.u32 $0xA14, v0;
	v2 =	vmul.f32 v2, v50  }
0x204: {  	v63 =	vor.u32 $0x500, v1  }
0x205: {  	[tilespmem:v27+s28+$0x0] =	vst.idx.msk $0xffff, v2  }
0x206: {  	[tilespmem:v4+s28+$0x0] =	vst.idx.msk $0xffff, v51  }
0x207: {  	[tilespmem:v3+s28+$0x0] =	vst.idx.msk $0xffff, v50  }
0x208: {  	v2 =	vld.idx.msk [tilespmem:v26+s23+$0x0], $0xffff  }
0x209: {  	v3 =	vld.idx.msk [tilespmem:v63+s25+$0x0], $0xffff;
	_ =	sdelay $0x4  }
0x20a: {  	v2 =	vadd.f32 v3, v2;
	_ =	sdelay $0x1  }
0x20b: {  	v3 =	vmul.f32 $2.000000030e-01, v2  }
0x20c: {  	vm10 =	vge.f32 v2, $0.0e+00  }
0x20d: {  	v2 =	vsel vm10, v2, v3  }
0x20e: {  	v2 =	vsub.f32 v2, v61;
	_ =	sdelay $0x1  }
0x20f: {  	v2 =	vmul.f32 $1.442695020e+00, v2;
	_ =	sdelay $0x1  }
0x210: {  	(erf) = vpow2.f32 v2;
	v2 =	vor.u32 $0xA00, v0;
	_ =	sdelay $0x4  }
0x211: {  	v4 =	vld.idx.msk [tilespmem:v2+s23+$0x0], $0xffff  }
0x212: {  	v27 =	vor.u32 $0x501, v1  }
0x213: {  	v3 =	vor.u32 $0xA15, v0  }
0x214: {  	v50 =	vor.u32 $0xA01, v0  }
0x215: {  	v51 =	vpop (erf)  }
0x216: {  	v4 =	vmul.f32 v51, v4  }
0x217: {  	v27 =	vld.idx.msk [tilespmem:v27+s25+$0x0], $0xffff  }
0x218: {  	v63 =	vld.idx.msk [tilespmem:v3+s23+$0x0], $0xffff;
	[tilespmem:v2+s28+$0x0] =	vst.idx.msk $0xffff, v4  }
0x219: {  	v2 =	vld.idx.msk [tilespmem:v50+s23+$0x0], $0xffff;
	_ =	sdelay $0x2  }
0x21a: {  	v4 =	vor.u32 $0xA02, v0;
	_ =	sdelay $0x1  }
0x21b: {  	v2 =	vmul.f32 v51, v2;
	_ =	sdelay $0x1  }
0x21c: {  	[tilespmem:v50+s28+$0x0] =	vst.idx.msk $0xffff, v2  }
0x21d: {  	v2 =	vld.idx.msk [tilespmem:v4+s23+$0x0], $0xffff;
	_ =	sdelay $0x2  }
0x21e: {  	v50 =	vor.u32 $0xA03, v0;
	_ =	sdelay $0x1  }
0x21f: {  	v2 =	vmul.f32 v51, v2;
	_ =	sdelay $0x1  }
0x220: {  	[tilespmem:v4+s28+$0x0] =	vst.idx.msk $0xffff, v2  }
0x221: {  	v2 =	vld.idx.msk [tilespmem:v50+s23+$0x0], $0xffff;
	_ =	sdelay $0x2  }
0x222: {  	v4 =	vor.u32 $0xA04, v0;
	_ =	sdelay $0x1  }
0x223: {  	v2 =	vmul.f32 v2, v51;
	_ =	sdelay $0x1  }
0x224: {  	[tilespmem:v50+s28+$0x0] =	vst.idx.msk $0xffff, v2  }
0x225: {  	v2 =	vld.idx.msk [tilespmem:v4+s23+$0x0], $0xffff;
	_ =	sdelay $0x2  }
0x226: {  	v50 =	vor.u32 $0xA05, v0;
	_ =	sdelay $0x1  }
0x227: {  	v2 =	vmul.f32 v2, v51;
	_ =	sdelay $0x1  }
0x228: {  	[tilespmem:v4+s28+$0x0] =	vst.idx.msk $0xffff, v2  }
0x229: {  	v2 =	vld.idx.msk [tilespmem:v50+s23+$0x0], $0xffff;
	_ =	sdelay $0x2  }
0x22a: {  	v4 =	vor.u32 $0xA06, v0;
	_ =	sdelay $0x1  }
0x22b: {  	v2 =	vmul.f32 v2, v51;
	_ =	sdelay $0x1  }
0x22c: {  	[tilespmem:v50+s28+$0x0] =	vst.idx.msk $0xffff, v2  }
0x22d: {  	v2 =	vld.idx.msk [tilespmem:v4+s23+$0x0], $0xffff;
	_ =	sdelay $0x2  }
0x22e: {  	v50 =	vor.u32 $0xA07, v0;
	_ =	sdelay $0x1  }
0x22f: {  	v2 =	vmul.f32 v2, v51;
	_ =	sdelay $0x1  }
0x230: {  	[tilespmem:v4+s28+$0x0] =	vst.idx.msk $0xffff, v2  }
0x231: {  	v2 =	vld.idx.msk [tilespmem:v50+s23+$0x0], $0xffff;
	_ =	sdelay $0x2  }
0x232: {  	v4 =	vor.u32 $0xA08, v0;
	_ =	sdelay $0x1  }
0x233: {  	v2 =	vmul.f32 v2, v51;
	_ =	sdelay $0x1  }
0x234: {  	[tilespmem:v50+s28+$0x0] =	vst.idx.msk $0xffff, v2  }
0x235: {  	v2 =	vld.idx.msk [tilespmem:v4+s23+$0x0], $0xffff;
	_ =	sdelay $0x1  }
0x236: {  	v27 =	vadd.f32 v27, v63  }
0x237: {  	v50 =	vor.u32 $0xA09, v0  }
0x238: {  	v63 =	vmul.f32 $2.000000030e-01, v27  }
0x239: {  	vm11 =	vge.f32 v27, $0.0e+00;
	v2 =	vmul.f32 v2, v51  }
0x23a: {  	v27 =	vsel vm11, v27, v63  }
0x23b: {  	v27 =	vsub.f32 v27, v62;
	[tilespmem:v4+s28+$0x0] =	vst.idx.msk $0xffff, v2  }
0x23c: {  	v2 =	vld.idx.msk [tilespmem:v50+s23+$0x0], $0xffff  }
0x23d: {  	v4 =	vmul.f32 $1.442695020e+00, v27;
	_ =	sdelay $0x1  }
0x23e: {  	(erf) = vpow2.f32 v4;
	v4 =	vor.u32 $0xA0A, v0;
	_ =	sdelay $0x1  }
0x23f: {  	v2 =	vmul.f32 v2, v51;
	_ =	sdelay $0x1  }
0x240: {  	[tilespmem:v50+s28+$0x0] =	vst.idx.msk $0xffff, v2  }
0x241: {  	v2 =	vld.idx.msk [tilespmem:v4+s23+$0x0], $0xffff;
	_ =	sdelay $0x2  }
0x242: {  	v27 =	vor.u32 $0xA0B, v0  }
0x243: {  	v50 =	vpop (erf)  }
0x244: {  	v2 =	vmul.f32 v2, v50;
	_ =	sdelay $0x1  }
0x245: {  	[tilespmem:v4+s28+$0x0] =	vst.idx.msk $0xffff, v2  }
0x246: {  	v2 =	vld.idx.msk [tilespmem:v27+s23+$0x0], $0xffff;
	_ =	sdelay $0x2  }
0x247: {  	v4 =	vor.u32 $0xA0C, v0;
	_ =	sdelay $0x1  }
0x248: {  	v2 =	vmul.f32 v2, v50;
	_ =	sdelay $0x1  }
0x249: {  	[tilespmem:v27+s28+$0x0] =	vst.idx.msk $0xffff, v2  }
0x24a: {  	v2 =	vld.idx.msk [tilespmem:v4+s23+$0x0], $0xffff;
	_ =	sdelay $0x2  }
0x24b: {  	v27 =	vor.u32 $0xA0D, v0;
	_ =	sdelay $0x1  }
0x24c: {  	v2 =	vmul.f32 v2, v50;
	_ =	sdelay $0x1  }
0x24d: {  	[tilespmem:v4+s28+$0x0] =	vst.idx.msk $0xffff, v2  }
0x24e: {  	v2 =	vld.idx.msk [tilespmem:v27+s23+$0x0], $0xffff;
	_ =	sdelay $0x2  }
0x24f: {  	v4 =	vor.u32 $0xA0E, v0;
	_ =	sdelay $0x1  }
0x250: {  	v2 =	vmul.f32 v2, v50;
	_ =	sdelay $0x1  }
0x251: {  	[tilespmem:v27+s28+$0x0] =	vst.idx.msk $0xffff, v2  }
0x252: {  	v2 =	vld.idx.msk [tilespmem:v4+s23+$0x0], $0xffff;
	_ =	sdelay $0x2  }
0x253: {  	v27 =	vor.u32 $0xA0F, v0;
	_ =	sdelay $0x1  }
0x254: {  	v2 =	vmul.f32 v2, v50;
	_ =	sdelay $0x1  }
0x255: {  	[tilespmem:v4+s28+$0x0] =	vst.idx.msk $0xffff, v2  }
0x256: {  	v2 =	vld.idx.msk [tilespmem:v27+s23+$0x0], $0xffff;
	_ =	sdelay $0x2  }
0x257: {  	v4 =	vor.u32 $0xA10, v0;
	_ =	sdelay $0x1  }
0x258: {  	v2 =	vmul.f32 v2, v50;
	_ =	sdelay $0x1  }
0x259: {  	[tilespmem:v27+s28+$0x0] =	vst.idx.msk $0xffff, v2  }
0x25a: {  	v2 =	vld.idx.msk [tilespmem:v4+s23+$0x0], $0xffff;
	_ =	sdelay $0x2  }
0x25b: {  	v27 =	vor.u32 $0xA11, v0;
	_ =	sdelay $0x1  }
0x25c: {  	v2 =	vmul.f32 v2, v50;
	_ =	sdelay $0x1  }
0x25d: {  	[tilespmem:v4+s28+$0x0] =	vst.idx.msk $0xffff, v2  }
0x25e: {  	v2 =	vld.idx.msk [tilespmem:v27+s23+$0x0], $0xffff;
	_ =	sdelay $0x2  }
0x25f: {  	v4 =	vor.u32 $0xA12, v0;
	_ =	sdelay $0x1  }
0x260: {  	v2 =	vmul.f32 v2, v50;
	_ =	sdelay $0x1  }
0x261: {  	[tilespmem:v27+s28+$0x0] =	vst.idx.msk $0xffff, v2  }
0x262: {  	v2 =	vld.idx.msk [tilespmem:v4+s23+$0x0], $0xffff;
	_ =	sdelay $0x2  }
0x263: {  	v27 =	vor.u32 $0xA13, v0;
	_ =	sdelay $0x1  }
0x264: {  	v2 =	vmul.f32 v2, v50;
	_ =	sdelay $0x1  }
0x265: {  	[tilespmem:v4+s28+$0x0] =	vst.idx.msk $0xffff, v2  }
0x266: {  	v2 =	vld.idx.msk [tilespmem:v27+s23+$0x0], $0xffff;
	_ =	sdelay $0x4  }
0x267: {  	v4 =	vor.u32 $0xC14, v0;
	v2 =	vmul.f32 v2, v50  }
0x268: {  	v63 =	vor.u32 $0x600, v1  }
0x269: {  	[tilespmem:v27+s28+$0x0] =	vst.idx.msk $0xffff, v2  }
0x26a: {  	[tilespmem:v26+s28+$0x0] =	vst.idx.msk $0xffff, v51  }
0x26b: {  	[tilespmem:v3+s28+$0x0] =	vst.idx.msk $0xffff, v50  }
0x26c: {  	v2 =	vld.idx.msk [tilespmem:v4+s23+$0x0], $0xffff  }
0x26d: {  	v3 =	vld.idx.msk [tilespmem:v63+s25+$0x0], $0xffff;
	_ =	sdelay $0x4  }
0x26e: {  	v2 =	vadd.f32 v3, v2;
	_ =	sdelay $0x1  }
0x26f: {  	v3 =	vmul.f32 $2.000000030e-01, v2  }
0x270: {  	vm12 =	vge.f32 v2, $0.0e+00  }
0x271: {  	v2 =	vsel vm12, v2, v3  }
0x272: {  	v2 =	vsub.f32 v2, v61;
	_ =	sdelay $0x1  }
0x273: {  	v2 =	vmul.f32 $1.442695020e+00, v2;
	_ =	sdelay $0x1  }
0x274: {  	(erf) = vpow2.f32 v2;
	v2 =	vor.u32 $0xC00, v0;
	_ =	sdelay $0x4  }
0x275: {  	v26 =	vld.idx.msk [tilespmem:v2+s23+$0x0], $0xffff  }
0x276: {  	v27 =	vor.u32 $0x601, v1  }
0x277: {  	v3 =	vor.u32 $0xC15, v0  }
0x278: {  	v50 =	vor.u32 $0xC01, v0  }
0x279: {  	v51 =	vpop (erf)  }
0x27a: {  	v26 =	vmul.f32 v51, v26  }
0x27b: {  	v27 =	vld.idx.msk [tilespmem:v27+s25+$0x0], $0xffff  }
0x27c: {  	v63 =	vld.idx.msk [tilespmem:v3+s23+$0x0], $0xffff;
	[tilespmem:v2+s28+$0x0] =	vst.idx.msk $0xffff, v26  }
0x27d: {  	v2 =	vld.idx.msk [tilespmem:v50+s23+$0x0], $0xffff;
	_ =	sdelay $0x2  }
0x27e: {  	v26 =	vor.u32 $0xC02, v0;
	_ =	sdelay $0x1  }
0x27f: {  	v2 =	vmul.f32 v51, v2;
	_ =	sdelay $0x1  }
0x280: {  	[tilespmem:v50+s28+$0x0] =	vst.idx.msk $0xffff, v2  }
0x281: {  	v2 =	vld.idx.msk [tilespmem:v26+s23+$0x0], $0xffff;
	_ =	sdelay $0x2  }
0x282: {  	v50 =	vor.u32 $0xC03, v0;
	_ =	sdelay $0x1  }
0x283: {  	v2 =	vmul.f32 v51, v2;
	_ =	sdelay $0x1  }
0x284: {  	[tilespmem:v26+s28+$0x0] =	vst.idx.msk $0xffff, v2  }
0x285: {  	v2 =	vld.idx.msk [tilespmem:v50+s23+$0x0], $0xffff;
	_ =	sdelay $0x2  }
0x286: {  	v26 =	vor.u32 $0xC04, v0;
	_ =	sdelay $0x1  }
0x287: {  	v2 =	vmul.f32 v2, v51;
	_ =	sdelay $0x1  }
0x288: {  	[tilespmem:v50+s28+$0x0] =	vst.idx.msk $0xffff, v2  }
0x289: {  	v2 =	vld.idx.msk [tilespmem:v26+s23+$0x0], $0xffff;
	_ =	sdelay $0x2  }
0x28a: {  	v50 =	vor.u32 $0xC05, v0;
	_ =	sdelay $0x1  }
0x28b: {  	v2 =	vmul.f32 v2, v51;
	_ =	sdelay $0x1  }
0x28c: {  	[tilespmem:v26+s28+$0x0] =	vst.idx.msk $0xffff, v2  }
0x28d: {  	v2 =	vld.idx.msk [tilespmem:v50+s23+$0x0], $0xffff;
	_ =	sdelay $0x2  }
0x28e: {  	v26 =	vor.u32 $0xC06, v0;
	_ =	sdelay $0x1  }
0x28f: {  	v2 =	vmul.f32 v2, v51;
	_ =	sdelay $0x1  }
0x290: {  	[tilespmem:v50+s28+$0x0] =	vst.idx.msk $0xffff, v2  }
0x291: {  	v2 =	vld.idx.msk [tilespmem:v26+s23+$0x0], $0xffff;
	_ =	sdelay $0x2  }
0x292: {  	v50 =	vor.u32 $0xC07, v0;
	_ =	sdelay $0x1  }
0x293: {  	v2 =	vmul.f32 v2, v51;
	_ =	sdelay $0x1  }
0x294: {  	[tilespmem:v26+s28+$0x0] =	vst.idx.msk $0xffff, v2  }
0x295: {  	v2 =	vld.idx.msk [tilespmem:v50+s23+$0x0], $0xffff;
	_ =	sdelay $0x2  }
0x296: {  	v26 =	vor.u32 $0xC08, v0;
	_ =	sdelay $0x1  }
0x297: {  	v2 =	vmul.f32 v2, v51;
	_ =	sdelay $0x1  }
0x298: {  	[tilespmem:v50+s28+$0x0] =	vst.idx.msk $0xffff, v2  }
0x299: {  	v2 =	vld.idx.msk [tilespmem:v26+s23+$0x0], $0xffff;
	_ =	sdelay $0x1  }
0x29a: {  	v27 =	vadd.f32 v27, v63  }
0x29b: {  	v50 =	vor.u32 $0xC09, v0  }
0x29c: {  	v63 =	vmul.f32 $2.000000030e-01, v27  }
0x29d: {  	vm13 =	vge.f32 v27, $0.0e+00;
	v2 =	vmul.f32 v2, v51  }
0x29e: {  	v27 =	vsel vm13, v27, v63  }
0x29f: {  	v27 =	vsub.f32 v27, v62;
	[tilespmem:v26+s28+$0x0] =	vst.idx.msk $0xffff, v2  }
0x2a0: {  	v2 =	vld.idx.msk [tilespmem:v50+s23+$0x0], $0xffff  }
0x2a1: {  	v26 =	vmul.f32 $1.442695020e+00, v27;
	_ =	sdelay $0x1  }
0x2a2: {  	(erf) = vpow2.f32 v26;
	v26 =	vor.u32 $0xC0A, v0;
	_ =	sdelay $0x1  }
0x2a3: {  	v2 =	vmul.f32 v2, v51;
	_ =	sdelay $0x1  }
0x2a4: {  	[tilespmem:v50+s28+$0x0] =	vst.idx.msk $0xffff, v2  }
0x2a5: {  	v2 =	vld.idx.msk [tilespmem:v26+s23+$0x0], $0xffff;
	_ =	sdelay $0x2  }
0x2a6: {  	v27 =	vor.u32 $0xC0B, v0  }
0x2a7: {  	v50 =	vpop (erf)  }
0x2a8: {  	v2 =	vmul.f32 v2, v50;
	_ =	sdelay $0x1  }
0x2a9: {  	[tilespmem:v26+s28+$0x0] =	vst.idx.msk $0xffff, v2  }
0x2aa: {  	v2 =	vld.idx.msk [tilespmem:v27+s23+$0x0], $0xffff;
	_ =	sdelay $0x2  }
0x2ab: {  	v26 =	vor.u32 $0xC0C, v0;
	_ =	sdelay $0x1  }
0x2ac: {  	v2 =	vmul.f32 v2, v50;
	_ =	sdelay $0x1  }
0x2ad: {  	[tilespmem:v27+s28+$0x0] =	vst.idx.msk $0xffff, v2  }
0x2ae: {  	v2 =	vld.idx.msk [tilespmem:v26+s23+$0x0], $0xffff;
	_ =	sdelay $0x2  }
0x2af: {  	v27 =	vor.u32 $0xC0D, v0;
	_ =	sdelay $0x1  }
0x2b0: {  	v2 =	vmul.f32 v2, v50;
	_ =	sdelay $0x1  }
0x2b1: {  	[tilespmem:v26+s28+$0x0] =	vst.idx.msk $0xffff, v2  }
0x2b2: {  	v2 =	vld.idx.msk [tilespmem:v27+s23+$0x0], $0xffff;
	_ =	sdelay $0x2  }
0x2b3: {  	v26 =	vor.u32 $0xC0E, v0;
	_ =	sdelay $0x1  }
0x2b4: {  	v2 =	vmul.f32 v2, v50;
	_ =	sdelay $0x1  }
0x2b5: {  	[tilespmem:v27+s28+$0x0] =	vst.idx.msk $0xffff, v2  }
0x2b6: {  	v2 =	vld.idx.msk [tilespmem:v26+s23+$0x0], $0xffff;
	_ =	sdelay $0x2  }
0x2b7: {  	v27 =	vor.u32 $0xC0F, v0;
	_ =	sdelay $0x1  }
0x2b8: {  	v2 =	vmul.f32 v2, v50;
	_ =	sdelay $0x1  }
0x2b9: {  	[tilespmem:v26+s28+$0x0] =	vst.idx.msk $0xffff, v2  }
0x2ba: {  	v2 =	vld.idx.msk [tilespmem:v27+s23+$0x0], $0xffff;
	_ =	sdelay $0x2  }
0x2bb: {  	v26 =	vor.u32 $0xC10, v0;
	_ =	sdelay $0x1  }
0x2bc: {  	v2 =	vmul.f32 v2, v50;
	_ =	sdelay $0x1  }
0x2bd: {  	[tilespmem:v27+s28+$0x0] =	vst.idx.msk $0xffff, v2  }
0x2be: {  	v2 =	vld.idx.msk [tilespmem:v26+s23+$0x0], $0xffff;
	_ =	sdelay $0x2  }
0x2bf: {  	v27 =	vor.u32 $0xC11, v0;
	_ =	sdelay $0x1  }
0x2c0: {  	v2 =	vmul.f32 v2, v50;
	_ =	sdelay $0x1  }
0x2c1: {  	[tilespmem:v26+s28+$0x0] =	vst.idx.msk $0xffff, v2  }
0x2c2: {  	v2 =	vld.idx.msk [tilespmem:v27+s23+$0x0], $0xffff;
	_ =	sdelay $0x2  }
0x2c3: {  	v26 =	vor.u32 $0xC12, v0;
	_ =	sdelay $0x1  }
0x2c4: {  	v2 =	vmul.f32 v2, v50;
	_ =	sdelay $0x1  }
0x2c5: {  	[tilespmem:v27+s28+$0x0] =	vst.idx.msk $0xffff, v2  }
0x2c6: {  	v2 =	vld.idx.msk [tilespmem:v26+s23+$0x0], $0xffff;
	_ =	sdelay $0x2  }
0x2c7: {  	v27 =	vor.u32 $0xC13, v0;
	_ =	sdelay $0x1  }
0x2c8: {  	v2 =	vmul.f32 v2, v50;
	_ =	sdelay $0x1  }
0x2c9: {  	[tilespmem:v26+s28+$0x0] =	vst.idx.msk $0xffff, v2  }
0x2ca: {  	v2 =	vld.idx.msk [tilespmem:v27+s23+$0x0], $0xffff;
	_ =	sdelay $0x4  }
0x2cb: {  	v26 =	vor.u32 $0xE14, v0;
	v2 =	vmul.f32 v2, v50  }
0x2cc: {  	v63 =	vor.u32 $0x700, v1  }
0x2cd: {  	[tilespmem:v27+s28+$0x0] =	vst.idx.msk $0xffff, v2  }
0x2ce: {  	[tilespmem:v4+s28+$0x0] =	vst.idx.msk $0xffff, v51  }
0x2cf: {  	[tilespmem:v3+s28+$0x0] =	vst.idx.msk $0xffff, v50  }
0x2d0: {  	v2 =	vld.idx.msk [tilespmem:v26+s23+$0x0], $0xffff  }
0x2d1: {  	v3 =	vld.idx.msk [tilespmem:v63+s25+$0x0], $0xffff;
	_ =	sdelay $0x4  }
0x2d2: {  	v2 =	vadd.f32 v3, v2;
	_ =	sdelay $0x1  }
0x2d3: {  	v3 =	vmul.f32 $2.000000030e-01, v2  }
0x2d4: {  	vm14 =	vge.f32 v2, $0.0e+00  }
0x2d5: {  	v2 =	vsel vm14, v2, v3  }
0x2d6: {  	v2 =	vsub.f32 v2, v61;
	_ =	sdelay $0x1  }
0x2d7: {  	v2 =	vmul.f32 $1.442695020e+00, v2;
	_ =	sdelay $0x1  }
0x2d8: {  	(erf) = vpow2.f32 v2;
	v2 =	vor.u32 $0xE00, v0;
	_ =	sdelay $0x4  }
0x2d9: {  	v4 =	vld.idx.msk [tilespmem:v2+s23+$0x0], $0xffff  }
0x2da: {  	v27 =	vor.u32 $0x701, v1  }
0x2db: {  	v3 =	vor.u32 $0xE15, v0  }
0x2dc: {  	v50 =	vor.u32 $0xE01, v0  }
0x2dd: {  	v51 =	vpop (erf)  }
0x2de: {  	v4 =	vmul.f32 v51, v4  }
0x2df: {  	v27 =	vld.idx.msk [tilespmem:v27+s25+$0x0], $0xffff  }
0x2e0: {  	v63 =	vld.idx.msk [tilespmem:v3+s23+$0x0], $0xffff;
	[tilespmem:v2+s28+$0x0] =	vst.idx.msk $0xffff, v4  }
0x2e1: {  	v2 =	vld.idx.msk [tilespmem:v50+s23+$0x0], $0xffff;
	_ =	sdelay $0x2  }
0x2e2: {  	v4 =	vor.u32 $0xE02, v0;
	_ =	sdelay $0x1  }
0x2e3: {  	v2 =	vmul.f32 v51, v2;
	_ =	sdelay $0x1  }
0x2e4: {  	[tilespmem:v50+s28+$0x0] =	vst.idx.msk $0xffff, v2  }
0x2e5: {  	v2 =	vld.idx.msk [tilespmem:v4+s23+$0x0], $0xffff;
	_ =	sdelay $0x2  }
0x2e6: {  	v50 =	vor.u32 $0xE03, v0;
	_ =	sdelay $0x1  }
0x2e7: {  	v2 =	vmul.f32 v51, v2;
	_ =	sdelay $0x1  }
0x2e8: {  	[tilespmem:v4+s28+$0x0] =	vst.idx.msk $0xffff, v2  }
0x2e9: {  	v2 =	vld.idx.msk [tilespmem:v50+s23+$0x0], $0xffff;
	_ =	sdelay $0x2  }
0x2ea: {  	v4 =	vor.u32 $0xE04, v0;
	_ =	sdelay $0x1  }
0x2eb: {  	v2 =	vmul.f32 v2, v51;
	_ =	sdelay $0x1  }
0x2ec: {  	[tilespmem:v50+s28+$0x0] =	vst.idx.msk $0xffff, v2  }
0x2ed: {  	v2 =	vld.idx.msk [tilespmem:v4+s23+$0x0], $0xffff;
	_ =	sdelay $0x2  }
0x2ee: {  	v50 =	vor.u32 $0xE05, v0;
	_ =	sdelay $0x1  }
0x2ef: {  	v2 =	vmul.f32 v2, v51;
	_ =	sdelay $0x1  }
0x2f0: {  	[tilespmem:v4+s28+$0x0] =	vst.idx.msk $0xffff, v2  }
0x2f1: {  	v2 =	vld.idx.msk [tilespmem:v50+s23+$0x0], $0xffff;
	_ =	sdelay $0x2  }
0x2f2: {  	v4 =	vor.u32 $0xE06, v0;
	_ =	sdelay $0x1  }
0x2f3: {  	v2 =	vmul.f32 v2, v51;
	_ =	sdelay $0x1  }
0x2f4: {  	[tilespmem:v50+s28+$0x0] =	vst.idx.msk $0xffff, v2  }
0x2f5: {  	v2 =	vld.idx.msk [tilespmem:v4+s23+$0x0], $0xffff;
	_ =	sdelay $0x2  }
0x2f6: {  	v50 =	vor.u32 $0xE07, v0;
	_ =	sdelay $0x1  }
0x2f7: {  	v2 =	vmul.f32 v2, v51;
	_ =	sdelay $0x1  }
0x2f8: {  	[tilespmem:v4+s28+$0x0] =	vst.idx.msk $0xffff, v2  }
0x2f9: {  	v2 =	vld.idx.msk [tilespmem:v50+s23+$0x0], $0xffff;
	_ =	sdelay $0x2  }
0x2fa: {  	v4 =	vor.u32 $0xE08, v0;
	_ =	sdelay $0x1  }
0x2fb: {  	v2 =	vmul.f32 v2, v51;
	_ =	sdelay $0x1  }
0x2fc: {  	[tilespmem:v50+s28+$0x0] =	vst.idx.msk $0xffff, v2  }
0x2fd: {  	v2 =	vld.idx.msk [tilespmem:v4+s23+$0x0], $0xffff;
	_ =	sdelay $0x1  }
0x2fe: {  	v27 =	vadd.f32 v27, v63  }
0x2ff: {  	v50 =	vor.u32 $0xE09, v0  }
0x300: {  	v63 =	vmul.f32 $2.000000030e-01, v27  }
0x301: {  	vm15 =	vge.f32 v27, $0.0e+00;
	v2 =	vmul.f32 v2, v51  }
0x302: {  	v27 =	vsel vm15, v27, v63  }
0x303: {  	v27 =	vsub.f32 v27, v62;
	[tilespmem:v4+s28+$0x0] =	vst.idx.msk $0xffff, v2  }
0x304: {  	v2 =	vld.idx.msk [tilespmem:v50+s23+$0x0], $0xffff  }
0x305: {  	v4 =	vmul.f32 $1.442695020e+00, v27;
	_ =	sdelay $0x1  }
0x306: {  	(erf) = vpow2.f32 v4;
	v4 =	vor.u32 $0xE0A, v0;
	_ =	sdelay $0x1  }
0x307: {  	v2 =	vmul.f32 v2, v51;
	_ =	sdelay $0x1  }
0x308: {  	[tilespmem:v50+s28+$0x0] =	vst.idx.msk $0xffff, v2  }
0x309: {  	v2 =	vld.idx.msk [tilespmem:v4+s23+$0x0], $0xffff;
	_ =	sdelay $0x2  }
0x30a: {  	v27 =	vor.u32 $0xE0B, v0  }
0x30b: {  	v63 =	vpop (erf)  }
0x30c: {  	v2 =	vmul.f32 v2, v63;
	_ =	sdelay $0x1  }
0x30d: {  	[tilespmem:v4+s28+$0x0] =	vst.idx.msk $0xffff, v2  }
0x30e: {  	v2 =	vld.idx.msk [tilespmem:v27+s23+$0x0], $0xffff;
	_ =	sdelay $0x2  }
0x30f: {  	v4 =	vor.u32 $0xE0C, v0;
	_ =	sdelay $0x1  }
0x310: {  	v2 =	vmul.f32 v2, v63;
	_ =	sdelay $0x1  }
0x311: {  	[tilespmem:v27+s28+$0x0] =	vst.idx.msk $0xffff, v2  }
0x312: {  	v2 =	vld.idx.msk [tilespmem:v4+s23+$0x0], $0xffff;
	_ =	sdelay $0x2  }
0x313: {  	v27 =	vor.u32 $0xE0D, v0;
	_ =	sdelay $0x1  }
0x314: {  	v2 =	vmul.f32 v2, v63;
	_ =	sdelay $0x1  }
0x315: {  	[tilespmem:v4+s28+$0x0] =	vst.idx.msk $0xffff, v2  }
0x316: {  	v2 =	vld.idx.msk [tilespmem:v27+s23+$0x0], $0xffff;
	_ =	sdelay $0x2  }
0x317: {  	v4 =	vor.u32 $0xE0E, v0;
	_ =	sdelay $0x1  }
0x318: {  	v2 =	vmul.f32 v2, v63;
	_ =	sdelay $0x1  }
0x319: {  	[tilespmem:v27+s28+$0x0] =	vst.idx.msk $0xffff, v2  }
0x31a: {  	v2 =	vld.idx.msk [tilespmem:v4+s23+$0x0], $0xffff;
	_ =	sdelay $0x2  }
0x31b: {  	v27 =	vor.u32 $0xE0F, v0;
	_ =	sdelay $0x1  }
0x31c: {  	v2 =	vmul.f32 v2, v63;
	_ =	sdelay $0x1  }
0x31d: {  	[tilespmem:v4+s28+$0x0] =	vst.idx.msk $0xffff, v2  }
0x31e: {  	v2 =	vld.idx.msk [tilespmem:v27+s23+$0x0], $0xffff;
	_ =	sdelay $0x2  }
0x31f: {  	v4 =	vor.u32 $0xE10, v0;
	_ =	sdelay $0x1  }
0x320: {  	v2 =	vmul.f32 v2, v63;
	_ =	sdelay $0x1  }
0x321: {  	[tilespmem:v27+s28+$0x0] =	vst.idx.msk $0xffff, v2  }
0x322: {  	v2 =	vld.idx.msk [tilespmem:v4+s23+$0x0], $0xffff;
	_ =	sdelay $0x2  }
0x323: {  	v27 =	vor.u32 $0xE11, v0;
	_ =	sdelay $0x1  }
0x324: {  	v2 =	vmul.f32 v2, v63;
	_ =	sdelay $0x1  }
0x325: {  	[tilespmem:v4+s28+$0x0] =	vst.idx.msk $0xffff, v2  }
0x326: {  	v2 =	vld.idx.msk [tilespmem:v27+s23+$0x0], $0xffff;
	_ =	sdelay $0x2  }
0x327: {  	v4 =	vor.u32 $0xE12, v0;
	_ =	sdelay $0x1  }
0x328: {  	v2 =	vmul.f32 v2, v63;
	_ =	sdelay $0x1  }
0x329: {  	[tilespmem:v27+s28+$0x0] =	vst.idx.msk $0xffff, v2  }
0x32a: {  	v2 =	vld.idx.msk [tilespmem:v4+s23+$0x0], $0xffff;
	_ =	sdelay $0x2  }
0x32b: {  	v27 =	vor.u32 $0xE13, v0;
	_ =	sdelay $0x1  }
0x32c: {  	v2 =	vmul.f32 v2, v63;
	_ =	sdelay $0x1  }
0x32d: {  	[tilespmem:v4+s28+$0x0] =	vst.idx.msk $0xffff, v2  }
0x32e: {  	v2 =	vld.idx.msk [tilespmem:v27+s23+$0x0], $0xffff;
	_ =	sdelay $0x4  }
0x32f: {  	v2 =	vmul.f32 v2, v63;
	_ =	sdelay $0x1  }
0x330: {  	[tilespmem:v27+s28+$0x0] =	vst.idx.msk $0xffff, v2  }
0x331: {  	p0 =	sne.s32 s30, $0x510;
	v50 =	vld [tilespmem:$0x1FFE0];
	[tilespmem:v26+s28+$0x0] =	vst.idx.msk $0xffff, v51  }
.Ltmp0:
0x332: {  	v2 =	vld [tilespmem:$0x1FFC0];
	[tilespmem:v3+s28+$0x0] =	vst.idx.msk $0xffff, v63;
	(pc) =	sbr.rel @p0 .LBB2_2-.Ltmp0, $4  }
0x333: {  	v51 =	vld [tilespmem:$0x1FFF0];
	[spmem:s3] =	stream.indirect.scatter.add.f32 [tilespmem:s28], [sflag:$0x3], $0x20, s21, s22, $0xb8  }
0x334: {  	v3 =	vld [tilespmem:$0x1FFD0];
	_ =	swait.ge [sflag:s18], $0x1000  }
0x335: {  	[sflag:s18] =	ssyncset.done $0x0  }
0x336: {  	s30 =	sadd.s32 $0x10, s30;
	[sflag:s18] =	ssyncadd.s32 $0xFFFFF000  }
0x337: {  	s29 =	sadd.s32 $0x1, s29  }
0x338: {  	s30 =	sshll.u32 s0, $0x6;
	[bflag:$0x0] =	sbarrier.arrive $0xFFFF;
	p0 =	sne.s32 s29, s14  }
.Ltmp1:
0x339: {  	s31 =	sshrl.u32 s8, $0x3;
	s30 =	sor.u32 $0x1C03, s30;
	(pc) =	sbr.rel @p0 .LBB2_1-.Ltmp1, $4  }
0x33a: {  	[hbm:s13], [sflag:s30] =	dma.local [spmem:s31], $0xA00  }
0x33b: {  	_ =	swait.ge [sflag:s18], $0xA00  }
0x33c: {  	[sflag:s18] =	ssyncset.done $0x0  }
0x33d: {  	[sflag:s18] =	ssyncadd.s32 $0xFFFFF600  }
0x33e: {  	_ =	sfence.sel $0x180000  }
0x33f: {  	[bflag:$0x0] =	sbarrier.arrive $0xFFFF  }
0x340: {  	p0 =	sne.s32 s0, $0x0;
	_ =	strace $0x9000004A  }
0x341: {  	s0 =	sadd.s32 @!p0 $0x100000, s2;
	[bflag:$0x2] =	sbarrier.arrive $0xFFFF  }
0x342: {  	[sflag:s0] =	ssyncadd.tile.s32 @!p0 $0x1;
	_ =	shalt  }
.Lfunc_end2:
_tile_overlayer_lowered:
.L_overlay_start_2:
0x343: {  	(tag) =	ssettag $0x2  }
0x344: {  	s0 =	rddreg [dreg:$0x0];
	s2 =	stileid.u32  }
0x345: {  	s1 =	rddreg [dreg:$0x1];
	p0 =	sne.s32 s2, $0x0  }
0x346: {  	s3 =	rddreg [dreg:$0x2];
	[bflag:$0x3] =	sbarrier.arrive $0xFFFF;
	s2 =	simm.s32 @!p0 $0x1C03  }
0x347: {  	[timem:s3], [sflag:s2] =	dma.local @!p0 [hbm:s0], s1  }
0x348: {  	s0 =	simm.s32 @!p0 $0x3  }
0x349: {  	_ =	swait.ge @!p0 [sflag:s0], s1  }
0x34a: {  	s1 =	ssub.s32 @!p0 $0x0, s1;
	[sflag:s0] =	ssyncset.done @!p0 $0x0  }
0x34b: {  	[sflag:s0] =	ssyncadd.s32 @!p0 s1  }
0x34c: {  	[bflag:$0x3] =	sbarrier.arrive $0xFFFF  }
0x34d: {  	_ =	shalt  }

// kernel: kernel.7.cloned.1.call-start
scs
__scs_entry_jumppad:
0x0: {  	(pc) =	sbr.rel $0x88, $3  }
0x1: {  	(tag) =	ssettag $0x0;
	lr =	simm.s32 $0x1  }
0x2: {  	[smem:$0x3F95] =	sst lr;
	_ =	strace $0xD0000000  }
0x3: {  	_ = 	snop  }
0x4: {  	_ = 	snop  }
0x5: {  	_ = 	snop  }
0x6: {  	_ = 	snop  }
0x7: {  	_ = 	snop  }
__scs_overlays_trampoline_lowered:
0x8: {  	[smem:$0x3FA4] =	sst s0  }
0x9: {  	[smem:$0x3FA5] =	sst s1  }
0xa: {  	[smem:$0x3FA6] =	sst s2  }
0xb: {  	[smem:$0x3FA7] =	sst s3  }
0xc: {  	[smem:$0x3FA8] =	sst s4  }
0xd: {  	[smem:$0x3FA9] =	sst s5  }
0xe: {  	[smem:$0x3FAA] =	sst s6  }
0xf: {  	[smem:$0x3FAB] =	sst s7  }
0x10: {  	[smem:$0x3FAC] =	sst s8  }
0x11: {  	[smem:$0x3FAD] =	sst s9;
	s0 =	simm.s32 @!p0 $0x0  }
0x12: {  	s1 =	sld [smem:$0x3F93];
	s0 =	simm.s32 @p0 $0x1  }
0x13: {  	[smem:$0x3FAE] =	sst s0;
	s0 =	simm.s32 @!p1 $0x0  }
0x14: {  	s2 =	sld [smem:$0x3F92];
	s0 =	simm.s32 @p1 $0x1  }
0x15: {  	[smem:$0x3FAF] =	sst s0;
	s0 =	simm.s32 @!p2 $0x0  }
0x16: {  	s3 =	sld [smem:$0x3FDB];
	s0 =	simm.s32 @p2 $0x1  }
0x17: {  	s4 =	simm.s32 $0x1BF5;
	[smem:$0x3FB1] =	sst s0  }
0x18: {  	s0 =	sld [smem:$0x3F94];
	_ =	swait.ge [sflag:s4], $0x0  }
0x19: {  	s7 =	sld [smem:$0x3F95]  }
0x1a: {  	s8 =	sadd.s32 $0xFFFFE003, lr  }
0x1b: {  	s9 =	sadd.s32 $0xFFFFFEF7, lr;
	s5 =	simm.s32 $0xFFFFFFFF;
	p2 =	slt.u32 s8, $0xFFFFF086  }
0x1c: {  	p1 =	slt.u32 s9, $0xF7A;
	s5 =	simm.s32 @!p2 $0x0  }
0x1d: {  	s5 =	simm.s32 @p1 $0x1;
	p0 =	seq.s32 s7, s2  }
0x1e: {  	s7 =	smul.u32 @!p0 $0xF7A, s2;
	p2 =	seq.s32 @!p0 s5, $0x0  }
0x1f: {  	s9 =	smul.u32 $0xF7A, s1;
	s8 =	simm.s32 @!p0 $0x1BF5;
	p2 =	por !p2, p0  }
0x20: {  	[sflag:s8] =	ssyncset.s32 @!p0 $0xFFFFF086;
	s6 =	sadd.s32 @!p0 s3, s7;
	s7 =	simm.s32 @!p0 $0x108  }
0x21: {  	s3 =	sadd.s32 s3, s9;
	s6 =	sadd.s32 @!p0 $0x88, s6;
	s7 =	simm.s32 @p2 $0x1082  }
0x22: {  	[simem:s7], [sflag:s8] =	dma.local @!p0 [hbm:s6], $0xF7A  }
0x23: {  	s9 =	sor.u32 $0xD0000000, s2;
	s6 =	simm.s32 $0x108;
	_ =	swait.ge @!p0 [sflag:s8], $0x0  }
0x24: {  	s3 =	sadd.s32 $0x88, s3;
	s6 =	simm.s32 @!p1 $0x1082;
	[sflag:s4] =	ssyncset.s32 $0xFFFFF086  }
0x25: {  	[simem:s6], [sflag:s4] =	dma.local [hbm:s3], $0xF7A  }
0x26: {  	[smem:$0x3F95] =	sst s1;
	(tag) =	ssettag s2;
	_ =	strace s9  }
0x27: {  	s1 =	sld [smem:$0x3FA5]  }
0x28: {  	s2 =	sld [smem:$0x3FA6]  }
0x29: {  	s4 =	sld [smem:$0x3FA8]  }
0x2a: {  	p0 =	seq.s32 s5, $0x0;
	s5 =	sld [smem:$0x3FA9]  }
0x2b: {  	s6 =	sld [smem:$0x3FAA]  }
0x2c: {  	s7 =	sld [smem:$0x3FAB]  }
0x2d: {  	s3 =	simm.s32 $0x108;
	s8 =	sld [smem:$0x3FAC]  }
0x2e: {  	s3 =	simm.s32 @!p0 $0x1082;
	s9 =	sld [smem:$0x3FAD]  }
0x2f: {  	lr =	sadd.s32 s0, s3;
	s0 =	sld [smem:$0x3FA4]  }
0x30: {  	s3 =	sld [smem:$0x3FA7]  }
0x31: {  	[smem:$0x3FB0] =	sst s10  }
0x32: {  	s10 =	sld [smem:$0x3FAE];
	_ =	sdelay $0x3  }
0x33: {  	p0 =	seq.s32 s10, $0x1;
	s10 =	sld [smem:$0x3FB0];
	_ =	sdelay $0x3  }
0x34: {  	[smem:$0x3FB0] =	sst s10  }
0x35: {  	s10 =	sld [smem:$0x3FAF];
	_ =	sdelay $0x3  }
0x36: {  	p1 =	seq.s32 s10, $0x1;
	s10 =	sld [smem:$0x3FB0];
	_ =	sdelay $0x3  }
0x37: {  	[smem:$0x3FB0] =	sst s10  }
0x38: {  	s10 =	sld [smem:$0x3FB1]  }
0x39: {  	_ = 	snop;
	(pc) =	sbr.ind lr, $3  }
0x3a: {  	_ = 	snop  }
0x3b: {  	_ = 	snop  }
0x3c: {  	p2 =	seq.s32 s10, $0x1;
	s10 =	sld [smem:$0x3FB0]  }
0x3d: {  	_ =	shalt  }
0x3e: {  	_ =	shalt  }
0x3f: {  	_ =	shalt  }
0x40: {  	_ =	shalt  }
0x41: {  	_ =	shalt  }
0x42: {  	_ =	shalt  }
0x43: {  	_ =	shalt  }
0x44: {  	_ =	shalt  }
0x45: {  	_ =	shalt  }
0x46: {  	_ =	shalt  }
0x47: {  	_ =	shalt  }
0x48: {  	_ =	shalt  }
0x49: {  	_ =	shalt  }
0x4a: {  	_ =	shalt  }
0x4b: {  	_ =	shalt  }
0x4c: {  	_ =	shalt  }
0x4d: {  	_ =	shalt  }
0x4e: {  	_ =	shalt  }
0x4f: {  	_ =	shalt  }
0x50: {  	_ =	shalt  }
0x51: {  	_ =	shalt  }
0x52: {  	_ =	shalt  }
0x53: {  	_ =	shalt  }
0x54: {  	_ =	shalt  }
0x55: {  	_ =	shalt  }
0x56: {  	_ =	shalt  }
0x57: {  	_ =	shalt  }
0x58: {  	_ =	shalt  }
0x59: {  	_ =	shalt  }
0x5a: {  	_ =	shalt  }
0x5b: {  	_ =	shalt  }
0x5c: {  	_ =	shalt  }
0x5d: {  	_ =	shalt  }
0x5e: {  	_ =	shalt  }
0x5f: {  	_ =	shalt  }
0x60: {  	_ =	shalt  }
0x61: {  	_ =	shalt  }
0x62: {  	_ =	shalt  }
0x63: {  	_ =	shalt  }
0x64: {  	_ =	shalt  }
0x65: {  	_ =	shalt  }
0x66: {  	_ =	shalt  }
0x67: {  	_ =	shalt  }
0x68: {  	_ =	shalt  }
0x69: {  	_ =	shalt  }
0x6a: {  	_ =	shalt  }
0x6b: {  	_ =	shalt  }
0x6c: {  	_ =	shalt  }
0x6d: {  	_ =	shalt  }
0x6e: {  	_ =	shalt  }
0x6f: {  	_ =	shalt  }
0x70: {  	_ =	shalt  }
0x71: {  	_ =	shalt  }
0x72: {  	_ =	shalt  }
0x73: {  	_ =	shalt  }
0x74: {  	_ =	shalt  }
0x75: {  	_ =	shalt  }
0x76: {  	_ =	shalt  }
0x77: {  	_ =	shalt  }
0x78: {  	_ =	shalt  }
0x79: {  	_ =	shalt  }
0x7a: {  	_ =	shalt  }
0x7b: {  	_ =	shalt  }
0x7c: {  	_ =	shalt  }
0x7d: {  	_ =	shalt  }
0x7e: {  	_ =	shalt  }
0x7f: {  	_ =	shalt  }
0x80: {  	_ =	shalt  }
0x81: {  	_ =	shalt  }
0x82: {  	_ =	shalt  }
0x83: {  	_ =	shalt  }
0x84: {  	_ =	shalt  }
0x85: {  	_ =	shalt  }
0x86: {  	_ =	shalt  }
0x87: {  	_ =	shalt  }
.Lfunc_end0:
.L_simem_size_0:
called_computation_lowered:
.L_overlay_start_0:
0x88: {  	s2 =	sld [smem:$0x3FD9]  }
0x89: {  	s3 =	sld [smem:$0x3FFE];
	_ =	sdelay $0x1  }
0x8a: {  	s1 =	srdreg.scid  }
0x8b: {  	s0 =	sand.u32 $0x1, s1  }
0x8c: {  	s16 =	sshll.u32 s0, $0xA;
	s2 =	sadd.s32 s3, s2  }
0x8d: {  	s2 =	sadd.s32 s2, s16  }
0x8e: {  	[smem:$0x3FBC] =	sst s2  }
0x8f: {  	_ = 	snop  }
0x90: {  	(tm) =	ssettm $0x1  }
0x91: {  	s17 =	sld [smem:$0x3FFB];
	_ =	sdelay $0x3  }
0x92: {  	_ =	strace s17  }
0x93: {  	s2 =	sld [smem:$0x3FFC];
	_ =	sdelay $0x3  }
0x94: {  	_ =	strace s2  }
0x95: {  	s2 =	sld [smem:$0x3FFD];
	_ =	sdelay $0x3  }
0x96: {  	_ =	strace s2  }
0x97: {  	_ =	strace $0x8FFFFFFF  }
0x98: {  	s18 =	sld [smem:$0x3FDB];
	_ =	sdelay $0x1  }
0x99: {  	s19 =	simm.s32 $_scs_section_size  }
0x9a: {  	s4 =	simm.s32 $_size__tile_overlayer_lowered;
	s5 =	simm.s32 $_tile_overlayer_lowered  }
0x9b: {  	s22 =	simm.s32 $0x1BFF;
	s21 =	sshll.u32 s5, $0x1;
	s2 =	sadd.s32 s19, s18  }
0x9c: {  	s6 =	simm.s32 $0x0;
	s20 =	sshll.u32 s4, $0x1;
	s4 =	sadd.s32 s21, s2  }
0x9d: {  	[timem:s6], [sflag:s22] =	dma.local [hbm:s4], s20  }
0x9e: {  	_ =	swait.ge [sflag:s22], s20  }
0x9f: {  	s3 =	ssub.s32 $0x0, s20;
	[sflag:s22] =	ssyncset.done $0x0  }
0xa0: {  	[sflag:s22] =	ssyncadd.s32 s3;
	_ =	sdelay $0x1  }
0xa1: {  	s23 =	simm.s32 $0x1B8B  }
0xa2: {  	_ =	swait.ge [sflag:s23], $0x1  }
0xa3: {  	[sflag:s23] =	ssyncset.done $0x0  }
0xa4: {  	s25 =	simm.s32 $0x1B8E;
	s24 =	sld [smem:$0x3FFE];
	[sflag:s23] =	ssyncadd.s32 $0xFFFFFFFF  }
0xa5: {  	s26 =	simm.s32 $execute0_lowered;
	[smem:$0x3FD2] =	sst s25  }
0xa6: {  	s4 =	sshll.u32 s26, $0x1;
	_ =	strace $0x80000046;
	[dreg:$0x1] =	wrdreg $0xFFFFFFFF  }
0xa7: {  	s28 =	simm.s32 $_size_execute0_lowered;
	s2 =	sadd.s32 s2, s4;
	[dreg:$0x0] =	wrdreg $0x0  }
0xa8: {  	s4 =	sshll.u32 s28, $0x1;
	[dreg:$0x2] =	wrdreg s2  }
0xa9: {  	[dreg:$0x3] =	wrdreg s4  }
0xaa: {  	[dreg:$0x4] =	wrdreg $0xC0  }
0xab: {  	_ =	task [dreg:s6], $0x5FFFF  }
0xac: {  	[dreg:$0x1] =	wrdreg $0xFFFFFFFF  }
0xad: {  	[dreg:$0x0] =	wrdreg $0x60  }
0xae: {  	[dreg:$0x2] =	wrdreg s24  }
0xaf: {  	[dreg:$0x3] =	wrdreg $0x0  }
0xb0: {  	[dreg:$0x4] =	wrdreg $0x9  }
0xb1: {  	_ =	task.clear_ibuf [dreg:s6], $0x5FFFF;
	_ =	strace $0x90000046  }
0xb2: {  	s29 =	simm.s32 $0x9;
	_ =	strace $0x80000048  }
0xb3: {  	_ =	swait.ge [sflag:s29], $0x1  }
0xb4: {  	[sflag:s29] =	ssyncadd.s32 $0xFFFFFFFF  }
0xb5: {  	_ =	strace $0x90000048  }
0xb6: {  	_ =	sfence  }
0xb7: {  	s30 =	sld [smem:$0x0];
	_ =	sdelay $0x2  }
0xb8: {  	s31 =	sshll.u32 s1, $0xD;
	s1 =	sshrl.u32 s1, $0x2  }
0xb9: {  	s3 =	sand.u32 $0x4000, s31;
	s1 =	sadd.s32 s1, s30  }
0xba: {  	s0 =	sor.u32 s3, s0;
	s1 =	sshll.u32 s1, $0x11  }
0xbb: {  	s0 =	sor.u32 s1, s0  }
0xbc: {  	s0 =	sadd.s32 $0x8F2B, s0  }
0xbd: {  	[sflag:s0] =	ssyncadd.remote.s32 $0x1  }
0xbe: {  	_ =	sfence.sel $0xFFFF  }
0xbf: {  	[dreg:$0x0] =	wrdreg $0xFFFFFFFF;
	(pc) =	sbr.abs _section_cstart, $3  }
0xc0: {  	[dreg:$0x1] =	wrdreg $0xFFFFFFFF  }
0xc1: {  	_ =	task.clear_ibuf [dreg:s6], $0x2FFFF;
	_ =	strace $0x9FFFFFFF  }
0xc2: {  	(tm) =	ssettm $0x7FFFFFFF  }
0xc3: {  	_ =	shalt  }
tec
execute0_lowered:
.L_overlay_start_1:
0x0: {  	(tag) =	ssettag $0x1  }
0x1: {  	v1 =	vlaneseq.u32  }
0x2: {  	v0 =	vmul.u32 $0x20, v1  }
0x3: {  	v1 =	vmul.u32 $0x10, v1  }
0x4: {  	v2 =	vor.u32 $0x14, v0;
	v6 =	vor.u32 $0x15, v0  }
0x5: {  	v7 =	vor.u32 $0x1, v1;
	v8 =	vor.u32 $0x1, v0;
	v9 =	vor.u32 $0x2, v0  }
0x6: {  	v10 =	vor.u32 $0x3, v0;
	v11 =	vor.u32 $0x4, v0;
	v12 =	vor.u32 $0x5, v0  }
0x7: {  	s1 =	srdreg.scid;
	s8 =	rddreg [dreg:$0x0];
	v13 =	vor.u32 $0x6, v0;
	v14 =	vor.u32 $0x7, v0;
	v16 =	vor.u32 $0x9, v0  }
0x8: {  	s0 =	stileid.u32;
	s2 =	rddreg [dreg:$0x1];
	s3 =	simm.s32 $0x0;
	v17 =	vor.u32 $0xA, v0;
	v18 =	vor.u32 $0xB, v0;
	v19 =	vor.u32 $0xC, v0  }
0x9: {  	s17 =	simm.s32 $0x7900;
	s18 =	simm.s32 $0x3;
	s19 =	simm.s32 $0x7920;
	v20 =	vor.u32 $0xD, v0;
	v21 =	vor.u32 $0xE, v0;
	v22 =	vor.u32 $0xF, v0  }
0xa: {  	s20 =	simm.s32 $0x5000;
	s21 =	simm.s32 $0x5080;
	s22 =	simm.s32 $0x80;
	v23 =	vor.u32 $0x10, v0;
	v24 =	vor.u32 $0x11, v0;
	v25 =	vor.u32 $0x12, v0  }
0xb: {  	s23 =	simm.s32 $0x5100;
	s24 =	simm.s32 $0x1;
	s25 =	simm.s32 $0x6100;
	v28 =	vor.u32 $0x13, v0;
	v29 =	vor.u32 $0x214, v0;
	v30 =	vor.u32 $0x215, v0  }
0xc: {  	s26 =	simm.s32 $0x2;
	s28 =	simm.s32 $0x6900;
	s4 =	smul.u32 $0x5200, s0;
	v31 =	vor.u32 $0x100, v1;
	v32 =	vor.u32 $0x101, v1;
	v33 =	vor.u32 $0x200, v0  }
0xd: {  	s9 =	sand.u32 $0x1, s1;
	s1 =	rddreg [dreg:$0x2];
	s10 =	smul.u32 $0x5000, s0;
	v34 =	vor.u32 $0x201, v0;
	v35 =	vor.u32 $0x202, v0;
	v36 =	vor.u32 $0x203, v0  }
0xe: {  	s29 =	simm.s32 $0x0;
	[smem:$0x7FF] =	sst s3;
	s12 =	smul.u32 $0x14000, s0;
	v37 =	vor.u32 $0x204, v0;
	v38 =	vor.u32 $0x205, v0;
	v39 =	vor.u32 $0x206, v0  }
0xf: {  	s6 =	sadd.s32 $0x800, s8;
	s7 =	sadd.s32 $0xA00, s8;
	s5 =	smul.u32 $0x2900, s9;
	v40 =	vor.u32 $0x207, v0;
	v41 =	vor.u32 $0x208, v0;
	v42 =	vor.u32 $0x209, v0  }
0x10: {  	_ =	strace $0x80000047;
	s11 =	smul.u32 $0x50000, s9;
	s9 =	ssub.s32 $0x2, s9;
	v43 =	vor.u32 $0x20A, v0;
	v44 =	vor.u32 $0x20B, v0;
	v4 =	vor.u32 $0x406, v0  }
0x11: {  	s13 =	sshrl.u32 s9, $0x1;
	s12 =	sshrl.u32 s12, $0x2;
	v45 =	vor.u32 $0x20C, v0;
	v46 =	vor.u32 $0x20D, v0;
	v47 =	vor.u32 $0x20E, v0;
	s4 =	sadd.s32 s5, s4;
	[tilespmem:$0x1FF90] =	vst v4  }
0x12: {  	v48 =	vor.u32 $0x20F, v0;
	v49 =	vor.u32 $0x210, v0;
	v3 =	vor.u32 $0x404, v0;
	s5 =	sadd.s32 $0x1200, s8;
	s11 =	sadd.s32 s10, s11;
	s15 =	ssub.s32 s9, s13;
	[tilespmem:$0x1FFC0] =	vst v2  }
0x13: {  	v52 =	vor.u32 $0x211, v0;
	v53 =	vor.u32 $0x212, v0;
	v50 =	vor.u32 $0x405, v0;
	s12 =	sadd.s32 s12, s2;
	[tilespmem:$0x1FFD0] =	vst v3;
	s4 =	sshrl.u32 s4, $0x3;
	s11 =	sshrl.u32 s11, $0x3  }
0x14: {  	v54 =	vor.u32 $0x213, v0;
	v55 =	vor.u32 $0x414, v0;
	v51 =	vor.u32 $0x201, v1;
	[tilespmem:$0x1FFE0] =	vst v50;
	s9 =	sadd.s32 $0x1000, s12;
	s16 =	sadd.s32 s4, s8;
	s4 =	sadd.s32 $0x6200, s8  }
0x15: {  	v56 =	vor.u32 $0x415, v0;
	v5 =	vor.u32 $0x200, v1;
	v4 =	vor.u32 $0x407, v0;
	[tilespmem:$0x1FFF0] =	vst v51;
	s14 =	sadd.s32 s11, s8;
	s8 =	sadd.s32 s10, s2;
	s10 =	sadd.s32 $0x2000, s12  }
0x16: {  	v15 =	vor.u32 $0x8, v0;
	v57 =	vor.u32 $0x400, v0;
	[tilespmem:$0x1FFA0] =	vst v4;
	v4 =	vor.u32 $0x408, v0;
	s11 =	sadd.s32 $0x3000, s12;
	s12 =	sadd.s32 $0x4000, s12;
	s13 =	sadd.s32 $0x24800, s14  }
0x17: {  	v58 =	vor.u32 $0x401, v0;
	v59 =	vor.u32 $0x402, v0;
	v60 =	vor.u32 $0x403, v0;
	[tilespmem:$0x1FFB0] =	vst v4;
	s14 =	smax.u32 s15, $0x1;
	s15 =	sadd.s32 $0x10000, s16;
	s16 =	sadd.s32 $0x1A400, s16  }
.LBB2_1:
0x18: {  	[tilespmem:s17], [sflag:$0x3] =	stream.linear.gather [hbm4b:s6+s3], $0x20, $0x38;
	[tilespmem:$0x8920] =	vst v63  }
0x19: {  	_ =	swait.ge [sflag:s18], $0x20  }
0x1a: {  	[sflag:s18] =	ssyncset.done $0x0  }
0x1b: {  	[sflag:s18] =	ssyncadd.s32 $0xFFFFFFE0  }
0x1c: {  	[tilespmem:s19], [sflag:$0x3] =	stream.linear.gather [hbm4b:s7+s3], $0x1000, $0x38;
	[tilespmem:$0x8920] =	vst v63  }
0x1d: {  	_ =	swait.ge [sflag:s18], $0x1000  }
0x1e: {  	[sflag:s18] =	ssyncset.done $0x0  }
0x1f: {  	[sflag:s18] =	ssyncadd.s32 $0xFFFFF000  }
0x20: {  	[spmem:s8] =	stream.linear.scatter [tilespmem:s19], [sflag:$0x3], $0x1000, $0x38;
	[tilespmem:$0x8920] =	vst v63  }
0x21: {  	_ =	swait.ge [sflag:s18], $0x1000  }
0x22: {  	[sflag:s18] =	ssyncset.done $0x0  }
0x23: {  	[sflag:s18] =	ssyncadd.s32 $0xFFFFF000  }
0x24: {  	[spmem:s9] =	stream.linear.scatter [tilespmem:s19], [sflag:$0x3], $0x1000, $0x38;
	[tilespmem:$0x8920] =	vst v63  }
0x25: {  	_ =	swait.ge [sflag:s18], $0x1000  }
0x26: {  	[sflag:s18] =	ssyncset.done $0x0  }
0x27: {  	[sflag:s18] =	ssyncadd.s32 $0xFFFFF000  }
0x28: {  	[spmem:s10] =	stream.linear.scatter [tilespmem:s19], [sflag:$0x3], $0x1000, $0x38;
	[tilespmem:$0x8920] =	vst v63  }
0x29: {  	_ =	swait.ge [sflag:s18], $0x1000  }
0x2a: {  	[sflag:s18] =	ssyncset.done $0x0  }
0x2b: {  	[sflag:s18] =	ssyncadd.s32 $0xFFFFF000  }
0x2c: {  	[spmem:s11] =	stream.linear.scatter [tilespmem:s19], [sflag:$0x3], $0x1000, $0x38;
	[tilespmem:$0x8920] =	vst v63  }
0x2d: {  	_ =	swait.ge [sflag:s18], $0x1000  }
0x2e: {  	[sflag:s18] =	ssyncset.done $0x0  }
0x2f: {  	[sflag:s18] =	ssyncadd.s32 $0xFFFFF000  }
0x30: {  	[spmem:s12] =	stream.linear.scatter [tilespmem:s19], [sflag:$0x3], $0x1000, $0x38;
	[tilespmem:$0x8920] =	vst v63  }
0x31: {  	_ =	swait.ge [sflag:s18], $0x1000  }
0x32: {  	[sflag:s18] =	ssyncset.done $0x0  }
0x33: {  	[sflag:s18] =	ssyncadd.s32 $0xFFFFF000  }
0x34: {  	[bflag:$0x0] =	sbarrier.arrive $0xFFFF  }
0x35: {  	v61 =	vld [tilespmem:$0x7900]  }
0x36: {  	s30 =	simm.s32 $0x0;
	v62 =	vld [tilespmem:$0x7910]  }
.LBB2_2:
0x37: {  	s31 =	sadd.s32 s30, s16  }
0x38: {  	[tilespmem:s20], [sflag:$0x3] =	stream.linear.gather [hbm4b:s31+s3], $0x80, $0x38;
	[tilespmem:$0x8920] =	vst v63  }
0x39: {  	_ =	swait.ge [sflag:s18], $0x80  }
0x3a: {  	[sflag:s18] =	ssyncset.done $0x0  }
0x3b: {  	s31 =	sadd.s32 s30, s15;
	[sflag:s18] =	ssyncadd.s32 $0xFFFFFF80  }
0x3c: {  	[tilespmem:s21], [sflag:$0x3] =	stream.linear.gather [hbm4b:s31+s3], $0x80, $0x38;
	[tilespmem:$0x8920] =	vst v63  }
0x3d: {  	_ =	swait.ge [sflag:s18], $0x80  }
0x3e: {  	[sflag:s18] =	ssyncset.done $0x0  }
0x3f: {  	[sflag:s18] =	ssyncadd.s32 $0xFFFFFF80  }
0x40: {  	[tilespmem:s23], [sflag:$0x1] =	stream.indirect.gather [hbm4b:s4+s22], $0x20, s20, s22, $0xb8;
	[tilespmem:$0x8920] =	vst v63  }
0x41: {  	_ =	swait.ge [sflag:s24], $0x1000  }
0x42: {  	[sflag:s24] =	ssyncset.done $0x0  }
0x43: {  	[sflag:s24] =	ssyncadd.s32 $0xFFFFF000  }
0x44: {  	[tilespmem:s25], [sflag:$0x2] =	stream.indirect.gather [hbm4b:s5+s22], $0x10, s21, s22, $0xb8;
	[tilespmem:$0x8920] =	vst v63  }
0x45: {  	_ =	swait.ge [sflag:s26], $0x800  }
0x46: {  	[sflag:s26] =	ssyncset.done $0x0  }
0x47: {  	[sflag:s26] =	ssyncadd.s32 $0xFFFFF800  }
0x48: {  	v63 =	vld.idx.msk [tilespmem:v2+s23+$0x0], $0xffff  }
0x49: {  	v4 =	vld.idx.msk [tilespmem:v1+s25+$0x0], $0xffff;
	_ =	sdelay $0x4  }
0x4a: {  	v4 =	vadd.f32 v4, v63;
	_ =	sdelay $0x1  }
0x4b: {  	v63 =	vmul.f32 $2.000000030e-01, v4  }
0x4c: {  	vm0 =	vge.f32 v4, $0.0e+00  }
0x4d: {  	v4 =	vsel vm0, v4, v63  }
0x4e: {  	v4 =	vsub.f32 v4, v61;
	_ =	sdelay $0x1  }
0x4f: {  	v4 =	vmul.f32 $1.442695020e+00, v4;
	_ =	sdelay $0x1  }
0x50: {  	(erf) = vpow2.f32 v4;
	_ =	sdelay $0x4  }
0x51: {  	v4 =	vld.idx.msk [tilespmem:v0+s23+$0x0], $0xffff;
	_ =	sdelay $0x3  }
0x52: {  	v63 =	vpop (erf)  }
0x53: {  	v4 =	vmul.f32 v63, v4  }
0x54: {  	v26 =	vld.idx.msk [tilespmem:v6+s23+$0x0], $0xffff  }
0x55: {  	v27 =	vld.idx.msk [tilespmem:v7+s25+$0x0], $0xffff;
	[tilespmem:v0+s28+$0x0] =	vst.idx.msk $0xffff, v4  }
0x56: {  	v4 =	vld.idx.msk [tilespmem:v8+s23+$0x0], $0xffff;
	_ =	sdelay $0x4  }
0x57: {  	v4 =	vmul.f32 v63, v4;
	_ =	sdelay $0x1  }
0x58: {  	[tilespmem:v8+s28+$0x0] =	vst.idx.msk $0xffff, v4  }
0x59: {  	v4 =	vld.idx.msk [tilespmem:v9+s23+$0x0], $0xffff;
	_ =	sdelay $0x4  }
0x5a: {  	v4 =	vmul.f32 v63, v4;
	_ =	sdelay $0x1  }
0x5b: {  	[tilespmem:v9+s28+$0x0] =	vst.idx.msk $0xffff, v4  }
0x5c: {  	v4 =	vld.idx.msk [tilespmem:v10+s23+$0x0], $0xffff;
	_ =	sdelay $0x4  }
0x5d: {  	v4 =	vmul.f32 v4, v63;
	_ =	sdelay $0x1  }
0x5e: {  	[tilespmem:v10+s28+$0x0] =	vst.idx.msk $0xffff, v4  }
0x5f: {  	v4 =	vld.idx.msk [tilespmem:v11+s23+$0x0], $0xffff;
	_ =	sdelay $0x4  }
0x60: {  	v4 =	vmul.f32 v4, v63;
	_ =	sdelay $0x1  }
0x61: {  	[tilespmem:v11+s28+$0x0] =	vst.idx.msk $0xffff, v4  }
0x62: {  	v4 =	vld.idx.msk [tilespmem:v12+s23+$0x0], $0xffff;
	_ =	sdelay $0x4  }
0x63: {  	v4 =	vmul.f32 v4, v63;
	_ =	sdelay $0x1  }
0x64: {  	[tilespmem:v12+s28+$0x0] =	vst.idx.msk $0xffff, v4  }
0x65: {  	v4 =	vld.idx.msk [tilespmem:v13+s23+$0x0], $0xffff;
	_ =	sdelay $0x4  }
0x66: {  	v4 =	vmul.f32 v4, v63;
	_ =	sdelay $0x1  }
0x67: {  	[tilespmem:v13+s28+$0x0] =	vst.idx.msk $0xffff, v4  }
0x68: {  	v4 =	vld.idx.msk [tilespmem:v14+s23+$0x0], $0xffff;
	_ =	sdelay $0x4  }
0x69: {  	v4 =	vmul.f32 v4, v63;
	_ =	sdelay $0x1  }
0x6a: {  	[tilespmem:v14+s28+$0x0] =	vst.idx.msk $0xffff, v4  }
0x6b: {  	v4 =	vld.idx.msk [tilespmem:v15+s23+$0x0], $0xffff;
	_ =	sdelay $0x1  }
0x6c: {  	v26 =	vadd.f32 v27, v26;
	_ =	sdelay $0x1  }
0x6d: {  	v27 =	vmul.f32 $2.000000030e-01, v26  }
0x6e: {  	vm13 =	vge.f32 v26, $0.0e+00;
	v4 =	vmul.f32 v4, v63  }
0x6f: {  	v26 =	vsel vm13, v26, v27  }
0x70: {  	v26 =	vsub.f32 v26, v62;
	[tilespmem:v15+s28+$0x0] =	vst.idx.msk $0xffff, v4  }
0x71: {  	v4 =	vld.idx.msk [tilespmem:v16+s23+$0x0], $0xffff  }
0x72: {  	v26 =	vmul.f32 $1.442695020e+00, v26;
	_ =	sdelay $0x1  }
0x73: {  	(erf) = vpow2.f32 v26;
	_ =	sdelay $0x1  }
0x74: {  	v4 =	vmul.f32 v4, v63;
	_ =	sdelay $0x1  }
0x75: {  	[tilespmem:v16+s28+$0x0] =	vst.idx.msk $0xffff, v4  }
0x76: {  	v4 =	vld.idx.msk [tilespmem:v17+s23+$0x0], $0xffff;
	_ =	sdelay $0x3  }
0x77: {  	v26 =	vpop (erf)  }
0x78: {  	v4 =	vmul.f32 v4, v26;
	_ =	sdelay $0x1  }
0x79: {  	[tilespmem:v17+s28+$0x0] =	vst.idx.msk $0xffff, v4  }
0x7a: {  	v4 =	vld.idx.msk [tilespmem:v18+s23+$0x0], $0xffff;
	_ =	sdelay $0x4  }
0x7b: {  	v4 =	vmul.f32 v4, v26;
	_ =	sdelay $0x1  }
0x7c: {  	[tilespmem:v18+s28+$0x0] =	vst.idx.msk $0xffff, v4  }
0x7d: {  	v4 =	vld.idx.msk [tilespmem:v19+s23+$0x0], $0xffff;
	_ =	sdelay $0x4  }
0x7e: {  	v4 =	vmul.f32 v4, v26;
	_ =	sdelay $0x1  }
0x7f: {  	[tilespmem:v19+s28+$0x0] =	vst.idx.msk $0xffff, v4  }
0x80: {  	v4 =	vld.idx.msk [tilespmem:v20+s23+$0x0], $0xffff;
	_ =	sdelay $0x4  }
0x81: {  	v4 =	vmul.f32 v4, v26;
	_ =	sdelay $0x1  }
0x82: {  	[tilespmem:v20+s28+$0x0] =	vst.idx.msk $0xffff, v4  }
0x83: {  	v4 =	vld.idx.msk [tilespmem:v21+s23+$0x0], $0xffff;
	_ =	sdelay $0x4  }
0x84: {  	v4 =	vmul.f32 v4, v26;
	_ =	sdelay $0x1  }
0x85: {  	[tilespmem:v21+s28+$0x0] =	vst.idx.msk $0xffff, v4  }
0x86: {  	v4 =	vld.idx.msk [tilespmem:v22+s23+$0x0], $0xffff;
	_ =	sdelay $0x4  }
0x87: {  	v4 =	vmul.f32 v4, v26;
	_ =	sdelay $0x1  }
0x88: {  	[tilespmem:v22+s28+$0x0] =	vst.idx.msk $0xffff, v4  }
0x89: {  	v4 =	vld.idx.msk [tilespmem:v23+s23+$0x0], $0xffff;
	_ =	sdelay $0x4  }
0x8a: {  	v4 =	vmul.f32 v4, v26;
	_ =	sdelay $0x1  }
0x8b: {  	[tilespmem:v23+s28+$0x0] =	vst.idx.msk $0xffff, v4  }
0x8c: {  	v4 =	vld.idx.msk [tilespmem:v24+s23+$0x0], $0xffff;
	_ =	sdelay $0x4  }
0x8d: {  	v4 =	vmul.f32 v4, v26;
	_ =	sdelay $0x1  }
0x8e: {  	[tilespmem:v24+s28+$0x0] =	vst.idx.msk $0xffff, v4  }
0x8f: {  	v4 =	vld.idx.msk [tilespmem:v25+s23+$0x0], $0xffff;
	_ =	sdelay $0x4  }
0x90: {  	v4 =	vmul.f32 v4, v26;
	_ =	sdelay $0x1  }
0x91: {  	[tilespmem:v25+s28+$0x0] =	vst.idx.msk $0xffff, v4  }
0x92: {  	v4 =	vld.idx.msk [tilespmem:v28+s23+$0x0], $0xffff;
	_ =	sdelay $0x4  }
0x93: {  	v4 =	vmul.f32 v4, v26;
	_ =	sdelay $0x1  }
0x94: {  	[tilespmem:v28+s28+$0x0] =	vst.idx.msk $0xffff, v4  }
0x95: {  	[tilespmem:v2+s28+$0x0] =	vst.idx.msk $0xffff, v63  }
0x96: {  	[tilespmem:v6+s28+$0x0] =	vst.idx.msk $0xffff, v26  }
0x97: {  	v4 =	vld.idx.msk [tilespmem:v29+s23+$0x0], $0xffff  }
0x98: {  	v26 =	vld.idx.msk [tilespmem:v31+s25+$0x0], $0xffff;
	_ =	sdelay $0x4  }
0x99: {  	v4 =	vadd.f32 v26, v4;
	_ =	sdelay $0x1  }
0x9a: {  	v26 =	vmul.f32 $2.000000030e-01, v4  }
0x9b: {  	vm14 =	vge.f32 v4, $0.0e+00  }
0x9c: {  	v4 =	vsel vm14, v4, v26  }
0x9d: {  	v4 =	vsub.f32 v4, v61;
	_ =	sdelay $0x1  }
0x9e: {  	v4 =	vmul.f32 $1.442695020e+00, v4;
	_ =	sdelay $0x1  }
0x9f: {  	(erf) = vpow2.f32 v4;
	_ =	sdelay $0x4  }
0xa0: {  	v4 =	vld.idx.msk [tilespmem:v33+s23+$0x0], $0xffff;
	_ =	sdelay $0x3  }
0xa1: {  	v26 =	vpop (erf)  }
0xa2: {  	v4 =	vmul.f32 v26, v4  }
0xa3: {  	v27 =	vld.idx.msk [tilespmem:v30+s23+$0x0], $0xffff  }
0xa4: {  	v63 =	vld.idx.msk [tilespmem:v32+s25+$0x0], $0xffff;
	[tilespmem:v33+s28+$0x0] =	vst.idx.msk $0xffff, v4  }
0xa5: {  	v4 =	vld.idx.msk [tilespmem:v34+s23+$0x0], $0xffff;
	_ =	sdelay $0x4  }
0xa6: {  	v4 =	vmul.f32 v26, v4;
	_ =	sdelay $0x1  }
0xa7: {  	[tilespmem:v34+s28+$0x0] =	vst.idx.msk $0xffff, v4  }
0xa8: {  	v4 =	vld.idx.msk [tilespmem:v35+s23+$0x0], $0xffff;
	_ =	sdelay $0x4  }
0xa9: {  	v4 =	vmul.f32 v26, v4;
	_ =	sdelay $0x1  }
0xaa: {  	[tilespmem:v35+s28+$0x0] =	vst.idx.msk $0xffff, v4  }
0xab: {  	v4 =	vld.idx.msk [tilespmem:v36+s23+$0x0], $0xffff;
	_ =	sdelay $0x4  }
0xac: {  	v4 =	vmul.f32 v4, v26;
	_ =	sdelay $0x1  }
0xad: {  	[tilespmem:v36+s28+$0x0] =	vst.idx.msk $0xffff, v4  }
0xae: {  	v4 =	vld.idx.msk [tilespmem:v37+s23+$0x0], $0xffff;
	_ =	sdelay $0x4  }
0xaf: {  	v4 =	vmul.f32 v4, v26;
	_ =	sdelay $0x1  }
0xb0: {  	[tilespmem:v37+s28+$0x0] =	vst.idx.msk $0xffff, v4  }
0xb1: {  	v4 =	vld.idx.msk [tilespmem:v38+s23+$0x0], $0xffff;
	_ =	sdelay $0x4  }
0xb2: {  	v4 =	vmul.f32 v4, v26;
	_ =	sdelay $0x1  }
0xb3: {  	[tilespmem:v38+s28+$0x0] =	vst.idx.msk $0xffff, v4  }
0xb4: {  	v4 =	vld.idx.msk [tilespmem:v39+s23+$0x0], $0xffff;
	_ =	sdelay $0x4  }
0xb5: {  	v4 =	vmul.f32 v4, v26;
	_ =	sdelay $0x1  }
0xb6: {  	[tilespmem:v39+s28+$0x0] =	vst.idx.msk $0xffff, v4  }
0xb7: {  	v4 =	vld.idx.msk [tilespmem:v40+s23+$0x0], $0xffff;
	_ =	sdelay $0x4  }
0xb8: {  	v4 =	vmul.f32 v4, v26;
	_ =	sdelay $0x1  }
0xb9: {  	[tilespmem:v40+s28+$0x0] =	vst.idx.msk $0xffff, v4  }
0xba: {  	v4 =	vld.idx.msk [tilespmem:v41+s23+$0x0], $0xffff;
	_ =	sdelay $0x1  }
0xbb: {  	v27 =	vadd.f32 v63, v27;
	_ =	sdelay $0x1  }
0xbc: {  	v63 =	vmul.f32 $2.000000030e-01, v27  }
0xbd: {  	vm15 =	vge.f32 v27, $0.0e+00;
	v4 =	vmul.f32 v4, v26  }
0xbe: {  	v27 =	vsel vm15, v27, v63  }
0xbf: {  	v27 =	vsub.f32 v27, v62;
	[tilespmem:v41+s28+$0x0] =	vst.idx.msk $0xffff, v4  }
0xc0: {  	v4 =	vld.idx.msk [tilespmem:v42+s23+$0x0], $0xffff  }
0xc1: {  	v27 =	vmul.f32 $1.442695020e+00, v27;
	_ =	sdelay $0x1  }
0xc2: {  	(erf) = vpow2.f32 v27;
	_ =	sdelay $0x1  }
0xc3: {  	v4 =	vmul.f32 v4, v26;
	_ =	sdelay $0x1  }
0xc4: {  	[tilespmem:v42+s28+$0x0] =	vst.idx.msk $0xffff, v4  }
0xc5: {  	v4 =	vld.idx.msk [tilespmem:v43+s23+$0x0], $0xffff;
	_ =	sdelay $0x3  }
0xc6: {  	v27 =	vpop (erf)  }
0xc7: {  	v4 =	vmul.f32 v4, v27;
	_ =	sdelay $0x1  }
0xc8: {  	[tilespmem:v43+s28+$0x0] =	vst.idx.msk $0xffff, v4  }
0xc9: {  	v4 =	vld.idx.msk [tilespmem:v44+s23+$0x0], $0xffff;
	_ =	sdelay $0x4  }
0xca: {  	v4 =	vmul.f32 v4, v27;
	_ =	sdelay $0x1  }
0xcb: {  	[tilespmem:v44+s28+$0x0] =	vst.idx.msk $0xffff, v4  }
0xcc: {  	v4 =	vld.idx.msk [tilespmem:v45+s23+$0x0], $0xffff;
	_ =	sdelay $0x4  }
0xcd: {  	v4 =	vmul.f32 v4, v27;
	_ =	sdelay $0x1  }
0xce: {  	[tilespmem:v45+s28+$0x0] =	vst.idx.msk $0xffff, v4  }
0xcf: {  	v4 =	vld.idx.msk [tilespmem:v46+s23+$0x0], $0xffff;
	_ =	sdelay $0x4  }
0xd0: {  	v4 =	vmul.f32 v4, v27;
	_ =	sdelay $0x1  }
0xd1: {  	[tilespmem:v46+s28+$0x0] =	vst.idx.msk $0xffff, v4  }
0xd2: {  	v4 =	vld.idx.msk [tilespmem:v47+s23+$0x0], $0xffff;
	_ =	sdelay $0x4  }
0xd3: {  	v4 =	vmul.f32 v4, v27;
	_ =	sdelay $0x1  }
0xd4: {  	[tilespmem:v47+s28+$0x0] =	vst.idx.msk $0xffff, v4  }
0xd5: {  	v4 =	vld.idx.msk [tilespmem:v48+s23+$0x0], $0xffff;
	_ =	sdelay $0x4  }
0xd6: {  	v4 =	vmul.f32 v4, v27;
	_ =	sdelay $0x1  }
0xd7: {  	[tilespmem:v48+s28+$0x0] =	vst.idx.msk $0xffff, v4  }
0xd8: {  	v4 =	vld.idx.msk [tilespmem:v49+s23+$0x0], $0xffff;
	_ =	sdelay $0x4  }
0xd9: {  	v4 =	vmul.f32 v4, v27;
	_ =	sdelay $0x1  }
0xda: {  	[tilespmem:v49+s28+$0x0] =	vst.idx.msk $0xffff, v4  }
0xdb: {  	v4 =	vld.idx.msk [tilespmem:v52+s23+$0x0], $0xffff;
	_ =	sdelay $0x4  }
0xdc: {  	v4 =	vmul.f32 v4, v27;
	_ =	sdelay $0x1  }
0xdd: {  	[tilespmem:v52+s28+$0x0] =	vst.idx.msk $0xffff, v4  }
0xde: {  	v4 =	vld.idx.msk [tilespmem:v53+s23+$0x0], $0xffff;
	_ =	sdelay $0x4  }
0xdf: {  	v4 =	vmul.f32 v4, v27;
	_ =	sdelay $0x1  }
0xe0: {  	[tilespmem:v53+s28+$0x0] =	vst.idx.msk $0xffff, v4  }
0xe1: {  	v4 =	vld.idx.msk [tilespmem:v54+s23+$0x0], $0xffff;
	_ =	sdelay $0x4  }
0xe2: {  	v4 =	vmul.f32 v4, v27;
	_ =	sdelay $0x1  }
0xe3: {  	[tilespmem:v54+s28+$0x0] =	vst.idx.msk $0xffff, v4  }
0xe4: {  	[tilespmem:v29+s28+$0x0] =	vst.idx.msk $0xffff, v26  }
0xe5: {  	[tilespmem:v30+s28+$0x0] =	vst.idx.msk $0xffff, v27  }
0xe6: {  	v4 =	vld.idx.msk [tilespmem:v55+s23+$0x0], $0xffff  }
0xe7: {  	v26 =	vld.idx.msk [tilespmem:v5+s25+$0x0], $0xffff;
	_ =	sdelay $0x4  }
0xe8: {  	v4 =	vadd.f32 v26, v4;
	_ =	sdelay $0x1  }
0xe9: {  	v26 =	vmul.f32 $2.000000030e-01, v4  }
0xea: {  	vm4 =	vge.f32 v4, $0.0e+00  }
0xeb: {  	v4 =	vsel vm4, v4, v26  }
0xec: {  	v4 =	vsub.f32 v4, v61;
	_ =	sdelay $0x1  }
0xed: {  	v4 =	vmul.f32 $1.442695020e+00, v4;
	_ =	sdelay $0x1  }
0xee: {  	(erf) = vpow2.f32 v4;
	_ =	sdelay $0x4  }
0xef: {  	v4 =	vld.idx.msk [tilespmem:v57+s23+$0x0], $0xffff;
	_ =	sdelay $0x3  }
0xf0: {  	v26 =	vpop (erf)  }
0xf1: {  	v4 =	vmul.f32 v26, v4  }
0xf2: {  	v27 =	vld.idx.msk [tilespmem:v56+s23+$0x0], $0xffff  }
0xf3: {  	v51 =	vld.idx.msk [tilespmem:v51+s25+$0x0], $0xffff;
	[tilespmem:v57+s28+$0x0] =	vst.idx.msk $0xffff, v4  }
0xf4: {  	v4 =	vld.idx.msk [tilespmem:v58+s23+$0x0], $0xffff;
	_ =	sdelay $0x4  }
0xf5: {  	v4 =	vmul.f32 v26, v4;
	_ =	sdelay $0x1  }
0xf6: {  	[tilespmem:v58+s28+$0x0] =	vst.idx.msk $0xffff, v4  }
0xf7: {  	v4 =	vld.idx.msk [tilespmem:v59+s23+$0x0], $0xffff;
	_ =	sdelay $0x4  }
0xf8: {  	v4 =	vmul.f32 v26, v4;
	_ =	sdelay $0x1  }
0xf9: {  	[tilespmem:v59+s28+$0x0] =	vst.idx.msk $0xffff, v4  }
0xfa: {  	v4 =	vld.idx.msk [tilespmem:v60+s23+$0x0], $0xffff;
	_ =	sdelay $0x4  }
0xfb: {  	v4 =	vmul.f32 v4, v26;
	_ =	sdelay $0x1  }
0xfc: {  	[tilespmem:v60+s28+$0x0] =	vst.idx.msk $0xffff, v4  }
0xfd: {  	v4 =	vld.idx.msk [tilespmem:v3+s23+$0x0], $0xffff;
	_ =	sdelay $0x4  }
0xfe: {  	v4 =	vmul.f32 v4, v26;
	_ =	sdelay $0x1  }
0xff: {  	v2 =	vld [tilespmem:$0x1FF90];
	[tilespmem:v3+s28+$0x0] =	vst.idx.msk $0xffff, v4  }
0x100: {  	v4 =	vld.idx.msk [tilespmem:v50+s23+$0x0], $0xffff;
	_ =	sdelay $0x4  }
0x101: {  	v4 =	vmul.f32 v4, v26;
	_ =	sdelay $0x1  }
0x102: {  	[tilespmem:v50+s28+$0x0] =	vst.idx.msk $0xffff, v4  }
0x103: {  	v4 =	vld.idx.msk [tilespmem:v2+s23+$0x0], $0xffff;
	_ =	sdelay $0x4  }
0x104: {  	v4 =	vmul.f32 v4, v26;
	_ =	sdelay $0x1  }
0x105: {  	[tilespmem:v2+s28+$0x0] =	vst.idx.msk $0xffff, v4;
	v2 =	vld [tilespmem:$0x1FFA0];
	_ =	sdelay $0x7  }
0x106: {  	v4 =	vld.idx.msk [tilespmem:v2+s23+$0x0], $0xffff;
	_ =	sdelay $0x4  }
0x107: {  	v4 =	vmul.f32 v4, v26;
	_ =	sdelay $0x1  }
0x108: {  	[tilespmem:v2+s28+$0x0] =	vst.idx.msk $0xffff, v4;
	v2 =	vld [tilespmem:$0x1FFB0];
	_ =	sdelay $0x7  }
0x109: {  	v4 =	vld.idx.msk [tilespmem:v2+s23+$0x0], $0xffff;
	_ =	sdelay $0x1  }
0x10a: {  	v27 =	vadd.f32 v51, v27  }
0x10b: {  	v63 =	vor.u32 $0x409, v0  }
0x10c: {  	v50 =	vmul.f32 $2.000000030e-01, v27  }
0x10d: {  	vm5 =	vge.f32 v27, $0.0e+00;
	v4 =	vmul.f32 v4, v26  }
0x10e: {  	v27 =	vsel vm5, v27, v50  }
0x10f: {  	v27 =	vsub.f32 v27, v62;
	[tilespmem:v2+s28+$0x0] =	vst.idx.msk $0xffff, v4  }
0x110: {  	v4 =	vld.idx.msk [tilespmem:v63+s23+$0x0], $0xffff  }
0x111: {  	v27 =	vmul.f32 $1.442695020e+00, v27;
	_ =	sdelay $0x1  }
0x112: {  	(erf) = vpow2.f32 v27;
	v27 =	vor.u32 $0x40A, v0;
	_ =	sdelay $0x1  }
0x113: {  	v4 =	vmul.f32 v4, v26;
	_ =	sdelay $0x1  }
0x114: {  	[tilespmem:v63+s28+$0x0] =	vst.idx.msk $0xffff, v4  }
0x115: {  	v4 =	vld.idx.msk [tilespmem:v27+s23+$0x0], $0xffff;
	_ =	sdelay $0x2  }
0x116: {  	v50 =	vor.u32 $0x40B, v0  }
0x117: {  	v63 =	vpop (erf)  }
0x118: {  	v4 =	vmul.f32 v4, v63;
	_ =	sdelay $0x1  }
0x119: {  	[tilespmem:v27+s28+$0x0] =	vst.idx.msk $0xffff, v4  }
0x11a: {  	v4 =	vld.idx.msk [tilespmem:v50+s23+$0x0], $0xffff;
	_ =	sdelay $0x2  }
0x11b: {  	v27 =	vor.u32 $0x40C, v0;
	_ =	sdelay $0x1  }
0x11c: {  	v4 =	vmul.f32 v4, v63;
	_ =	sdelay $0x1  }
0x11d: {  	[tilespmem:v50+s28+$0x0] =	vst.idx.msk $0xffff, v4  }
0x11e: {  	v4 =	vld.idx.msk [tilespmem:v27+s23+$0x0], $0xffff;
	_ =	sdelay $0x2  }
0x11f: {  	v50 =	vor.u32 $0x40D, v0;
	_ =	sdelay $0x1  }
0x120: {  	v4 =	vmul.f32 v4, v63;
	_ =	sdelay $0x1  }
0x121: {  	[tilespmem:v27+s28+$0x0] =	vst.idx.msk $0xffff, v4  }
0x122: {  	v4 =	vld.idx.msk [tilespmem:v50+s23+$0x0], $0xffff;
	_ =	sdelay $0x2  }
0x123: {  	v27 =	vor.u32 $0x40E, v0;
	_ =	sdelay $0x1  }
0x124: {  	v4 =	vmul.f32 v4, v63;
	_ =	sdelay $0x1  }
0x125: {  	[tilespmem:v50+s28+$0x0] =	vst.idx.msk $0xffff, v4  }
0x126: {  	v4 =	vld.idx.msk [tilespmem:v27+s23+$0x0], $0xffff;
	_ =	sdelay $0x2  }
0x127: {  	v50 =	vor.u32 $0x40F, v0;
	_ =	sdelay $0x1  }
0x128: {  	v4 =	vmul.f32 v4, v63;
	_ =	sdelay $0x1  }
0x129: {  	[tilespmem:v27+s28+$0x0] =	vst.idx.msk $0xffff, v4  }
0x12a: {  	v4 =	vld.idx.msk [tilespmem:v50+s23+$0x0], $0xffff;
	_ =	sdelay $0x2  }
0x12b: {  	v27 =	vor.u32 $0x410, v0;
	_ =	sdelay $0x1  }
0x12c: {  	v4 =	vmul.f32 v4, v63;
	_ =	sdelay $0x1  }
0x12d: {  	[tilespmem:v50+s28+$0x0] =	vst.idx.msk $0xffff, v4  }
0x12e: {  	v4 =	vld.idx.msk [tilespmem:v27+s23+$0x0], $0xffff;
	_ =	sdelay $0x2  }
0x12f: {  	v50 =	vor.u32 $0x411, v0;
	_ =	sdelay $0x1  }
0x130: {  	v4 =	vmul.f32 v4, v63;
	_ =	sdelay $0x1  }
0x131: {  	[tilespmem:v27+s28+$0x0] =	vst.idx.msk $0xffff, v4  }
0x132: {  	v4 =	vld.idx.msk [tilespmem:v50+s23+$0x0], $0xffff;
	_ =	sdelay $0x2  }
0x133: {  	v27 =	vor.u32 $0x412, v0;
	_ =	sdelay $0x1  }
0x134: {  	v4 =	vmul.f32 v4, v63;
	_ =	sdelay $0x1  }
0x135: {  	[tilespmem:v50+s28+$0x0] =	vst.idx.msk $0xffff, v4  }
0x136: {  	v4 =	vld.idx.msk [tilespmem:v27+s23+$0x0], $0xffff;
	_ =	sdelay $0x2  }
0x137: {  	v50 =	vor.u32 $0x413, v0;
	_ =	sdelay $0x1  }
0x138: {  	v4 =	vmul.f32 v4, v63;
	_ =	sdelay $0x1  }
0x139: {  	[tilespmem:v27+s28+$0x0] =	vst.idx.msk $0xffff, v4  }
0x13a: {  	v4 =	vld.idx.msk [tilespmem:v50+s23+$0x0], $0xffff;
	_ =	sdelay $0x4  }
0x13b: {  	v27 =	vor.u32 $0x614, v0;
	v4 =	vmul.f32 v4, v63  }
0x13c: {  	v51 =	vor.u32 $0x300, v1  }
0x13d: {  	[tilespmem:v50+s28+$0x0] =	vst.idx.msk $0xffff, v4  }
0x13e: {  	[tilespmem:v55+s28+$0x0] =	vst.idx.msk $0xffff, v26  }
0x13f: {  	[tilespmem:v56+s28+$0x0] =	vst.idx.msk $0xffff, v63  }
0x140: {  	v4 =	vld.idx.msk [tilespmem:v27+s23+$0x0], $0xffff  }
0x141: {  	v26 =	vld.idx.msk [tilespmem:v51+s25+$0x0], $0xffff;
	_ =	sdelay $0x4  }
0x142: {  	v4 =	vadd.f32 v26, v4;
	_ =	sdelay $0x1  }
0x143: {  	v26 =	vmul.f32 $2.000000030e-01, v4  }
0x144: {  	vm6 =	vge.f32 v4, $0.0e+00  }
0x145: {  	v4 =	vsel vm6, v4, v26  }
0x146: {  	v4 =	vsub.f32 v4, v61;
	_ =	sdelay $0x1  }
0x147: {  	v4 =	vmul.f32 $1.442695020e+00, v4;
	_ =	sdelay $0x1  }
0x148: {  	(erf) = vpow2.f32 v4;
	v4 =	vor.u32 $0x600, v0;
	_ =	sdelay $0x4  }
0x149: {  	v50 =	vld.idx.msk [tilespmem:v4+s23+$0x0], $0xffff  }
0x14a: {  	v51 =	vor.u32 $0x301, v1  }
0x14b: {  	v26 =	vor.u32 $0x615, v0  }
0x14c: {  	v63 =	vor.u32 $0x601, v0  }
0x14d: {  	v2 =	vpop (erf)  }
0x14e: {  	v50 =	vmul.f32 v2, v50  }
0x14f: {  	v51 =	vld.idx.msk [tilespmem:v51+s25+$0x0], $0xffff  }
0x150: {  	v3 =	vld.idx.msk [tilespmem:v26+s23+$0x0], $0xffff;
	[tilespmem:v4+s28+$0x0] =	vst.idx.msk $0xffff, v50  }
0x151: {  	v4 =	vld.idx.msk [tilespmem:v63+s23+$0x0], $0xffff;
	_ =	sdelay $0x2  }
0x152: {  	v50 =	vor.u32 $0x602, v0;
	_ =	sdelay $0x1  }
0x153: {  	v4 =	vmul.f32 v2, v4;
	_ =	sdelay $0x1  }
0x154: {  	[tilespmem:v63+s28+$0x0] =	vst.idx.msk $0xffff, v4  }
0x155: {  	v4 =	vld.idx.msk [tilespmem:v50+s23+$0x0], $0xffff;
	_ =	sdelay $0x2  }
0x156: {  	v63 =	vor.u32 $0x603, v0;
	_ =	sdelay $0x1  }
0x157: {  	v4 =	vmul.f32 v2, v4;
	_ =	sdelay $0x1  }
0x158: {  	[tilespmem:v50+s28+$0x0] =	vst.idx.msk $0xffff, v4  }
0x159: {  	v4 =	vld.idx.msk [tilespmem:v63+s23+$0x0], $0xffff;
	_ =	sdelay $0x2  }
0x15a: {  	v50 =	vor.u32 $0x604, v0;
	_ =	sdelay $0x1  }
0x15b: {  	v4 =	vmul.f32 v4, v2;
	_ =	sdelay $0x1  }
0x15c: {  	[tilespmem:v63+s28+$0x0] =	vst.idx.msk $0xffff, v4  }
0x15d: {  	v4 =	vld.idx.msk [tilespmem:v50+s23+$0x0], $0xffff;
	_ =	sdelay $0x2  }
0x15e: {  	v63 =	vor.u32 $0x605, v0;
	_ =	sdelay $0x1  }
0x15f: {  	v4 =	vmul.f32 v4, v2;
	_ =	sdelay $0x1  }
0x160: {  	[tilespmem:v50+s28+$0x0] =	vst.idx.msk $0xffff, v4  }
0x161: {  	v4 =	vld.idx.msk [tilespmem:v63+s23+$0x0], $0xffff;
	_ =	sdelay $0x2  }
0x162: {  	v50 =	vor.u32 $0x606, v0;
	_ =	sdelay $0x1  }
0x163: {  	v4 =	vmul.f32 v4, v2;
	_ =	sdelay $0x1  }
0x164: {  	[tilespmem:v63+s28+$0x0] =	vst.idx.msk $0xffff, v4  }
0x165: {  	v4 =	vld.idx.msk [tilespmem:v50+s23+$0x0], $0xffff;
	_ =	sdelay $0x2  }
0x166: {  	v63 =	vor.u32 $0x607, v0;
	_ =	sdelay $0x1  }
0x167: {  	v4 =	vmul.f32 v4, v2;
	_ =	sdelay $0x1  }
0x168: {  	[tilespmem:v50+s28+$0x0] =	vst.idx.msk $0xffff, v4  }
0x169: {  	v4 =	vld.idx.msk [tilespmem:v63+s23+$0x0], $0xffff;
	_ =	sdelay $0x2  }
0x16a: {  	v50 =	vor.u32 $0x608, v0;
	_ =	sdelay $0x1  }
0x16b: {  	v4 =	vmul.f32 v4, v2;
	_ =	sdelay $0x1  }
0x16c: {  	[tilespmem:v63+s28+$0x0] =	vst.idx.msk $0xffff, v4  }
0x16d: {  	v4 =	vld.idx.msk [tilespmem:v50+s23+$0x0], $0xffff;
	_ =	sdelay $0x1  }
0x16e: {  	v3 =	vadd.f32 v51, v3  }
0x16f: {  	v51 =	vor.u32 $0x609, v0  }
0x170: {  	v63 =	vmul.f32 $2.000000030e-01, v3  }
0x171: {  	vm7 =	vge.f32 v3, $0.0e+00;
	v4 =	vmul.f32 v4, v2  }
0x172: {  	v3 =	vsel vm7, v3, v63  }
0x173: {  	v3 =	vsub.f32 v3, v62;
	[tilespmem:v50+s28+$0x0] =	vst.idx.msk $0xffff, v4  }
0x174: {  	v4 =	vld.idx.msk [tilespmem:v51+s23+$0x0], $0xffff  }
0x175: {  	v3 =	vmul.f32 $1.442695020e+00, v3;
	_ =	sdelay $0x1  }
0x176: {  	(erf) = vpow2.f32 v3;
	v3 =	vor.u32 $0x60A, v0;
	_ =	sdelay $0x1  }
0x177: {  	v4 =	vmul.f32 v4, v2;
	_ =	sdelay $0x1  }
0x178: {  	[tilespmem:v51+s28+$0x0] =	vst.idx.msk $0xffff, v4  }
0x179: {  	v4 =	vld.idx.msk [tilespmem:v3+s23+$0x0], $0xffff;
	_ =	sdelay $0x2  }
0x17a: {  	v63 =	vor.u32 $0x60B, v0  }
0x17b: {  	v51 =	vpop (erf)  }
0x17c: {  	v4 =	vmul.f32 v4, v51;
	_ =	sdelay $0x1  }
0x17d: {  	[tilespmem:v3+s28+$0x0] =	vst.idx.msk $0xffff, v4  }
0x17e: {  	v3 =	vld.idx.msk [tilespmem:v63+s23+$0x0], $0xffff;
	_ =	sdelay $0x2  }
0x17f: {  	v4 =	vor.u32 $0x60C, v0;
	_ =	sdelay $0x1  }
0x180: {  	v3 =	vmul.f32 v3, v51;
	_ =	sdelay $0x1  }
0x181: {  	[tilespmem:v63+s28+$0x0] =	vst.idx.msk $0xffff, v3  }
0x182: {  	v3 =	vld.idx.msk [tilespmem:v4+s23+$0x0], $0xffff;
	_ =	sdelay $0x2  }
0x183: {  	v63 =	vor.u32 $0x60D, v0;
	_ =	sdelay $0x1  }
0x184: {  	v3 =	vmul.f32 v3, v51;
	_ =	sdelay $0x1  }
0x185: {  	[tilespmem:v4+s28+$0x0] =	vst.idx.msk $0xffff, v3  }
0x186: {  	v3 =	vld.idx.msk [tilespmem:v63+s23+$0x0], $0xffff;
	_ =	sdelay $0x2  }
0x187: {  	v4 =	vor.u32 $0x60E, v0;
	_ =	sdelay $0x1  }
0x188: {  	v3 =	vmul.f32 v3, v51;
	_ =	sdelay $0x1  }
0x189: {  	[tilespmem:v63+s28+$0x0] =	vst.idx.msk $0xffff, v3  }
0x18a: {  	v3 =	vld.idx.msk [tilespmem:v4+s23+$0x0], $0xffff;
	_ =	sdelay $0x2  }
0x18b: {  	v63 =	vor.u32 $0x60F, v0;
	_ =	sdelay $0x1  }
0x18c: {  	v3 =	vmul.f32 v3, v51;
	_ =	sdelay $0x1  }
0x18d: {  	[tilespmem:v4+s28+$0x0] =	vst.idx.msk $0xffff, v3  }
0x18e: {  	v3 =	vld.idx.msk [tilespmem:v63+s23+$0x0], $0xffff;
	_ =	sdelay $0x2  }
0x18f: {  	v4 =	vor.u32 $0x610, v0;
	_ =	sdelay $0x1  }
0x190: {  	v3 =	vmul.f32 v3, v51;
	_ =	sdelay $0x1  }
0x191: {  	[tilespmem:v63+s28+$0x0] =	vst.idx.msk $0xffff, v3  }
0x192: {  	v3 =	vld.idx.msk [tilespmem:v4+s23+$0x0], $0xffff;
	_ =	sdelay $0x2  }
0x193: {  	v63 =	vor.u32 $0x611, v0;
	_ =	sdelay $0x1  }
0x194: {  	v3 =	vmul.f32 v3, v51;
	_ =	sdelay $0x1  }
0x195: {  	[tilespmem:v4+s28+$0x0] =	vst.idx.msk $0xffff, v3  }
0x196: {  	v3 =	vld.idx.msk [tilespmem:v63+s23+$0x0], $0xffff;
	_ =	sdelay $0x2  }
0x197: {  	v4 =	vor.u32 $0x612, v0;
	_ =	sdelay $0x1  }
0x198: {  	v3 =	vmul.f32 v3, v51;
	_ =	sdelay $0x1  }
0x199: {  	[tilespmem:v63+s28+$0x0] =	vst.idx.msk $0xffff, v3  }
0x19a: {  	v3 =	vld.idx.msk [tilespmem:v4+s23+$0x0], $0xffff;
	_ =	sdelay $0x2  }
0x19b: {  	v50 =	vor.u32 $0x613, v0;
	_ =	sdelay $0x1  }
0x19c: {  	v3 =	vmul.f32 v3, v51;
	_ =	sdelay $0x1  }
0x19d: {  	[tilespmem:v4+s28+$0x0] =	vst.idx.msk $0xffff, v3  }
0x19e: {  	v3 =	vld.idx.msk [tilespmem:v50+s23+$0x0], $0xffff;
	_ =	sdelay $0x4  }
0x19f: {  	v4 =	vor.u32 $0x814, v0;
	v3 =	vmul.f32 v3, v51  }
0x1a0: {  	v63 =	vor.u32 $0x400, v1  }
0x1a1: {  	[tilespmem:v50+s28+$0x0] =	vst.idx.msk $0xffff, v3  }
0x1a2: {  	[tilespmem:v27+s28+$0x0] =	vst.idx.msk $0xffff, v2  }
0x1a3: {  	[tilespmem:v26+s28+$0x0] =	vst.idx.msk $0xffff, v51  }
0x1a4: {  	v2 =	vld.idx.msk [tilespmem:v4+s23+$0x0], $0xffff  }
0x1a5: {  	v3 =	vld.idx.msk [tilespmem:v63+s25+$0x0], $0xffff;
	_ =	sdelay $0x4  }
0x1a6: {  	v2 =	vadd.f32 v3, v2;
	_ =	sdelay $0x1  }
0x1a7: {  	v3 =	vmul.f32 $2.000000030e-01, v2  }
0x1a8: {  	vm8 =	vge.f32 v2, $0.0e+00  }
0x1a9: {  	v2 =	vsel vm8, v2, v3  }
0x1aa: {  	v2 =	vsub.f32 v2, v61;
	_ =	sdelay $0x1  }
0x1ab: {  	v2 =	vmul.f32 $1.442695020e+00, v2;
	_ =	sdelay $0x1  }
0x1ac: {  	(erf) = vpow2.f32 v2;
	v2 =	vor.u32 $0x800, v0;
	_ =	sdelay $0x4  }
0x1ad: {  	v26 =	vld.idx.msk [tilespmem:v2+s23+$0x0], $0xffff  }
0x1ae: {  	v27 =	vor.u32 $0x401, v1  }
0x1af: {  	v3 =	vor.u32 $0x815, v0  }
0x1b0: {  	v50 =	vor.u32 $0x801, v0  }
0x1b1: {  	v51 =	vpop (erf)  }
0x1b2: {  	v26 =	vmul.f32 v51, v26  }
0x1b3: {  	v27 =	vld.idx.msk [tilespmem:v27+s25+$0x0], $0xffff  }
0x1b4: {  	v63 =	vld.idx.msk [tilespmem:v3+s23+$0x0], $0xffff;
	[tilespmem:v2+s28+$0x0] =	vst.idx.msk $0xffff, v26  }
0x1b5: {  	v2 =	vld.idx.msk [tilespmem:v50+s23+$0x0], $0xffff;
	_ =	sdelay $0x2  }
0x1b6: {  	v26 =	vor.u32 $0x802, v0;
	_ =	sdelay $0x1  }
0x1b7: {  	v2 =	vmul.f32 v51, v2;
	_ =	sdelay $0x1  }
0x1b8: {  	[tilespmem:v50+s28+$0x0] =	vst.idx.msk $0xffff, v2  }
0x1b9: {  	v2 =	vld.idx.msk [tilespmem:v26+s23+$0x0], $0xffff;
	_ =	sdelay $0x2  }
0x1ba: {  	v50 =	vor.u32 $0x803, v0;
	_ =	sdelay $0x1  }
0x1bb: {  	v2 =	vmul.f32 v51, v2;
	_ =	sdelay $0x1  }
0x1bc: {  	[tilespmem:v26+s28+$0x0] =	vst.idx.msk $0xffff, v2  }
0x1bd: {  	v2 =	vld.idx.msk [tilespmem:v50+s23+$0x0], $0xffff;
	_ =	sdelay $0x2  }
0x1be: {  	v26 =	vor.u32 $0x804, v0;
	_ =	sdelay $0x1  }
0x1bf: {  	v2 =	vmul.f32 v2, v51;
	_ =	sdelay $0x1  }
0x1c0: {  	[tilespmem:v50+s28+$0x0] =	vst.idx.msk $0xffff, v2  }
0x1c1: {  	v2 =	vld.idx.msk [tilespmem:v26+s23+$0x0], $0xffff;
	_ =	sdelay $0x2  }
0x1c2: {  	v50 =	vor.u32 $0x805, v0;
	_ =	sdelay $0x1  }
0x1c3: {  	v2 =	vmul.f32 v2, v51;
	_ =	sdelay $0x1  }
0x1c4: {  	[tilespmem:v26+s28+$0x0] =	vst.idx.msk $0xffff, v2  }
0x1c5: {  	v2 =	vld.idx.msk [tilespmem:v50+s23+$0x0], $0xffff;
	_ =	sdelay $0x2  }
0x1c6: {  	v26 =	vor.u32 $0x806, v0;
	_ =	sdelay $0x1  }
0x1c7: {  	v2 =	vmul.f32 v2, v51;
	_ =	sdelay $0x1  }
0x1c8: {  	[tilespmem:v50+s28+$0x0] =	vst.idx.msk $0xffff, v2  }
0x1c9: {  	v2 =	vld.idx.msk [tilespmem:v26+s23+$0x0], $0xffff;
	_ =	sdelay $0x2  }
0x1ca: {  	v50 =	vor.u32 $0x807, v0;
	_ =	sdelay $0x1  }
0x1cb: {  	v2 =	vmul.f32 v2, v51;
	_ =	sdelay $0x1  }
0x1cc: {  	[tilespmem:v26+s28+$0x0] =	vst.idx.msk $0xffff, v2  }
0x1cd: {  	v2 =	vld.idx.msk [tilespmem:v50+s23+$0x0], $0xffff;
	_ =	sdelay $0x2  }
0x1ce: {  	v26 =	vor.u32 $0x808, v0;
	_ =	sdelay $0x1  }
0x1cf: {  	v2 =	vmul.f32 v2, v51;
	_ =	sdelay $0x1  }
0x1d0: {  	[tilespmem:v50+s28+$0x0] =	vst.idx.msk $0xffff, v2  }
0x1d1: {  	v2 =	vld.idx.msk [tilespmem:v26+s23+$0x0], $0xffff;
	_ =	sdelay $0x1  }
0x1d2: {  	v27 =	vadd.f32 v27, v63  }
0x1d3: {  	v50 =	vor.u32 $0x809, v0  }
0x1d4: {  	v63 =	vmul.f32 $2.000000030e-01, v27  }
0x1d5: {  	vm9 =	vge.f32 v27, $0.0e+00;
	v2 =	vmul.f32 v2, v51  }
0x1d6: {  	v27 =	vsel vm9, v27, v63  }
0x1d7: {  	v27 =	vsub.f32 v27, v62;
	[tilespmem:v26+s28+$0x0] =	vst.idx.msk $0xffff, v2  }
0x1d8: {  	v2 =	vld.idx.msk [tilespmem:v50+s23+$0x0], $0xffff  }
0x1d9: {  	v26 =	vmul.f32 $1.442695020e+00, v27;
	_ =	sdelay $0x1  }
0x1da: {  	(erf) = vpow2.f32 v26;
	v26 =	vor.u32 $0x80A, v0;
	_ =	sdelay $0x1  }
0x1db: {  	v2 =	vmul.f32 v2, v51;
	_ =	sdelay $0x1  }
0x1dc: {  	[tilespmem:v50+s28+$0x0] =	vst.idx.msk $0xffff, v2  }
0x1dd: {  	v2 =	vld.idx.msk [tilespmem:v26+s23+$0x0], $0xffff;
	_ =	sdelay $0x2  }
0x1de: {  	v27 =	vor.u32 $0x80B, v0  }
0x1df: {  	v50 =	vpop (erf)  }
0x1e0: {  	v2 =	vmul.f32 v2, v50;
	_ =	sdelay $0x1  }
0x1e1: {  	[tilespmem:v26+s28+$0x0] =	vst.idx.msk $0xffff, v2  }
0x1e2: {  	v2 =	vld.idx.msk [tilespmem:v27+s23+$0x0], $0xffff;
	_ =	sdelay $0x2  }
0x1e3: {  	v26 =	vor.u32 $0x80C, v0;
	_ =	sdelay $0x1  }
0x1e4: {  	v2 =	vmul.f32 v2, v50;
	_ =	sdelay $0x1  }
0x1e5: {  	[tilespmem:v27+s28+$0x0] =	vst.idx.msk $0xffff, v2  }
0x1e6: {  	v2 =	vld.idx.msk [tilespmem:v26+s23+$0x0], $0xffff;
	_ =	sdelay $0x2  }
0x1e7: {  	v27 =	vor.u32 $0x80D, v0;
	_ =	sdelay $0x1  }
0x1e8: {  	v2 =	vmul.f32 v2, v50;
	_ =	sdelay $0x1  }
0x1e9: {  	[tilespmem:v26+s28+$0x0] =	vst.idx.msk $0xffff, v2  }
0x1ea: {  	v2 =	vld.idx.msk [tilespmem:v27+s23+$0x0], $0xffff;
	_ =	sdelay $0x2  }
0x1eb: {  	v26 =	vor.u32 $0x80E, v0;
	_ =	sdelay $0x1  }
0x1ec: {  	v2 =	vmul.f32 v2, v50;
	_ =	sdelay $0x1  }
0x1ed: {  	[tilespmem:v27+s28+$0x0] =	vst.idx.msk $0xffff, v2  }
0x1ee: {  	v2 =	vld.idx.msk [tilespmem:v26+s23+$0x0], $0xffff;
	_ =	sdelay $0x2  }
0x1ef: {  	v27 =	vor.u32 $0x80F, v0;
	_ =	sdelay $0x1  }
0x1f0: {  	v2 =	vmul.f32 v2, v50;
	_ =	sdelay $0x1  }
0x1f1: {  	[tilespmem:v26+s28+$0x0] =	vst.idx.msk $0xffff, v2  }
0x1f2: {  	v2 =	vld.idx.msk [tilespmem:v27+s23+$0x0], $0xffff;
	_ =	sdelay $0x2  }
0x1f3: {  	v26 =	vor.u32 $0x810, v0;
	_ =	sdelay $0x1  }
0x1f4: {  	v2 =	vmul.f32 v2, v50;
	_ =	sdelay $0x1  }
0x1f5: {  	[tilespmem:v27+s28+$0x0] =	vst.idx.msk $0xffff, v2  }
0x1f6: {  	v2 =	vld.idx.msk [tilespmem:v26+s23+$0x0], $0xffff;
	_ =	sdelay $0x2  }
0x1f7: {  	v27 =	vor.u32 $0x811, v0;
	_ =	sdelay $0x1  }
0x1f8: {  	v2 =	vmul.f32 v2, v50;
	_ =	sdelay $0x1  }
0x1f9: {  	[tilespmem:v26+s28+$0x0] =	vst.idx.msk $0xffff, v2  }
0x1fa: {  	v2 =	vld.idx.msk [tilespmem:v27+s23+$0x0], $0xffff;
	_ =	sdelay $0x2  }
0x1fb: {  	v26 =	vor.u32 $0x812, v0;
	_ =	sdelay $0x1  }
0x1fc: {  	v2 =	vmul.f32 v2, v50;
	_ =	sdelay $0x1  }
0x1fd: {  	[tilespmem:v27+s28+$0x0] =	vst.idx.msk $0xffff, v2  }
0x1fe: {  	v2 =	vld.idx.msk [tilespmem:v26+s23+$0x0], $0xffff;
	_ =	sdelay $0x2  }
0x1ff: {  	v27 =	vor.u32 $0x813, v0;
	_ =	sdelay $0x1  }
0x200: {  	v2 =	vmul.f32 v2, v50;
	_ =	sdelay $0x1  }
0x201: {  	[tilespmem:v26+s28+$0x0] =	vst.idx.msk $0xffff, v2  }
0x202: {  	v2 =	vld.idx.msk [tilespmem:v27+s23+$0x0], $0xffff;
	_ =	sdelay $0x4  }
0x203: {  	v26 =	vor.u32 $0xA14, v0;
	v2 =	vmul.f32 v2, v50  }
0x204: {  	v63 =	vor.u32 $0x500, v1  }
0x205: {  	[tilespmem:v27+s28+$0x0] =	vst.idx.msk $0xffff, v2  }
0x206: {  	[tilespmem:v4+s28+$0x0] =	vst.idx.msk $0xffff, v51  }
0x207: {  	[tilespmem:v3+s28+$0x0] =	vst.idx.msk $0xffff, v50  }
0x208: {  	v2 =	vld.idx.msk [tilespmem:v26+s23+$0x0], $0xffff  }
0x209: {  	v3 =	vld.idx.msk [tilespmem:v63+s25+$0x0], $0xffff;
	_ =	sdelay $0x4  }
0x20a: {  	v2 =	vadd.f32 v3, v2;
	_ =	sdelay $0x1  }
0x20b: {  	v3 =	vmul.f32 $2.000000030e-01, v2  }
0x20c: {  	vm10 =	vge.f32 v2, $0.0e+00  }
0x20d: {  	v2 =	vsel vm10, v2, v3  }
0x20e: {  	v2 =	vsub.f32 v2, v61;
	_ =	sdelay $0x1  }
0x20f: {  	v2 =	vmul.f32 $1.442695020e+00, v2;
	_ =	sdelay $0x1  }
0x210: {  	(erf) = vpow2.f32 v2;
	v2 =	vor.u32 $0xA00, v0;
	_ =	sdelay $0x4  }
0x211: {  	v4 =	vld.idx.msk [tilespmem:v2+s23+$0x0], $0xffff  }
0x212: {  	v27 =	vor.u32 $0x501, v1  }
0x213: {  	v3 =	vor.u32 $0xA15, v0  }
0x214: {  	v50 =	vor.u32 $0xA01, v0  }
0x215: {  	v51 =	vpop (erf)  }
0x216: {  	v4 =	vmul.f32 v51, v4  }
0x217: {  	v27 =	vld.idx.msk [tilespmem:v27+s25+$0x0], $0xffff  }
0x218: {  	v63 =	vld.idx.msk [tilespmem:v3+s23+$0x0], $0xffff;
	[tilespmem:v2+s28+$0x0] =	vst.idx.msk $0xffff, v4  }
0x219: {  	v2 =	vld.idx.msk [tilespmem:v50+s23+$0x0], $0xffff;
	_ =	sdelay $0x2  }
0x21a: {  	v4 =	vor.u32 $0xA02, v0;
	_ =	sdelay $0x1  }
0x21b: {  	v2 =	vmul.f32 v51, v2;
	_ =	sdelay $0x1  }
0x21c: {  	[tilespmem:v50+s28+$0x0] =	vst.idx.msk $0xffff, v2  }
0x21d: {  	v2 =	vld.idx.msk [tilespmem:v4+s23+$0x0], $0xffff;
	_ =	sdelay $0x2  }
0x21e: {  	v50 =	vor.u32 $0xA03, v0;
	_ =	sdelay $0x1  }
0x21f: {  	v2 =	vmul.f32 v51, v2;
	_ =	sdelay $0x1  }
0x220: {  	[tilespmem:v4+s28+$0x0] =	vst.idx.msk $0xffff, v2  }
0x221: {  	v2 =	vld.idx.msk [tilespmem:v50+s23+$0x0], $0xffff;
	_ =	sdelay $0x2  }
0x222: {  	v4 =	vor.u32 $0xA04, v0;
	_ =	sdelay $0x1  }
0x223: {  	v2 =	vmul.f32 v2, v51;
	_ =	sdelay $0x1  }
0x224: {  	[tilespmem:v50+s28+$0x0] =	vst.idx.msk $0xffff, v2  }
0x225: {  	v2 =	vld.idx.msk [tilespmem:v4+s23+$0x0], $0xffff;
	_ =	sdelay $0x2  }
0x226: {  	v50 =	vor.u32 $0xA05, v0;
	_ =	sdelay $0x1  }
0x227: {  	v2 =	vmul.f32 v2, v51;
	_ =	sdelay $0x1  }
0x228: {  	[tilespmem:v4+s28+$0x0] =	vst.idx.msk $0xffff, v2  }
0x229: {  	v2 =	vld.idx.msk [tilespmem:v50+s23+$0x0], $0xffff;
	_ =	sdelay $0x2  }
0x22a: {  	v4 =	vor.u32 $0xA06, v0;
	_ =	sdelay $0x1  }
0x22b: {  	v2 =	vmul.f32 v2, v51;
	_ =	sdelay $0x1  }
0x22c: {  	[tilespmem:v50+s28+$0x0] =	vst.idx.msk $0xffff, v2  }
0x22d: {  	v2 =	vld.idx.msk [tilespmem:v4+s23+$0x0], $0xffff;
	_ =	sdelay $0x2  }
0x22e: {  	v50 =	vor.u32 $0xA07, v0;
	_ =	sdelay $0x1  }
0x22f: {  	v2 =	vmul.f32 v2, v51;
	_ =	sdelay $0x1  }
0x230: {  	[tilespmem:v4+s28+$0x0] =	vst.idx.msk $0xffff, v2  }
0x231: {  	v2 =	vld.idx.msk [tilespmem:v50+s23+$0x0], $0xffff;
	_ =	sdelay $0x2  }
0x232: {  	v4 =	vor.u32 $0xA08, v0;
	_ =	sdelay $0x1  }
0x233: {  	v2 =	vmul.f32 v2, v51;
	_ =	sdelay $0x1  }
0x234: {  	[tilespmem:v50+s28+$0x0] =	vst.idx.msk $0xffff, v2  }
0x235: {  	v2 =	vld.idx.msk [tilespmem:v4+s23+$0x0], $0xffff;
	_ =	sdelay $0x1  }
0x236: {  	v27 =	vadd.f32 v27, v63  }
0x237: {  	v50 =	vor.u32 $0xA09, v0  }
0x238: {  	v63 =	vmul.f32 $2.000000030e-01, v27  }
0x239: {  	vm11 =	vge.f32 v27, $0.0e+00;
	v2 =	vmul.f32 v2, v51  }
0x23a: {  	v27 =	vsel vm11, v27, v63  }
0x23b: {  	v27 =	vsub.f32 v27, v62;
	[tilespmem:v4+s28+$0x0] =	vst.idx.msk $0xffff, v2  }
0x23c: {  	v2 =	vld.idx.msk [tilespmem:v50+s23+$0x0], $0xffff  }
0x23d: {  	v4 =	vmul.f32 $1.442695020e+00, v27;
	_ =	sdelay $0x1  }
0x23e: {  	(erf) = vpow2.f32 v4;
	v4 =	vor.u32 $0xA0A, v0;
	_ =	sdelay $0x1  }
0x23f: {  	v2 =	vmul.f32 v2, v51;
	_ =	sdelay $0x1  }
0x240: {  	[tilespmem:v50+s28+$0x0] =	vst.idx.msk $0xffff, v2  }
0x241: {  	v2 =	vld.idx.msk [tilespmem:v4+s23+$0x0], $0xffff;
	_ =	sdelay $0x2  }
0x242: {  	v27 =	vor.u32 $0xA0B, v0  }
0x243: {  	v50 =	vpop (erf)  }
0x244: {  	v2 =	vmul.f32 v2, v50;
	_ =	sdelay $0x1  }
0x245: {  	[tilespmem:v4+s28+$0x0] =	vst.idx.msk $0xffff, v2  }
0x246: {  	v2 =	vld.idx.msk [tilespmem:v27+s23+$0x0], $0xffff;
	_ =	sdelay $0x2  }
0x247: {  	v4 =	vor.u32 $0xA0C, v0;
	_ =	sdelay $0x1  }
0x248: {  	v2 =	vmul.f32 v2, v50;
	_ =	sdelay $0x1  }
0x249: {  	[tilespmem:v27+s28+$0x0] =	vst.idx.msk $0xffff, v2  }
0x24a: {  	v2 =	vld.idx.msk [tilespmem:v4+s23+$0x0], $0xffff;
	_ =	sdelay $0x2  }
0x24b: {  	v27 =	vor.u32 $0xA0D, v0;
	_ =	sdelay $0x1  }
0x24c: {  	v2 =	vmul.f32 v2, v50;
	_ =	sdelay $0x1  }
0x24d: {  	[tilespmem:v4+s28+$0x0] =	vst.idx.msk $0xffff, v2  }
0x24e: {  	v2 =	vld.idx.msk [tilespmem:v27+s23+$0x0], $0xffff;
	_ =	sdelay $0x2  }
0x24f: {  	v4 =	vor.u32 $0xA0E, v0;
	_ =	sdelay $0x1  }
0x250: {  	v2 =	vmul.f32 v2, v50;
	_ =	sdelay $0x1  }
0x251: {  	[tilespmem:v27+s28+$0x0] =	vst.idx.msk $0xffff, v2  }
0x252: {  	v2 =	vld.idx.msk [tilespmem:v4+s23+$0x0], $0xffff;
	_ =	sdelay $0x2  }
0x253: {  	v27 =	vor.u32 $0xA0F, v0;
	_ =	sdelay $0x1  }
0x254: {  	v2 =	vmul.f32 v2, v50;
	_ =	sdelay $0x1  }
0x255: {  	[tilespmem:v4+s28+$0x0] =	vst.idx.msk $0xffff, v2  }
0x256: {  	v2 =	vld.idx.msk [tilespmem:v27+s23+$0x0], $0xffff;
	_ =	sdelay $0x2  }
0x257: {  	v4 =	vor.u32 $0xA10, v0;
	_ =	sdelay $0x1  }
0x258: {  	v2 =	vmul.f32 v2, v50;
	_ =	sdelay $0x1  }
0x259: {  	[tilespmem:v27+s28+$0x0] =	vst.idx.msk $0xffff, v2  }
0x25a: {  	v2 =	vld.idx.msk [tilespmem:v4+s23+$0x0], $0xffff;
	_ =	sdelay $0x2  }
0x25b: {  	v27 =	vor.u32 $0xA11, v0;
	_ =	sdelay $0x1  }
0x25c: {  	v2 =	vmul.f32 v2, v50;
	_ =	sdelay $0x1  }
0x25d: {  	[tilespmem:v4+s28+$0x0] =	vst.idx.msk $0xffff, v2  }
0x25e: {  	v2 =	vld.idx.msk [tilespmem:v27+s23+$0x0], $0xffff;
	_ =	sdelay $0x2  }
0x25f: {  	v4 =	vor.u32 $0xA12, v0;
	_ =	sdelay $0x1  }
0x260: {  	v2 =	vmul.f32 v2, v50;
	_ =	sdelay $0x1  }
0x261: {  	[tilespmem:v27+s28+$0x0] =	vst.idx.msk $0xffff, v2  }
0x262: {  	v2 =	vld.idx.msk [tilespmem:v4+s23+$0x0], $0xffff;
	_ =	sdelay $0x2  }
0x263: {  	v27 =	vor.u32 $0xA13, v0;
	_ =	sdelay $0x1  }
0x264: {  	v2 =	vmul.f32 v2, v50;
	_ =	sdelay $0x1  }
0x265: {  	[tilespmem:v4+s28+$0x0] =	vst.idx.msk $0xffff, v2  }
0x266: {  	v2 =	vld.idx.msk [tilespmem:v27+s23+$0x0], $0xffff;
	_ =	sdelay $0x4  }
0x267: {  	v4 =	vor.u32 $0xC14, v0;
	v2 =	vmul.f32 v2, v50  }
0x268: {  	v63 =	vor.u32 $0x600, v1  }
0x269: {  	[tilespmem:v27+s28+$0x0] =	vst.idx.msk $0xffff, v2  }
0x26a: {  	[tilespmem:v26+s28+$0x0] =	vst.idx.msk $0xffff, v51  }
0x26b: {  	[tilespmem:v3+s28+$0x0] =	vst.idx.msk $0xffff, v50  }
0x26c: {  	v2 =	vld.idx.msk [tilespmem:v4+s23+$0x0], $0xffff  }
0x26d: {  	v3 =	vld.idx.msk [tilespmem:v63+s25+$0x0], $0xffff;
	_ =	sdelay $0x4  }
0x26e: {  	v2 =	vadd.f32 v3, v2;
	_ =	sdelay $0x1  }
0x26f: {  	v3 =	vmul.f32 $2.000000030e-01, v2  }
0x270: {  	vm12 =	vge.f32 v2, $0.0e+00  }
0x271: {  	v2 =	vsel vm12, v2, v3  }
0x272: {  	v2 =	vsub.f32 v2, v61;
	_ =	sdelay $0x1  }
0x273: {  	v2 =	vmul.f32 $1.442695020e+00, v2;
	_ =	sdelay $0x1  }
0x274: {  	(erf) = vpow2.f32 v2;
	v2 =	vor.u32 $0xC00, v0;
	_ =	sdelay $0x4  }
0x275: {  	v26 =	vld.idx.msk [tilespmem:v2+s23+$0x0], $0xffff  }
0x276: {  	v27 =	vor.u32 $0x601, v1  }
0x277: {  	v3 =	vor.u32 $0xC15, v0  }
0x278: {  	v50 =	vor.u32 $0xC01, v0  }
0x279: {  	v51 =	vpop (erf)  }
0x27a: {  	v26 =	vmul.f32 v51, v26  }
0x27b: {  	v27 =	vld.idx.msk [tilespmem:v27+s25+$0x0], $0xffff  }
0x27c: {  	v63 =	vld.idx.msk [tilespmem:v3+s23+$0x0], $0xffff;
	[tilespmem:v2+s28+$0x0] =	vst.idx.msk $0xffff, v26  }
0x27d: {  	v2 =	vld.idx.msk [tilespmem:v50+s23+$0x0], $0xffff;
	_ =	sdelay $0x2  }
0x27e: {  	v26 =	vor.u32 $0xC02, v0;
	_ =	sdelay $0x1  }
0x27f: {  	v2 =	vmul.f32 v51, v2;
	_ =	sdelay $0x1  }
0x280: {  	[tilespmem:v50+s28+$0x0] =	vst.idx.msk $0xffff, v2  }
0x281: {  	v2 =	vld.idx.msk [tilespmem:v26+s23+$0x0], $0xffff;
	_ =	sdelay $0x2  }
0x282: {  	v50 =	vor.u32 $0xC03, v0;
	_ =	sdelay $0x1  }
0x283: {  	v2 =	vmul.f32 v51, v2;
	_ =	sdelay $0x1  }
0x284: {  	[tilespmem:v26+s28+$0x0] =	vst.idx.msk $0xffff, v2  }
0x285: {  	v2 =	vld.idx.msk [tilespmem:v50+s23+$0x0], $0xffff;
	_ =	sdelay $0x2  }
0x286: {  	v26 =	vor.u32 $0xC04, v0;
	_ =	sdelay $0x1  }
0x287: {  	v2 =	vmul.f32 v2, v51;
	_ =	sdelay $0x1  }
0x288: {  	[tilespmem:v50+s28+$0x0] =	vst.idx.msk $0xffff, v2  }
0x289: {  	v2 =	vld.idx.msk [tilespmem:v26+s23+$0x0], $0xffff;
	_ =	sdelay $0x2  }
0x28a: {  	v50 =	vor.u32 $0xC05, v0;
	_ =	sdelay $0x1  }
0x28b: {  	v2 =	vmul.f32 v2, v51;
	_ =	sdelay $0x1  }
0x28c: {  	[tilespmem:v26+s28+$0x0] =	vst.idx.msk $0xffff, v2  }
0x28d: {  	v2 =	vld.idx.msk [tilespmem:v50+s23+$0x0], $0xffff;
	_ =	sdelay $0x2  }
0x28e: {  	v26 =	vor.u32 $0xC06, v0;
	_ =	sdelay $0x1  }
0x28f: {  	v2 =	vmul.f32 v2, v51;
	_ =	sdelay $0x1  }
0x290: {  	[tilespmem:v50+s28+$0x0] =	vst.idx.msk $0xffff, v2  }
0x291: {  	v2 =	vld.idx.msk [tilespmem:v26+s23+$0x0], $0xffff;
	_ =	sdelay $0x2  }
0x292: {  	v50 =	vor.u32 $0xC07, v0;
	_ =	sdelay $0x1  }
0x293: {  	v2 =	vmul.f32 v2, v51;
	_ =	sdelay $0x1  }
0x294: {  	[tilespmem:v26+s28+$0x0] =	vst.idx.msk $0xffff, v2  }
0x295: {  	v2 =	vld.idx.msk [tilespmem:v50+s23+$0x0], $0xffff;
	_ =	sdelay $0x2  }
0x296: {  	v26 =	vor.u32 $0xC08, v0;
	_ =	sdelay $0x1  }
0x297: {  	v2 =	vmul.f32 v2, v51;
	_ =	sdelay $0x1  }
0x298: {  	[tilespmem:v50+s28+$0x0] =	vst.idx.msk $0xffff, v2  }
0x299: {  	v2 =	vld.idx.msk [tilespmem:v26+s23+$0x0], $0xffff;
	_ =	sdelay $0x1  }
0x29a: {  	v27 =	vadd.f32 v27, v63  }
0x29b: {  	v50 =	vor.u32 $0xC09, v0  }
0x29c: {  	v63 =	vmul.f32 $2.000000030e-01, v27  }
0x29d: {  	vm13 =	vge.f32 v27, $0.0e+00;
	v2 =	vmul.f32 v2, v51  }
0x29e: {  	v27 =	vsel vm13, v27, v63  }
0x29f: {  	v27 =	vsub.f32 v27, v62;
	[tilespmem:v26+s28+$0x0] =	vst.idx.msk $0xffff, v2  }
0x2a0: {  	v2 =	vld.idx.msk [tilespmem:v50+s23+$0x0], $0xffff  }
0x2a1: {  	v26 =	vmul.f32 $1.442695020e+00, v27;
	_ =	sdelay $0x1  }
0x2a2: {  	(erf) = vpow2.f32 v26;
	v26 =	vor.u32 $0xC0A, v0;
	_ =	sdelay $0x1  }
0x2a3: {  	v2 =	vmul.f32 v2, v51;
	_ =	sdelay $0x1  }
0x2a4: {  	[tilespmem:v50+s28+$0x0] =	vst.idx.msk $0xffff, v2  }
0x2a5: {  	v2 =	vld.idx.msk [tilespmem:v26+s23+$0x0], $0xffff;
	_ =	sdelay $0x2  }
0x2a6: {  	v27 =	vor.u32 $0xC0B, v0  }
0x2a7: {  	v50 =	vpop (erf)  }
0x2a8: {  	v2 =	vmul.f32 v2, v50;
	_ =	sdelay $0x1  }
0x2a9: {  	[tilespmem:v26+s28+$0x0] =	vst.idx.msk $0xffff, v2  }
0x2aa: {  	v2 =	vld.idx.msk [tilespmem:v27+s23+$0x0], $0xffff;
	_ =	sdelay $0x2  }
0x2ab: {  	v26 =	vor.u32 $0xC0C, v0;
	_ =	sdelay $0x1  }
0x2ac: {  	v2 =	vmul.f32 v2, v50;
	_ =	sdelay $0x1  }
0x2ad: {  	[tilespmem:v27+s28+$0x0] =	vst.idx.msk $0xffff, v2  }
0x2ae: {  	v2 =	vld.idx.msk [tilespmem:v26+s23+$0x0], $0xffff;
	_ =	sdelay $0x2  }
0x2af: {  	v27 =	vor.u32 $0xC0D, v0;
	_ =	sdelay $0x1  }
0x2b0: {  	v2 =	vmul.f32 v2, v50;
	_ =	sdelay $0x1  }
0x2b1: {  	[tilespmem:v26+s28+$0x0] =	vst.idx.msk $0xffff, v2  }
0x2b2: {  	v2 =	vld.idx.msk [tilespmem:v27+s23+$0x0], $0xffff;
	_ =	sdelay $0x2  }
0x2b3: {  	v26 =	vor.u32 $0xC0E, v0;
	_ =	sdelay $0x1  }
0x2b4: {  	v2 =	vmul.f32 v2, v50;
	_ =	sdelay $0x1  }
0x2b5: {  	[tilespmem:v27+s28+$0x0] =	vst.idx.msk $0xffff, v2  }
0x2b6: {  	v2 =	vld.idx.msk [tilespmem:v26+s23+$0x0], $0xffff;
	_ =	sdelay $0x2  }
0x2b7: {  	v27 =	vor.u32 $0xC0F, v0;
	_ =	sdelay $0x1  }
0x2b8: {  	v2 =	vmul.f32 v2, v50;
	_ =	sdelay $0x1  }
0x2b9: {  	[tilespmem:v26+s28+$0x0] =	vst.idx.msk $0xffff, v2  }
0x2ba: {  	v2 =	vld.idx.msk [tilespmem:v27+s23+$0x0], $0xffff;
	_ =	sdelay $0x2  }
0x2bb: {  	v26 =	vor.u32 $0xC10, v0;
	_ =	sdelay $0x1  }
0x2bc: {  	v2 =	vmul.f32 v2, v50;
	_ =	sdelay $0x1  }
0x2bd: {  	[tilespmem:v27+s28+$0x0] =	vst.idx.msk $0xffff, v2  }
0x2be: {  	v2 =	vld.idx.msk [tilespmem:v26+s23+$0x0], $0xffff;
	_ =	sdelay $0x2  }
0x2bf: {  	v27 =	vor.u32 $0xC11, v0;
	_ =	sdelay $0x1  }
0x2c0: {  	v2 =	vmul.f32 v2, v50;
	_ =	sdelay $0x1  }
0x2c1: {  	[tilespmem:v26+s28+$0x0] =	vst.idx.msk $0xffff, v2  }
0x2c2: {  	v2 =	vld.idx.msk [tilespmem:v27+s23+$0x0], $0xffff;
	_ =	sdelay $0x2  }
0x2c3: {  	v26 =	vor.u32 $0xC12, v0;
	_ =	sdelay $0x1  }
0x2c4: {  	v2 =	vmul.f32 v2, v50;
	_ =	sdelay $0x1  }
0x2c5: {  	[tilespmem:v27+s28+$0x0] =	vst.idx.msk $0xffff, v2  }
0x2c6: {  	v2 =	vld.idx.msk [tilespmem:v26+s23+$0x0], $0xffff;
	_ =	sdelay $0x2  }
0x2c7: {  	v27 =	vor.u32 $0xC13, v0;
	_ =	sdelay $0x1  }
0x2c8: {  	v2 =	vmul.f32 v2, v50;
	_ =	sdelay $0x1  }
0x2c9: {  	[tilespmem:v26+s28+$0x0] =	vst.idx.msk $0xffff, v2  }
0x2ca: {  	v2 =	vld.idx.msk [tilespmem:v27+s23+$0x0], $0xffff;
	_ =	sdelay $0x4  }
0x2cb: {  	v26 =	vor.u32 $0xE14, v0;
	v2 =	vmul.f32 v2, v50  }
0x2cc: {  	v63 =	vor.u32 $0x700, v1  }
0x2cd: {  	[tilespmem:v27+s28+$0x0] =	vst.idx.msk $0xffff, v2  }
0x2ce: {  	[tilespmem:v4+s28+$0x0] =	vst.idx.msk $0xffff, v51  }
0x2cf: {  	[tilespmem:v3+s28+$0x0] =	vst.idx.msk $0xffff, v50  }
0x2d0: {  	v2 =	vld.idx.msk [tilespmem:v26+s23+$0x0], $0xffff  }
0x2d1: {  	v3 =	vld.idx.msk [tilespmem:v63+s25+$0x0], $0xffff;
	_ =	sdelay $0x4  }
0x2d2: {  	v2 =	vadd.f32 v3, v2;
	_ =	sdelay $0x1  }
0x2d3: {  	v3 =	vmul.f32 $2.000000030e-01, v2  }
0x2d4: {  	vm14 =	vge.f32 v2, $0.0e+00  }
0x2d5: {  	v2 =	vsel vm14, v2, v3  }
0x2d6: {  	v2 =	vsub.f32 v2, v61;
	_ =	sdelay $0x1  }
0x2d7: {  	v2 =	vmul.f32 $1.442695020e+00, v2;
	_ =	sdelay $0x1  }
0x2d8: {  	(erf) = vpow2.f32 v2;
	v2 =	vor.u32 $0xE00, v0;
	_ =	sdelay $0x4  }
0x2d9: {  	v4 =	vld.idx.msk [tilespmem:v2+s23+$0x0], $0xffff  }
0x2da: {  	v27 =	vor.u32 $0x701, v1  }
0x2db: {  	v3 =	vor.u32 $0xE15, v0  }
0x2dc: {  	v50 =	vor.u32 $0xE01, v0  }
0x2dd: {  	v51 =	vpop (erf)  }
0x2de: {  	v4 =	vmul.f32 v51, v4  }
0x2df: {  	v27 =	vld.idx.msk [tilespmem:v27+s25+$0x0], $0xffff  }
0x2e0: {  	v63 =	vld.idx.msk [tilespmem:v3+s23+$0x0], $0xffff;
	[tilespmem:v2+s28+$0x0] =	vst.idx.msk $0xffff, v4  }
0x2e1: {  	v2 =	vld.idx.msk [tilespmem:v50+s23+$0x0], $0xffff;
	_ =	sdelay $0x2  }
0x2e2: {  	v4 =	vor.u32 $0xE02, v0;
	_ =	sdelay $0x1  }
0x2e3: {  	v2 =	vmul.f32 v51, v2;
	_ =	sdelay $0x1  }
0x2e4: {  	[tilespmem:v50+s28+$0x0] =	vst.idx.msk $0xffff, v2  }
0x2e5: {  	v2 =	vld.idx.msk [tilespmem:v4+s23+$0x0], $0xffff;
	_ =	sdelay $0x2  }
0x2e6: {  	v50 =	vor.u32 $0xE03, v0;
	_ =	sdelay $0x1  }
0x2e7: {  	v2 =	vmul.f32 v51, v2;
	_ =	sdelay $0x1  }
0x2e8: {  	[tilespmem:v4+s28+$0x0] =	vst.idx.msk $0xffff, v2  }
0x2e9: {  	v2 =	vld.idx.msk [tilespmem:v50+s23+$0x0], $0xffff;
	_ =	sdelay $0x2  }
0x2ea: {  	v4 =	vor.u32 $0xE04, v0;
	_ =	sdelay $0x1  }
0x2eb: {  	v2 =	vmul.f32 v2, v51;
	_ =	sdelay $0x1  }
0x2ec: {  	[tilespmem:v50+s28+$0x0] =	vst.idx.msk $0xffff, v2  }
0x2ed: {  	v2 =	vld.idx.msk [tilespmem:v4+s23+$0x0], $0xffff;
	_ =	sdelay $0x2  }
0x2ee: {  	v50 =	vor.u32 $0xE05, v0;
	_ =	sdelay $0x1  }
0x2ef: {  	v2 =	vmul.f32 v2, v51;
	_ =	sdelay $0x1  }
0x2f0: {  	[tilespmem:v4+s28+$0x0] =	vst.idx.msk $0xffff, v2  }
0x2f1: {  	v2 =	vld.idx.msk [tilespmem:v50+s23+$0x0], $0xffff;
	_ =	sdelay $0x2  }
0x2f2: {  	v4 =	vor.u32 $0xE06, v0;
	_ =	sdelay $0x1  }
0x2f3: {  	v2 =	vmul.f32 v2, v51;
	_ =	sdelay $0x1  }
0x2f4: {  	[tilespmem:v50+s28+$0x0] =	vst.idx.msk $0xffff, v2  }
0x2f5: {  	v2 =	vld.idx.msk [tilespmem:v4+s23+$0x0], $0xffff;
	_ =	sdelay $0x2  }
0x2f6: {  	v50 =	vor.u32 $0xE07, v0;
	_ =	sdelay $0x1  }
0x2f7: {  	v2 =	vmul.f32 v2, v51;
	_ =	sdelay $0x1  }
0x2f8: {  	[tilespmem:v4+s28+$0x0] =	vst.idx.msk $0xffff, v2  }
0x2f9: {  	v2 =	vld.idx.msk [tilespmem:v50+s23+$0x0], $0xffff;
	_ =	sdelay $0x2  }
0x2fa: {  	v4 =	vor.u32 $0xE08, v0;
	_ =	sdelay $0x1  }
0x2fb: {  	v2 =	vmul.f32 v2, v51;
	_ =	sdelay $0x1  }
0x2fc: {  	[tilespmem:v50+s28+$0x0] =	vst.idx.msk $0xffff, v2  }
0x2fd: {  	v2 =	vld.idx.msk [tilespmem:v4+s23+$0x0], $0xffff;
	_ =	sdelay $0x1  }
0x2fe: {  	v27 =	vadd.f32 v27, v63  }
0x2ff: {  	v50 =	vor.u32 $0xE09, v0  }
0x300: {  	v63 =	vmul.f32 $2.000000030e-01, v27  }
0x301: {  	vm15 =	vge.f32 v27, $0.0e+00;
	v2 =	vmul.f32 v2, v51  }
0x302: {  	v27 =	vsel vm15, v27, v63  }
0x303: {  	v27 =	vsub.f32 v27, v62;
	[tilespmem:v4+s28+$0x0] =	vst.idx.msk $0xffff, v2  }
0x304: {  	v2 =	vld.idx.msk [tilespmem:v50+s23+$0x0], $0xffff  }
0x305: {  	v4 =	vmul.f32 $1.442695020e+00, v27;
	_ =	sdelay $0x1  }
0x306: {  	(erf) = vpow2.f32 v4;
	v4 =	vor.u32 $0xE0A, v0;
	_ =	sdelay $0x1  }
0x307: {  	v2 =	vmul.f32 v2, v51;
	_ =	sdelay $0x1  }
0x308: {  	[tilespmem:v50+s28+$0x0] =	vst.idx.msk $0xffff, v2  }
0x309: {  	v2 =	vld.idx.msk [tilespmem:v4+s23+$0x0], $0xffff;
	_ =	sdelay $0x2  }
0x30a: {  	v27 =	vor.u32 $0xE0B, v0  }
0x30b: {  	v63 =	vpop (erf)  }
0x30c: {  	v2 =	vmul.f32 v2, v63;
	_ =	sdelay $0x1  }
0x30d: {  	[tilespmem:v4+s28+$0x0] =	vst.idx.msk $0xffff, v2  }
0x30e: {  	v2 =	vld.idx.msk [tilespmem:v27+s23+$0x0], $0xffff;
	_ =	sdelay $0x2  }
0x30f: {  	v4 =	vor.u32 $0xE0C, v0;
	_ =	sdelay $0x1  }
0x310: {  	v2 =	vmul.f32 v2, v63;
	_ =	sdelay $0x1  }
0x311: {  	[tilespmem:v27+s28+$0x0] =	vst.idx.msk $0xffff, v2  }
0x312: {  	v2 =	vld.idx.msk [tilespmem:v4+s23+$0x0], $0xffff;
	_ =	sdelay $0x2  }
0x313: {  	v27 =	vor.u32 $0xE0D, v0;
	_ =	sdelay $0x1  }
0x314: {  	v2 =	vmul.f32 v2, v63;
	_ =	sdelay $0x1  }
0x315: {  	[tilespmem:v4+s28+$0x0] =	vst.idx.msk $0xffff, v2  }
0x316: {  	v2 =	vld.idx.msk [tilespmem:v27+s23+$0x0], $0xffff;
	_ =	sdelay $0x2  }
0x317: {  	v4 =	vor.u32 $0xE0E, v0;
	_ =	sdelay $0x1  }
0x318: {  	v2 =	vmul.f32 v2, v63;
	_ =	sdelay $0x1  }
0x319: {  	[tilespmem:v27+s28+$0x0] =	vst.idx.msk $0xffff, v2  }
0x31a: {  	v2 =	vld.idx.msk [tilespmem:v4+s23+$0x0], $0xffff;
	_ =	sdelay $0x2  }
0x31b: {  	v27 =	vor.u32 $0xE0F, v0;
	_ =	sdelay $0x1  }
0x31c: {  	v2 =	vmul.f32 v2, v63;
	_ =	sdelay $0x1  }
0x31d: {  	[tilespmem:v4+s28+$0x0] =	vst.idx.msk $0xffff, v2  }
0x31e: {  	v2 =	vld.idx.msk [tilespmem:v27+s23+$0x0], $0xffff;
	_ =	sdelay $0x2  }
0x31f: {  	v4 =	vor.u32 $0xE10, v0;
	_ =	sdelay $0x1  }
0x320: {  	v2 =	vmul.f32 v2, v63;
	_ =	sdelay $0x1  }
0x321: {  	[tilespmem:v27+s28+$0x0] =	vst.idx.msk $0xffff, v2  }
0x322: {  	v2 =	vld.idx.msk [tilespmem:v4+s23+$0x0], $0xffff;
	_ =	sdelay $0x2  }
0x323: {  	v27 =	vor.u32 $0xE11, v0;
	_ =	sdelay $0x1  }
0x324: {  	v2 =	vmul.f32 v2, v63;
	_ =	sdelay $0x1  }
0x325: {  	[tilespmem:v4+s28+$0x0] =	vst.idx.msk $0xffff, v2  }
0x326: {  	v2 =	vld.idx.msk [tilespmem:v27+s23+$0x0], $0xffff;
	_ =	sdelay $0x2  }
0x327: {  	v4 =	vor.u32 $0xE12, v0;
	_ =	sdelay $0x1  }
0x328: {  	v2 =	vmul.f32 v2, v63;
	_ =	sdelay $0x1  }
0x329: {  	[tilespmem:v27+s28+$0x0] =	vst.idx.msk $0xffff, v2  }
0x32a: {  	v2 =	vld.idx.msk [tilespmem:v4+s23+$0x0], $0xffff;
	_ =	sdelay $0x2  }
0x32b: {  	v27 =	vor.u32 $0xE13, v0;
	_ =	sdelay $0x1  }
0x32c: {  	v2 =	vmul.f32 v2, v63;
	_ =	sdelay $0x1  }
0x32d: {  	[tilespmem:v4+s28+$0x0] =	vst.idx.msk $0xffff, v2  }
0x32e: {  	v2 =	vld.idx.msk [tilespmem:v27+s23+$0x0], $0xffff;
	_ =	sdelay $0x4  }
0x32f: {  	v2 =	vmul.f32 v2, v63;
	_ =	sdelay $0x1  }
0x330: {  	[tilespmem:v27+s28+$0x0] =	vst.idx.msk $0xffff, v2  }
0x331: {  	p0 =	sne.s32 s30, $0x510;
	v50 =	vld [tilespmem:$0x1FFE0];
	[tilespmem:v26+s28+$0x0] =	vst.idx.msk $0xffff, v51  }
.Ltmp0:
0x332: {  	v2 =	vld [tilespmem:$0x1FFC0];
	[tilespmem:v3+s28+$0x0] =	vst.idx.msk $0xffff, v63;
	(pc) =	sbr.rel @p0 .LBB2_2-.Ltmp0, $4  }
0x333: {  	v51 =	vld [tilespmem:$0x1FFF0];
	[spmem:s2] =	stream.indirect.scatter.add.f32 [tilespmem:s28], [sflag:$0x3], $0x20, s21, s22, $0xb8  }
0x334: {  	v3 =	vld [tilespmem:$0x1FFD0];
	_ =	swait.ge [sflag:s18], $0x1000  }
0x335: {  	[sflag:s18] =	ssyncset.done $0x0  }
0x336: {  	s30 =	sadd.s32 $0x10, s30;
	[sflag:s18] =	ssyncadd.s32 $0xFFFFF000  }
0x337: {  	s29 =	sadd.s32 $0x1, s29  }
0x338: {  	s30 =	sshll.u32 s0, $0x6;
	[bflag:$0x0] =	sbarrier.arrive $0xFFFF;
	p0 =	sne.s32 s29, s14  }
.Ltmp1:
0x339: {  	s31 =	sshrl.u32 s8, $0x3;
	s30 =	sor.u32 $0x1C03, s30;
	(pc) =	sbr.rel @p0 .LBB2_1-.Ltmp1, $4  }
0x33a: {  	[hbm:s13], [sflag:s30] =	dma.local [spmem:s31], $0xA00  }
0x33b: {  	_ =	swait.ge [sflag:s18], $0xA00  }
0x33c: {  	[sflag:s18] =	ssyncset.done $0x0  }
0x33d: {  	[sflag:s18] =	ssyncadd.s32 $0xFFFFF600  }
0x33e: {  	_ =	sfence.sel $0x180000  }
0x33f: {  	[bflag:$0x0] =	sbarrier.arrive $0xFFFF  }
0x340: {  	p0 =	sne.s32 s0, $0x0;
	_ =	strace $0x90000047  }
0x341: {  	s0 =	sadd.s32 @!p0 $0x100000, s1;
	[bflag:$0x2] =	sbarrier.arrive $0xFFFF  }
0x342: {  	[sflag:s0] =	ssyncadd.tile.s32 @!p0 $0x1;
	_ =	shalt  }
.Lfunc_end2:
_tile_overlayer_lowered:
.L_overlay_start_2:
0x343: {  	(tag) =	ssettag $0x2  }
0x344: {  	s0 =	rddreg [dreg:$0x0];
	s2 =	stileid.u32  }
0x345: {  	s1 =	rddreg [dreg:$0x1];
	p0 =	sne.s32 s2, $0x0  }
0x346: {  	s3 =	rddreg [dreg:$0x2];
	[bflag:$0x3] =	sbarrier.arrive $0xFFFF;
	s2 =	simm.s32 @!p0 $0x1C03  }
0x347: {  	[timem:s3], [sflag:s2] =	dma.local @!p0 [hbm:s0], s1  }
0x348: {  	s0 =	simm.s32 @!p0 $0x3  }
0x349: {  	_ =	swait.ge @!p0 [sflag:s0], s1  }
0x34a: {  	s1 =	ssub.s32 @!p0 $0x0, s1;
	[sflag:s0] =	ssyncset.done @!p0 $0x0  }
0x34b: {  	[sflag:s0] =	ssyncadd.s32 @!p0 s1  }
0x34c: {  	[bflag:$0x3] =	sbarrier.arrive $0xFFFF  }
0x34d: {  	_ =	shalt  }

</sc_bundles>
